<compile_context>
chip_gen: v7x
topology: tpu7x:2x2x1
jax: 0.10.2.dev20260603
libtpu: 0.0.44.dev20260713+nightly
codegen_flags: <defaults>
</compile_context>

<pallas_src>
import functools

import jax
import jax.numpy as jnp
from jax import lax
from jax.experimental import pallas as pl
from jax.experimental.pallas import tpu as pltpu
from jax.experimental.pallas import tpu_sc as plsc

_LANES = 16


def _lane_shuffle(x, idx):
    return lax.gather(
        x,
        idx[:, None],
        lax.GatherDimensionNumbers(
            offset_dims=(),
            collapsed_slice_dims=(0,),
            start_index_map=(0,),
        ),
        slice_sizes=(1,),
        mode=lax.GatherScatterMode.PROMISE_IN_BOUNDS,
    )


def _pack_bf16_pair(x):
    d = x.shape[1]
    xb = x.astype(jnp.bfloat16)
    lo = lax.bitcast_convert_type(xb[:, : d // 2], jnp.uint16)
    hi = lax.bitcast_convert_type(xb[:, d // 2:], jnp.uint16)
    return lo.astype(jnp.int32) | (hi.astype(jnp.int32) << 16)


def _normalize_concat(ent_re, ent_im):
    n, d = ent_re.shape
    blk = 2000
    assert n % blk == 0

    def body(re_ref, im_ref, out_ref):
        re = re_ref[...]
        im = im_ref[...]
        re = re * lax.rsqrt(jnp.sum(re * re, axis=1, keepdims=True))
        im = im * lax.rsqrt(jnp.sum(im * im, axis=1, keepdims=True))
        out_ref[...] = jnp.concatenate(
            [_pack_bf16_pair(re), _pack_bf16_pair(im)], axis=1)

    return pl.pallas_call(
        body,
        grid=(n // blk,),
        in_specs=[
            pl.BlockSpec((blk, d), lambda i: (i, 0)),
            pl.BlockSpec((blk, d), lambda i: (i, 0)),
        ],
        out_specs=pl.BlockSpec((blk, d), lambda i: (i, 0)),
        out_shape=jax.ShapeDtypeStruct((n, d), jnp.int32),
    )(ent_re, ent_im)


def _sc_scores(ent_cat, rel_cat, heads_f, tails_f, rels_f):
    p = heads_f.shape[0]
    row_w = ent_cat.shape[1]
    half_w = row_w // 2
    nk = half_w // _LANES
    nw = 32
    ch = 64
    sup = 20
    sup_pairs = sup * ch
    per_w = p // nw
    n_ch = per_w // ch
    n_sup = per_w // sup_pairs
    assert per_w % sup_pairs == 0 and n_ch % 2 == 0

    mesh = plsc.VectorSubcoreMesh(core_axis_name="c", subcore_axis_name="s")

    @functools.partial(
        pl.kernel,
        out_type=jax.ShapeDtypeStruct((p,), jnp.float32),
        mesh=mesh,
        scratch_types=[
            pltpu.VMEM((2, sup_pairs), jnp.int32),
            pltpu.VMEM((2, sup_pairs), jnp.int32),
            pltpu.VMEM((2, sup_pairs), jnp.int32),
            pltpu.VMEM((2, ch, row_w), jnp.int32),
            pltpu.VMEM((2, ch, row_w), jnp.int32),
            pltpu.VMEM((2, ch, row_w), jnp.int32),
            pltpu.VMEM((2, 128), jnp.float32),
            pltpu.VMEM((2, ch * _LANES), jnp.float32),
            pltpu.SemaphoreType.DMA,
            pltpu.SemaphoreType.DMA,
            pltpu.SemaphoreType.DMA,
            pltpu.SemaphoreType.DMA,
            pltpu.SemaphoreType.DMA,
        ],
    )
    def scores_kernel(ent_h, rel_h, heads_h, tails_h, rels_h, out_h,
                      hidx_s, tidx_s, ridx_s, hrows, trows, rrows, sbuf,
                      pbuf, sem_i, sem_g0, sem_g1, sem_w0, sem_w1):
        wid = lax.axis_index("s") * 2 + lax.axis_index("c")
        wbase = wid * per_w
        sem_g = (sem_g0, sem_g1)
        sem_w = (sem_w0, sem_w1)
        lane = lax.iota(jnp.int32, _LANES)
        masks = [(lane % (2 * d)) < d for d in (8, 4, 2, 1)]
        bitrev = ((lane & 1) << 3) | ((lane & 2) << 1) \
            | ((lane & 4) >> 1) | ((lane & 8) >> 3)

        def idx_copies(s):
            b = wbase + s * sup_pairs
            buf = s % 2
            return [
                pltpu.make_async_copy(src.at[pl.ds(b, sup_pairs)],
                                      dst.at[buf], sem_i)
                for src, dst in ((heads_h, hidx_s), (tails_h, tidx_s),
                                 (rels_h, ridx_s))
            ]

        def row_copies(c, slot):
            s_buf = (c // sup) % 2
            off = (c % sup) * ch
            hi_ref = hidx_s.at[s_buf, pl.ds(off, ch)]
            ti_ref = tidx_s.at[s_buf, pl.ds(off, ch)]
            ri_ref = ridx_s.at[s_buf, pl.ds(off, ch)]
            return [
                pltpu.make_async_copy(ent_h.at[hi_ref], hrows.at[slot],
                                      sem_g[slot]),
                pltpu.make_async_copy(ent_h.at[ti_ref], trows.at[slot],
                                      sem_g[slot]),
                pltpu.make_async_copy(rel_h.at[ri_ref], rrows.at[slot],
                                      sem_g[slot]),
            ]

        def write_copy(c, slot):
            return pltpu.make_async_copy(
                sbuf.at[slot, pl.ds(0, ch)],
                out_h.at[pl.ds(wbase + c * ch, ch)], sem_w[slot])

        def unpk(ref, slot, i, w):
            vi = ref[slot, i, pl.ds(w, _LANES)]
            lo16 = lax.bitcast_convert_type(
                jnp.left_shift(vi, 16), jnp.float32)
            hi16 = lax.bitcast_convert_type(vi, jnp.float32)
            return lo16, hi16

        def pair_score(slot, i):
            acc0 = jnp.zeros((_LANES,), jnp.float32)
            acc1 = jnp.zeros((_LANES,), jnp.float32)
            for k in range(nk):
                w = k * _LANES
                h_re = unpk(hrows, slot, i, w)
                h_im = unpk(hrows, slot, i, half_w + w)
                t_re = unpk(trows, slot, i, w)
                t_im = unpk(trows, slot, i, half_w + w)
                r_re = unpk(rrows, slot, i, w)
                r_im = unpk(rrows, slot, i, half_w + w)
                u0 = r_re[0] * t_re[0] + r_im[0] * t_im[0]
                v0 = r_re[0] * t_im[0] - r_im[0] * t_re[0]
                acc0 = acc0 + (h_re[0] * u0 + h_im[0] * v0)
                u1 = r_re[1] * t_re[1] + r_im[1] * t_im[1]
                v1 = r_re[1] * t_im[1] - r_im[1] * t_re[1]
                acc1 = acc1 + (h_re[1] * u1 + h_im[1] * v1)
            return acc0 + acc1

        def compute_chunk(c, slot):
            def pair_body(m, carry2):
                i = 2 * m
                pbuf[slot, pl.ds(i * _LANES, _LANES)] = pair_score(slot, i)
                pbuf[slot, pl.ds((i + 1) * _LANES, _LANES)] = (
                    pair_score(slot, i + 1))
                return carry2

            lax.fori_loop(0, ch // 2, pair_body, 0)

            def red_body(g, carry2):
                vs = [pbuf[slot, pl.ds((g * _LANES + u) * _LANES, _LANES)]
                      for u in range(_LANES)]
                for d, m in zip((8, 4, 2, 1), masks):
                    rl = (lane + d) % _LANES
                    rr = (lane - d) % _LANES
                    vs = [jnp.where(m,
                                    x + _lane_shuffle(x, rl),
                                    y + _lane_shuffle(y, rr))
                          for x, y in zip(vs[0::2], vs[1::2])]
                sbuf[slot, pl.ds(g * _LANES, _LANES)] = _lane_shuffle(
                    vs[0], bitrev)
                return carry2

            lax.fori_loop(0, ch // _LANES, red_body, 0)

        def step(c, slot):
            @pl.when((c % sup == 0) & (c // sup + 1 < n_sup))
            def _():
                for cp in idx_copies(c // sup + 1):
                    cp.start()

            @pl.when(c + 1 < n_ch)
            def _():
                @pl.when((c + 1) % sup == 0)
                def _():
                    for cp in idx_copies((c + 1) // sup):
                        cp.wait()
                for cp in row_copies(c + 1, 1 - slot):
                    cp.start()

            for cp in row_copies(c, slot):
                cp.wait()
            @pl.when(c >= 2)
            def _():
                write_copy(c - 2, slot).wait()
            compute_chunk(c, slot)
            write_copy(c, slot).start()

        for cp in idx_copies(0):
            cp.start()
        for cp in idx_copies(0):
            cp.wait()
        for cp in row_copies(0, 0):
            cp.start()

        def body2(t, carry):
            step(2 * t, 0)
            step(2 * t + 1, 1)
            return carry

        lax.fori_loop(0, n_ch // 2, body2, 0)
        write_copy(n_ch - 2, 0).wait()
        write_copy(n_ch - 1, 1).wait()

    return scores_kernel(ent_cat, rel_cat, heads_f, tails_f, rels_f)


def _loss(scores):

    def body(s_ref, out_ref):
        s = s_ref[...]
        m = jnp.max(s, axis=1, keepdims=True)
        e = jnp.exp(s - m)
        z = jnp.sum(e, axis=1, keepdims=True)
        p0 = e[:, 0:1] / z
        out_ref[...] = -jnp.sum(jnp.log(p0 + 1e-30), keepdims=True).reshape(1, 1)

    return pl.pallas_call(
        body,
        out_shape=jax.ShapeDtypeStruct((1, 1), jnp.float32),
    )(scores)[0, 0]


def kernel(ent_re, ent_im, rel_re, rel_im, heads, tails, rels):
    b, k = heads.shape
    ent_cat = _normalize_concat(ent_re, ent_im)
    rel_cat = jnp.concatenate(
        [_pack_bf16_pair(rel_re), _pack_bf16_pair(rel_im)], axis=1)
    heads_f = heads.reshape(-1).astype(jnp.int32)
    tails_f = tails.reshape(-1).astype(jnp.int32)
    rels_f = rels.reshape(-1).astype(jnp.int32)
    scores = _sc_scores(ent_cat, rel_cat, heads_f, tails_f, rels_f)
    return _loss(scores.reshape(b, k))

# --- scband reference (transcript-rebuilt; emitter-appended) ---
"""Pipeline reference for scband-compl-ex-78554951844121 (READ-ONLY COPY).

The authoritative reference and input builder live on the scoring server;
editing this copy changes nothing except your own understanding.
"""

import jax, jax.numpy as jnp
import numpy as np

N_ENT = 100000
N_REL = 1000
DIM = 128
B = 4096
K = 100


def setup_inputs(seed: int = 0) -> dict:
    key = jax.random.key(seed)
    k1, k2, k3, k4, k5, k6, k7 = jax.random.split(key, 7)
    # xavier_normal-like init for embedding tables
    ent_re = jax.random.normal(k1, (N_ENT, DIM), dtype=jnp.float32) * 0.05
    ent_im = jax.random.normal(k2, (N_ENT, DIM), dtype=jnp.float32) * 0.05
    rel_re = jax.random.normal(k3, (N_REL, DIM), dtype=jnp.float32) * 0.05
    rel_im = jax.random.normal(k4, (N_REL, DIM), dtype=jnp.float32) * 0.05
    # initialize(): relation embeddings are L2-normalized along dim=1
    rel_re = rel_re / jnp.linalg.norm(rel_re, axis=1, keepdims=True)
    rel_im = rel_im / jnp.linalg.norm(rel_im, axis=1, keepdims=True)
    heads = jax.random.randint(k5, (B, K), 0, N_ENT, dtype=jnp.int64) if jax.config.jax_enable_x64 else jax.random.randint(k5, (B, K), 0, N_ENT, dtype=jnp.int32)
    tails = jax.random.randint(k6, (B, K), 0, N_ENT, dtype=heads.dtype)
    rels = jax.random.randint(k7, (B, K), 0, N_REL, dtype=heads.dtype)
    return {
        "ent_re": ent_re,
        "ent_im": ent_im,
        "rel_re": rel_re,
        "rel_im": rel_im,
        "heads": heads,
        "tails": tails,
        "rels": rels,
    }


def reference(ent_re, ent_im, rel_re, rel_im, heads, tails, rels):
    # constraint(): entity embeddings L2-normalized (done in-place in torch each forward)
    ent_re = ent_re / jnp.linalg.norm(ent_re, axis=1, keepdims=True)
    ent_im = ent_im / jnp.linalg.norm(ent_im, axis=1, keepdims=True)
    # get_score (dropout p=0.0 -> identity)
    heads_re = jnp.take(ent_re, heads, axis=0)
    heads_im = jnp.take(ent_im, heads, axis=0)
    tails_re = jnp.take(ent_re, tails, axis=0)
    tails_im = jnp.take(ent_im, tails, axis=0)
    rels_re = jnp.take(rel_re, rels, axis=0)
    rels_im = jnp.take(rel_im, rels, axis=0)
    score = (
        jnp.sum(rels_re * heads_re * tails_re, axis=-1)
        + jnp.sum(rels_re * heads_im * tails_im, axis=-1)
        + jnp.sum(rels_im * heads_re * tails_im, axis=-1)
        - jnp.sum(rels_im * heads_im * tails_re, axis=-1)
    )
    probs = jax.nn.softmax(score, axis=-1)
    truth_probs = jnp.log(probs[:, 0] + 1e-30)
    # reg == 0.0 -> no regularization term
    return jnp.sum(-truth_probs)

if __name__ == "__main__":
    import jax
    _d = setup_inputs()
    print(jax.jit(kernel)(*tuple(_d.values())))

</pallas_src>

<mosaic_0001>
#map = affine_map<(d0, d1) -> (0, 0)>
#map1 = affine_map<(d0, d1) -> (0)>
module attributes {stable_mosaic.version = 14 : i64} {
  func.func @scores_kernel(%arg0: i32, %arg1: i32, %arg2: memref<100000x128xi32, #tpu.memory_space<hbm>>, %arg3: memref<1000x128xi32, #tpu.memory_space<hbm>>, %arg4: memref<409600xi32, #tpu.memory_space<hbm>>, %arg5: memref<409600xi32, #tpu.memory_space<hbm>>, %arg6: memref<409600xi32, #tpu.memory_space<hbm>>, %arg7: memref<409600xf32, #tpu.memory_space<hbm>>, %arg8: memref<2x1280xi32, #tpu.memory_space<vmem>>, %arg9: memref<2x1280xi32, #tpu.memory_space<vmem>>, %arg10: memref<2x1280xi32, #tpu.memory_space<vmem>>, %arg11: memref<2x64x128xi32, #tpu.memory_space<vmem>>, %arg12: memref<2x64x128xi32, #tpu.memory_space<vmem>>, %arg13: memref<2x64x128xi32, #tpu.memory_space<vmem>>, %arg14: memref<2x128xf32, #tpu.memory_space<vmem>>, %arg15: memref<2x1024xf32, #tpu.memory_space<vmem>>, %arg16: memref<!tpu.dma_semaphore, #tpu.memory_space<semaphore_mem>>, %arg17: memref<!tpu.dma_semaphore, #tpu.memory_space<semaphore_mem>>, %arg18: memref<!tpu.dma_semaphore, #tpu.memory_space<semaphore_mem>>, %arg19: memref<!tpu.dma_semaphore, #tpu.memory_space<semaphore_mem>>, %arg20: memref<!tpu.dma_semaphore, #tpu.memory_space<semaphore_mem>>) attributes {dimension_semantics = [#tpu.dimension_semantics<core_parallel>, #tpu.dimension_semantics<subcore_parallel>], iteration_bounds = array<i64: 2, 16>, scalar_prefetch = 0 : i64, scratch_operands = 13 : i64, tpu.core_type = #tpu.core_type<sc_vector_subcore>, window_params = [{transform_indices = #map}, {transform_indices = #map}, {transform_indices = #map1}, {transform_indices = #map1}, {transform_indices = #map1}, {transform_indices = #map1}]} {
    %mul3A = arith.constant 2 : i32
    %mul3A_0 = arith.muli %arg1, %mul3A : i32
    %add3A = arith.addi %mul3A_0, %arg0 : i32
    %mul3A_1 = arith.constant 12800 : i32
    %mul3A_2 = arith.muli %add3A, %mul3A_1 : i32
    %iota3A = tpu.iota {dimensions = array<i32: 0>} : vector<16xi32>
    %jit3A = arith.constant 16 : i32
    %eq3A = arith.constant 0 : i32
    %eq3A_3 = arith.cmpi eq, %jit3A, %eq3A : i32
    %jit3A_4 = arith.constant 1 : i32
    %select_n3A = arith.select %eq3A_3, %jit3A_4, %jit3A : i32
    %rem3A = vector.broadcast %select_n3A : i32 to vector<16xi32>
    %rem3A_5 = arith.remsi %iota3A, %rem3A : vector<16xi32>
    %ne3A = arith.constant 0 : i32
    %ne3A_6 = vector.broadcast %ne3A : i32 to vector<16xi32>
    %ne3A_7 = arith.cmpi ne, %rem3A_5, %ne3A_6 : vector<16xi32>
    %lt3A = arith.constant 0 : i32
    %lt3A_8 = vector.broadcast %lt3A : i32 to vector<16xi32>
    %lt3A_9 = arith.cmpi slt, %rem3A_5, %lt3A_8 : vector<16xi32>
    %lt3A_10 = arith.constant 0 : i32
    %lt3A_11 = arith.cmpi slt, %select_n3A, %lt3A_10 : i32
    %ne3A_12 = vector.broadcast %lt3A_11 : i1 to vector<16xi1>
    %ne3A_13 = vector.broadcast %ne3A_12 : vector<16xi1> to vector<16xi1>
    %ne3A_14 = arith.xori %lt3A_9, %ne3A_13 : vector<16xi1>
    %and3A = arith.andi %ne3A_14, %ne3A_7 : vector<16xi1>
    %add3A_15 = vector.broadcast %select_n3A : i32 to vector<16xi32>
    %add3A_16 = arith.addi %rem3A_5, %add3A_15 : vector<16xi32>
    %select_n3A_17 = arith.select %and3A, %add3A_16, %rem3A_5 : vector<16xi1>, vector<16xi32>
    %lt3A_18 = arith.constant 8 : i32
    %lt3A_19 = vector.broadcast %lt3A_18 : i32 to vector<16xi32>
    %lt3A_20 = arith.cmpi slt, %select_n3A_17, %lt3A_19 : vector<16xi32>
    %jit3A_21 = arith.constant 8 : i32
    %eq3A_22 = arith.constant 0 : i32
    %eq3A_23 = arith.cmpi eq, %jit3A_21, %eq3A_22 : i32
    %jit3A_24 = arith.constant 1 : i32
    %select_n3A_25 = arith.select %eq3A_23, %jit3A_24, %jit3A_21 : i32
    %rem3A_26 = vector.broadcast %select_n3A_25 : i32 to vector<16xi32>
    %rem3A_27 = arith.remsi %iota3A, %rem3A_26 : vector<16xi32>
    %ne3A_28 = arith.constant 0 : i32
    %ne3A_29 = vector.broadcast %ne3A_28 : i32 to vector<16xi32>
    %ne3A_30 = arith.cmpi ne, %rem3A_27, %ne3A_29 : vector<16xi32>
    %lt3A_31 = arith.constant 0 : i32
    %lt3A_32 = vector.broadcast %lt3A_31 : i32 to vector<16xi32>
    %lt3A_33 = arith.cmpi slt, %rem3A_27, %lt3A_32 : vector<16xi32>
    %lt3A_34 = arith.constant 0 : i32
    %lt3A_35 = arith.cmpi slt, %select_n3A_25, %lt3A_34 : i32
    %ne3A_36 = vector.broadcast %lt3A_35 : i1 to vector<16xi1>
    %ne3A_37 = vector.broadcast %ne3A_36 : vector<16xi1> to vector<16xi1>
    %ne3A_38 = arith.xori %lt3A_33, %ne3A_37 : vector<16xi1>
    %and3A_39 = arith.andi %ne3A_38, %ne3A_30 : vector<16xi1>
    %add3A_40 = vector.broadcast %select_n3A_25 : i32 to vector<16xi32>
    %add3A_41 = arith.addi %rem3A_27, %add3A_40 : vector<16xi32>
    %select_n3A_42 = arith.select %and3A_39, %add3A_41, %rem3A_27 : vector<16xi1>, vector<16xi32>
    %lt3A_43 = arith.constant 4 : i32
    %lt3A_44 = vector.broadcast %lt3A_43 : i32 to vector<16xi32>
    %lt3A_45 = arith.cmpi slt, %select_n3A_42, %lt3A_44 : vector<16xi32>
    %jit3A_46 = arith.constant 4 : i32
    %eq3A_47 = arith.constant 0 : i32
    %eq3A_48 = arith.cmpi eq, %jit3A_46, %eq3A_47 : i32
    %jit3A_49 = arith.constant 1 : i32
    %select_n3A_50 = arith.select %eq3A_48, %jit3A_49, %jit3A_46 : i32
    %rem3A_51 = vector.broadcast %select_n3A_50 : i32 to vector<16xi32>
    %rem3A_52 = arith.remsi %iota3A, %rem3A_51 : vector<16xi32>
    %ne3A_53 = arith.constant 0 : i32
    %ne3A_54 = vector.broadcast %ne3A_53 : i32 to vector<16xi32>
    %ne3A_55 = arith.cmpi ne, %rem3A_52, %ne3A_54 : vector<16xi32>
    %lt3A_56 = arith.constant 0 : i32
    %lt3A_57 = vector.broadcast %lt3A_56 : i32 to vector<16xi32>
    %lt3A_58 = arith.cmpi slt, %rem3A_52, %lt3A_57 : vector<16xi32>
    %lt3A_59 = arith.constant 0 : i32
    %lt3A_60 = arith.cmpi slt, %select_n3A_50, %lt3A_59 : i32
    %ne3A_61 = vector.broadcast %lt3A_60 : i1 to vector<16xi1>
    %ne3A_62 = vector.broadcast %ne3A_61 : vector<16xi1> to vector<16xi1>
    %ne3A_63 = arith.xori %lt3A_58, %ne3A_62 : vector<16xi1>
    %and3A_64 = arith.andi %ne3A_63, %ne3A_55 : vector<16xi1>
    %add3A_65 = vector.broadcast %select_n3A_50 : i32 to vector<16xi32>
    %add3A_66 = arith.addi %rem3A_52, %add3A_65 : vector<16xi32>
    %select_n3A_67 = arith.select %and3A_64, %add3A_66, %rem3A_52 : vector<16xi1>, vector<16xi32>
    %lt3A_68 = arith.constant 2 : i32
    %lt3A_69 = vector.broadcast %lt3A_68 : i32 to vector<16xi32>
    %lt3A_70 = arith.cmpi slt, %select_n3A_67, %lt3A_69 : vector<16xi32>
    %jit3A_71 = arith.constant 2 : i32
    %eq3A_72 = arith.constant 0 : i32
    %eq3A_73 = arith.cmpi eq, %jit3A_71, %eq3A_72 : i32
    %jit3A_74 = arith.constant 1 : i32
    %select_n3A_75 = arith.select %eq3A_73, %jit3A_74, %jit3A_71 : i32
    %rem3A_76 = vector.broadcast %select_n3A_75 : i32 to vector<16xi32>
    %rem3A_77 = arith.remsi %iota3A, %rem3A_76 : vector<16xi32>
    %ne3A_78 = arith.constant 0 : i32
    %ne3A_79 = vector.broadcast %ne3A_78 : i32 to vector<16xi32>
    %ne3A_80 = arith.cmpi ne, %rem3A_77, %ne3A_79 : vector<16xi32>
    %lt3A_81 = arith.constant 0 : i32
    %lt3A_82 = vector.broadcast %lt3A_81 : i32 to vector<16xi32>
    %lt3A_83 = arith.cmpi slt, %rem3A_77, %lt3A_82 : vector<16xi32>
    %lt3A_84 = arith.constant 0 : i32
    %lt3A_85 = arith.cmpi slt, %select_n3A_75, %lt3A_84 : i32
    %ne3A_86 = vector.broadcast %lt3A_85 : i1 to vector<16xi1>
    %ne3A_87 = vector.broadcast %ne3A_86 : vector<16xi1> to vector<16xi1>
    %ne3A_88 = arith.xori %lt3A_83, %ne3A_87 : vector<16xi1>
    %and3A_89 = arith.andi %ne3A_88, %ne3A_80 : vector<16xi1>
    %add3A_90 = vector.broadcast %select_n3A_75 : i32 to vector<16xi32>
    %add3A_91 = arith.addi %rem3A_77, %add3A_90 : vector<16xi32>
    %select_n3A_92 = arith.select %and3A_89, %add3A_91, %rem3A_77 : vector<16xi1>, vector<16xi32>
    %lt3A_93 = arith.constant 1 : i32
    %lt3A_94 = vector.broadcast %lt3A_93 : i32 to vector<16xi32>
    %lt3A_95 = arith.cmpi slt, %select_n3A_92, %lt3A_94 : vector<16xi32>
    %and3A_96 = arith.constant 1 : i32
    %and3A_97 = vector.broadcast %and3A_96 : i32 to vector<16xi32>
    %and3A_98 = arith.andi %iota3A, %and3A_97 : vector<16xi32>
    %shift_left3A = arith.constant 3 : i32
    %shift_left3A_99 = vector.broadcast %shift_left3A : i32 to vector<16xi32>
    %shift_left3A_100 = arith.shli %and3A_98, %shift_left3A_99 : vector<16xi32>
    %and3A_101 = arith.constant 2 : i32
    %and3A_102 = vector.broadcast %and3A_101 : i32 to vector<16xi32>
    %and3A_103 = arith.andi %iota3A, %and3A_102 : vector<16xi32>
    %shift_left3A_104 = arith.constant 1 : i32
    %shift_left3A_105 = vector.broadcast %shift_left3A_104 : i32 to vector<16xi32>
    %shift_left3A_106 = arith.shli %and3A_103, %shift_left3A_105 : vector<16xi32>
    %or3A = arith.ori %shift_left3A_100, %shift_left3A_106 : vector<16xi32>
    %and3A_107 = arith.constant 4 : i32
    %and3A_108 = vector.broadcast %and3A_107 : i32 to vector<16xi32>
    %and3A_109 = arith.andi %iota3A, %and3A_108 : vector<16xi32>
    %shift_right_arithmetic3A = arith.constant 1 : i32
    %shift_right_arithmetic3A_110 = vector.broadcast %shift_right_arithmetic3A : i32 to vector<16xi32>
    %shift_right_arithmetic3A_111 = arith.shrsi %and3A_109, %shift_right_arithmetic3A_110 : vector<16xi32>
    %or3A_112 = arith.ori %or3A, %shift_right_arithmetic3A_111 : vector<16xi32>
    %and3A_113 = arith.constant 8 : i32
    %and3A_114 = vector.broadcast %and3A_113 : i32 to vector<16xi32>
    %and3A_115 = arith.andi %iota3A, %and3A_114 : vector<16xi32>
    %shift_right_arithmetic3A_116 = arith.constant 3 : i32
    %shift_right_arithmetic3A_117 = vector.broadcast %shift_right_arithmetic3A_116 : i32 to vector<16xi32>
    %shift_right_arithmetic3A_118 = arith.shrsi %and3A_115, %shift_right_arithmetic3A_117 : vector<16xi32>
    %or3A_119 = arith.ori %or3A_112, %shift_right_arithmetic3A_118 : vector<16xi32>
    %add3A_120 = arith.constant 0 : i32
    %add3A_121 = arith.addi %mul3A_2, %add3A_120 : i32
    %dma_start3A = arith.constant 0 : i32
    %dma_start3A_122 = arith.constant 0 : i32
    %dma_start3A_123 = tpu.memref_slice %arg8[%dma_start3A, %dma_start3A_122] : memref<2x1280xi32, #tpu.memory_space<vmem>> -> memref<1x1280xi32, #tpu.memory_space<vmem>>
    %dma_start3A_124 = tpu.memref_squeeze %dma_start3A_123 : memref<1x1280xi32, #tpu.memory_space<vmem>> -> memref<1280xi32, #tpu.memory_space<vmem>>
    %dma_start3A_125 = tpu.memref_slice %arg4[%add3A_121] : memref<409600xi32, #tpu.memory_space<hbm>> -> memref<1280xi32, #tpu.memory_space<hbm>>
    %dma_start3A_126 = arith.constant 0 : i32
    %dma_start3A_127 = tpu.memref_slice %arg8[%dma_start3A, %dma_start3A_126] : memref<2x1280xi32, #tpu.memory_space<vmem>> -> memref<1x1280xi32, #tpu.memory_space<vmem>>
    %dma_start3A_128 = tpu.memref_squeeze %dma_start3A_127 : memref<1x1280xi32, #tpu.memory_space<vmem>> -> memref<1280xi32, #tpu.memory_space<vmem>>
    %dma_start3A_129 = tpu.memref_slice %arg4[%add3A_121] : memref<409600xi32, #tpu.memory_space<hbm>> -> memref<1280xi32, #tpu.memory_space<hbm>>
    tpu.enqueue_dma source(%dma_start3A_129 : memref<1280xi32, #tpu.memory_space<hbm>>) target(%dma_start3A_128 : memref<1280xi32, #tpu.memory_space<vmem>>) target_semaphore(%arg16 : memref<!tpu.dma_semaphore, #tpu.memory_space<semaphore_mem>>)
    %dma_start3A_130 = arith.constant 0 : i32
    %dma_start3A_131 = arith.constant 0 : i32
    %dma_start3A_132 = tpu.memref_slice %arg9[%dma_start3A_130, %dma_start3A_131] : memref<2x1280xi32, #tpu.memory_space<vmem>> -> memref<1x1280xi32, #tpu.memory_space<vmem>>
    %dma_start3A_133 = tpu.memref_squeeze %dma_start3A_132 : memref<1x1280xi32, #tpu.memory_space<vmem>> -> memref<1280xi32, #tpu.memory_space<vmem>>
    %dma_start3A_134 = tpu.memref_slice %arg5[%add3A_121] : memref<409600xi32, #tpu.memory_space<hbm>> -> memref<1280xi32, #tpu.memory_space<hbm>>
    %dma_start3A_135 = arith.constant 0 : i32
    %dma_start3A_136 = tpu.memref_slice %arg9[%dma_start3A_130, %dma_start3A_135] : memref<2x1280xi32, #tpu.memory_space<vmem>> -> memref<1x1280xi32, #tpu.memory_space<vmem>>
    %dma_start3A_137 = tpu.memref_squeeze %dma_start3A_136 : memref<1x1280xi32, #tpu.memory_space<vmem>> -> memref<1280xi32, #tpu.memory_space<vmem>>
    %dma_start3A_138 = tpu.memref_slice %arg5[%add3A_121] : memref<409600xi32, #tpu.memory_space<hbm>> -> memref<1280xi32, #tpu.memory_space<hbm>>
    tpu.enqueue_dma source(%dma_start3A_138 : memref<1280xi32, #tpu.memory_space<hbm>>) target(%dma_start3A_137 : memref<1280xi32, #tpu.memory_space<vmem>>) target_semaphore(%arg16 : memref<!tpu.dma_semaphore, #tpu.memory_space<semaphore_mem>>)
    %dma_start3A_139 = arith.constant 0 : i32
    %dma_start3A_140 = arith.constant 0 : i32
    %dma_start3A_141 = tpu.memref_slice %arg10[%dma_start3A_139, %dma_start3A_140] : memref<2x1280xi32, #tpu.memory_space<vmem>> -> memref<1x1280xi32, #tpu.memory_space<vmem>>
    %dma_start3A_142 = tpu.memref_squeeze %dma_start3A_141 : memref<1x1280xi32, #tpu.memory_space<vmem>> -> memref<1280xi32, #tpu.memory_space<vmem>>
    %dma_start3A_143 = tpu.memref_slice %arg6[%add3A_121] : memref<409600xi32, #tpu.memory_space<hbm>> -> memref<1280xi32, #tpu.memory_space<hbm>>
    %dma_start3A_144 = arith.constant 0 : i32
    %dma_start3A_145 = tpu.memref_slice %arg10[%dma_start3A_139, %dma_start3A_144] : memref<2x1280xi32, #tpu.memory_space<vmem>> -> memref<1x1280xi32, #tpu.memory_space<vmem>>
    %dma_start3A_146 = tpu.memref_squeeze %dma_start3A_145 : memref<1x1280xi32, #tpu.memory_space<vmem>> -> memref<1280xi32, #tpu.memory_space<vmem>>
    %dma_start3A_147 = tpu.memref_slice %arg6[%add3A_121] : memref<409600xi32, #tpu.memory_space<hbm>> -> memref<1280xi32, #tpu.memory_space<hbm>>
    tpu.enqueue_dma source(%dma_start3A_147 : memref<1280xi32, #tpu.memory_space<hbm>>) target(%dma_start3A_146 : memref<1280xi32, #tpu.memory_space<vmem>>) target_semaphore(%arg16 : memref<!tpu.dma_semaphore, #tpu.memory_space<semaphore_mem>>)
    %add3A_148 = arith.constant 0 : i32
    %add3A_149 = arith.addi %mul3A_2, %add3A_148 : i32
    %dma_wait3A = arith.constant 0 : i32
    %dma_wait3A_150 = arith.constant 0 : i32
    %dma_wait3A_151 = tpu.memref_slice %arg8[%dma_wait3A, %dma_wait3A_150] : memref<2x1280xi32, #tpu.memory_space<vmem>> -> memref<1x1280xi32, #tpu.memory_space<vmem>>
    %dma_wait3A_152 = tpu.memref_squeeze %dma_wait3A_151 : memref<1x1280xi32, #tpu.memory_space<vmem>> -> memref<1280xi32, #tpu.memory_space<vmem>>
    %dma_wait3A_153 = tpu.memref_slice %arg4[%add3A_149] : memref<409600xi32, #tpu.memory_space<hbm>> -> memref<1280xi32, #tpu.memory_space<hbm>>
    %dma_wait3A_154 = arith.constant 0 : i32
    %dma_wait3A_155 = tpu.memref_slice %arg8[%dma_wait3A, %dma_wait3A_154] : memref<2x1280xi32, #tpu.memory_space<vmem>> -> memref<1x1280xi32, #tpu.memory_space<vmem>>
    %dma_wait3A_156 = tpu.memref_squeeze %dma_wait3A_155 : memref<1x1280xi32, #tpu.memory_space<vmem>> -> memref<1280xi32, #tpu.memory_space<vmem>>
    %dma_wait3A_157 = tpu.memref_slice %arg4[%add3A_149] : memref<409600xi32, #tpu.memory_space<hbm>> -> memref<1280xi32, #tpu.memory_space<hbm>>
    tpu.wait_dma2 semaphore(%arg16 : memref<!tpu.dma_semaphore, #tpu.memory_space<semaphore_mem>>) src(%dma_wait3A_157 : memref<1280xi32, #tpu.memory_space<hbm>>) dst(%dma_wait3A_156 : memref<1280xi32, #tpu.memory_space<vmem>>)
    %dma_wait3A_158 = arith.constant 0 : i32
    %dma_wait3A_159 = arith.constant 0 : i32
    %dma_wait3A_160 = tpu.memref_slice %arg9[%dma_wait3A_158, %dma_wait3A_159] : memref<2x1280xi32, #tpu.memory_space<vmem>> -> memref<1x1280xi32, #tpu.memory_space<vmem>>
    %dma_wait3A_161 = tpu.memref_squeeze %dma_wait3A_160 : memref<1x1280xi32, #tpu.memory_space<vmem>> -> memref<1280xi32, #tpu.memory_space<vmem>>
    %dma_wait3A_162 = tpu.memref_slice %arg5[%add3A_149] : memref<409600xi32, #tpu.memory_space<hbm>> -> memref<1280xi32, #tpu.memory_space<hbm>>
    %dma_wait3A_163 = arith.constant 0 : i32
    %dma_wait3A_164 = tpu.memref_slice %arg9[%dma_wait3A_158, %dma_wait3A_163] : memref<2x1280xi32, #tpu.memory_space<vmem>> -> memref<1x1280xi32, #tpu.memory_space<vmem>>
    %dma_wait3A_165 = tpu.memref_squeeze %dma_wait3A_164 : memref<1x1280xi32, #tpu.memory_space<vmem>> -> memref<1280xi32, #tpu.memory_space<vmem>>
    %dma_wait3A_166 = tpu.memref_slice %arg5[%add3A_149] : memref<409600xi32, #tpu.memory_space<hbm>> -> memref<1280xi32, #tpu.memory_space<hbm>>
    tpu.wait_dma2 semaphore(%arg16 : memref<!tpu.dma_semaphore, #tpu.memory_space<semaphore_mem>>) src(%dma_wait3A_166 : memref<1280xi32, #tpu.memory_space<hbm>>) dst(%dma_wait3A_165 : memref<1280xi32, #tpu.memory_space<vmem>>)
    %dma_wait3A_167 = arith.constant 0 : i32
    %dma_wait3A_168 = arith.constant 0 : i32
    %dma_wait3A_169 = tpu.memref_slice %arg10[%dma_wait3A_167, %dma_wait3A_168] : memref<2x1280xi32, #tpu.memory_space<vmem>> -> memref<1x1280xi32, #tpu.memory_space<vmem>>
    %dma_wait3A_170 = tpu.memref_squeeze %dma_wait3A_169 : memref<1x1280xi32, #tpu.memory_space<vmem>> -> memref<1280xi32, #tpu.memory_space<vmem>>
    %dma_wait3A_171 = tpu.memref_slice %arg6[%add3A_149] : memref<409600xi32, #tpu.memory_space<hbm>> -> memref<1280xi32, #tpu.memory_space<hbm>>
    %dma_wait3A_172 = arith.constant 0 : i32
    %dma_wait3A_173 = tpu.memref_slice %arg10[%dma_wait3A_167, %dma_wait3A_172] : memref<2x1280xi32, #tpu.memory_space<vmem>> -> memref<1x1280xi32, #tpu.memory_space<vmem>>
    %dma_wait3A_174 = tpu.memref_squeeze %dma_wait3A_173 : memref<1x1280xi32, #tpu.memory_space<vmem>> -> memref<1280xi32, #tpu.memory_space<vmem>>
    %dma_wait3A_175 = tpu.memref_slice %arg6[%add3A_149] : memref<409600xi32, #tpu.memory_space<hbm>> -> memref<1280xi32, #tpu.memory_space<hbm>>
    tpu.wait_dma2 semaphore(%arg16 : memref<!tpu.dma_semaphore, #tpu.memory_space<semaphore_mem>>) src(%dma_wait3A_175 : memref<1280xi32, #tpu.memory_space<hbm>>) dst(%dma_wait3A_174 : memref<1280xi32, #tpu.memory_space<vmem>>)
    %dma_start3A_176 = arith.constant 0 : i32
    %dma_start3A_177 = arith.constant 0 : i32
    %dma_start3A_178 = arith.constant 0 : i32
    %dma_start3A_179 = arith.constant 0 : i32
    %dma_start3A_180 = tpu.memref_slice %arg11[%dma_start3A_177, %dma_start3A_178, %dma_start3A_179] : memref<2x64x128xi32, #tpu.memory_space<vmem>> -> memref<1x64x128xi32, #tpu.memory_space<vmem>>
    %dma_start3A_181 = tpu.memref_squeeze %dma_start3A_180 : memref<1x64x128xi32, #tpu.memory_space<vmem>> -> memref<64x128xi32, #tpu.memory_space<vmem>>
    %dma_start3A_182 = arith.constant 0 : i32
    %dma_start3A_183 = tpu.memref_slice %arg8[%dma_start3A_176, %dma_start3A_182] : memref<2x1280xi32, #tpu.memory_space<vmem>> -> memref<1x64xi32, #tpu.memory_space<vmem>>
    %dma_start3A_184 = tpu.memref_squeeze %dma_start3A_183 : memref<1x64xi32, #tpu.memory_space<vmem>> -> memref<64xi32, #tpu.memory_space<vmem>>
    %dma_start3A_185 = arith.constant 0 : i32
    %dma_start3A_186 = arith.constant 0 : i32
    %dma_start3A_187 = tpu.memref_slice %arg2[%dma_start3A_185, %dma_start3A_186] : memref<100000x128xi32, #tpu.memory_space<hbm>> -> memref<100000x128xi32, #tpu.memory_space<hbm>>
    tpu.enqueue_indirect_dma source(%dma_start3A_187 : memref<100000x128xi32, #tpu.memory_space<hbm>>) target(%dma_start3A_181 : memref<64x128xi32, #tpu.memory_space<vmem>>) offsets(%dma_start3A_184 : memref<64xi32, #tpu.memory_space<vmem>>) semaphore(%arg17 : memref<!tpu.dma_semaphore, #tpu.memory_space<semaphore_mem>>)
    %dma_start3A_188 = arith.constant 0 : i32
    %dma_start3A_189 = arith.constant 0 : i32
    %dma_start3A_190 = arith.constant 0 : i32
    %dma_start3A_191 = arith.constant 0 : i32
    %dma_start3A_192 = tpu.memref_slice %arg12[%dma_start3A_189, %dma_start3A_190, %dma_start3A_191] : memref<2x64x128xi32, #tpu.memory_space<vmem>> -> memref<1x64x128xi32, #tpu.memory_space<vmem>>
    %dma_start3A_193 = tpu.memref_squeeze %dma_start3A_192 : memref<1x64x128xi32, #tpu.memory_space<vmem>> -> memref<64x128xi32, #tpu.memory_space<vmem>>
    %dma_start3A_194 = arith.constant 0 : i32
    %dma_start3A_195 = tpu.memref_slice %arg9[%dma_start3A_188, %dma_start3A_194] : memref<2x1280xi32, #tpu.memory_space<vmem>> -> memref<1x64xi32, #tpu.memory_space<vmem>>
    %dma_start3A_196 = tpu.memref_squeeze %dma_start3A_195 : memref<1x64xi32, #tpu.memory_space<vmem>> -> memref<64xi32, #tpu.memory_space<vmem>>
    %dma_start3A_197 = arith.constant 0 : i32
    %dma_start3A_198 = arith.constant 0 : i32
    %dma_start3A_199 = tpu.memref_slice %arg2[%dma_start3A_197, %dma_start3A_198] : memref<100000x128xi32, #tpu.memory_space<hbm>> -> memref<100000x128xi32, #tpu.memory_space<hbm>>
    tpu.enqueue_indirect_dma source(%dma_start3A_199 : memref<100000x128xi32, #tpu.memory_space<hbm>>) target(%dma_start3A_193 : memref<64x128xi32, #tpu.memory_space<vmem>>) offsets(%dma_start3A_196 : memref<64xi32, #tpu.memory_space<vmem>>) semaphore(%arg17 : memref<!tpu.dma_semaphore, #tpu.memory_space<semaphore_mem>>)
    %dma_start3A_200 = arith.constant 0 : i32
    %dma_start3A_201 = arith.constant 0 : i32
    %dma_start3A_202 = arith.constant 0 : i32
    %dma_start3A_203 = arith.constant 0 : i32
    %dma_start3A_204 = tpu.memref_slice %arg13[%dma_start3A_201, %dma_start3A_202, %dma_start3A_203] : memref<2x64x128xi32, #tpu.memory_space<vmem>> -> memref<1x64x128xi32, #tpu.memory_space<vmem>>
    %dma_start3A_205 = tpu.memref_squeeze %dma_start3A_204 : memref<1x64x128xi32, #tpu.memory_space<vmem>> -> memref<64x128xi32, #tpu.memory_space<vmem>>
    %dma_start3A_206 = arith.constant 0 : i32
    %dma_start3A_207 = tpu.memref_slice %arg10[%dma_start3A_200, %dma_start3A_206] : memref<2x1280xi32, #tpu.memory_space<vmem>> -> memref<1x64xi32, #tpu.memory_space<vmem>>
    %dma_start3A_208 = tpu.memref_squeeze %dma_start3A_207 : memref<1x64xi32, #tpu.memory_space<vmem>> -> memref<64xi32, #tpu.memory_space<vmem>>
    %dma_start3A_209 = arith.constant 0 : i32
    %dma_start3A_210 = arith.constant 0 : i32
    %dma_start3A_211 = tpu.memref_slice %arg3[%dma_start3A_209, %dma_start3A_210] : memref<1000x128xi32, #tpu.memory_space<hbm>> -> memref<1000x128xi32, #tpu.memory_space<hbm>>
    tpu.enqueue_indirect_dma source(%dma_start3A_211 : memref<1000x128xi32, #tpu.memory_space<hbm>>) target(%dma_start3A_205 : memref<64x128xi32, #tpu.memory_space<vmem>>) offsets(%dma_start3A_208 : memref<64xi32, #tpu.memory_space<vmem>>) semaphore(%arg17 : memref<!tpu.dma_semaphore, #tpu.memory_space<semaphore_mem>>)
    %scan3A = arith.constant 0 : i32
    %scan3A_212 = arith.constant 0 : i32
    %scan3A_213 = arith.constant 100 : i32
    %scan3A_214 = arith.addi %scan3A_212, %scan3A_213 : i32
    %scan3A_215 = arith.constant 1 : i32
    scf.for %scan3A_239 = %scan3A_212 to %scan3A_214 step %scan3A_215  : i32 {
      %mul3A_240 = arith.constant 2 : i32
      %mul3A_241 = arith.muli %mul3A_240, %scan3A_239 : i32
      %jit3A_242 = arith.constant 20 : i32
      %eq3A_243 = arith.constant 0 : i32
      %eq3A_244 = arith.cmpi eq, %jit3A_242, %eq3A_243 : i32
      %jit3A_245 = arith.constant 1 : i32
      %select_n3A_246 = arith.select %eq3A_244, %jit3A_245, %jit3A_242 : i32
      %rem3A_247 = arith.remsi %mul3A_241, %select_n3A_246 : i32
      %ne3A_248 = arith.constant 0 : i32
      %ne3A_249 = arith.cmpi ne, %rem3A_247, %ne3A_248 : i32
      %lt3A_250 = arith.constant 0 : i32
      %lt3A_251 = arith.cmpi slt, %rem3A_247, %lt3A_250 : i32
      %lt3A_252 = arith.constant 0 : i32
      %lt3A_253 = arith.cmpi slt, %select_n3A_246, %lt3A_252 : i32
      %ne3A_254 = arith.xori %lt3A_251, %lt3A_253 : i1
      %and3A_255 = arith.andi %ne3A_254, %ne3A_249 : i1
      %add3A_256 = arith.addi %rem3A_247, %select_n3A_246 : i32
      %select_n3A_257 = arith.select %and3A_255, %add3A_256, %rem3A_247 : i32
      %eq3A_258 = arith.constant 0 : i32
      %eq3A_259 = arith.cmpi eq, %select_n3A_257, %eq3A_258 : i32
      %jit3A_260 = arith.constant 20 : i32
      %div3A = arith.divsi %mul3A_241, %jit3A_260 : i32
      %sign3A = arith.constant 0 : i32
      %sign3A_261 = arith.cmpi sgt, %mul3A_241, %sign3A : i32
      %sign3A_262 = arith.extui %sign3A_261 : i1 to i32
      %sign3A_263 = arith.constant 0 : i32
      %sign3A_264 = arith.cmpi slt, %mul3A_241, %sign3A_263 : i32
      %sign3A_265 = arith.extui %sign3A_264 : i1 to i32
      %sign3A_266 = arith.subi %sign3A_262, %sign3A_265 : i32
      %sign3A_267 = arith.constant 0 : i32
      %sign3A_268 = arith.cmpi sgt, %jit3A_260, %sign3A_267 : i32
      %sign3A_269 = arith.extui %sign3A_268 : i1 to i32
      %sign3A_270 = arith.constant 0 : i32
      %sign3A_271 = arith.cmpi slt, %jit3A_260, %sign3A_270 : i32
      %sign3A_272 = arith.extui %sign3A_271 : i1 to i32
      %sign3A_273 = arith.subi %sign3A_269, %sign3A_272 : i32
      %ne3A_274 = arith.cmpi ne, %sign3A_266, %sign3A_273 : i32
      %rem3A_275 = arith.remsi %mul3A_241, %jit3A_260 : i32
      %ne3A_276 = arith.constant 0 : i32
      %ne3A_277 = arith.cmpi ne, %rem3A_275, %ne3A_276 : i32
      %and3A_278 = arith.andi %ne3A_274, %ne3A_277 : i1
      %sub3A = arith.constant 1 : i32
      %sub3A_279 = arith.subi %div3A, %sub3A : i32
      %select_n3A_280 = arith.select %and3A_278, %sub3A_279, %div3A : i32
      %add3A_281 = arith.constant 1 : i32
      %add3A_282 = arith.addi %select_n3A_280, %add3A_281 : i32
      %lt3A_283 = arith.constant 10 : i32
      %lt3A_284 = arith.cmpi slt, %add3A_282, %lt3A_283 : i32
      %and3A_285 = arith.andi %eq3A_259, %lt3A_284 : i1
      %convert_element_type3A = arith.extui %and3A_285 : i1 to i32
      %cond3A = arith.constant 0 : i32
      %cond3A_286 = arith.cmpi ne, %convert_element_type3A, %cond3A : i32
      scf.if %cond3A_286 {
        %jit3A_588 = arith.constant 20 : i32
        %div3A_589 = arith.divsi %mul3A_241, %jit3A_588 : i32
        %sign3A_590 = arith.constant 0 : i32
        %sign3A_591 = arith.cmpi sgt, %mul3A_241, %sign3A_590 : i32
        %sign3A_592 = arith.extui %sign3A_591 : i1 to i32
        %sign3A_593 = arith.constant 0 : i32
        %sign3A_594 = arith.cmpi slt, %mul3A_241, %sign3A_593 : i32
        %sign3A_595 = arith.extui %sign3A_594 : i1 to i32
        %sign3A_596 = arith.subi %sign3A_592, %sign3A_595 : i32
        %sign3A_597 = arith.constant 0 : i32
        %sign3A_598 = arith.cmpi sgt, %jit3A_588, %sign3A_597 : i32
        %sign3A_599 = arith.extui %sign3A_598 : i1 to i32
        %sign3A_600 = arith.constant 0 : i32
        %sign3A_601 = arith.cmpi slt, %jit3A_588, %sign3A_600 : i32
        %sign3A_602 = arith.extui %sign3A_601 : i1 to i32
        %sign3A_603 = arith.subi %sign3A_599, %sign3A_602 : i32
        %ne3A_604 = arith.cmpi ne, %sign3A_596, %sign3A_603 : i32
        %rem3A_605 = arith.remsi %mul3A_241, %jit3A_588 : i32
        %ne3A_606 = arith.constant 0 : i32
        %ne3A_607 = arith.cmpi ne, %rem3A_605, %ne3A_606 : i32
        %and3A_608 = arith.andi %ne3A_604, %ne3A_607 : i1
        %sub3A_609 = arith.constant 1 : i32
        %sub3A_610 = arith.subi %div3A_589, %sub3A_609 : i32
        %select_n3A_611 = arith.select %and3A_608, %sub3A_610, %div3A_589 : i32
        %add3A_612 = arith.constant 1 : i32
        %add3A_613 = arith.addi %select_n3A_611, %add3A_612 : i32
        %mul3A_614 = arith.constant 1280 : i32
        %mul3A_615 = arith.muli %add3A_613, %mul3A_614 : i32
        %add3A_616 = arith.addi %mul3A_2, %mul3A_615 : i32
        %jit3A_617 = arith.constant 2 : i32
        %eq3A_618 = arith.constant 0 : i32
        %eq3A_619 = arith.cmpi eq, %jit3A_617, %eq3A_618 : i32
        %jit3A_620 = arith.constant 1 : i32
        %select_n3A_621 = arith.select %eq3A_619, %jit3A_620, %jit3A_617 : i32
        %rem3A_622 = arith.remsi %add3A_613, %select_n3A_621 : i32
        %ne3A_623 = arith.constant 0 : i32
        %ne3A_624 = arith.cmpi ne, %rem3A_622, %ne3A_623 : i32
        %lt3A_625 = arith.constant 0 : i32
        %lt3A_626 = arith.cmpi slt, %rem3A_622, %lt3A_625 : i32
        %lt3A_627 = arith.constant 0 : i32
        %lt3A_628 = arith.cmpi slt, %select_n3A_621, %lt3A_627 : i32
        %ne3A_629 = arith.xori %lt3A_626, %lt3A_628 : i1
        %and3A_630 = arith.andi %ne3A_629, %ne3A_624 : i1
        %add3A_631 = arith.addi %rem3A_622, %select_n3A_621 : i32
        %select_n3A_632 = arith.select %and3A_630, %add3A_631, %rem3A_622 : i32
        %dma_start3A_633 = arith.constant 0 : i32
        %dma_start3A_634 = tpu.memref_slice %arg8[%select_n3A_632, %dma_start3A_633] : memref<2x1280xi32, #tpu.memory_space<vmem>> -> memref<1x1280xi32, #tpu.memory_space<vmem>>
        %dma_start3A_635 = tpu.memref_squeeze %dma_start3A_634 : memref<1x1280xi32, #tpu.memory_space<vmem>> -> memref<1280xi32, #tpu.memory_space<vmem>>
        %dma_start3A_636 = tpu.memref_slice %arg4[%add3A_616] : memref<409600xi32, #tpu.memory_space<hbm>> -> memref<1280xi32, #tpu.memory_space<hbm>>
        %dma_start3A_637 = arith.constant 0 : i32
        %dma_start3A_638 = tpu.memref_slice %arg8[%select_n3A_632, %dma_start3A_637] : memref<2x1280xi32, #tpu.memory_space<vmem>> -> memref<1x1280xi32, #tpu.memory_space<vmem>>
        %dma_start3A_639 = tpu.memref_squeeze %dma_start3A_638 : memref<1x1280xi32, #tpu.memory_space<vmem>> -> memref<1280xi32, #tpu.memory_space<vmem>>
        %dma_start3A_640 = tpu.memref_slice %arg4[%add3A_616] : memref<409600xi32, #tpu.memory_space<hbm>> -> memref<1280xi32, #tpu.memory_space<hbm>>
        tpu.enqueue_dma source(%dma_start3A_640 : memref<1280xi32, #tpu.memory_space<hbm>>) target(%dma_start3A_639 : memref<1280xi32, #tpu.memory_space<vmem>>) target_semaphore(%arg16 : memref<!tpu.dma_semaphore, #tpu.memory_space<semaphore_mem>>)
        %dma_start3A_641 = arith.constant 0 : i32
        %dma_start3A_642 = tpu.memref_slice %arg9[%select_n3A_632, %dma_start3A_641] : memref<2x1280xi32, #tpu.memory_space<vmem>> -> memref<1x1280xi32, #tpu.memory_space<vmem>>
        %dma_start3A_643 = tpu.memref_squeeze %dma_start3A_642 : memref<1x1280xi32, #tpu.memory_space<vmem>> -> memref<1280xi32, #tpu.memory_space<vmem>>
        %dma_start3A_644 = tpu.memref_slice %arg5[%add3A_616] : memref<409600xi32, #tpu.memory_space<hbm>> -> memref<1280xi32, #tpu.memory_space<hbm>>
        %dma_start3A_645 = arith.constant 0 : i32
        %dma_start3A_646 = tpu.memref_slice %arg9[%select_n3A_632, %dma_start3A_645] : memref<2x1280xi32, #tpu.memory_space<vmem>> -> memref<1x1280xi32, #tpu.memory_space<vmem>>
        %dma_start3A_647 = tpu.memref_squeeze %dma_start3A_646 : memref<1x1280xi32, #tpu.memory_space<vmem>> -> memref<1280xi32, #tpu.memory_space<vmem>>
        %dma_start3A_648 = tpu.memref_slice %arg5[%add3A_616] : memref<409600xi32, #tpu.memory_space<hbm>> -> memref<1280xi32, #tpu.memory_space<hbm>>
        tpu.enqueue_dma source(%dma_start3A_648 : memref<1280xi32, #tpu.memory_space<hbm>>) target(%dma_start3A_647 : memref<1280xi32, #tpu.memory_space<vmem>>) target_semaphore(%arg16 : memref<!tpu.dma_semaphore, #tpu.memory_space<semaphore_mem>>)
        %dma_start3A_649 = arith.constant 0 : i32
        %dma_start3A_650 = tpu.memref_slice %arg10[%select_n3A_632, %dma_start3A_649] : memref<2x1280xi32, #tpu.memory_space<vmem>> -> memref<1x1280xi32, #tpu.memory_space<vmem>>
        %dma_start3A_651 = tpu.memref_squeeze %dma_start3A_650 : memref<1x1280xi32, #tpu.memory_space<vmem>> -> memref<1280xi32, #tpu.memory_space<vmem>>
        %dma_start3A_652 = tpu.memref_slice %arg6[%add3A_616] : memref<409600xi32, #tpu.memory_space<hbm>> -> memref<1280xi32, #tpu.memory_space<hbm>>
        %dma_start3A_653 = arith.constant 0 : i32
        %dma_start3A_654 = tpu.memref_slice %arg10[%select_n3A_632, %dma_start3A_653] : memref<2x1280xi32, #tpu.memory_space<vmem>> -> memref<1x1280xi32, #tpu.memory_space<vmem>>
        %dma_start3A_655 = tpu.memref_squeeze %dma_start3A_654 : memref<1x1280xi32, #tpu.memory_space<vmem>> -> memref<1280xi32, #tpu.memory_space<vmem>>
        %dma_start3A_656 = tpu.memref_slice %arg6[%add3A_616] : memref<409600xi32, #tpu.memory_space<hbm>> -> memref<1280xi32, #tpu.memory_space<hbm>>
        tpu.enqueue_dma source(%dma_start3A_656 : memref<1280xi32, #tpu.memory_space<hbm>>) target(%dma_start3A_655 : memref<1280xi32, #tpu.memory_space<vmem>>) target_semaphore(%arg16 : memref<!tpu.dma_semaphore, #tpu.memory_space<semaphore_mem>>)
      } else {
      }
      %add3A_287 = arith.constant 1 : i32
      %add3A_288 = arith.addi %mul3A_241, %add3A_287 : i32
      %lt3A_289 = arith.constant 200 : i32
      %lt3A_290 = arith.cmpi slt, %add3A_288, %lt3A_289 : i32
      %convert_element_type3A_291 = arith.extui %lt3A_290 : i1 to i32
      %cond3A_292 = arith.constant 0 : i32
      %cond3A_293 = arith.cmpi ne, %convert_element_type3A_291, %cond3A_292 : i32
      scf.if %cond3A_293 {
        %add3A_588 = arith.constant 1 : i32
        %add3A_589 = arith.addi %mul3A_241, %add3A_588 : i32
        %jit3A_590 = arith.constant 20 : i32
        %eq3A_591 = arith.constant 0 : i32
        %eq3A_592 = arith.cmpi eq, %jit3A_590, %eq3A_591 : i32
        %jit3A_593 = arith.constant 1 : i32
        %select_n3A_594 = arith.select %eq3A_592, %jit3A_593, %jit3A_590 : i32
        %rem3A_595 = arith.remsi %add3A_589, %select_n3A_594 : i32
        %ne3A_596 = arith.constant 0 : i32
        %ne3A_597 = arith.cmpi ne, %rem3A_595, %ne3A_596 : i32
        %lt3A_598 = arith.constant 0 : i32
        %lt3A_599 = arith.cmpi slt, %rem3A_595, %lt3A_598 : i32
        %lt3A_600 = arith.constant 0 : i32
        %lt3A_601 = arith.cmpi slt, %select_n3A_594, %lt3A_600 : i32
        %ne3A_602 = arith.xori %lt3A_599, %lt3A_601 : i1
        %and3A_603 = arith.andi %ne3A_602, %ne3A_597 : i1
        %add3A_604 = arith.addi %rem3A_595, %select_n3A_594 : i32
        %select_n3A_605 = arith.select %and3A_603, %add3A_604, %rem3A_595 : i32
        %eq3A_606 = arith.constant 0 : i32
        %eq3A_607 = arith.cmpi eq, %select_n3A_605, %eq3A_606 : i32
        %convert_element_type3A_608 = arith.extui %eq3A_607 : i1 to i32
        %cond3A_609 = arith.constant 0 : i32
        %cond3A_610 = arith.cmpi ne, %convert_element_type3A_608, %cond3A_609 : i32
        scf.if %cond3A_610 {
          %add3A_701 = arith.constant 1 : i32
          %add3A_702 = arith.addi %mul3A_241, %add3A_701 : i32
          %jit3A_703 = arith.constant 20 : i32
          %div3A_704 = arith.divsi %add3A_702, %jit3A_703 : i32
          %sign3A_705 = arith.constant 0 : i32
          %sign3A_706 = arith.cmpi sgt, %add3A_702, %sign3A_705 : i32
          %sign3A_707 = arith.extui %sign3A_706 : i1 to i32
          %sign3A_708 = arith.constant 0 : i32
          %sign3A_709 = arith.cmpi slt, %add3A_702, %sign3A_708 : i32
          %sign3A_710 = arith.extui %sign3A_709 : i1 to i32
          %sign3A_711 = arith.subi %sign3A_707, %sign3A_710 : i32
          %sign3A_712 = arith.constant 0 : i32
          %sign3A_713 = arith.cmpi sgt, %jit3A_703, %sign3A_712 : i32
          %sign3A_714 = arith.extui %sign3A_713 : i1 to i32
          %sign3A_715 = arith.constant 0 : i32
          %sign3A_716 = arith.cmpi slt, %jit3A_703, %sign3A_715 : i32
          %sign3A_717 = arith.extui %sign3A_716 : i1 to i32
          %sign3A_718 = arith.subi %sign3A_714, %sign3A_717 : i32
          %ne3A_719 = arith.cmpi ne, %sign3A_711, %sign3A_718 : i32
          %rem3A_720 = arith.remsi %add3A_702, %jit3A_703 : i32
          %ne3A_721 = arith.constant 0 : i32
          %ne3A_722 = arith.cmpi ne, %rem3A_720, %ne3A_721 : i32
          %and3A_723 = arith.andi %ne3A_719, %ne3A_722 : i1
          %sub3A_724 = arith.constant 1 : i32
          %sub3A_725 = arith.subi %div3A_704, %sub3A_724 : i32
          %select_n3A_726 = arith.select %and3A_723, %sub3A_725, %div3A_704 : i32
          %mul3A_727 = arith.constant 1280 : i32
          %mul3A_728 = arith.muli %select_n3A_726, %mul3A_727 : i32
          %add3A_729 = arith.addi %mul3A_2, %mul3A_728 : i32
          %jit3A_730 = arith.constant 2 : i32
          %eq3A_731 = arith.constant 0 : i32
          %eq3A_732 = arith.cmpi eq, %jit3A_730, %eq3A_731 : i32
          %jit3A_733 = arith.constant 1 : i32
          %select_n3A_734 = arith.select %eq3A_732, %jit3A_733, %jit3A_730 : i32
          %rem3A_735 = arith.remsi %select_n3A_726, %select_n3A_734 : i32
          %ne3A_736 = arith.constant 0 : i32
          %ne3A_737 = arith.cmpi ne, %rem3A_735, %ne3A_736 : i32
          %lt3A_738 = arith.constant 0 : i32
          %lt3A_739 = arith.cmpi slt, %rem3A_735, %lt3A_738 : i32
          %lt3A_740 = arith.constant 0 : i32
          %lt3A_741 = arith.cmpi slt, %select_n3A_734, %lt3A_740 : i32
          %ne3A_742 = arith.xori %lt3A_739, %lt3A_741 : i1
          %and3A_743 = arith.andi %ne3A_742, %ne3A_737 : i1
          %add3A_744 = arith.addi %rem3A_735, %select_n3A_734 : i32
          %select_n3A_745 = arith.select %and3A_743, %add3A_744, %rem3A_735 : i32
          %dma_wait3A_746 = arith.constant 0 : i32
          %dma_wait3A_747 = tpu.memref_slice %arg8[%select_n3A_745, %dma_wait3A_746] : memref<2x1280xi32, #tpu.memory_space<vmem>> -> memref<1x1280xi32, #tpu.memory_space<vmem>>
          %dma_wait3A_748 = tpu.memref_squeeze %dma_wait3A_747 : memref<1x1280xi32, #tpu.memory_space<vmem>> -> memref<1280xi32, #tpu.memory_space<vmem>>
          %dma_wait3A_749 = tpu.memref_slice %arg4[%add3A_729] : memref<409600xi32, #tpu.memory_space<hbm>> -> memref<1280xi32, #tpu.memory_space<hbm>>
          %dma_wait3A_750 = arith.constant 0 : i32
          %dma_wait3A_751 = tpu.memref_slice %arg8[%select_n3A_745, %dma_wait3A_750] : memref<2x1280xi32, #tpu.memory_space<vmem>> -> memref<1x1280xi32, #tpu.memory_space<vmem>>
          %dma_wait3A_752 = tpu.memref_squeeze %dma_wait3A_751 : memref<1x1280xi32, #tpu.memory_space<vmem>> -> memref<1280xi32, #tpu.memory_space<vmem>>
          %dma_wait3A_753 = tpu.memref_slice %arg4[%add3A_729] : memref<409600xi32, #tpu.memory_space<hbm>> -> memref<1280xi32, #tpu.memory_space<hbm>>
          tpu.wait_dma2 semaphore(%arg16 : memref<!tpu.dma_semaphore, #tpu.memory_space<semaphore_mem>>) src(%dma_wait3A_753 : memref<1280xi32, #tpu.memory_space<hbm>>) dst(%dma_wait3A_752 : memref<1280xi32, #tpu.memory_space<vmem>>)
          %dma_wait3A_754 = arith.constant 0 : i32
          %dma_wait3A_755 = tpu.memref_slice %arg9[%select_n3A_745, %dma_wait3A_754] : memref<2x1280xi32, #tpu.memory_space<vmem>> -> memref<1x1280xi32, #tpu.memory_space<vmem>>
          %dma_wait3A_756 = tpu.memref_squeeze %dma_wait3A_755 : memref<1x1280xi32, #tpu.memory_space<vmem>> -> memref<1280xi32, #tpu.memory_space<vmem>>
          %dma_wait3A_757 = tpu.memref_slice %arg5[%add3A_729] : memref<409600xi32, #tpu.memory_space<hbm>> -> memref<1280xi32, #tpu.memory_space<hbm>>
          %dma_wait3A_758 = arith.constant 0 : i32
          %dma_wait3A_759 = tpu.memref_slice %arg9[%select_n3A_745, %dma_wait3A_758] : memref<2x1280xi32, #tpu.memory_space<vmem>> -> memref<1x1280xi32, #tpu.memory_space<vmem>>
          %dma_wait3A_760 = tpu.memref_squeeze %dma_wait3A_759 : memref<1x1280xi32, #tpu.memory_space<vmem>> -> memref<1280xi32, #tpu.memory_space<vmem>>
          %dma_wait3A_761 = tpu.memref_slice %arg5[%add3A_729] : memref<409600xi32, #tpu.memory_space<hbm>> -> memref<1280xi32, #tpu.memory_space<hbm>>
          tpu.wait_dma2 semaphore(%arg16 : memref<!tpu.dma_semaphore, #tpu.memory_space<semaphore_mem>>) src(%dma_wait3A_761 : memref<1280xi32, #tpu.memory_space<hbm>>) dst(%dma_wait3A_760 : memref<1280xi32, #tpu.memory_space<vmem>>)
          %dma_wait3A_762 = arith.constant 0 : i32
          %dma_wait3A_763 = tpu.memref_slice %arg10[%select_n3A_745, %dma_wait3A_762] : memref<2x1280xi32, #tpu.memory_space<vmem>> -> memref<1x1280xi32, #tpu.memory_space<vmem>>
          %dma_wait3A_764 = tpu.memref_squeeze %dma_wait3A_763 : memref<1x1280xi32, #tpu.memory_space<vmem>> -> memref<1280xi32, #tpu.memory_space<vmem>>
          %dma_wait3A_765 = tpu.memref_slice %arg6[%add3A_729] : memref<409600xi32, #tpu.memory_space<hbm>> -> memref<1280xi32, #tpu.memory_space<hbm>>
          %dma_wait3A_766 = arith.constant 0 : i32
          %dma_wait3A_767 = tpu.memref_slice %arg10[%select_n3A_745, %dma_wait3A_766] : memref<2x1280xi32, #tpu.memory_space<vmem>> -> memref<1x1280xi32, #tpu.memory_space<vmem>>
          %dma_wait3A_768 = tpu.memref_squeeze %dma_wait3A_767 : memref<1x1280xi32, #tpu.memory_space<vmem>> -> memref<1280xi32, #tpu.memory_space<vmem>>
          %dma_wait3A_769 = tpu.memref_slice %arg6[%add3A_729] : memref<409600xi32, #tpu.memory_space<hbm>> -> memref<1280xi32, #tpu.memory_space<hbm>>
          tpu.wait_dma2 semaphore(%arg16 : memref<!tpu.dma_semaphore, #tpu.memory_space<semaphore_mem>>) src(%dma_wait3A_769 : memref<1280xi32, #tpu.memory_space<hbm>>) dst(%dma_wait3A_768 : memref<1280xi32, #tpu.memory_space<vmem>>)
        } else {
        }
        %add3A_611 = arith.constant 1 : i32
        %add3A_612 = arith.addi %mul3A_241, %add3A_611 : i32
        %jit3A_613 = arith.constant 20 : i32
        %div3A_614 = arith.divsi %add3A_612, %jit3A_613 : i32
        %sign3A_615 = arith.constant 0 : i32
        %sign3A_616 = arith.cmpi sgt, %add3A_612, %sign3A_615 : i32
        %sign3A_617 = arith.extui %sign3A_616 : i1 to i32
        %sign3A_618 = arith.constant 0 : i32
        %sign3A_619 = arith.cmpi slt, %add3A_612, %sign3A_618 : i32
        %sign3A_620 = arith.extui %sign3A_619 : i1 to i32
        %sign3A_621 = arith.subi %sign3A_617, %sign3A_620 : i32
        %sign3A_622 = arith.constant 0 : i32
        %sign3A_623 = arith.cmpi sgt, %jit3A_613, %sign3A_622 : i32
        %sign3A_624 = arith.extui %sign3A_623 : i1 to i32
        %sign3A_625 = arith.constant 0 : i32
        %sign3A_626 = arith.cmpi slt, %jit3A_613, %sign3A_625 : i32
        %sign3A_627 = arith.extui %sign3A_626 : i1 to i32
        %sign3A_628 = arith.subi %sign3A_624, %sign3A_627 : i32
        %ne3A_629 = arith.cmpi ne, %sign3A_621, %sign3A_628 : i32
        %rem3A_630 = arith.remsi %add3A_612, %jit3A_613 : i32
        %ne3A_631 = arith.constant 0 : i32
        %ne3A_632 = arith.cmpi ne, %rem3A_630, %ne3A_631 : i32
        %and3A_633 = arith.andi %ne3A_629, %ne3A_632 : i1
        %sub3A_634 = arith.constant 1 : i32
        %sub3A_635 = arith.subi %div3A_614, %sub3A_634 : i32
        %select_n3A_636 = arith.select %and3A_633, %sub3A_635, %div3A_614 : i32
        %jit3A_637 = arith.constant 2 : i32
        %eq3A_638 = arith.constant 0 : i32
        %eq3A_639 = arith.cmpi eq, %jit3A_637, %eq3A_638 : i32
        %jit3A_640 = arith.constant 1 : i32
        %select_n3A_641 = arith.select %eq3A_639, %jit3A_640, %jit3A_637 : i32
        %rem3A_642 = arith.remsi %select_n3A_636, %select_n3A_641 : i32
        %ne3A_643 = arith.constant 0 : i32
        %ne3A_644 = arith.cmpi ne, %rem3A_642, %ne3A_643 : i32
        %lt3A_645 = arith.constant 0 : i32
        %lt3A_646 = arith.cmpi slt, %rem3A_642, %lt3A_645 : i32
        %lt3A_647 = arith.constant 0 : i32
        %lt3A_648 = arith.cmpi slt, %select_n3A_641, %lt3A_647 : i32
        %ne3A_649 = arith.xori %lt3A_646, %lt3A_648 : i1
        %and3A_650 = arith.andi %ne3A_649, %ne3A_644 : i1
        %add3A_651 = arith.addi %rem3A_642, %select_n3A_641 : i32
        %select_n3A_652 = arith.select %and3A_650, %add3A_651, %rem3A_642 : i32
        %jit3A_653 = arith.constant 20 : i32
        %eq3A_654 = arith.constant 0 : i32
        %eq3A_655 = arith.cmpi eq, %jit3A_653, %eq3A_654 : i32
        %jit3A_656 = arith.constant 1 : i32
        %select_n3A_657 = arith.select %eq3A_655, %jit3A_656, %jit3A_653 : i32
        %rem3A_658 = arith.remsi %add3A_612, %select_n3A_657 : i32
        %ne3A_659 = arith.constant 0 : i32
        %ne3A_660 = arith.cmpi ne, %rem3A_658, %ne3A_659 : i32
        %lt3A_661 = arith.constant 0 : i32
        %lt3A_662 = arith.cmpi slt, %rem3A_658, %lt3A_661 : i32
        %lt3A_663 = arith.constant 0 : i32
        %lt3A_664 = arith.cmpi slt, %select_n3A_657, %lt3A_663 : i32
        %ne3A_665 = arith.xori %lt3A_662, %lt3A_664 : i1
        %and3A_666 = arith.andi %ne3A_665, %ne3A_660 : i1
        %add3A_667 = arith.addi %rem3A_658, %select_n3A_657 : i32
        %select_n3A_668 = arith.select %and3A_666, %add3A_667, %rem3A_658 : i32
        %mul3A_669 = arith.constant 64 : i32
        %mul3A_670 = arith.muli %select_n3A_668, %mul3A_669 : i32
        %dma_start3A_671 = arith.constant 1 : i32
        %dma_start3A_672 = arith.constant 0 : i32
        %dma_start3A_673 = arith.constant 0 : i32
        %dma_start3A_674 = tpu.memref_slice %arg11[%dma_start3A_671, %dma_start3A_672, %dma_start3A_673] : memref<2x64x128xi32, #tpu.memory_space<vmem>> -> memref<1x64x128xi32, #tpu.memory_space<vmem>>
        %dma_start3A_675 = tpu.memref_squeeze %dma_start3A_674 : memref<1x64x128xi32, #tpu.memory_space<vmem>> -> memref<64x128xi32, #tpu.memory_space<vmem>>
        %dma_start3A_676 = tpu.memref_slice %arg8[%select_n3A_652, %mul3A_670] : memref<2x1280xi32, #tpu.memory_space<vmem>> -> memref<1x64xi32, #tpu.memory_space<vmem>>
        %dma_start3A_677 = tpu.memref_squeeze %dma_start3A_676 : memref<1x64xi32, #tpu.memory_space<vmem>> -> memref<64xi32, #tpu.memory_space<vmem>>
        %dma_start3A_678 = arith.constant 0 : i32
        %dma_start3A_679 = arith.constant 0 : i32
        %dma_start3A_680 = tpu.memref_slice %arg2[%dma_start3A_678, %dma_start3A_679] : memref<100000x128xi32, #tpu.memory_space<hbm>> -> memref<100000x128xi32, #tpu.memory_space<hbm>>
        tpu.enqueue_indirect_dma source(%dma_start3A_680 : memref<100000x128xi32, #tpu.memory_space<hbm>>) target(%dma_start3A_675 : memref<64x128xi32, #tpu.memory_space<vmem>>) offsets(%dma_start3A_677 : memref<64xi32, #tpu.memory_space<vmem>>) semaphore(%arg18 : memref<!tpu.dma_semaphore, #tpu.memory_space<semaphore_mem>>)
        %dma_start3A_681 = arith.constant 1 : i32
        %dma_start3A_682 = arith.constant 0 : i32
        %dma_start3A_683 = arith.constant 0 : i32
        %dma_start3A_684 = tpu.memref_slice %arg12[%dma_start3A_681, %dma_start3A_682, %dma_start3A_683] : memref<2x64x128xi32, #tpu.memory_space<vmem>> -> memref<1x64x128xi32, #tpu.memory_space<vmem>>
        %dma_start3A_685 = tpu.memref_squeeze %dma_start3A_684 : memref<1x64x128xi32, #tpu.memory_space<vmem>> -> memref<64x128xi32, #tpu.memory_space<vmem>>
        %dma_start3A_686 = tpu.memref_slice %arg9[%select_n3A_652, %mul3A_670] : memref<2x1280xi32, #tpu.memory_space<vmem>> -> memref<1x64xi32, #tpu.memory_space<vmem>>
        %dma_start3A_687 = tpu.memref_squeeze %dma_start3A_686 : memref<1x64xi32, #tpu.memory_space<vmem>> -> memref<64xi32, #tpu.memory_space<vmem>>
        %dma_start3A_688 = arith.constant 0 : i32
        %dma_start3A_689 = arith.constant 0 : i32
        %dma_start3A_690 = tpu.memref_slice %arg2[%dma_start3A_688, %dma_start3A_689] : memref<100000x128xi32, #tpu.memory_space<hbm>> -> memref<100000x128xi32, #tpu.memory_space<hbm>>
        tpu.enqueue_indirect_dma source(%dma_start3A_690 : memref<100000x128xi32, #tpu.memory_space<hbm>>) target(%dma_start3A_685 : memref<64x128xi32, #tpu.memory_space<vmem>>) offsets(%dma_start3A_687 : memref<64xi32, #tpu.memory_space<vmem>>) semaphore(%arg18 : memref<!tpu.dma_semaphore, #tpu.memory_space<semaphore_mem>>)
        %dma_start3A_691 = arith.constant 1 : i32
        %dma_start3A_692 = arith.constant 0 : i32
        %dma_start3A_693 = arith.constant 0 : i32
        %dma_start3A_694 = tpu.memref_slice %arg13[%dma_start3A_691, %dma_start3A_692, %dma_start3A_693] : memref<2x64x128xi32, #tpu.memory_space<vmem>> -> memref<1x64x128xi32, #tpu.memory_space<vmem>>
        %dma_start3A_695 = tpu.memref_squeeze %dma_start3A_694 : memref<1x64x128xi32, #tpu.memory_space<vmem>> -> memref<64x128xi32, #tpu.memory_space<vmem>>
        %dma_start3A_696 = tpu.memref_slice %arg10[%select_n3A_652, %mul3A_670] : memref<2x1280xi32, #tpu.memory_space<vmem>> -> memref<1x64xi32, #tpu.memory_space<vmem>>
        %dma_start3A_697 = tpu.memref_squeeze %dma_start3A_696 : memref<1x64xi32, #tpu.memory_space<vmem>> -> memref<64xi32, #tpu.memory_space<vmem>>
        %dma_start3A_698 = arith.constant 0 : i32
        %dma_start3A_699 = arith.constant 0 : i32
        %dma_start3A_700 = tpu.memref_slice %arg3[%dma_start3A_698, %dma_start3A_699] : memref<1000x128xi32, #tpu.memory_space<hbm>> -> memref<1000x128xi32, #tpu.memory_space<hbm>>
        tpu.enqueue_indirect_dma source(%dma_start3A_700 : memref<1000x128xi32, #tpu.memory_space<hbm>>) target(%dma_start3A_695 : memref<64x128xi32, #tpu.memory_space<vmem>>) offsets(%dma_start3A_697 : memref<64xi32, #tpu.memory_space<vmem>>) semaphore(%arg18 : memref<!tpu.dma_semaphore, #tpu.memory_space<semaphore_mem>>)
      } else {
      }
      %jit3A_294 = arith.constant 20 : i32
      %div3A_295 = arith.divsi %mul3A_241, %jit3A_294 : i32
      %sign3A_296 = arith.constant 0 : i32
      %sign3A_297 = arith.cmpi sgt, %mul3A_241, %sign3A_296 : i32
      %sign3A_298 = arith.extui %sign3A_297 : i1 to i32
      %sign3A_299 = arith.constant 0 : i32
      %sign3A_300 = arith.cmpi slt, %mul3A_241, %sign3A_299 : i32
      %sign3A_301 = arith.extui %sign3A_300 : i1 to i32
      %sign3A_302 = arith.subi %sign3A_298, %sign3A_301 : i32
      %sign3A_303 = arith.constant 0 : i32
      %sign3A_304 = arith.cmpi sgt, %jit3A_294, %sign3A_303 : i32
      %sign3A_305 = arith.extui %sign3A_304 : i1 to i32
      %sign3A_306 = arith.constant 0 : i32
      %sign3A_307 = arith.cmpi slt, %jit3A_294, %sign3A_306 : i32
      %sign3A_308 = arith.extui %sign3A_307 : i1 to i32
      %sign3A_309 = arith.subi %sign3A_305, %sign3A_308 : i32
      %ne3A_310 = arith.cmpi ne, %sign3A_302, %sign3A_309 : i32
      %rem3A_311 = arith.remsi %mul3A_241, %jit3A_294 : i32
      %ne3A_312 = arith.constant 0 : i32
      %ne3A_313 = arith.cmpi ne, %rem3A_311, %ne3A_312 : i32
      %and3A_314 = arith.andi %ne3A_310, %ne3A_313 : i1
      %sub3A_315 = arith.constant 1 : i32
      %sub3A_316 = arith.subi %div3A_295, %sub3A_315 : i32
      %select_n3A_317 = arith.select %and3A_314, %sub3A_316, %div3A_295 : i32
      %jit3A_318 = arith.constant 2 : i32
      %eq3A_319 = arith.constant 0 : i32
      %eq3A_320 = arith.cmpi eq, %jit3A_318, %eq3A_319 : i32
      %jit3A_321 = arith.constant 1 : i32
      %select_n3A_322 = arith.select %eq3A_320, %jit3A_321, %jit3A_318 : i32
      %rem3A_323 = arith.remsi %select_n3A_317, %select_n3A_322 : i32
      %ne3A_324 = arith.constant 0 : i32
      %ne3A_325 = arith.cmpi ne, %rem3A_323, %ne3A_324 : i32
      %lt3A_326 = arith.constant 0 : i32
      %lt3A_327 = arith.cmpi slt, %rem3A_323, %lt3A_326 : i32
      %lt3A_328 = arith.constant 0 : i32
      %lt3A_329 = arith.cmpi slt, %select_n3A_322, %lt3A_328 : i32
      %ne3A_330 = arith.xori %lt3A_327, %lt3A_329 : i1
      %and3A_331 = arith.andi %ne3A_330, %ne3A_325 : i1
      %add3A_332 = arith.addi %rem3A_323, %select_n3A_322 : i32
      %select_n3A_333 = arith.select %and3A_331, %add3A_332, %rem3A_323 : i32
      %jit3A_334 = arith.constant 20 : i32
      %eq3A_335 = arith.constant 0 : i32
      %eq3A_336 = arith.cmpi eq, %jit3A_334, %eq3A_335 : i32
      %jit3A_337 = arith.constant 1 : i32
      %select_n3A_338 = arith.select %eq3A_336, %jit3A_337, %jit3A_334 : i32
      %rem3A_339 = arith.remsi %mul3A_241, %select_n3A_338 : i32
      %ne3A_340 = arith.constant 0 : i32
      %ne3A_341 = arith.cmpi ne, %rem3A_339, %ne3A_340 : i32
      %lt3A_342 = arith.constant 0 : i32
      %lt3A_343 = arith.cmpi slt, %rem3A_339, %lt3A_342 : i32
      %lt3A_344 = arith.constant 0 : i32
      %lt3A_345 = arith.cmpi slt, %select_n3A_338, %lt3A_344 : i32
      %ne3A_346 = arith.xori %lt3A_343, %lt3A_345 : i1
      %and3A_347 = arith.andi %ne3A_346, %ne3A_341 : i1
      %add3A_348 = arith.addi %rem3A_339, %select_n3A_338 : i32
      %select_n3A_349 = arith.select %and3A_347, %add3A_348, %rem3A_339 : i32
      %mul3A_350 = arith.constant 64 : i32
      %mul3A_351 = arith.muli %select_n3A_349, %mul3A_350 : i32
      %dma_wait3A_352 = arith.constant 0 : i32
      %dma_wait3A_353 = arith.constant 0 : i32
      %dma_wait3A_354 = arith.constant 0 : i32
      %dma_wait3A_355 = tpu.memref_slice %arg11[%dma_wait3A_352, %dma_wait3A_353, %dma_wait3A_354] : memref<2x64x128xi32, #tpu.memory_space<vmem>> -> memref<1x64x128xi32, #tpu.memory_space<vmem>>
      %dma_wait3A_356 = tpu.memref_squeeze %dma_wait3A_355 : memref<1x64x128xi32, #tpu.memory_space<vmem>> -> memref<64x128xi32, #tpu.memory_space<vmem>>
      %dma_wait3A_357 = tpu.memref_slice %arg8[%select_n3A_333, %mul3A_351] : memref<2x1280xi32, #tpu.memory_space<vmem>> -> memref<1x64xi32, #tpu.memory_space<vmem>>
      %dma_wait3A_358 = tpu.memref_squeeze %dma_wait3A_357 : memref<1x64xi32, #tpu.memory_space<vmem>> -> memref<64xi32, #tpu.memory_space<vmem>>
      %dma_wait3A_359 = arith.constant 0 : i32
      %dma_wait3A_360 = arith.constant 0 : i32
      %dma_wait3A_361 = tpu.memref_slice %arg2[%dma_wait3A_359, %dma_wait3A_360] : memref<100000x128xi32, #tpu.memory_space<hbm>> -> memref<100000x128xi32, #tpu.memory_space<hbm>>
      tpu.wait_indirect_dma semaphore(%arg17 : memref<!tpu.dma_semaphore, #tpu.memory_space<semaphore_mem>>) src(%dma_wait3A_361 : memref<100000x128xi32, #tpu.memory_space<hbm>>) dst(%dma_wait3A_356 : memref<64x128xi32, #tpu.memory_space<vmem>>)
      %dma_wait3A_362 = arith.constant 0 : i32
      %dma_wait3A_363 = arith.constant 0 : i32
      %dma_wait3A_364 = arith.constant 0 : i32
      %dma_wait3A_365 = tpu.memref_slice %arg12[%dma_wait3A_362, %dma_wait3A_363, %dma_wait3A_364] : memref<2x64x128xi32, #tpu.memory_space<vmem>> -> memref<1x64x128xi32, #tpu.memory_space<vmem>>
      %dma_wait3A_366 = tpu.memref_squeeze %dma_wait3A_365 : memref<1x64x128xi32, #tpu.memory_space<vmem>> -> memref<64x128xi32, #tpu.memory_space<vmem>>
      %dma_wait3A_367 = tpu.memref_slice %arg9[%select_n3A_333, %mul3A_351] : memref<2x1280xi32, #tpu.memory_space<vmem>> -> memref<1x64xi32, #tpu.memory_space<vmem>>
      %dma_wait3A_368 = tpu.memref_squeeze %dma_wait3A_367 : memref<1x64xi32, #tpu.memory_space<vmem>> -> memref<64xi32, #tpu.memory_space<vmem>>
      %dma_wait3A_369 = arith.constant 0 : i32
      %dma_wait3A_370 = arith.constant 0 : i32
      %dma_wait3A_371 = tpu.memref_slice %arg2[%dma_wait3A_369, %dma_wait3A_370] : memref<100000x128xi32, #tpu.memory_space<hbm>> -> memref<100000x128xi32, #tpu.memory_space<hbm>>
      tpu.wait_indirect_dma semaphore(%arg17 : memref<!tpu.dma_semaphore, #tpu.memory_space<semaphore_mem>>) src(%dma_wait3A_371 : memref<100000x128xi32, #tpu.memory_space<hbm>>) dst(%dma_wait3A_366 : memref<64x128xi32, #tpu.memory_space<vmem>>)
      %dma_wait3A_372 = arith.constant 0 : i32
      %dma_wait3A_373 = arith.constant 0 : i32
      %dma_wait3A_374 = arith.constant 0 : i32
      %dma_wait3A_375 = tpu.memref_slice %arg13[%dma_wait3A_372, %dma_wait3A_373, %dma_wait3A_374] : memref<2x64x128xi32, #tpu.memory_space<vmem>> -> memref<1x64x128xi32, #tpu.memory_space<vmem>>
      %dma_wait3A_376 = tpu.memref_squeeze %dma_wait3A_375 : memref<1x64x128xi32, #tpu.memory_space<vmem>> -> memref<64x128xi32, #tpu.memory_space<vmem>>
      %dma_wait3A_377 = tpu.memref_slice %arg10[%select_n3A_333, %mul3A_351] : memref<2x1280xi32, #tpu.memory_space<vmem>> -> memref<1x64xi32, #tpu.memory_space<vmem>>
      %dma_wait3A_378 = tpu.memref_squeeze %dma_wait3A_377 : memref<1x64xi32, #tpu.memory_space<vmem>> -> memref<64xi32, #tpu.memory_space<vmem>>
      %dma_wait3A_379 = arith.constant 0 : i32
      %dma_wait3A_380 = arith.constant 0 : i32
      %dma_wait3A_381 = tpu.memref_slice %arg3[%dma_wait3A_379, %dma_wait3A_380] : memref<1000x128xi32, #tpu.memory_space<hbm>> -> memref<1000x128xi32, #tpu.memory_space<hbm>>
      tpu.wait_indirect_dma semaphore(%arg17 : memref<!tpu.dma_semaphore, #tpu.memory_space<semaphore_mem>>) src(%dma_wait3A_381 : memref<1000x128xi32, #tpu.memory_space<hbm>>) dst(%dma_wait3A_376 : memref<64x128xi32, #tpu.memory_space<vmem>>)
      %ge3A = arith.constant 2 : i32
      %ge3A_382 = arith.cmpi sge, %mul3A_241, %ge3A : i32
      %convert_element_type3A_383 = arith.extui %ge3A_382 : i1 to i32
      %cond3A_384 = arith.constant 0 : i32
      %cond3A_385 = arith.cmpi ne, %convert_element_type3A_383, %cond3A_384 : i32
      scf.if %cond3A_385 {
        %sub3A_588 = arith.constant 2 : i32
        %sub3A_589 = arith.subi %mul3A_241, %sub3A_588 : i32
        %mul3A_590 = arith.constant 64 : i32
        %mul3A_591 = arith.muli %sub3A_589, %mul3A_590 : i32
        %add3A_592 = arith.addi %mul3A_2, %mul3A_591 : i32
        %dma_wait3A_593 = arith.constant 0 : i32
        %dma_wait3A_594 = arith.constant 0 : i32
        %dma_wait3A_595 = tpu.memref_slice %arg14[%dma_wait3A_593, %dma_wait3A_594] : memref<2x128xf32, #tpu.memory_space<vmem>> -> memref<1x64xf32, #tpu.memory_space<vmem>>
        %dma_wait3A_596 = tpu.memref_squeeze %dma_wait3A_595 : memref<1x64xf32, #tpu.memory_space<vmem>> -> memref<64xf32, #tpu.memory_space<vmem>>
        %dma_wait3A_597 = tpu.memref_slice %arg7[%add3A_592] : memref<409600xf32, #tpu.memory_space<hbm>> -> memref<64xf32, #tpu.memory_space<hbm>>
        %dma_wait3A_598 = tpu.memref_slice %arg7[%add3A_592] : memref<409600xf32, #tpu.memory_space<hbm>> -> memref<64xf32, #tpu.memory_space<hbm>>
        %dma_wait3A_599 = arith.constant 0 : i32
        %dma_wait3A_600 = tpu.memref_slice %arg14[%dma_wait3A_593, %dma_wait3A_599] : memref<2x128xf32, #tpu.memory_space<vmem>> -> memref<1x64xf32, #tpu.memory_space<vmem>>
        %dma_wait3A_601 = tpu.memref_squeeze %dma_wait3A_600 : memref<1x64xf32, #tpu.memory_space<vmem>> -> memref<64xf32, #tpu.memory_space<vmem>>
        tpu.wait_dma2 semaphore(%arg19 : memref<!tpu.dma_semaphore, #tpu.memory_space<semaphore_mem>>) src(%dma_wait3A_601 : memref<64xf32, #tpu.memory_space<vmem>>) dst(%dma_wait3A_598 : memref<64xf32, #tpu.memory_space<hbm>>)
      } else {
      }
      %scan3A_386 = arith.constant 0 : i32
      %scan3A_387 = arith.constant 0 : i32
      %scan3A_388 = arith.constant 32 : i32
      %scan3A_389 = arith.addi %scan3A_387, %scan3A_388 : i32
      %scan3A_390 = arith.constant 1 : i32
      scf.for %scan3A_588 = %scan3A_387 to %scan3A_389 step %scan3A_390  : i32 {
        %mul3A_589 = arith.constant 2 : i32
        %mul3A_590 = arith.muli %mul3A_589, %scan3A_588 : i32
        %broadcast_in_dim3A = arith.constant 0.000000e+00 : f32
        %broadcast_in_dim3A_591 = vector.broadcast %broadcast_in_dim3A : f32 to vector<16xf32>
        %broadcast_in_dim3A_592 = arith.constant 0.000000e+00 : f32
        %broadcast_in_dim3A_593 = vector.broadcast %broadcast_in_dim3A_592 : f32 to vector<16xf32>
        %get3A = arith.constant 0 : i32
        %get3A_594 = arith.index_cast %get3A : i32 to index
        %get3A_595 = arith.index_cast %mul3A_590 : i32 to index
        %get3A_596 = arith.constant 0 : index
        %get3A_597 = tpu.vector_load %arg11[%get3A_594, %get3A_595, %get3A_596] {strides = array<i32>} : memref<2x64x128xi32, #tpu.memory_space<vmem>>, vector<1x1x16xi32>,
        %get3A_598 = vector.shape_cast %get3A_597 : vector<1x1x16xi32> to vector<16xi32>
        %shift_left3A_599 = arith.constant 16 : i32
        %shift_left3A_600 = vector.broadcast %shift_left3A_599 : i32 to vector<16xi32>
        %shift_left3A_601 = arith.shli %get3A_598, %shift_left3A_600 : vector<16xi32>
        %bitcast_convert_type3A = tpu.bitcast %shift_left3A_601 : vector<16xi32> -> vector<16xf32>
        %bitcast_convert_type3A_602 = tpu.bitcast %get3A_598 : vector<16xi32> -> vector<16xf32>
        %get3A_603 = arith.constant 0 : i32
        %get3A_604 = arith.index_cast %get3A_603 : i32 to index
        %get3A_605 = arith.index_cast %mul3A_590 : i32 to index
        %get3A_606 = arith.constant 64 : index
        %get3A_607 = tpu.vector_load %arg11[%get3A_604, %get3A_605, %get3A_606] {strides = array<i32>} : memref<2x64x128xi32, #tpu.memory_space<vmem>>, vector<1x1x16xi32>,
        %get3A_608 = vector.shape_cast %get3A_607 : vector<1x1x16xi32> to vector<16xi32>
        %shift_left3A_609 = arith.constant 16 : i32
        %shift_left3A_610 = vector.broadcast %shift_left3A_609 : i32 to vector<16xi32>
        %shift_left3A_611 = arith.shli %get3A_608, %shift_left3A_610 : vector<16xi32>
        %bitcast_convert_type3A_612 = tpu.bitcast %shift_left3A_611 : vector<16xi32> -> vector<16xf32>
        %bitcast_convert_type3A_613 = tpu.bitcast %get3A_608 : vector<16xi32> -> vector<16xf32>
        %get3A_614 = arith.constant 0 : i32
        %get3A_615 = arith.index_cast %get3A_614 : i32 to index
        %get3A_616 = arith.index_cast %mul3A_590 : i32 to index
        %get3A_617 = arith.constant 0 : index
        %get3A_618 = tpu.vector_load %arg12[%get3A_615, %get3A_616, %get3A_617] {strides = array<i32>} : memref<2x64x128xi32, #tpu.memory_space<vmem>>, vector<1x1x16xi32>,
        %get3A_619 = vector.shape_cast %get3A_618 : vector<1x1x16xi32> to vector<16xi32>
        %shift_left3A_620 = arith.constant 16 : i32
        %shift_left3A_621 = vector.broadcast %shift_left3A_620 : i32 to vector<16xi32>
        %shift_left3A_622 = arith.shli %get3A_619, %shift_left3A_621 : vector<16xi32>
        %bitcast_convert_type3A_623 = tpu.bitcast %shift_left3A_622 : vector<16xi32> -> vector<16xf32>
        %bitcast_convert_type3A_624 = tpu.bitcast %get3A_619 : vector<16xi32> -> vector<16xf32>
        %get3A_625 = arith.constant 0 : i32
        %get3A_626 = arith.index_cast %get3A_625 : i32 to index
        %get3A_627 = arith.index_cast %mul3A_590 : i32 to index
        %get3A_628 = arith.constant 64 : index
        %get3A_629 = tpu.vector_load %arg12[%get3A_626, %get3A_627, %get3A_628] {strides = array<i32>} : memref<2x64x128xi32, #tpu.memory_space<vmem>>, vector<1x1x16xi32>,
        %get3A_630 = vector.shape_cast %get3A_629 : vector<1x1x16xi32> to vector<16xi32>
        %shift_left3A_631 = arith.constant 16 : i32
        %shift_left3A_632 = vector.broadcast %shift_left3A_631 : i32 to vector<16xi32>
        %shift_left3A_633 = arith.shli %get3A_630, %shift_left3A_632 : vector<16xi32>
        %bitcast_convert_type3A_634 = tpu.bitcast %shift_left3A_633 : vector<16xi32> -> vector<16xf32>
        %bitcast_convert_type3A_635 = tpu.bitcast %get3A_630 : vector<16xi32> -> vector<16xf32>
        %get3A_636 = arith.constant 0 : i32
        %get3A_637 = arith.index_cast %get3A_636 : i32 to index
        %get3A_638 = arith.index_cast %mul3A_590 : i32 to index
        %get3A_639 = arith.constant 0 : index
        %get3A_640 = tpu.vector_load %arg13[%get3A_637, %get3A_638, %get3A_639] {strides = array<i32>} : memref<2x64x128xi32, #tpu.memory_space<vmem>>, vector<1x1x16xi32>,
        %get3A_641 = vector.shape_cast %get3A_640 : vector<1x1x16xi32> to vector<16xi32>
        %shift_left3A_642 = arith.constant 16 : i32
        %shift_left3A_643 = vector.broadcast %shift_left3A_642 : i32 to vector<16xi32>
        %shift_left3A_644 = arith.shli %get3A_641, %shift_left3A_643 : vector<16xi32>
        %bitcast_convert_type3A_645 = tpu.bitcast %shift_left3A_644 : vector<16xi32> -> vector<16xf32>
        %bitcast_convert_type3A_646 = tpu.bitcast %get3A_641 : vector<16xi32> -> vector<16xf32>
        %get3A_647 = arith.constant 0 : i32
        %get3A_648 = arith.index_cast %get3A_647 : i32 to index
        %get3A_649 = arith.index_cast %mul3A_590 : i32 to index
        %get3A_650 = arith.constant 64 : index
        %get3A_651 = tpu.vector_load %arg13[%get3A_648, %get3A_649, %get3A_650] {strides = array<i32>} : memref<2x64x128xi32, #tpu.memory_space<vmem>>, vector<1x1x16xi32>,
        %get3A_652 = vector.shape_cast %get3A_651 : vector<1x1x16xi32> to vector<16xi32>
        %shift_left3A_653 = arith.constant 16 : i32
        %shift_left3A_654 = vector.broadcast %shift_left3A_653 : i32 to vector<16xi32>
        %shift_left3A_655 = arith.shli %get3A_652, %shift_left3A_654 : vector<16xi32>
        %bitcast_convert_type3A_656 = tpu.bitcast %shift_left3A_655 : vector<16xi32> -> vector<16xf32>
        %bitcast_convert_type3A_657 = tpu.bitcast %get3A_652 : vector<16xi32> -> vector<16xf32>
        %mul3A_658 = arith.mulf %bitcast_convert_type3A_645, %bitcast_convert_type3A_623 : vector<16xf32>
        %mul3A_659 = arith.mulf %bitcast_convert_type3A_656, %bitcast_convert_type3A_634 : vector<16xf32>
        %add3A_660 = arith.addf %mul3A_658, %mul3A_659 : vector<16xf32>
        %mul3A_661 = arith.mulf %bitcast_convert_type3A_645, %bitcast_convert_type3A_634 : vector<16xf32>
        %mul3A_662 = arith.mulf %bitcast_convert_type3A_656, %bitcast_convert_type3A_623 : vector<16xf32>
        %sub3A_663 = arith.subf %mul3A_661, %mul3A_662 : vector<16xf32>
        %mul3A_664 = arith.mulf %bitcast_convert_type3A, %add3A_660 : vector<16xf32>
        %mul3A_665 = arith.mulf %bitcast_convert_type3A_612, %sub3A_663 : vector<16xf32>
        %add3A_666 = arith.addf %mul3A_664, %mul3A_665 : vector<16xf32>
        %add3A_667 = arith.addf %broadcast_in_dim3A_591, %add3A_666 : vector<16xf32>
        %mul3A_668 = arith.mulf %bitcast_convert_type3A_646, %bitcast_convert_type3A_624 : vector<16xf32>
        %mul3A_669 = arith.mulf %bitcast_convert_type3A_657, %bitcast_convert_type3A_635 : vector<16xf32>
        %add3A_670 = arith.addf %mul3A_668, %mul3A_669 : vector<16xf32>
        %mul3A_671 = arith.mulf %bitcast_convert_type3A_646, %bitcast_convert_type3A_635 : vector<16xf32>
        %mul3A_672 = arith.mulf %bitcast_convert_type3A_657, %bitcast_convert_type3A_624 : vector<16xf32>
        %sub3A_673 = arith.subf %mul3A_671, %mul3A_672 : vector<16xf32>
        %mul3A_674 = arith.mulf %bitcast_convert_type3A_602, %add3A_670 : vector<16xf32>
        %mul3A_675 = arith.mulf %bitcast_convert_type3A_613, %sub3A_673 : vector<16xf32>
        %add3A_676 = arith.addf %mul3A_674, %mul3A_675 : vector<16xf32>
        %add3A_677 = arith.addf %broadcast_in_dim3A_593, %add3A_676 : vector<16xf32>
        %get3A_678 = arith.constant 0 : i32
        %get3A_679 = arith.index_cast %get3A_678 : i32 to index
        %get3A_680 = arith.index_cast %mul3A_590 : i32 to index
        %get3A_681 = arith.constant 16 : index
        %get3A_682 = tpu.vector_load %arg11[%get3A_679, %get3A_680, %get3A_681] {strides = array<i32>} : memref<2x64x128xi32, #tpu.memory_space<vmem>>, vector<1x1x16xi32>,
        %get3A_683 = vector.shape_cast %get3A_682 : vector<1x1x16xi32> to vector<16xi32>
        %shift_left3A_684 = arith.constant 16 : i32
        %shift_left3A_685 = vector.broadcast %shift_left3A_684 : i32 to vector<16xi32>
        %shift_left3A_686 = arith.shli %get3A_683, %shift_left3A_685 : vector<16xi32>
        %bitcast_convert_type3A_687 = tpu.bitcast %shift_left3A_686 : vector<16xi32> -> vector<16xf32>
        %bitcast_convert_type3A_688 = tpu.bitcast %get3A_683 : vector<16xi32> -> vector<16xf32>
        %get3A_689 = arith.constant 0 : i32
        %get3A_690 = arith.index_cast %get3A_689 : i32 to index
        %get3A_691 = arith.index_cast %mul3A_590 : i32 to index
        %get3A_692 = arith.constant 80 : index
        %get3A_693 = tpu.vector_load %arg11[%get3A_690, %get3A_691, %get3A_692] {strides = array<i32>} : memref<2x64x128xi32, #tpu.memory_space<vmem>>, vector<1x1x16xi32>,
        %get3A_694 = vector.shape_cast %get3A_693 : vector<1x1x16xi32> to vector<16xi32>
        %shift_left3A_695 = arith.constant 16 : i32
        %shift_left3A_696 = vector.broadcast %shift_left3A_695 : i32 to vector<16xi32>
        %shift_left3A_697 = arith.shli %get3A_694, %shift_left3A_696 : vector<16xi32>
        %bitcast_convert_type3A_698 = tpu.bitcast %shift_left3A_697 : vector<16xi32> -> vector<16xf32>
        %bitcast_convert_type3A_699 = tpu.bitcast %get3A_694 : vector<16xi32> -> vector<16xf32>
        %get3A_700 = arith.constant 0 : i32
        %get3A_701 = arith.index_cast %get3A_700 : i32 to index
        %get3A_702 = arith.index_cast %mul3A_590 : i32 to index
        %get3A_703 = arith.constant 16 : index
        %get3A_704 = tpu.vector_load %arg12[%get3A_701, %get3A_702, %get3A_703] {strides = array<i32>} : memref<2x64x128xi32, #tpu.memory_space<vmem>>, vector<1x1x16xi32>,
        %get3A_705 = vector.shape_cast %get3A_704 : vector<1x1x16xi32> to vector<16xi32>
        %shift_left3A_706 = arith.constant 16 : i32
        %shift_left3A_707 = vector.broadcast %shift_left3A_706 : i32 to vector<16xi32>
        %shift_left3A_708 = arith.shli %get3A_705, %shift_left3A_707 : vector<16xi32>
        %bitcast_convert_type3A_709 = tpu.bitcast %shift_left3A_708 : vector<16xi32> -> vector<16xf32>
        %bitcast_convert_type3A_710 = tpu.bitcast %get3A_705 : vector<16xi32> -> vector<16xf32>
        %get3A_711 = arith.constant 0 : i32
        %get3A_712 = arith.index_cast %get3A_711 : i32 to index
        %get3A_713 = arith.index_cast %mul3A_590 : i32 to index
        %get3A_714 = arith.constant 80 : index
        %get3A_715 = tpu.vector_load %arg12[%get3A_712, %get3A_713, %get3A_714] {strides = array<i32>} : memref<2x64x128xi32, #tpu.memory_space<vmem>>, vector<1x1x16xi32>,
        %get3A_716 = vector.shape_cast %get3A_715 : vector<1x1x16xi32> to vector<16xi32>
        %shift_left3A_717 = arith.constant 16 : i32
        %shift_left3A_718 = vector.broadcast %shift_left3A_717 : i32 to vector<16xi32>
        %shift_left3A_719 = arith.shli %get3A_716, %shift_left3A_718 : vector<16xi32>
        %bitcast_convert_type3A_720 = tpu.bitcast %shift_left3A_719 : vector<16xi32> -> vector<16xf32>
        %bitcast_convert_type3A_721 = tpu.bitcast %get3A_716 : vector<16xi32> -> vector<16xf32>
        %get3A_722 = arith.constant 0 : i32
        %get3A_723 = arith.index_cast %get3A_722 : i32 to index
        %get3A_724 = arith.index_cast %mul3A_590 : i32 to index
        %get3A_725 = arith.constant 16 : index
        %get3A_726 = tpu.vector_load %arg13[%get3A_723, %get3A_724, %get3A_725] {strides = array<i32>} : memref<2x64x128xi32, #tpu.memory_space<vmem>>, vector<1x1x16xi32>,
        %get3A_727 = vector.shape_cast %get3A_726 : vector<1x1x16xi32> to vector<16xi32>
        %shift_left3A_728 = arith.constant 16 : i32
        %shift_left3A_729 = vector.broadcast %shift_left3A_728 : i32 to vector<16xi32>
        %shift_left3A_730 = arith.shli %get3A_727, %shift_left3A_729 : vector<16xi32>
        %bitcast_convert_type3A_731 = tpu.bitcast %shift_left3A_730 : vector<16xi32> -> vector<16xf32>
        %bitcast_convert_type3A_732 = tpu.bitcast %get3A_727 : vector<16xi32> -> vector<16xf32>
        %get3A_733 = arith.constant 0 : i32
        %get3A_734 = arith.index_cast %get3A_733 : i32 to index
        %get3A_735 = arith.index_cast %mul3A_590 : i32 to index
        %get3A_736 = arith.constant 80 : index
        %get3A_737 = tpu.vector_load %arg13[%get3A_734, %get3A_735, %get3A_736] {strides = array<i32>} : memref<2x64x128xi32, #tpu.memory_space<vmem>>, vector<1x1x16xi32>,
        %get3A_738 = vector.shape_cast %get3A_737 : vector<1x1x16xi32> to vector<16xi32>
        %shift_left3A_739 = arith.constant 16 : i32
        %shift_left3A_740 = vector.broadcast %shift_left3A_739 : i32 to vector<16xi32>
        %shift_left3A_741 = arith.shli %get3A_738, %shift_left3A_740 : vector<16xi32>
        %bitcast_convert_type3A_742 = tpu.bitcast %shift_left3A_741 : vector<16xi32> -> vector<16xf32>
        %bitcast_convert_type3A_743 = tpu.bitcast %get3A_738 : vector<16xi32> -> vector<16xf32>
        %mul3A_744 = arith.mulf %bitcast_convert_type3A_731, %bitcast_convert_type3A_709 : vector<16xf32>
        %mul3A_745 = arith.mulf %bitcast_convert_type3A_742, %bitcast_convert_type3A_720 : vector<16xf32>
        %add3A_746 = arith.addf %mul3A_744, %mul3A_745 : vector<16xf32>
        %mul3A_747 = arith.mulf %bitcast_convert_type3A_731, %bitcast_convert_type3A_720 : vector<16xf32>
        %mul3A_748 = arith.mulf %bitcast_convert_type3A_742, %bitcast_convert_type3A_709 : vector<16xf32>
        %sub3A_749 = arith.subf %mul3A_747, %mul3A_748 : vector<16xf32>
        %mul3A_750 = arith.mulf %bitcast_convert_type3A_687, %add3A_746 : vector<16xf32>
        %mul3A_751 = arith.mulf %bitcast_convert_type3A_698, %sub3A_749 : vector<16xf32>
        %add3A_752 = arith.addf %mul3A_750, %mul3A_751 : vector<16xf32>
        %add3A_753 = arith.addf %add3A_667, %add3A_752 : vector<16xf32>
        %mul3A_754 = arith.mulf %bitcast_convert_type3A_732, %bitcast_convert_type3A_710 : vector<16xf32>
        %mul3A_755 = arith.mulf %bitcast_convert_type3A_743, %bitcast_convert_type3A_721 : vector<16xf32>
        %add3A_756 = arith.addf %mul3A_754, %mul3A_755 : vector<16xf32>
        %mul3A_757 = arith.mulf %bitcast_convert_type3A_732, %bitcast_convert_type3A_721 : vector<16xf32>
        %mul3A_758 = arith.mulf %bitcast_convert_type3A_743, %bitcast_convert_type3A_710 : vector<16xf32>
        %sub3A_759 = arith.subf %mul3A_757, %mul3A_758 : vector<16xf32>
        %mul3A_760 = arith.mulf %bitcast_convert_type3A_688, %add3A_756 : vector<16xf32>
        %mul3A_761 = arith.mulf %bitcast_convert_type3A_699, %sub3A_759 : vector<16xf32>
        %add3A_762 = arith.addf %mul3A_760, %mul3A_761 : vector<16xf32>
        %add3A_763 = arith.addf %add3A_677, %add3A_762 : vector<16xf32>
        %get3A_764 = arith.constant 0 : i32
        %get3A_765 = arith.index_cast %get3A_764 : i32 to index
        %get3A_766 = arith.index_cast %mul3A_590 : i32 to index
        %get3A_767 = arith.constant 32 : index
        %get3A_768 = tpu.vector_load %arg11[%get3A_765, %get3A_766, %get3A_767] {strides = array<i32>} : memref<2x64x128xi32, #tpu.memory_space<vmem>>, vector<1x1x16xi32>,
        %get3A_769 = vector.shape_cast %get3A_768 : vector<1x1x16xi32> to vector<16xi32>
        %shift_left3A_770 = arith.constant 16 : i32
        %shift_left3A_771 = vector.broadcast %shift_left3A_770 : i32 to vector<16xi32>
        %shift_left3A_772 = arith.shli %get3A_769, %shift_left3A_771 : vector<16xi32>
        %bitcast_convert_type3A_773 = tpu.bitcast %shift_left3A_772 : vector<16xi32> -> vector<16xf32>
        %bitcast_convert_type3A_774 = tpu.bitcast %get3A_769 : vector<16xi32> -> vector<16xf32>
        %get3A_775 = arith.constant 0 : i32
        %get3A_776 = arith.index_cast %get3A_775 : i32 to index
        %get3A_777 = arith.index_cast %mul3A_590 : i32 to index
        %get3A_778 = arith.constant 96 : index
        %get3A_779 = tpu.vector_load %arg11[%get3A_776, %get3A_777, %get3A_778] {strides = array<i32>} : memref<2x64x128xi32, #tpu.memory_space<vmem>>, vector<1x1x16xi32>,
        %get3A_780 = vector.shape_cast %get3A_779 : vector<1x1x16xi32> to vector<16xi32>
        %shift_left3A_781 = arith.constant 16 : i32
        %shift_left3A_782 = vector.broadcast %shift_left3A_781 : i32 to vector<16xi32>
        %shift_left3A_783 = arith.shli %get3A_780, %shift_left3A_782 : vector<16xi32>
        %bitcast_convert_type3A_784 = tpu.bitcast %shift_left3A_783 : vector<16xi32> -> vector<16xf32>
        %bitcast_convert_type3A_785 = tpu.bitcast %get3A_780 : vector<16xi32> -> vector<16xf32>
        %get3A_786 = arith.constant 0 : i32
        %get3A_787 = arith.index_cast %get3A_786 : i32 to index
        %get3A_788 = arith.index_cast %mul3A_590 : i32 to index
        %get3A_789 = arith.constant 32 : index
        %get3A_790 = tpu.vector_load %arg12[%get3A_787, %get3A_788, %get3A_789] {strides = array<i32>} : memref<2x64x128xi32, #tpu.memory_space<vmem>>, vector<1x1x16xi32>,
        %get3A_791 = vector.shape_cast %get3A_790 : vector<1x1x16xi32> to vector<16xi32>
        %shift_left3A_792 = arith.constant 16 : i32
        %shift_left3A_793 = vector.broadcast %shift_left3A_792 : i32 to vector<16xi32>
        %shift_left3A_794 = arith.shli %get3A_791, %shift_left3A_793 : vector<16xi32>
        %bitcast_convert_type3A_795 = tpu.bitcast %shift_left3A_794 : vector<16xi32> -> vector<16xf32>
        %bitcast_convert_type3A_796 = tpu.bitcast %get3A_791 : vector<16xi32> -> vector<16xf32>
        %get3A_797 = arith.constant 0 : i32
        %get3A_798 = arith.index_cast %get3A_797 : i32 to index
        %get3A_799 = arith.index_cast %mul3A_590 : i32 to index
        %get3A_800 = arith.constant 96 : index
        %get3A_801 = tpu.vector_load %arg12[%get3A_798, %get3A_799, %get3A_800] {strides = array<i32>} : memref<2x64x128xi32, #tpu.memory_space<vmem>>, vector<1x1x16xi32>,
        %get3A_802 = vector.shape_cast %get3A_801 : vector<1x1x16xi32> to vector<16xi32>
        %shift_left3A_803 = arith.constant 16 : i32
        %shift_left3A_804 = vector.broadcast %shift_left3A_803 : i32 to vector<16xi32>
        %shift_left3A_805 = arith.shli %get3A_802, %shift_left3A_804 : vector<16xi32>
        %bitcast_convert_type3A_806 = tpu.bitcast %shift_left3A_805 : vector<16xi32> -> vector<16xf32>
        %bitcast_convert_type3A_807 = tpu.bitcast %get3A_802 : vector<16xi32> -> vector<16xf32>
        %get3A_808 = arith.constant 0 : i32
        %get3A_809 = arith.index_cast %get3A_808 : i32 to index
        %get3A_810 = arith.index_cast %mul3A_590 : i32 to index
        %get3A_811 = arith.constant 32 : index
        %get3A_812 = tpu.vector_load %arg13[%get3A_809, %get3A_810, %get3A_811] {strides = array<i32>} : memref<2x64x128xi32, #tpu.memory_space<vmem>>, vector<1x1x16xi32>,
        %get3A_813 = vector.shape_cast %get3A_812 : vector<1x1x16xi32> to vector<16xi32>
        %shift_left3A_814 = arith.constant 16 : i32
        %shift_left3A_815 = vector.broadcast %shift_left3A_814 : i32 to vector<16xi32>
        %shift_left3A_816 = arith.shli %get3A_813, %shift_left3A_815 : vector<16xi32>
        %bitcast_convert_type3A_817 = tpu.bitcast %shift_left3A_816 : vector<16xi32> -> vector<16xf32>
        %bitcast_convert_type3A_818 = tpu.bitcast %get3A_813 : vector<16xi32> -> vector<16xf32>
        %get3A_819 = arith.constant 0 : i32
        %get3A_820 = arith.index_cast %get3A_819 : i32 to index
        %get3A_821 = arith.index_cast %mul3A_590 : i32 to index
        %get3A_822 = arith.constant 96 : index
        %get3A_823 = tpu.vector_load %arg13[%get3A_820, %get3A_821, %get3A_822] {strides = array<i32>} : memref<2x64x128xi32, #tpu.memory_space<vmem>>, vector<1x1x16xi32>,
        %get3A_824 = vector.shape_cast %get3A_823 : vector<1x1x16xi32> to vector<16xi32>
        %shift_left3A_825 = arith.constant 16 : i32
        %shift_left3A_826 = vector.broadcast %shift_left3A_825 : i32 to vector<16xi32>
        %shift_left3A_827 = arith.shli %get3A_824, %shift_left3A_826 : vector<16xi32>
        %bitcast_convert_type3A_828 = tpu.bitcast %shift_left3A_827 : vector<16xi32> -> vector<16xf32>
        %bitcast_convert_type3A_829 = tpu.bitcast %get3A_824 : vector<16xi32> -> vector<16xf32>
        %mul3A_830 = arith.mulf %bitcast_convert_type3A_817, %bitcast_convert_type3A_795 : vector<16xf32>
        %mul3A_831 = arith.mulf %bitcast_convert_type3A_828, %bitcast_convert_type3A_806 : vector<16xf32>
        %add3A_832 = arith.addf %mul3A_830, %mul3A_831 : vector<16xf32>
        %mul3A_833 = arith.mulf %bitcast_convert_type3A_817, %bitcast_convert_type3A_806 : vector<16xf32>
        %mul3A_834 = arith.mulf %bitcast_convert_type3A_828, %bitcast_convert_type3A_795 : vector<16xf32>
        %sub3A_835 = arith.subf %mul3A_833, %mul3A_834 : vector<16xf32>
        %mul3A_836 = arith.mulf %bitcast_convert_type3A_773, %add3A_832 : vector<16xf32>
        %mul3A_837 = arith.mulf %bitcast_convert_type3A_784, %sub3A_835 : vector<16xf32>
        %add3A_838 = arith.addf %mul3A_836, %mul3A_837 : vector<16xf32>
        %add3A_839 = arith.addf %add3A_753, %add3A_838 : vector<16xf32>
        %mul3A_840 = arith.mulf %bitcast_convert_type3A_818, %bitcast_convert_type3A_796 : vector<16xf32>
        %mul3A_841 = arith.mulf %bitcast_convert_type3A_829, %bitcast_convert_type3A_807 : vector<16xf32>
        %add3A_842 = arith.addf %mul3A_840, %mul3A_841 : vector<16xf32>
        %mul3A_843 = arith.mulf %bitcast_convert_type3A_818, %bitcast_convert_type3A_807 : vector<16xf32>
        %mul3A_844 = arith.mulf %bitcast_convert_type3A_829, %bitcast_convert_type3A_796 : vector<16xf32>
        %sub3A_845 = arith.subf %mul3A_843, %mul3A_844 : vector<16xf32>
        %mul3A_846 = arith.mulf %bitcast_convert_type3A_774, %add3A_842 : vector<16xf32>
        %mul3A_847 = arith.mulf %bitcast_convert_type3A_785, %sub3A_845 : vector<16xf32>
        %add3A_848 = arith.addf %mul3A_846, %mul3A_847 : vector<16xf32>
        %add3A_849 = arith.addf %add3A_763, %add3A_848 : vector<16xf32>
        %get3A_850 = arith.constant 0 : i32
        %get3A_851 = arith.index_cast %get3A_850 : i32 to index
        %get3A_852 = arith.index_cast %mul3A_590 : i32 to index
        %get3A_853 = arith.constant 48 : index
        %get3A_854 = tpu.vector_load %arg11[%get3A_851, %get3A_852, %get3A_853] {strides = array<i32>} : memref<2x64x128xi32, #tpu.memory_space<vmem>>, vector<1x1x16xi32>,
        %get3A_855 = vector.shape_cast %get3A_854 : vector<1x1x16xi32> to vector<16xi32>
        %shift_left3A_856 = arith.constant 16 : i32
        %shift_left3A_857 = vector.broadcast %shift_left3A_856 : i32 to vector<16xi32>
        %shift_left3A_858 = arith.shli %get3A_855, %shift_left3A_857 : vector<16xi32>
        %bitcast_convert_type3A_859 = tpu.bitcast %shift_left3A_858 : vector<16xi32> -> vector<16xf32>
        %bitcast_convert_type3A_860 = tpu.bitcast %get3A_855 : vector<16xi32> -> vector<16xf32>
        %get3A_861 = arith.constant 0 : i32
        %get3A_862 = arith.index_cast %get3A_861 : i32 to index
        %get3A_863 = arith.index_cast %mul3A_590 : i32 to index
        %get3A_864 = arith.constant 112 : index
        %get3A_865 = tpu.vector_load %arg11[%get3A_862, %get3A_863, %get3A_864] {strides = array<i32>} : memref<2x64x128xi32, #tpu.memory_space<vmem>>, vector<1x1x16xi32>,
        %get3A_866 = vector.shape_cast %get3A_865 : vector<1x1x16xi32> to vector<16xi32>
        %shift_left3A_867 = arith.constant 16 : i32
        %shift_left3A_868 = vector.broadcast %shift_left3A_867 : i32 to vector<16xi32>
        %shift_left3A_869 = arith.shli %get3A_866, %shift_left3A_868 : vector<16xi32>
        %bitcast_convert_type3A_870 = tpu.bitcast %shift_left3A_869 : vector<16xi32> -> vector<16xf32>
        %bitcast_convert_type3A_871 = tpu.bitcast %get3A_866 : vector<16xi32> -> vector<16xf32>
        %get3A_872 = arith.constant 0 : i32
        %get3A_873 = arith.index_cast %get3A_872 : i32 to index
        %get3A_874 = arith.index_cast %mul3A_590 : i32 to index
        %get3A_875 = arith.constant 48 : index
        %get3A_876 = tpu.vector_load %arg12[%get3A_873, %get3A_874, %get3A_875] {strides = array<i32>} : memref<2x64x128xi32, #tpu.memory_space<vmem>>, vector<1x1x16xi32>,
        %get3A_877 = vector.shape_cast %get3A_876 : vector<1x1x16xi32> to vector<16xi32>
        %shift_left3A_878 = arith.constant 16 : i32
        %shift_left3A_879 = vector.broadcast %shift_left3A_878 : i32 to vector<16xi32>
        %shift_left3A_880 = arith.shli %get3A_877, %shift_left3A_879 : vector<16xi32>
        %bitcast_convert_type3A_881 = tpu.bitcast %shift_left3A_880 : vector<16xi32> -> vector<16xf32>
        %bitcast_convert_type3A_882 = tpu.bitcast %get3A_877 : vector<16xi32> -> vector<16xf32>
        %get3A_883 = arith.constant 0 : i32
        %get3A_884 = arith.index_cast %get3A_883 : i32 to index
        %get3A_885 = arith.index_cast %mul3A_590 : i32 to index
        %get3A_886 = arith.constant 112 : index
        %get3A_887 = tpu.vector_load %arg12[%get3A_884, %get3A_885, %get3A_886] {strides = array<i32>} : memref<2x64x128xi32, #tpu.memory_space<vmem>>, vector<1x1x16xi32>,
        %get3A_888 = vector.shape_cast %get3A_887 : vector<1x1x16xi32> to vector<16xi32>
        %shift_left3A_889 = arith.constant 16 : i32
        %shift_left3A_890 = vector.broadcast %shift_left3A_889 : i32 to vector<16xi32>
        %shift_left3A_891 = arith.shli %get3A_888, %shift_left3A_890 : vector<16xi32>
        %bitcast_convert_type3A_892 = tpu.bitcast %shift_left3A_891 : vector<16xi32> -> vector<16xf32>
        %bitcast_convert_type3A_893 = tpu.bitcast %get3A_888 : vector<16xi32> -> vector<16xf32>
        %get3A_894 = arith.constant 0 : i32
        %get3A_895 = arith.index_cast %get3A_894 : i32 to index
        %get3A_896 = arith.index_cast %mul3A_590 : i32 to index
        %get3A_897 = arith.constant 48 : index
        %get3A_898 = tpu.vector_load %arg13[%get3A_895, %get3A_896, %get3A_897] {strides = array<i32>} : memref<2x64x128xi32, #tpu.memory_space<vmem>>, vector<1x1x16xi32>,
        %get3A_899 = vector.shape_cast %get3A_898 : vector<1x1x16xi32> to vector<16xi32>
        %shift_left3A_900 = arith.constant 16 : i32
        %shift_left3A_901 = vector.broadcast %shift_left3A_900 : i32 to vector<16xi32>
        %shift_left3A_902 = arith.shli %get3A_899, %shift_left3A_901 : vector<16xi32>
        %bitcast_convert_type3A_903 = tpu.bitcast %shift_left3A_902 : vector<16xi32> -> vector<16xf32>
        %bitcast_convert_type3A_904 = tpu.bitcast %get3A_899 : vector<16xi32> -> vector<16xf32>
        %get3A_905 = arith.constant 0 : i32
        %get3A_906 = arith.index_cast %get3A_905 : i32 to index
        %get3A_907 = arith.index_cast %mul3A_590 : i32 to index
        %get3A_908 = arith.constant 112 : index
        %get3A_909 = tpu.vector_load %arg13[%get3A_906, %get3A_907, %get3A_908] {strides = array<i32>} : memref<2x64x128xi32, #tpu.memory_space<vmem>>, vector<1x1x16xi32>,
        %get3A_910 = vector.shape_cast %get3A_909 : vector<1x1x16xi32> to vector<16xi32>
        %shift_left3A_911 = arith.constant 16 : i32
        %shift_left3A_912 = vector.broadcast %shift_left3A_911 : i32 to vector<16xi32>
        %shift_left3A_913 = arith.shli %get3A_910, %shift_left3A_912 : vector<16xi32>
        %bitcast_convert_type3A_914 = tpu.bitcast %shift_left3A_913 : vector<16xi32> -> vector<16xf32>
        %bitcast_convert_type3A_915 = tpu.bitcast %get3A_910 : vector<16xi32> -> vector<16xf32>
        %mul3A_916 = arith.mulf %bitcast_convert_type3A_903, %bitcast_convert_type3A_881 : vector<16xf32>
        %mul3A_917 = arith.mulf %bitcast_convert_type3A_914, %bitcast_convert_type3A_892 : vector<16xf32>
        %add3A_918 = arith.addf %mul3A_916, %mul3A_917 : vector<16xf32>
        %mul3A_919 = arith.mulf %bitcast_convert_type3A_903, %bitcast_convert_type3A_892 : vector<16xf32>
        %mul3A_920 = arith.mulf %bitcast_convert_type3A_914, %bitcast_convert_type3A_881 : vector<16xf32>
        %sub3A_921 = arith.subf %mul3A_919, %mul3A_920 : vector<16xf32>
        %mul3A_922 = arith.mulf %bitcast_convert_type3A_859, %add3A_918 : vector<16xf32>
        %mul3A_923 = arith.mulf %bitcast_convert_type3A_870, %sub3A_921 : vector<16xf32>
        %add3A_924 = arith.addf %mul3A_922, %mul3A_923 : vector<16xf32>
        %add3A_925 = arith.addf %add3A_839, %add3A_924 : vector<16xf32>
        %mul3A_926 = arith.mulf %bitcast_convert_type3A_904, %bitcast_convert_type3A_882 : vector<16xf32>
        %mul3A_927 = arith.mulf %bitcast_convert_type3A_915, %bitcast_convert_type3A_893 : vector<16xf32>
        %add3A_928 = arith.addf %mul3A_926, %mul3A_927 : vector<16xf32>
        %mul3A_929 = arith.mulf %bitcast_convert_type3A_904, %bitcast_convert_type3A_893 : vector<16xf32>
        %mul3A_930 = arith.mulf %bitcast_convert_type3A_915, %bitcast_convert_type3A_882 : vector<16xf32>
        %sub3A_931 = arith.subf %mul3A_929, %mul3A_930 : vector<16xf32>
        %mul3A_932 = arith.mulf %bitcast_convert_type3A_860, %add3A_928 : vector<16xf32>
        %mul3A_933 = arith.mulf %bitcast_convert_type3A_871, %sub3A_931 : vector<16xf32>
        %add3A_934 = arith.addf %mul3A_932, %mul3A_933 : vector<16xf32>
        %add3A_935 = arith.addf %add3A_849, %add3A_934 : vector<16xf32>
        %add3A_936 = arith.addf %add3A_925, %add3A_935 : vector<16xf32>
        %mul3A_937 = arith.constant 16 : i32
        %mul3A_938 = arith.muli %mul3A_590, %mul3A_937 : i32
        %swap3A = arith.constant 0 : i32
        %swap3A_939 = arith.index_cast %swap3A : i32 to index
        %swap3A_940 = arith.index_cast %mul3A_938 : i32 to index
        %swap3A_941 = tpu.vector_load %arg15[%swap3A_939, %swap3A_940] {strides = array<i32>} : memref<2x1024xf32, #tpu.memory_space<vmem>>, vector<1x16xf32>,
        %swap3A_942 = vector.shape_cast %swap3A_941 : vector<1x16xf32> to vector<16xf32>
        %swap3A_943 = vector.shape_cast %add3A_936 : vector<16xf32> to vector<1x16xf32>
        tpu.vector_store %arg15[%swap3A_939, %swap3A_940], %swap3A_943 {strides = array<i32>} : memref<2x1024xf32, #tpu.memory_space<vmem>>, vector<1x16xf32>,
        %add3A_944 = arith.constant 1 : i32
        %add3A_945 = arith.addi %mul3A_590, %add3A_944 : i32
        %broadcast_in_dim3A_946 = arith.constant 0.000000e+00 : f32
        %broadcast_in_dim3A_947 = vector.broadcast %broadcast_in_dim3A_946 : f32 to vector<16xf32>
        %broadcast_in_dim3A_948 = arith.constant 0.000000e+00 : f32
        %broadcast_in_dim3A_949 = vector.broadcast %broadcast_in_dim3A_948 : f32 to vector<16xf32>
        %get3A_950 = arith.constant 0 : i32
        %get3A_951 = arith.index_cast %get3A_950 : i32 to index
        %get3A_952 = arith.index_cast %add3A_945 : i32 to index
        %get3A_953 = arith.constant 0 : index
        %get3A_954 = tpu.vector_load %arg11[%get3A_951, %get3A_952, %get3A_953] {strides = array<i32>} : memref<2x64x128xi32, #tpu.memory_space<vmem>>, vector<1x1x16xi32>,
        %get3A_955 = vector.shape_cast %get3A_954 : vector<1x1x16xi32> to vector<16xi32>
        %shift_left3A_956 = arith.constant 16 : i32
        %shift_left3A_957 = vector.broadcast %shift_left3A_956 : i32 to vector<16xi32>
        %shift_left3A_958 = arith.shli %get3A_955, %shift_left3A_957 : vector<16xi32>
        %bitcast_convert_type3A_959 = tpu.bitcast %shift_left3A_958 : vector<16xi32> -> vector<16xf32>
        %bitcast_convert_type3A_960 = tpu.bitcast %get3A_955 : vector<16xi32> -> vector<16xf32>
        %get3A_961 = arith.constant 0 : i32
        %get3A_962 = arith.index_cast %get3A_961 : i32 to index
        %get3A_963 = arith.index_cast %add3A_945 : i32 to index
        %get3A_964 = arith.constant 64 : index
        %get3A_965 = tpu.vector_load %arg11[%get3A_962, %get3A_963, %get3A_964] {strides = array<i32>} : memref<2x64x128xi32, #tpu.memory_space<vmem>>, vector<1x1x16xi32>,
        %get3A_966 = vector.shape_cast %get3A_965 : vector<1x1x16xi32> to vector<16xi32>
        %shift_left3A_967 = arith.constant 16 : i32
        %shift_left3A_968 = vector.broadcast %shift_left3A_967 : i32 to vector<16xi32>
        %shift_left3A_969 = arith.shli %get3A_966, %shift_left3A_968 : vector<16xi32>
        %bitcast_convert_type3A_970 = tpu.bitcast %shift_left3A_969 : vector<16xi32> -> vector<16xf32>
        %bitcast_convert_type3A_971 = tpu.bitcast %get3A_966 : vector<16xi32> -> vector<16xf32>
        %get3A_972 = arith.constant 0 : i32
        %get3A_973 = arith.index_cast %get3A_972 : i32 to index
        %get3A_974 = arith.index_cast %add3A_945 : i32 to index
        %get3A_975 = arith.constant 0 : index
        %get3A_976 = tpu.vector_load %arg12[%get3A_973, %get3A_974, %get3A_975] {strides = array<i32>} : memref<2x64x128xi32, #tpu.memory_space<vmem>>, vector<1x1x16xi32>,
        %get3A_977 = vector.shape_cast %get3A_976 : vector<1x1x16xi32> to vector<16xi32>
        %shift_left3A_978 = arith.constant 16 : i32
        %shift_left3A_979 = vector.broadcast %shift_left3A_978 : i32 to vector<16xi32>
        %shift_left3A_980 = arith.shli %get3A_977, %shift_left3A_979 : vector<16xi32>
        %bitcast_convert_type3A_981 = tpu.bitcast %shift_left3A_980 : vector<16xi32> -> vector<16xf32>
        %bitcast_convert_type3A_982 = tpu.bitcast %get3A_977 : vector<16xi32> -> vector<16xf32>
        %get3A_983 = arith.constant 0 : i32
        %get3A_984 = arith.index_cast %get3A_983 : i32 to index
        %get3A_985 = arith.index_cast %add3A_945 : i32 to index
        %get3A_986 = arith.constant 64 : index
        %get3A_987 = tpu.vector_load %arg12[%get3A_984, %get3A_985, %get3A_986] {strides = array<i32>} : memref<2x64x128xi32, #tpu.memory_space<vmem>>, vector<1x1x16xi32>,
        %get3A_988 = vector.shape_cast %get3A_987 : vector<1x1x16xi32> to vector<16xi32>
        %shift_left3A_989 = arith.constant 16 : i32
        %shift_left3A_990 = vector.broadcast %shift_left3A_989 : i32 to vector<16xi32>
        %shift_left3A_991 = arith.shli %get3A_988, %shift_left3A_990 : vector<16xi32>
        %bitcast_convert_type3A_992 = tpu.bitcast %shift_left3A_991 : vector<16xi32> -> vector<16xf32>
        %bitcast_convert_type3A_993 = tpu.bitcast %get3A_988 : vector<16xi32> -> vector<16xf32>
        %get3A_994 = arith.constant 0 : i32
        %get3A_995 = arith.index_cast %get3A_994 : i32 to index
        %get3A_996 = arith.index_cast %add3A_945 : i32 to index
        %get3A_997 = arith.constant 0 : index
        %get3A_998 = tpu.vector_load %arg13[%get3A_995, %get3A_996, %get3A_997] {strides = array<i32>} : memref<2x64x128xi32, #tpu.memory_space<vmem>>, vector<1x1x16xi32>,
        %get3A_999 = vector.shape_cast %get3A_998 : vector<1x1x16xi32> to vector<16xi32>
        %shift_left3A_1000 = arith.constant 16 : i32
        %shift_left3A_1001 = vector.broadcast %shift_left3A_1000 : i32 to vector<16xi32>
        %shift_left3A_1002 = arith.shli %get3A_999, %shift_left3A_1001 : vector<16xi32>
        %bitcast_convert_type3A_1003 = tpu.bitcast %shift_left3A_1002 : vector<16xi32> -> vector<16xf32>
        %bitcast_convert_type3A_1004 = tpu.bitcast %get3A_999 : vector<16xi32> -> vector<16xf32>
        %get3A_1005 = arith.constant 0 : i32
        %get3A_1006 = arith.index_cast %get3A_1005 : i32 to index
        %get3A_1007 = arith.index_cast %add3A_945 : i32 to index
        %get3A_1008 = arith.constant 64 : index
        %get3A_1009 = tpu.vector_load %arg13[%get3A_1006, %get3A_1007, %get3A_1008] {strides = array<i32>} : memref<2x64x128xi32, #tpu.memory_space<vmem>>, vector<1x1x16xi32>,
        %get3A_1010 = vector.shape_cast %get3A_1009 : vector<1x1x16xi32> to vector<16xi32>
        %shift_left3A_1011 = arith.constant 16 : i32
        %shift_left3A_1012 = vector.broadcast %shift_left3A_1011 : i32 to vector<16xi32>
        %shift_left3A_1013 = arith.shli %get3A_1010, %shift_left3A_1012 : vector<16xi32>
        %bitcast_convert_type3A_1014 = tpu.bitcast %shift_left3A_1013 : vector<16xi32> -> vector<16xf32>
        %bitcast_convert_type3A_1015 = tpu.bitcast %get3A_1010 : vector<16xi32> -> vector<16xf32>
        %mul3A_1016 = arith.mulf %bitcast_convert_type3A_1003, %bitcast_convert_type3A_981 : vector<16xf32>
        %mul3A_1017 = arith.mulf %bitcast_convert_type3A_1014, %bitcast_convert_type3A_992 : vector<16xf32>
        %add3A_1018 = arith.addf %mul3A_1016, %mul3A_1017 : vector<16xf32>
        %mul3A_1019 = arith.mulf %bitcast_convert_type3A_1003, %bitcast_convert_type3A_992 : vector<16xf32>
        %mul3A_1020 = arith.mulf %bitcast_convert_type3A_1014, %bitcast_convert_type3A_981 : vector<16xf32>
        %sub3A_1021 = arith.subf %mul3A_1019, %mul3A_1020 : vector<16xf32>
        %mul3A_1022 = arith.mulf %bitcast_convert_type3A_959, %add3A_1018 : vector<16xf32>
        %mul3A_1023 = arith.mulf %bitcast_convert_type3A_970, %sub3A_1021 : vector<16xf32>
        %add3A_1024 = arith.addf %mul3A_1022, %mul3A_1023 : vector<16xf32>
        %add3A_1025 = arith.addf %broadcast_in_dim3A_947, %add3A_1024 : vector<16xf32>
        %mul3A_1026 = arith.mulf %bitcast_convert_type3A_1004, %bitcast_convert_type3A_982 : vector<16xf32>
        %mul3A_1027 = arith.mulf %bitcast_convert_type3A_1015, %bitcast_convert_type3A_993 : vector<16xf32>
        %add3A_1028 = arith.addf %mul3A_1026, %mul3A_1027 : vector<16xf32>
        %mul3A_1029 = arith.mulf %bitcast_convert_type3A_1004, %bitcast_convert_type3A_993 : vector<16xf32>
        %mul3A_1030 = arith.mulf %bitcast_convert_type3A_1015, %bitcast_convert_type3A_982 : vector<16xf32>
        %sub3A_1031 = arith.subf %mul3A_1029, %mul3A_1030 : vector<16xf32>
        %mul3A_1032 = arith.mulf %bitcast_convert_type3A_960, %add3A_1028 : vector<16xf32>
        %mul3A_1033 = arith.mulf %bitcast_convert_type3A_971, %sub3A_1031 : vector<16xf32>
        %add3A_1034 = arith.addf %mul3A_1032, %mul3A_1033 : vector<16xf32>
        %add3A_1035 = arith.addf %broadcast_in_dim3A_949, %add3A_1034 : vector<16xf32>
        %get3A_1036 = arith.constant 0 : i32
        %get3A_1037 = arith.index_cast %get3A_1036 : i32 to index
        %get3A_1038 = arith.index_cast %add3A_945 : i32 to index
        %get3A_1039 = arith.constant 16 : index
        %get3A_1040 = tpu.vector_load %arg11[%get3A_1037, %get3A_1038, %get3A_1039] {strides = array<i32>} : memref<2x64x128xi32, #tpu.memory_space<vmem>>, vector<1x1x16xi32>,
        %get3A_1041 = vector.shape_cast %get3A_1040 : vector<1x1x16xi32> to vector<16xi32>
        %shift_left3A_1042 = arith.constant 16 : i32
        %shift_left3A_1043 = vector.broadcast %shift_left3A_1042 : i32 to vector<16xi32>
        %shift_left3A_1044 = arith.shli %get3A_1041, %shift_left3A_1043 : vector<16xi32>
        %bitcast_convert_type3A_1045 = tpu.bitcast %shift_left3A_1044 : vector<16xi32> -> vector<16xf32>
        %bitcast_convert_type3A_1046 = tpu.bitcast %get3A_1041 : vector<16xi32> -> vector<16xf32>
        %get3A_1047 = arith.constant 0 : i32
        %get3A_1048 = arith.index_cast %get3A_1047 : i32 to index
        %get3A_1049 = arith.index_cast %add3A_945 : i32 to index
        %get3A_1050 = arith.constant 80 : index
        %get3A_1051 = tpu.vector_load %arg11[%get3A_1048, %get3A_1049, %get3A_1050] {strides = array<i32>} : memref<2x64x128xi32, #tpu.memory_space<vmem>>, vector<1x1x16xi32>,
        %get3A_1052 = vector.shape_cast %get3A_1051 : vector<1x1x16xi32> to vector<16xi32>
        %shift_left3A_1053 = arith.constant 16 : i32
        %shift_left3A_1054 = vector.broadcast %shift_left3A_1053 : i32 to vector<16xi32>
        %shift_left3A_1055 = arith.shli %get3A_1052, %shift_left3A_1054 : vector<16xi32>
        %bitcast_convert_type3A_1056 = tpu.bitcast %shift_left3A_1055 : vector<16xi32> -> vector<16xf32>
        %bitcast_convert_type3A_1057 = tpu.bitcast %get3A_1052 : vector<16xi32> -> vector<16xf32>
        %get3A_1058 = arith.constant 0 : i32
        %get3A_1059 = arith.index_cast %get3A_1058 : i32 to index
        %get3A_1060 = arith.index_cast %add3A_945 : i32 to index
        %get3A_1061 = arith.constant 16 : index
        %get3A_1062 = tpu.vector_load %arg12[%get3A_1059, %get3A_1060, %get3A_1061] {strides = array<i32>} : memref<2x64x128xi32, #tpu.memory_space<vmem>>, vector<1x1x16xi32>,
        %get3A_1063 = vector.shape_cast %get3A_1062 : vector<1x1x16xi32> to vector<16xi32>
        %shift_left3A_1064 = arith.constant 16 : i32
        %shift_left3A_1065 = vector.broadcast %shift_left3A_1064 : i32 to vector<16xi32>
        %shift_left3A_1066 = arith.shli %get3A_1063, %shift_left3A_1065 : vector<16xi32>
        %bitcast_convert_type3A_1067 = tpu.bitcast %shift_left3A_1066 : vector<16xi32> -> vector<16xf32>
        %bitcast_convert_type3A_1068 = tpu.bitcast %get3A_1063 : vector<16xi32> -> vector<16xf32>
        %get3A_1069 = arith.constant 0 : i32
        %get3A_1070 = arith.index_cast %get3A_1069 : i32 to index
        %get3A_1071 = arith.index_cast %add3A_945 : i32 to index
        %get3A_1072 = arith.constant 80 : index
        %get3A_1073 = tpu.vector_load %arg12[%get3A_1070, %get3A_1071, %get3A_1072] {strides = array<i32>} : memref<2x64x128xi32, #tpu.memory_space<vmem>>, vector<1x1x16xi32>,
        %get3A_1074 = vector.shape_cast %get3A_1073 : vector<1x1x16xi32> to vector<16xi32>
        %shift_left3A_1075 = arith.constant 16 : i32
        %shift_left3A_1076 = vector.broadcast %shift_left3A_1075 : i32 to vector<16xi32>
        %shift_left3A_1077 = arith.shli %get3A_1074, %shift_left3A_1076 : vector<16xi32>
        %bitcast_convert_type3A_1078 = tpu.bitcast %shift_left3A_1077 : vector<16xi32> -> vector<16xf32>
        %bitcast_convert_type3A_1079 = tpu.bitcast %get3A_1074 : vector<16xi32> -> vector<16xf32>
        %get3A_1080 = arith.constant 0 : i32
        %get3A_1081 = arith.index_cast %get3A_1080 : i32 to index
        %get3A_1082 = arith.index_cast %add3A_945 : i32 to index
        %get3A_1083 = arith.constant 16 : index
        %get3A_1084 = tpu.vector_load %arg13[%get3A_1081, %get3A_1082, %get3A_1083] {strides = array<i32>} : memref<2x64x128xi32, #tpu.memory_space<vmem>>, vector<1x1x16xi32>,
        %get3A_1085 = vector.shape_cast %get3A_1084 : vector<1x1x16xi32> to vector<16xi32>
        %shift_left3A_1086 = arith.constant 16 : i32
        %shift_left3A_1087 = vector.broadcast %shift_left3A_1086 : i32 to vector<16xi32>
        %shift_left3A_1088 = arith.shli %get3A_1085, %shift_left3A_1087 : vector<16xi32>
        %bitcast_convert_type3A_1089 = tpu.bitcast %shift_left3A_1088 : vector<16xi32> -> vector<16xf32>
        %bitcast_convert_type3A_1090 = tpu.bitcast %get3A_1085 : vector<16xi32> -> vector<16xf32>
        %get3A_1091 = arith.constant 0 : i32
        %get3A_1092 = arith.index_cast %get3A_1091 : i32 to index
        %get3A_1093 = arith.index_cast %add3A_945 : i32 to index
        %get3A_1094 = arith.constant 80 : index
        %get3A_1095 = tpu.vector_load %arg13[%get3A_1092, %get3A_1093, %get3A_1094] {strides = array<i32>} : memref<2x64x128xi32, #tpu.memory_space<vmem>>, vector<1x1x16xi32>,
        %get3A_1096 = vector.shape_cast %get3A_1095 : vector<1x1x16xi32> to vector<16xi32>
        %shift_left3A_1097 = arith.constant 16 : i32
        %shift_left3A_1098 = vector.broadcast %shift_left3A_1097 : i32 to vector<16xi32>
        %shift_left3A_1099 = arith.shli %get3A_1096, %shift_left3A_1098 : vector<16xi32>
        %bitcast_convert_type3A_1100 = tpu.bitcast %shift_left3A_1099 : vector<16xi32> -> vector<16xf32>
        %bitcast_convert_type3A_1101 = tpu.bitcast %get3A_1096 : vector<16xi32> -> vector<16xf32>
        %mul3A_1102 = arith.mulf %bitcast_convert_type3A_1089, %bitcast_convert_type3A_1067 : vector<16xf32>
        %mul3A_1103 = arith.mulf %bitcast_convert_type3A_1100, %bitcast_convert_type3A_1078 : vector<16xf32>
        %add3A_1104 = arith.addf %mul3A_1102, %mul3A_1103 : vector<16xf32>
        %mul3A_1105 = arith.mulf %bitcast_convert_type3A_1089, %bitcast_convert_type3A_1078 : vector<16xf32>
        %mul3A_1106 = arith.mulf %bitcast_convert_type3A_1100, %bitcast_convert_type3A_1067 : vector<16xf32>
        %sub3A_1107 = arith.subf %mul3A_1105, %mul3A_1106 : vector<16xf32>
        %mul3A_1108 = arith.mulf %bitcast_convert_type3A_1045, %add3A_1104 : vector<16xf32>
        %mul3A_1109 = arith.mulf %bitcast_convert_type3A_1056, %sub3A_1107 : vector<16xf32>
        %add3A_1110 = arith.addf %mul3A_1108, %mul3A_1109 : vector<16xf32>
        %add3A_1111 = arith.addf %add3A_1025, %add3A_1110 : vector<16xf32>
        %mul3A_1112 = arith.mulf %bitcast_convert_type3A_1090, %bitcast_convert_type3A_1068 : vector<16xf32>
        %mul3A_1113 = arith.mulf %bitcast_convert_type3A_1101, %bitcast_convert_type3A_1079 : vector<16xf32>
        %add3A_1114 = arith.addf %mul3A_1112, %mul3A_1113 : vector<16xf32>
        %mul3A_1115 = arith.mulf %bitcast_convert_type3A_1090, %bitcast_convert_type3A_1079 : vector<16xf32>
        %mul3A_1116 = arith.mulf %bitcast_convert_type3A_1101, %bitcast_convert_type3A_1068 : vector<16xf32>
        %sub3A_1117 = arith.subf %mul3A_1115, %mul3A_1116 : vector<16xf32>
        %mul3A_1118 = arith.mulf %bitcast_convert_type3A_1046, %add3A_1114 : vector<16xf32>
        %mul3A_1119 = arith.mulf %bitcast_convert_type3A_1057, %sub3A_1117 : vector<16xf32>
        %add3A_1120 = arith.addf %mul3A_1118, %mul3A_1119 : vector<16xf32>
        %add3A_1121 = arith.addf %add3A_1035, %add3A_1120 : vector<16xf32>
        %get3A_1122 = arith.constant 0 : i32
        %get3A_1123 = arith.index_cast %get3A_1122 : i32 to index
        %get3A_1124 = arith.index_cast %add3A_945 : i32 to index
        %get3A_1125 = arith.constant 32 : index
        %get3A_1126 = tpu.vector_load %arg11[%get3A_1123, %get3A_1124, %get3A_1125] {strides = array<i32>} : memref<2x64x128xi32, #tpu.memory_space<vmem>>, vector<1x1x16xi32>,
        %get3A_1127 = vector.shape_cast %get3A_1126 : vector<1x1x16xi32> to vector<16xi32>
        %shift_left3A_1128 = arith.constant 16 : i32
        %shift_left3A_1129 = vector.broadcast %shift_left3A_1128 : i32 to vector<16xi32>
        %shift_left3A_1130 = arith.shli %get3A_1127, %shift_left3A_1129 : vector<16xi32>
        %bitcast_convert_type3A_1131 = tpu.bitcast %shift_left3A_1130 : vector<16xi32> -> vector<16xf32>
        %bitcast_convert_type3A_1132 = tpu.bitcast %get3A_1127 : vector<16xi32> -> vector<16xf32>
        %get3A_1133 = arith.constant 0 : i32
        %get3A_1134 = arith.index_cast %get3A_1133 : i32 to index
        %get3A_1135 = arith.index_cast %add3A_945 : i32 to index
        %get3A_1136 = arith.constant 96 : index
        %get3A_1137 = tpu.vector_load %arg11[%get3A_1134, %get3A_1135, %get3A_1136] {strides = array<i32>} : memref<2x64x128xi32, #tpu.memory_space<vmem>>, vector<1x1x16xi32>,
        %get3A_1138 = vector.shape_cast %get3A_1137 : vector<1x1x16xi32> to vector<16xi32>
        %shift_left3A_1139 = arith.constant 16 : i32
        %shift_left3A_1140 = vector.broadcast %shift_left3A_1139 : i32 to vector<16xi32>
        %shift_left3A_1141 = arith.shli %get3A_1138, %shift_left3A_1140 : vector<16xi32>
        %bitcast_convert_type3A_1142 = tpu.bitcast %shift_left3A_1141 : vector<16xi32> -> vector<16xf32>
        %bitcast_convert_type3A_1143 = tpu.bitcast %get3A_1138 : vector<16xi32> -> vector<16xf32>
        %get3A_1144 = arith.constant 0 : i32
        %get3A_1145 = arith.index_cast %get3A_1144 : i32 to index
        %get3A_1146 = arith.index_cast %add3A_945 : i32 to index
        %get3A_1147 = arith.constant 32 : index
        %get3A_1148 = tpu.vector_load %arg12[%get3A_1145, %get3A_1146, %get3A_1147] {strides = array<i32>} : memref<2x64x128xi32, #tpu.memory_space<vmem>>, vector<1x1x16xi32>,
        %get3A_1149 = vector.shape_cast %get3A_1148 : vector<1x1x16xi32> to vector<16xi32>
        %shift_left3A_1150 = arith.constant 16 : i32
        %shift_left3A_1151 = vector.broadcast %shift_left3A_1150 : i32 to vector<16xi32>
        %shift_left3A_1152 = arith.shli %get3A_1149, %shift_left3A_1151 : vector<16xi32>
        %bitcast_convert_type3A_1153 = tpu.bitcast %shift_left3A_1152 : vector<16xi32> -> vector<16xf32>
        %bitcast_convert_type3A_1154 = tpu.bitcast %get3A_1149 : vector<16xi32> -> vector<16xf32>
        %get3A_1155 = arith.constant 0 : i32
        %get3A_1156 = arith.index_cast %get3A_1155 : i32 to index
        %get3A_1157 = arith.index_cast %add3A_945 : i32 to index
        %get3A_1158 = arith.constant 96 : index
        %get3A_1159 = tpu.vector_load %arg12[%get3A_1156, %get3A_1157, %get3A_1158] {strides = array<i32>} : memref<2x64x128xi32, #tpu.memory_space<vmem>>, vector<1x1x16xi32>,
        %get3A_1160 = vector.shape_cast %get3A_1159 : vector<1x1x16xi32> to vector<16xi32>
        %shift_left3A_1161 = arith.constant 16 : i32
        %shift_left3A_1162 = vector.broadcast %shift_left3A_1161 : i32 to vector<16xi32>
        %shift_left3A_1163 = arith.shli %get3A_1160, %shift_left3A_1162 : vector<16xi32>
        %bitcast_convert_type3A_1164 = tpu.bitcast %shift_left3A_1163 : vector<16xi32> -> vector<16xf32>
        %bitcast_convert_type3A_1165 = tpu.bitcast %get3A_1160 : vector<16xi32> -> vector<16xf32>
        %get3A_1166 = arith.constant 0 : i32
        %get3A_1167 = arith.index_cast %get3A_1166 : i32 to index
        %get3A_1168 = arith.index_cast %add3A_945 : i32 to index
        %get3A_1169 = arith.constant 32 : index
        %get3A_1170 = tpu.vector_load %arg13[%get3A_1167, %get3A_1168, %get3A_1169] {strides = array<i32>} : memref<2x64x128xi32, #tpu.memory_space<vmem>>, vector<1x1x16xi32>,
        %get3A_1171 = vector.shape_cast %get3A_1170 : vector<1x1x16xi32> to vector<16xi32>
        %shift_left3A_1172 = arith.constant 16 : i32
        %shift_left3A_1173 = vector.broadcast %shift_left3A_1172 : i32 to vector<16xi32>
        %shift_left3A_1174 = arith.shli %get3A_1171, %shift_left3A_1173 : vector<16xi32>
        %bitcast_convert_type3A_1175 = tpu.bitcast %shift_left3A_1174 : vector<16xi32> -> vector<16xf32>
        %bitcast_convert_type3A_1176 = tpu.bitcast %get3A_1171 : vector<16xi32> -> vector<16xf32>
        %get3A_1177 = arith.constant 0 : i32
        %get3A_1178 = arith.index_cast %get3A_1177 : i32 to index
        %get3A_1179 = arith.index_cast %add3A_945 : i32 to index
        %get3A_1180 = arith.constant 96 : index
        %get3A_1181 = tpu.vector_load %arg13[%get3A_1178, %get3A_1179, %get3A_1180] {strides = array<i32>} : memref<2x64x128xi32, #tpu.memory_space<vmem>>, vector<1x1x16xi32>,
        %get3A_1182 = vector.shape_cast %get3A_1181 : vector<1x1x16xi32> to vector<16xi32>
        %shift_left3A_1183 = arith.constant 16 : i32
        %shift_left3A_1184 = vector.broadcast %shift_left3A_1183 : i32 to vector<16xi32>
        %shift_left3A_1185 = arith.shli %get3A_1182, %shift_left3A_1184 : vector<16xi32>
        %bitcast_convert_type3A_1186 = tpu.bitcast %shift_left3A_1185 : vector<16xi32> -> vector<16xf32>
        %bitcast_convert_type3A_1187 = tpu.bitcast %get3A_1182 : vector<16xi32> -> vector<16xf32>
        %mul3A_1188 = arith.mulf %bitcast_convert_type3A_1175, %bitcast_convert_type3A_1153 : vector<16xf32>
        %mul3A_1189 = arith.mulf %bitcast_convert_type3A_1186, %bitcast_convert_type3A_1164 : vector<16xf32>
        %add3A_1190 = arith.addf %mul3A_1188, %mul3A_1189 : vector<16xf32>
        %mul3A_1191 = arith.mulf %bitcast_convert_type3A_1175, %bitcast_convert_type3A_1164 : vector<16xf32>
        %mul3A_1192 = arith.mulf %bitcast_convert_type3A_1186, %bitcast_convert_type3A_1153 : vector<16xf32>
        %sub3A_1193 = arith.subf %mul3A_1191, %mul3A_1192 : vector<16xf32>
        %mul3A_1194 = arith.mulf %bitcast_convert_type3A_1131, %add3A_1190 : vector<16xf32>
        %mul3A_1195 = arith.mulf %bitcast_convert_type3A_1142, %sub3A_1193 : vector<16xf32>
        %add3A_1196 = arith.addf %mul3A_1194, %mul3A_1195 : vector<16xf32>
        %add3A_1197 = arith.addf %add3A_1111, %add3A_1196 : vector<16xf32>
        %mul3A_1198 = arith.mulf %bitcast_convert_type3A_1176, %bitcast_convert_type3A_1154 : vector<16xf32>
        %mul3A_1199 = arith.mulf %bitcast_convert_type3A_1187, %bitcast_convert_type3A_1165 : vector<16xf32>
        %add3A_1200 = arith.addf %mul3A_1198, %mul3A_1199 : vector<16xf32>
        %mul3A_1201 = arith.mulf %bitcast_convert_type3A_1176, %bitcast_convert_type3A_1165 : vector<16xf32>
        %mul3A_1202 = arith.mulf %bitcast_convert_type3A_1187, %bitcast_convert_type3A_1154 : vector<16xf32>
        %sub3A_1203 = arith.subf %mul3A_1201, %mul3A_1202 : vector<16xf32>
        %mul3A_1204 = arith.mulf %bitcast_convert_type3A_1132, %add3A_1200 : vector<16xf32>
        %mul3A_1205 = arith.mulf %bitcast_convert_type3A_1143, %sub3A_1203 : vector<16xf32>
        %add3A_1206 = arith.addf %mul3A_1204, %mul3A_1205 : vector<16xf32>
        %add3A_1207 = arith.addf %add3A_1121, %add3A_1206 : vector<16xf32>
        %get3A_1208 = arith.constant 0 : i32
        %get3A_1209 = arith.index_cast %get3A_1208 : i32 to index
        %get3A_1210 = arith.index_cast %add3A_945 : i32 to index
        %get3A_1211 = arith.constant 48 : index
        %get3A_1212 = tpu.vector_load %arg11[%get3A_1209, %get3A_1210, %get3A_1211] {strides = array<i32>} : memref<2x64x128xi32, #tpu.memory_space<vmem>>, vector<1x1x16xi32>,
        %get3A_1213 = vector.shape_cast %get3A_1212 : vector<1x1x16xi32> to vector<16xi32>
        %shift_left3A_1214 = arith.constant 16 : i32
        %shift_left3A_1215 = vector.broadcast %shift_left3A_1214 : i32 to vector<16xi32>
        %shift_left3A_1216 = arith.shli %get3A_1213, %shift_left3A_1215 : vector<16xi32>
        %bitcast_convert_type3A_1217 = tpu.bitcast %shift_left3A_1216 : vector<16xi32> -> vector<16xf32>
        %bitcast_convert_type3A_1218 = tpu.bitcast %get3A_1213 : vector<16xi32> -> vector<16xf32>
        %get3A_1219 = arith.constant 0 : i32
        %get3A_1220 = arith.index_cast %get3A_1219 : i32 to index
        %get3A_1221 = arith.index_cast %add3A_945 : i32 to index
        %get3A_1222 = arith.constant 112 : index
        %get3A_1223 = tpu.vector_load %arg11[%get3A_1220, %get3A_1221, %get3A_1222] {strides = array<i32>} : memref<2x64x128xi32, #tpu.memory_space<vmem>>, vector<1x1x16xi32>,
        %get3A_1224 = vector.shape_cast %get3A_1223 : vector<1x1x16xi32> to vector<16xi32>
        %shift_left3A_1225 = arith.constant 16 : i32
        %shift_left3A_1226 = vector.broadcast %shift_left3A_1225 : i32 to vector<16xi32>
        %shift_left3A_1227 = arith.shli %get3A_1224, %shift_left3A_1226 : vector<16xi32>
        %bitcast_convert_type3A_1228 = tpu.bitcast %shift_left3A_1227 : vector<16xi32> -> vector<16xf32>
        %bitcast_convert_type3A_1229 = tpu.bitcast %get3A_1224 : vector<16xi32> -> vector<16xf32>
        %get3A_1230 = arith.constant 0 : i32
        %get3A_1231 = arith.index_cast %get3A_1230 : i32 to index
        %get3A_1232 = arith.index_cast %add3A_945 : i32 to index
        %get3A_1233 = arith.constant 48 : index
        %get3A_1234 = tpu.vector_load %arg12[%get3A_1231, %get3A_1232, %get3A_1233] {strides = array<i32>} : memref<2x64x128xi32, #tpu.memory_space<vmem>>, vector<1x1x16xi32>,
        %get3A_1235 = vector.shape_cast %get3A_1234 : vector<1x1x16xi32> to vector<16xi32>
        %shift_left3A_1236 = arith.constant 16 : i32
        %shift_left3A_1237 = vector.broadcast %shift_left3A_1236 : i32 to vector<16xi32>
        %shift_left3A_1238 = arith.shli %get3A_1235, %shift_left3A_1237 : vector<16xi32>
        %bitcast_convert_type3A_1239 = tpu.bitcast %shift_left3A_1238 : vector<16xi32> -> vector<16xf32>
        %bitcast_convert_type3A_1240 = tpu.bitcast %get3A_1235 : vector<16xi32> -> vector<16xf32>
        %get3A_1241 = arith.constant 0 : i32
        %get3A_1242 = arith.index_cast %get3A_1241 : i32 to index
        %get3A_1243 = arith.index_cast %add3A_945 : i32 to index
        %get3A_1244 = arith.constant 112 : index
        %get3A_1245 = tpu.vector_load %arg12[%get3A_1242, %get3A_1243, %get3A_1244] {strides = array<i32>} : memref<2x64x128xi32, #tpu.memory_space<vmem>>, vector<1x1x16xi32>,
        %get3A_1246 = vector.shape_cast %get3A_1245 : vector<1x1x16xi32> to vector<16xi32>
        %shift_left3A_1247 = arith.constant 16 : i32
        %shift_left3A_1248 = vector.broadcast %shift_left3A_1247 : i32 to vector<16xi32>
        %shift_left3A_1249 = arith.shli %get3A_1246, %shift_left3A_1248 : vector<16xi32>
        %bitcast_convert_type3A_1250 = tpu.bitcast %shift_left3A_1249 : vector<16xi32> -> vector<16xf32>
        %bitcast_convert_type3A_1251 = tpu.bitcast %get3A_1246 : vector<16xi32> -> vector<16xf32>
        %get3A_1252 = arith.constant 0 : i32
        %get3A_1253 = arith.index_cast %get3A_1252 : i32 to index
        %get3A_1254 = arith.index_cast %add3A_945 : i32 to index
        %get3A_1255 = arith.constant 48 : index
        %get3A_1256 = tpu.vector_load %arg13[%get3A_1253, %get3A_1254, %get3A_1255] {strides = array<i32>} : memref<2x64x128xi32, #tpu.memory_space<vmem>>, vector<1x1x16xi32>,
        %get3A_1257 = vector.shape_cast %get3A_1256 : vector<1x1x16xi32> to vector<16xi32>
        %shift_left3A_1258 = arith.constant 16 : i32
        %shift_left3A_1259 = vector.broadcast %shift_left3A_1258 : i32 to vector<16xi32>
        %shift_left3A_1260 = arith.shli %get3A_1257, %shift_left3A_1259 : vector<16xi32>
        %bitcast_convert_type3A_1261 = tpu.bitcast %shift_left3A_1260 : vector<16xi32> -> vector<16xf32>
        %bitcast_convert_type3A_1262 = tpu.bitcast %get3A_1257 : vector<16xi32> -> vector<16xf32>
        %get3A_1263 = arith.constant 0 : i32
        %get3A_1264 = arith.index_cast %get3A_1263 : i32 to index
        %get3A_1265 = arith.index_cast %add3A_945 : i32 to index
        %get3A_1266 = arith.constant 112 : index
        %get3A_1267 = tpu.vector_load %arg13[%get3A_1264, %get3A_1265, %get3A_1266] {strides = array<i32>} : memref<2x64x128xi32, #tpu.memory_space<vmem>>, vector<1x1x16xi32>,
        %get3A_1268 = vector.shape_cast %get3A_1267 : vector<1x1x16xi32> to vector<16xi32>
        %shift_left3A_1269 = arith.constant 16 : i32
        %shift_left3A_1270 = vector.broadcast %shift_left3A_1269 : i32 to vector<16xi32>
        %shift_left3A_1271 = arith.shli %get3A_1268, %shift_left3A_1270 : vector<16xi32>
        %bitcast_convert_type3A_1272 = tpu.bitcast %shift_left3A_1271 : vector<16xi32> -> vector<16xf32>
        %bitcast_convert_type3A_1273 = tpu.bitcast %get3A_1268 : vector<16xi32> -> vector<16xf32>
        %mul3A_1274 = arith.mulf %bitcast_convert_type3A_1261, %bitcast_convert_type3A_1239 : vector<16xf32>
        %mul3A_1275 = arith.mulf %bitcast_convert_type3A_1272, %bitcast_convert_type3A_1250 : vector<16xf32>
        %add3A_1276 = arith.addf %mul3A_1274, %mul3A_1275 : vector<16xf32>
        %mul3A_1277 = arith.mulf %bitcast_convert_type3A_1261, %bitcast_convert_type3A_1250 : vector<16xf32>
        %mul3A_1278 = arith.mulf %bitcast_convert_type3A_1272, %bitcast_convert_type3A_1239 : vector<16xf32>
        %sub3A_1279 = arith.subf %mul3A_1277, %mul3A_1278 : vector<16xf32>
        %mul3A_1280 = arith.mulf %bitcast_convert_type3A_1217, %add3A_1276 : vector<16xf32>
        %mul3A_1281 = arith.mulf %bitcast_convert_type3A_1228, %sub3A_1279 : vector<16xf32>
        %add3A_1282 = arith.addf %mul3A_1280, %mul3A_1281 : vector<16xf32>
        %add3A_1283 = arith.addf %add3A_1197, %add3A_1282 : vector<16xf32>
        %mul3A_1284 = arith.mulf %bitcast_convert_type3A_1262, %bitcast_convert_type3A_1240 : vector<16xf32>
        %mul3A_1285 = arith.mulf %bitcast_convert_type3A_1273, %bitcast_convert_type3A_1251 : vector<16xf32>
        %add3A_1286 = arith.addf %mul3A_1284, %mul3A_1285 : vector<16xf32>
        %mul3A_1287 = arith.mulf %bitcast_convert_type3A_1262, %bitcast_convert_type3A_1251 : vector<16xf32>
        %mul3A_1288 = arith.mulf %bitcast_convert_type3A_1273, %bitcast_convert_type3A_1240 : vector<16xf32>
        %sub3A_1289 = arith.subf %mul3A_1287, %mul3A_1288 : vector<16xf32>
        %mul3A_1290 = arith.mulf %bitcast_convert_type3A_1218, %add3A_1286 : vector<16xf32>
        %mul3A_1291 = arith.mulf %bitcast_convert_type3A_1229, %sub3A_1289 : vector<16xf32>
        %add3A_1292 = arith.addf %mul3A_1290, %mul3A_1291 : vector<16xf32>
        %add3A_1293 = arith.addf %add3A_1207, %add3A_1292 : vector<16xf32>
        %add3A_1294 = arith.addf %add3A_1283, %add3A_1293 : vector<16xf32>
        %add3A_1295 = arith.constant 1 : i32
        %add3A_1296 = arith.addi %mul3A_590, %add3A_1295 : i32
        %mul3A_1297 = arith.constant 16 : i32
        %mul3A_1298 = arith.muli %add3A_1296, %mul3A_1297 : i32
        %swap3A_1299 = arith.constant 0 : i32
        %swap3A_1300 = arith.index_cast %swap3A_1299 : i32 to index
        %swap3A_1301 = arith.index_cast %mul3A_1298 : i32 to index
        %swap3A_1302 = tpu.vector_load %arg15[%swap3A_1300, %swap3A_1301] {strides = array<i32>} : memref<2x1024xf32, #tpu.memory_space<vmem>>, vector<1x16xf32>,
        %swap3A_1303 = vector.shape_cast %swap3A_1302 : vector<1x16xf32> to vector<16xf32>
        %swap3A_1304 = vector.shape_cast %add3A_1294 : vector<16xf32> to vector<1x16xf32>
        tpu.vector_store %arg15[%swap3A_1300, %swap3A_1301], %swap3A_1304 {strides = array<i32>} : memref<2x1024xf32, #tpu.memory_space<vmem>>, vector<1x16xf32>,
      }
      %scan3A_391 = arith.constant 32 : i32
      %scan3A_392 = arith.constant 0 : i32
      %scan3A_393 = arith.constant 0 : i32
      %scan3A_394 = arith.constant 4 : i32
      %scan3A_395 = arith.addi %scan3A_393, %scan3A_394 : i32
      %scan3A_396 = arith.constant 1 : i32
      scf.for %scan3A_588 = %scan3A_393 to %scan3A_395 step %scan3A_396  : i32 {
        %mul3A_589 = arith.constant 16 : i32
        %mul3A_590 = arith.muli %scan3A_588, %mul3A_589 : i32
        %add3A_591 = arith.constant 0 : i32
        %add3A_592 = arith.addi %mul3A_590, %add3A_591 : i32
        %mul3A_593 = arith.constant 16 : i32
        %mul3A_594 = arith.muli %add3A_592, %mul3A_593 : i32
        %get3A = arith.constant 0 : i32
        %get3A_595 = arith.index_cast %get3A : i32 to index
        %get3A_596 = arith.index_cast %mul3A_594 : i32 to index
        %get3A_597 = tpu.vector_load %arg15[%get3A_595, %get3A_596] {strides = array<i32>} : memref<2x1024xf32, #tpu.memory_space<vmem>>, vector<1x16xf32>,
        %get3A_598 = vector.shape_cast %get3A_597 : vector<1x16xf32> to vector<16xf32>
        %mul3A_599 = arith.constant 16 : i32
        %mul3A_600 = arith.muli %scan3A_588, %mul3A_599 : i32
        %add3A_601 = arith.constant 1 : i32
        %add3A_602 = arith.addi %mul3A_600, %add3A_601 : i32
        %mul3A_603 = arith.constant 16 : i32
        %mul3A_604 = arith.muli %add3A_602, %mul3A_603 : i32
        %get3A_605 = arith.constant 0 : i32
        %get3A_606 = arith.index_cast %get3A_605 : i32 to index
        %get3A_607 = arith.index_cast %mul3A_604 : i32 to index
        %get3A_608 = tpu.vector_load %arg15[%get3A_606, %get3A_607] {strides = array<i32>} : memref<2x1024xf32, #tpu.memory_space<vmem>>, vector<1x16xf32>,
        %get3A_609 = vector.shape_cast %get3A_608 : vector<1x16xf32> to vector<16xf32>
        %mul3A_610 = arith.constant 16 : i32
        %mul3A_611 = arith.muli %scan3A_588, %mul3A_610 : i32
        %add3A_612 = arith.constant 2 : i32
        %add3A_613 = arith.addi %mul3A_611, %add3A_612 : i32
        %mul3A_614 = arith.constant 16 : i32
        %mul3A_615 = arith.muli %add3A_613, %mul3A_614 : i32
        %get3A_616 = arith.constant 0 : i32
        %get3A_617 = arith.index_cast %get3A_616 : i32 to index
        %get3A_618 = arith.index_cast %mul3A_615 : i32 to index
        %get3A_619 = tpu.vector_load %arg15[%get3A_617, %get3A_618] {strides = array<i32>} : memref<2x1024xf32, #tpu.memory_space<vmem>>, vector<1x16xf32>,
        %get3A_620 = vector.shape_cast %get3A_619 : vector<1x16xf32> to vector<16xf32>
        %mul3A_621 = arith.constant 16 : i32
        %mul3A_622 = arith.muli %scan3A_588, %mul3A_621 : i32
        %add3A_623 = arith.constant 3 : i32
        %add3A_624 = arith.addi %mul3A_622, %add3A_623 : i32
        %mul3A_625 = arith.constant 16 : i32
        %mul3A_626 = arith.muli %add3A_624, %mul3A_625 : i32
        %get3A_627 = arith.constant 0 : i32
        %get3A_628 = arith.index_cast %get3A_627 : i32 to index
        %get3A_629 = arith.index_cast %mul3A_626 : i32 to index
        %get3A_630 = tpu.vector_load %arg15[%get3A_628, %get3A_629] {strides = array<i32>} : memref<2x1024xf32, #tpu.memory_space<vmem>>, vector<1x16xf32>,
        %get3A_631 = vector.shape_cast %get3A_630 : vector<1x16xf32> to vector<16xf32>
        %mul3A_632 = arith.constant 16 : i32
        %mul3A_633 = arith.muli %scan3A_588, %mul3A_632 : i32
        %add3A_634 = arith.constant 4 : i32
        %add3A_635 = arith.addi %mul3A_633, %add3A_634 : i32
        %mul3A_636 = arith.constant 16 : i32
        %mul3A_637 = arith.muli %add3A_635, %mul3A_636 : i32
        %get3A_638 = arith.constant 0 : i32
        %get3A_639 = arith.index_cast %get3A_638 : i32 to index
        %get3A_640 = arith.index_cast %mul3A_637 : i32 to index
        %get3A_641 = tpu.vector_load %arg15[%get3A_639, %get3A_640] {strides = array<i32>} : memref<2x1024xf32, #tpu.memory_space<vmem>>, vector<1x16xf32>,
        %get3A_642 = vector.shape_cast %get3A_641 : vector<1x16xf32> to vector<16xf32>
        %mul3A_643 = arith.constant 16 : i32
        %mul3A_644 = arith.muli %scan3A_588, %mul3A_643 : i32
        %add3A_645 = arith.constant 5 : i32
        %add3A_646 = arith.addi %mul3A_644, %add3A_645 : i32
        %mul3A_647 = arith.constant 16 : i32
        %mul3A_648 = arith.muli %add3A_646, %mul3A_647 : i32
        %get3A_649 = arith.constant 0 : i32
        %get3A_650 = arith.index_cast %get3A_649 : i32 to index
        %get3A_651 = arith.index_cast %mul3A_648 : i32 to index
        %get3A_652 = tpu.vector_load %arg15[%get3A_650, %get3A_651] {strides = array<i32>} : memref<2x1024xf32, #tpu.memory_space<vmem>>, vector<1x16xf32>,
        %get3A_653 = vector.shape_cast %get3A_652 : vector<1x16xf32> to vector<16xf32>
        %mul3A_654 = arith.constant 16 : i32
        %mul3A_655 = arith.muli %scan3A_588, %mul3A_654 : i32
        %add3A_656 = arith.constant 6 : i32
        %add3A_657 = arith.addi %mul3A_655, %add3A_656 : i32
        %mul3A_658 = arith.constant 16 : i32
        %mul3A_659 = arith.muli %add3A_657, %mul3A_658 : i32
        %get3A_660 = arith.constant 0 : i32
        %get3A_661 = arith.index_cast %get3A_660 : i32 to index
        %get3A_662 = arith.index_cast %mul3A_659 : i32 to index
        %get3A_663 = tpu.vector_load %arg15[%get3A_661, %get3A_662] {strides = array<i32>} : memref<2x1024xf32, #tpu.memory_space<vmem>>, vector<1x16xf32>,
        %get3A_664 = vector.shape_cast %get3A_663 : vector<1x16xf32> to vector<16xf32>
        %mul3A_665 = arith.constant 16 : i32
        %mul3A_666 = arith.muli %scan3A_588, %mul3A_665 : i32
        %add3A_667 = arith.constant 7 : i32
        %add3A_668 = arith.addi %mul3A_666, %add3A_667 : i32
        %mul3A_669 = arith.constant 16 : i32
        %mul3A_670 = arith.muli %add3A_668, %mul3A_669 : i32
        %get3A_671 = arith.constant 0 : i32
        %get3A_672 = arith.index_cast %get3A_671 : i32 to index
        %get3A_673 = arith.index_cast %mul3A_670 : i32 to index
        %get3A_674 = tpu.vector_load %arg15[%get3A_672, %get3A_673] {strides = array<i32>} : memref<2x1024xf32, #tpu.memory_space<vmem>>, vector<1x16xf32>,
        %get3A_675 = vector.shape_cast %get3A_674 : vector<1x16xf32> to vector<16xf32>
        %mul3A_676 = arith.constant 16 : i32
        %mul3A_677 = arith.muli %scan3A_588, %mul3A_676 : i32
        %add3A_678 = arith.constant 8 : i32
        %add3A_679 = arith.addi %mul3A_677, %add3A_678 : i32
        %mul3A_680 = arith.constant 16 : i32
        %mul3A_681 = arith.muli %add3A_679, %mul3A_680 : i32
        %get3A_682 = arith.constant 0 : i32
        %get3A_683 = arith.index_cast %get3A_682 : i32 to index
        %get3A_684 = arith.index_cast %mul3A_681 : i32 to index
        %get3A_685 = tpu.vector_load %arg15[%get3A_683, %get3A_684] {strides = array<i32>} : memref<2x1024xf32, #tpu.memory_space<vmem>>, vector<1x16xf32>,
        %get3A_686 = vector.shape_cast %get3A_685 : vector<1x16xf32> to vector<16xf32>
        %mul3A_687 = arith.constant 16 : i32
        %mul3A_688 = arith.muli %scan3A_588, %mul3A_687 : i32
        %add3A_689 = arith.constant 9 : i32
        %add3A_690 = arith.addi %mul3A_688, %add3A_689 : i32
        %mul3A_691 = arith.constant 16 : i32
        %mul3A_692 = arith.muli %add3A_690, %mul3A_691 : i32
        %get3A_693 = arith.constant 0 : i32
        %get3A_694 = arith.index_cast %get3A_693 : i32 to index
        %get3A_695 = arith.index_cast %mul3A_692 : i32 to index
        %get3A_696 = tpu.vector_load %arg15[%get3A_694, %get3A_695] {strides = array<i32>} : memref<2x1024xf32, #tpu.memory_space<vmem>>, vector<1x16xf32>,
        %get3A_697 = vector.shape_cast %get3A_696 : vector<1x16xf32> to vector<16xf32>
        %mul3A_698 = arith.constant 16 : i32
        %mul3A_699 = arith.muli %scan3A_588, %mul3A_698 : i32
        %add3A_700 = arith.constant 10 : i32
        %add3A_701 = arith.addi %mul3A_699, %add3A_700 : i32
        %mul3A_702 = arith.constant 16 : i32
        %mul3A_703 = arith.muli %add3A_701, %mul3A_702 : i32
        %get3A_704 = arith.constant 0 : i32
        %get3A_705 = arith.index_cast %get3A_704 : i32 to index
        %get3A_706 = arith.index_cast %mul3A_703 : i32 to index
        %get3A_707 = tpu.vector_load %arg15[%get3A_705, %get3A_706] {strides = array<i32>} : memref<2x1024xf32, #tpu.memory_space<vmem>>, vector<1x16xf32>,
        %get3A_708 = vector.shape_cast %get3A_707 : vector<1x16xf32> to vector<16xf32>
        %mul3A_709 = arith.constant 16 : i32
        %mul3A_710 = arith.muli %scan3A_588, %mul3A_709 : i32
        %add3A_711 = arith.constant 11 : i32
        %add3A_712 = arith.addi %mul3A_710, %add3A_711 : i32
        %mul3A_713 = arith.constant 16 : i32
        %mul3A_714 = arith.muli %add3A_712, %mul3A_713 : i32
        %get3A_715 = arith.constant 0 : i32
        %get3A_716 = arith.index_cast %get3A_715 : i32 to index
        %get3A_717 = arith.index_cast %mul3A_714 : i32 to index
        %get3A_718 = tpu.vector_load %arg15[%get3A_716, %get3A_717] {strides = array<i32>} : memref<2x1024xf32, #tpu.memory_space<vmem>>, vector<1x16xf32>,
        %get3A_719 = vector.shape_cast %get3A_718 : vector<1x16xf32> to vector<16xf32>
        %mul3A_720 = arith.constant 16 : i32
        %mul3A_721 = arith.muli %scan3A_588, %mul3A_720 : i32
        %add3A_722 = arith.constant 12 : i32
        %add3A_723 = arith.addi %mul3A_721, %add3A_722 : i32
        %mul3A_724 = arith.constant 16 : i32
        %mul3A_725 = arith.muli %add3A_723, %mul3A_724 : i32
        %get3A_726 = arith.constant 0 : i32
        %get3A_727 = arith.index_cast %get3A_726 : i32 to index
        %get3A_728 = arith.index_cast %mul3A_725 : i32 to index
        %get3A_729 = tpu.vector_load %arg15[%get3A_727, %get3A_728] {strides = array<i32>} : memref<2x1024xf32, #tpu.memory_space<vmem>>, vector<1x16xf32>,
        %get3A_730 = vector.shape_cast %get3A_729 : vector<1x16xf32> to vector<16xf32>
        %mul3A_731 = arith.constant 16 : i32
        %mul3A_732 = arith.muli %scan3A_588, %mul3A_731 : i32
        %add3A_733 = arith.constant 13 : i32
        %add3A_734 = arith.addi %mul3A_732, %add3A_733 : i32
        %mul3A_735 = arith.constant 16 : i32
        %mul3A_736 = arith.muli %add3A_734, %mul3A_735 : i32
        %get3A_737 = arith.constant 0 : i32
        %get3A_738 = arith.index_cast %get3A_737 : i32 to index
        %get3A_739 = arith.index_cast %mul3A_736 : i32 to index
        %get3A_740 = tpu.vector_load %arg15[%get3A_738, %get3A_739] {strides = array<i32>} : memref<2x1024xf32, #tpu.memory_space<vmem>>, vector<1x16xf32>,
        %get3A_741 = vector.shape_cast %get3A_740 : vector<1x16xf32> to vector<16xf32>
        %mul3A_742 = arith.constant 16 : i32
        %mul3A_743 = arith.muli %scan3A_588, %mul3A_742 : i32
        %add3A_744 = arith.constant 14 : i32
        %add3A_745 = arith.addi %mul3A_743, %add3A_744 : i32
        %mul3A_746 = arith.constant 16 : i32
        %mul3A_747 = arith.muli %add3A_745, %mul3A_746 : i32
        %get3A_748 = arith.constant 0 : i32
        %get3A_749 = arith.index_cast %get3A_748 : i32 to index
        %get3A_750 = arith.index_cast %mul3A_747 : i32 to index
        %get3A_751 = tpu.vector_load %arg15[%get3A_749, %get3A_750] {strides = array<i32>} : memref<2x1024xf32, #tpu.memory_space<vmem>>, vector<1x16xf32>,
        %get3A_752 = vector.shape_cast %get3A_751 : vector<1x16xf32> to vector<16xf32>
        %mul3A_753 = arith.constant 16 : i32
        %mul3A_754 = arith.muli %scan3A_588, %mul3A_753 : i32
        %add3A_755 = arith.constant 15 : i32
        %add3A_756 = arith.addi %mul3A_754, %add3A_755 : i32
        %mul3A_757 = arith.constant 16 : i32
        %mul3A_758 = arith.muli %add3A_756, %mul3A_757 : i32
        %get3A_759 = arith.constant 0 : i32
        %get3A_760 = arith.index_cast %get3A_759 : i32 to index
        %get3A_761 = arith.index_cast %mul3A_758 : i32 to index
        %get3A_762 = tpu.vector_load %arg15[%get3A_760, %get3A_761] {strides = array<i32>} : memref<2x1024xf32, #tpu.memory_space<vmem>>, vector<1x16xf32>,
        %get3A_763 = vector.shape_cast %get3A_762 : vector<1x16xf32> to vector<16xf32>
        %add3A_764 = arith.constant 8 : i32
        %add3A_765 = vector.broadcast %add3A_764 : i32 to vector<16xi32>
        %add3A_766 = arith.addi %iota3A, %add3A_765 : vector<16xi32>
        %jit3A_767 = arith.constant 16 : i32
        %eq3A_768 = arith.constant 0 : i32
        %eq3A_769 = arith.cmpi eq, %jit3A_767, %eq3A_768 : i32
        %jit3A_770 = arith.constant 1 : i32
        %select_n3A_771 = arith.select %eq3A_769, %jit3A_770, %jit3A_767 : i32
        %rem3A_772 = vector.broadcast %select_n3A_771 : i32 to vector<16xi32>
        %rem3A_773 = arith.remsi %add3A_766, %rem3A_772 : vector<16xi32>
        %ne3A_774 = arith.constant 0 : i32
        %ne3A_775 = vector.broadcast %ne3A_774 : i32 to vector<16xi32>
        %ne3A_776 = arith.cmpi ne, %rem3A_773, %ne3A_775 : vector<16xi32>
        %lt3A_777 = arith.constant 0 : i32
        %lt3A_778 = vector.broadcast %lt3A_777 : i32 to vector<16xi32>
        %lt3A_779 = arith.cmpi slt, %rem3A_773, %lt3A_778 : vector<16xi32>
        %lt3A_780 = arith.constant 0 : i32
        %lt3A_781 = arith.cmpi slt, %select_n3A_771, %lt3A_780 : i32
        %ne3A_782 = vector.broadcast %lt3A_781 : i1 to vector<16xi1>
        %ne3A_783 = vector.broadcast %ne3A_782 : vector<16xi1> to vector<16xi1>
        %ne3A_784 = arith.xori %lt3A_779, %ne3A_783 : vector<16xi1>
        %and3A_785 = arith.andi %ne3A_784, %ne3A_776 : vector<16xi1>
        %add3A_786 = vector.broadcast %select_n3A_771 : i32 to vector<16xi32>
        %add3A_787 = arith.addi %rem3A_773, %add3A_786 : vector<16xi32>
        %select_n3A_788 = arith.select %and3A_785, %add3A_787, %rem3A_773 : vector<16xi1>, vector<16xi32>
        %sub3A_789 = arith.constant 8 : i32
        %sub3A_790 = vector.broadcast %sub3A_789 : i32 to vector<16xi32>
        %sub3A_791 = arith.subi %iota3A, %sub3A_790 : vector<16xi32>
        %jit3A_792 = arith.constant 16 : i32
        %eq3A_793 = arith.constant 0 : i32
        %eq3A_794 = arith.cmpi eq, %jit3A_792, %eq3A_793 : i32
        %jit3A_795 = arith.constant 1 : i32
        %select_n3A_796 = arith.select %eq3A_794, %jit3A_795, %jit3A_792 : i32
        %rem3A_797 = vector.broadcast %select_n3A_796 : i32 to vector<16xi32>
        %rem3A_798 = arith.remsi %sub3A_791, %rem3A_797 : vector<16xi32>
        %ne3A_799 = arith.constant 0 : i32
        %ne3A_800 = vector.broadcast %ne3A_799 : i32 to vector<16xi32>
        %ne3A_801 = arith.cmpi ne, %rem3A_798, %ne3A_800 : vector<16xi32>
        %lt3A_802 = arith.constant 0 : i32
        %lt3A_803 = vector.broadcast %lt3A_802 : i32 to vector<16xi32>
        %lt3A_804 = arith.cmpi slt, %rem3A_798, %lt3A_803 : vector<16xi32>
        %lt3A_805 = arith.constant 0 : i32
        %lt3A_806 = arith.cmpi slt, %select_n3A_796, %lt3A_805 : i32
        %ne3A_807 = vector.broadcast %lt3A_806 : i1 to vector<16xi1>
        %ne3A_808 = vector.broadcast %ne3A_807 : vector<16xi1> to vector<16xi1>
        %ne3A_809 = arith.xori %lt3A_804, %ne3A_808 : vector<16xi1>
        %and3A_810 = arith.andi %ne3A_809, %ne3A_801 : vector<16xi1>
        %add3A_811 = vector.broadcast %select_n3A_796 : i32 to vector<16xi32>
        %add3A_812 = arith.addi %rem3A_798, %add3A_811 : vector<16xi32>
        %select_n3A_813 = arith.select %and3A_810, %add3A_812, %rem3A_798 : vector<16xi1>, vector<16xi32>
        %broadcast_in_dim3A = vector.shape_cast %select_n3A_788 : vector<16xi32> to vector<16x1xi32>
        %gather3A = vector.shape_cast %broadcast_in_dim3A : vector<16x1xi32> to vector<16xi32>
        %gather3A_814 = tpu.dynamic_gather %get3A_598[%gather3A] in [0] : vector<16xf32>, vector<16xi32> -> vector<16xf32>
        %add3A_815 = arith.addf %get3A_598, %gather3A_814 : vector<16xf32>
        %broadcast_in_dim3A_816 = vector.shape_cast %select_n3A_813 : vector<16xi32> to vector<16x1xi32>
        %gather3A_817 = vector.shape_cast %broadcast_in_dim3A_816 : vector<16x1xi32> to vector<16xi32>
        %gather3A_818 = tpu.dynamic_gather %get3A_609[%gather3A_817] in [0] : vector<16xf32>, vector<16xi32> -> vector<16xf32>
        %add3A_819 = arith.addf %get3A_609, %gather3A_818 : vector<16xf32>
        %select_n3A_820 = arith.select %lt3A_20, %add3A_815, %add3A_819 : vector<16xi1>, vector<16xf32>
        %broadcast_in_dim3A_821 = vector.shape_cast %select_n3A_788 : vector<16xi32> to vector<16x1xi32>
        %gather3A_822 = vector.shape_cast %broadcast_in_dim3A_821 : vector<16x1xi32> to vector<16xi32>
        %gather3A_823 = tpu.dynamic_gather %get3A_620[%gather3A_822] in [0] : vector<16xf32>, vector<16xi32> -> vector<16xf32>
        %add3A_824 = arith.addf %get3A_620, %gather3A_823 : vector<16xf32>
        %broadcast_in_dim3A_825 = vector.shape_cast %select_n3A_813 : vector<16xi32> to vector<16x1xi32>
        %gather3A_826 = vector.shape_cast %broadcast_in_dim3A_825 : vector<16x1xi32> to vector<16xi32>
        %gather3A_827 = tpu.dynamic_gather %get3A_631[%gather3A_826] in [0] : vector<16xf32>, vector<16xi32> -> vector<16xf32>
        %add3A_828 = arith.addf %get3A_631, %gather3A_827 : vector<16xf32>
        %select_n3A_829 = arith.select %lt3A_20, %add3A_824, %add3A_828 : vector<16xi1>, vector<16xf32>
        %broadcast_in_dim3A_830 = vector.shape_cast %select_n3A_788 : vector<16xi32> to vector<16x1xi32>
        %gather3A_831 = vector.shape_cast %broadcast_in_dim3A_830 : vector<16x1xi32> to vector<16xi32>
        %gather3A_832 = tpu.dynamic_gather %get3A_642[%gather3A_831] in [0] : vector<16xf32>, vector<16xi32> -> vector<16xf32>
        %add3A_833 = arith.addf %get3A_642, %gather3A_832 : vector<16xf32>
        %broadcast_in_dim3A_834 = vector.shape_cast %select_n3A_813 : vector<16xi32> to vector<16x1xi32>
        %gather3A_835 = vector.shape_cast %broadcast_in_dim3A_834 : vector<16x1xi32> to vector<16xi32>
        %gather3A_836 = tpu.dynamic_gather %get3A_653[%gather3A_835] in [0] : vector<16xf32>, vector<16xi32> -> vector<16xf32>
        %add3A_837 = arith.addf %get3A_653, %gather3A_836 : vector<16xf32>
        %select_n3A_838 = arith.select %lt3A_20, %add3A_833, %add3A_837 : vector<16xi1>, vector<16xf32>
        %broadcast_in_dim3A_839 = vector.shape_cast %select_n3A_788 : vector<16xi32> to vector<16x1xi32>
        %gather3A_840 = vector.shape_cast %broadcast_in_dim3A_839 : vector<16x1xi32> to vector<16xi32>
        %gather3A_841 = tpu.dynamic_gather %get3A_664[%gather3A_840] in [0] : vector<16xf32>, vector<16xi32> -> vector<16xf32>
        %add3A_842 = arith.addf %get3A_664, %gather3A_841 : vector<16xf32>
        %broadcast_in_dim3A_843 = vector.shape_cast %select_n3A_813 : vector<16xi32> to vector<16x1xi32>
        %gather3A_844 = vector.shape_cast %broadcast_in_dim3A_843 : vector<16x1xi32> to vector<16xi32>
        %gather3A_845 = tpu.dynamic_gather %get3A_675[%gather3A_844] in [0] : vector<16xf32>, vector<16xi32> -> vector<16xf32>
        %add3A_846 = arith.addf %get3A_675, %gather3A_845 : vector<16xf32>
        %select_n3A_847 = arith.select %lt3A_20, %add3A_842, %add3A_846 : vector<16xi1>, vector<16xf32>
        %broadcast_in_dim3A_848 = vector.shape_cast %select_n3A_788 : vector<16xi32> to vector<16x1xi32>
        %gather3A_849 = vector.shape_cast %broadcast_in_dim3A_848 : vector<16x1xi32> to vector<16xi32>
        %gather3A_850 = tpu.dynamic_gather %get3A_686[%gather3A_849] in [0] : vector<16xf32>, vector<16xi32> -> vector<16xf32>
        %add3A_851 = arith.addf %get3A_686, %gather3A_850 : vector<16xf32>
        %broadcast_in_dim3A_852 = vector.shape_cast %select_n3A_813 : vector<16xi32> to vector<16x1xi32>
        %gather3A_853 = vector.shape_cast %broadcast_in_dim3A_852 : vector<16x1xi32> to vector<16xi32>
        %gather3A_854 = tpu.dynamic_gather %get3A_697[%gather3A_853] in [0] : vector<16xf32>, vector<16xi32> -> vector<16xf32>
        %add3A_855 = arith.addf %get3A_697, %gather3A_854 : vector<16xf32>
        %select_n3A_856 = arith.select %lt3A_20, %add3A_851, %add3A_855 : vector<16xi1>, vector<16xf32>
        %broadcast_in_dim3A_857 = vector.shape_cast %select_n3A_788 : vector<16xi32> to vector<16x1xi32>
        %gather3A_858 = vector.shape_cast %broadcast_in_dim3A_857 : vector<16x1xi32> to vector<16xi32>
        %gather3A_859 = tpu.dynamic_gather %get3A_708[%gather3A_858] in [0] : vector<16xf32>, vector<16xi32> -> vector<16xf32>
        %add3A_860 = arith.addf %get3A_708, %gather3A_859 : vector<16xf32>
        %broadcast_in_dim3A_861 = vector.shape_cast %select_n3A_813 : vector<16xi32> to vector<16x1xi32>
        %gather3A_862 = vector.shape_cast %broadcast_in_dim3A_861 : vector<16x1xi32> to vector<16xi32>
        %gather3A_863 = tpu.dynamic_gather %get3A_719[%gather3A_862] in [0] : vector<16xf32>, vector<16xi32> -> vector<16xf32>
        %add3A_864 = arith.addf %get3A_719, %gather3A_863 : vector<16xf32>
        %select_n3A_865 = arith.select %lt3A_20, %add3A_860, %add3A_864 : vector<16xi1>, vector<16xf32>
        %broadcast_in_dim3A_866 = vector.shape_cast %select_n3A_788 : vector<16xi32> to vector<16x1xi32>
        %gather3A_867 = vector.shape_cast %broadcast_in_dim3A_866 : vector<16x1xi32> to vector<16xi32>
        %gather3A_868 = tpu.dynamic_gather %get3A_730[%gather3A_867] in [0] : vector<16xf32>, vector<16xi32> -> vector<16xf32>
        %add3A_869 = arith.addf %get3A_730, %gather3A_868 : vector<16xf32>
        %broadcast_in_dim3A_870 = vector.shape_cast %select_n3A_813 : vector<16xi32> to vector<16x1xi32>
        %gather3A_871 = vector.shape_cast %broadcast_in_dim3A_870 : vector<16x1xi32> to vector<16xi32>
        %gather3A_872 = tpu.dynamic_gather %get3A_741[%gather3A_871] in [0] : vector<16xf32>, vector<16xi32> -> vector<16xf32>
        %add3A_873 = arith.addf %get3A_741, %gather3A_872 : vector<16xf32>
        %select_n3A_874 = arith.select %lt3A_20, %add3A_869, %add3A_873 : vector<16xi1>, vector<16xf32>
        %broadcast_in_dim3A_875 = vector.shape_cast %select_n3A_788 : vector<16xi32> to vector<16x1xi32>
        %gather3A_876 = vector.shape_cast %broadcast_in_dim3A_875 : vector<16x1xi32> to vector<16xi32>
        %gather3A_877 = tpu.dynamic_gather %get3A_752[%gather3A_876] in [0] : vector<16xf32>, vector<16xi32> -> vector<16xf32>
        %add3A_878 = arith.addf %get3A_752, %gather3A_877 : vector<16xf32>
        %broadcast_in_dim3A_879 = vector.shape_cast %select_n3A_813 : vector<16xi32> to vector<16x1xi32>
        %gather3A_880 = vector.shape_cast %broadcast_in_dim3A_879 : vector<16x1xi32> to vector<16xi32>
        %gather3A_881 = tpu.dynamic_gather %get3A_763[%gather3A_880] in [0] : vector<16xf32>, vector<16xi32> -> vector<16xf32>
        %add3A_882 = arith.addf %get3A_763, %gather3A_881 : vector<16xf32>
        %select_n3A_883 = arith.select %lt3A_20, %add3A_878, %add3A_882 : vector<16xi1>, vector<16xf32>
        %add3A_884 = arith.constant 4 : i32
        %add3A_885 = vector.broadcast %add3A_884 : i32 to vector<16xi32>
        %add3A_886 = arith.addi %iota3A, %add3A_885 : vector<16xi32>
        %jit3A_887 = arith.constant 16 : i32
        %eq3A_888 = arith.constant 0 : i32
        %eq3A_889 = arith.cmpi eq, %jit3A_887, %eq3A_888 : i32
        %jit3A_890 = arith.constant 1 : i32
        %select_n3A_891 = arith.select %eq3A_889, %jit3A_890, %jit3A_887 : i32
        %rem3A_892 = vector.broadcast %select_n3A_891 : i32 to vector<16xi32>
        %rem3A_893 = arith.remsi %add3A_886, %rem3A_892 : vector<16xi32>
        %ne3A_894 = arith.constant 0 : i32
        %ne3A_895 = vector.broadcast %ne3A_894 : i32 to vector<16xi32>
        %ne3A_896 = arith.cmpi ne, %rem3A_893, %ne3A_895 : vector<16xi32>
        %lt3A_897 = arith.constant 0 : i32
        %lt3A_898 = vector.broadcast %lt3A_897 : i32 to vector<16xi32>
        %lt3A_899 = arith.cmpi slt, %rem3A_893, %lt3A_898 : vector<16xi32>
        %lt3A_900 = arith.constant 0 : i32
        %lt3A_901 = arith.cmpi slt, %select_n3A_891, %lt3A_900 : i32
        %ne3A_902 = vector.broadcast %lt3A_901 : i1 to vector<16xi1>
        %ne3A_903 = vector.broadcast %ne3A_902 : vector<16xi1> to vector<16xi1>
        %ne3A_904 = arith.xori %lt3A_899, %ne3A_903 : vector<16xi1>
        %and3A_905 = arith.andi %ne3A_904, %ne3A_896 : vector<16xi1>
        %add3A_906 = vector.broadcast %select_n3A_891 : i32 to vector<16xi32>
        %add3A_907 = arith.addi %rem3A_893, %add3A_906 : vector<16xi32>
        %select_n3A_908 = arith.select %and3A_905, %add3A_907, %rem3A_893 : vector<16xi1>, vector<16xi32>
        %sub3A_909 = arith.constant 4 : i32
        %sub3A_910 = vector.broadcast %sub3A_909 : i32 to vector<16xi32>
        %sub3A_911 = arith.subi %iota3A, %sub3A_910 : vector<16xi32>
        %jit3A_912 = arith.constant 16 : i32
        %eq3A_913 = arith.constant 0 : i32
        %eq3A_914 = arith.cmpi eq, %jit3A_912, %eq3A_913 : i32
        %jit3A_915 = arith.constant 1 : i32
        %select_n3A_916 = arith.select %eq3A_914, %jit3A_915, %jit3A_912 : i32
        %rem3A_917 = vector.broadcast %select_n3A_916 : i32 to vector<16xi32>
        %rem3A_918 = arith.remsi %sub3A_911, %rem3A_917 : vector<16xi32>
        %ne3A_919 = arith.constant 0 : i32
        %ne3A_920 = vector.broadcast %ne3A_919 : i32 to vector<16xi32>
        %ne3A_921 = arith.cmpi ne, %rem3A_918, %ne3A_920 : vector<16xi32>
        %lt3A_922 = arith.constant 0 : i32
        %lt3A_923 = vector.broadcast %lt3A_922 : i32 to vector<16xi32>
        %lt3A_924 = arith.cmpi slt, %rem3A_918, %lt3A_923 : vector<16xi32>
        %lt3A_925 = arith.constant 0 : i32
        %lt3A_926 = arith.cmpi slt, %select_n3A_916, %lt3A_925 : i32
        %ne3A_927 = vector.broadcast %lt3A_926 : i1 to vector<16xi1>
        %ne3A_928 = vector.broadcast %ne3A_927 : vector<16xi1> to vector<16xi1>
        %ne3A_929 = arith.xori %lt3A_924, %ne3A_928 : vector<16xi1>
        %and3A_930 = arith.andi %ne3A_929, %ne3A_921 : vector<16xi1>
        %add3A_931 = vector.broadcast %select_n3A_916 : i32 to vector<16xi32>
        %add3A_932 = arith.addi %rem3A_918, %add3A_931 : vector<16xi32>
        %select_n3A_933 = arith.select %and3A_930, %add3A_932, %rem3A_918 : vector<16xi1>, vector<16xi32>
        %broadcast_in_dim3A_934 = vector.shape_cast %select_n3A_908 : vector<16xi32> to vector<16x1xi32>
        %gather3A_935 = vector.shape_cast %broadcast_in_dim3A_934 : vector<16x1xi32> to vector<16xi32>
        %gather3A_936 = tpu.dynamic_gather %select_n3A_820[%gather3A_935] in [0] : vector<16xf32>, vector<16xi32> -> vector<16xf32>
        %add3A_937 = arith.addf %select_n3A_820, %gather3A_936 : vector<16xf32>
        %broadcast_in_dim3A_938 = vector.shape_cast %select_n3A_933 : vector<16xi32> to vector<16x1xi32>
        %gather3A_939 = vector.shape_cast %broadcast_in_dim3A_938 : vector<16x1xi32> to vector<16xi32>
        %gather3A_940 = tpu.dynamic_gather %select_n3A_829[%gather3A_939] in [0] : vector<16xf32>, vector<16xi32> -> vector<16xf32>
        %add3A_941 = arith.addf %select_n3A_829, %gather3A_940 : vector<16xf32>
        %select_n3A_942 = arith.select %lt3A_45, %add3A_937, %add3A_941 : vector<16xi1>, vector<16xf32>
        %broadcast_in_dim3A_943 = vector.shape_cast %select_n3A_908 : vector<16xi32> to vector<16x1xi32>
        %gather3A_944 = vector.shape_cast %broadcast_in_dim3A_943 : vector<16x1xi32> to vector<16xi32>
        %gather3A_945 = tpu.dynamic_gather %select_n3A_838[%gather3A_944] in [0] : vector<16xf32>, vector<16xi32> -> vector<16xf32>
        %add3A_946 = arith.addf %select_n3A_838, %gather3A_945 : vector<16xf32>
        %broadcast_in_dim3A_947 = vector.shape_cast %select_n3A_933 : vector<16xi32> to vector<16x1xi32>
        %gather3A_948 = vector.shape_cast %broadcast_in_dim3A_947 : vector<16x1xi32> to vector<16xi32>
        %gather3A_949 = tpu.dynamic_gather %select_n3A_847[%gather3A_948] in [0] : vector<16xf32>, vector<16xi32> -> vector<16xf32>
        %add3A_950 = arith.addf %select_n3A_847, %gather3A_949 : vector<16xf32>
        %select_n3A_951 = arith.select %lt3A_45, %add3A_946, %add3A_950 : vector<16xi1>, vector<16xf32>
        %broadcast_in_dim3A_952 = vector.shape_cast %select_n3A_908 : vector<16xi32> to vector<16x1xi32>
        %gather3A_953 = vector.shape_cast %broadcast_in_dim3A_952 : vector<16x1xi32> to vector<16xi32>
        %gather3A_954 = tpu.dynamic_gather %select_n3A_856[%gather3A_953] in [0] : vector<16xf32>, vector<16xi32> -> vector<16xf32>
        %add3A_955 = arith.addf %select_n3A_856, %gather3A_954 : vector<16xf32>
        %broadcast_in_dim3A_956 = vector.shape_cast %select_n3A_933 : vector<16xi32> to vector<16x1xi32>
        %gather3A_957 = vector.shape_cast %broadcast_in_dim3A_956 : vector<16x1xi32> to vector<16xi32>
        %gather3A_958 = tpu.dynamic_gather %select_n3A_865[%gather3A_957] in [0] : vector<16xf32>, vector<16xi32> -> vector<16xf32>
        %add3A_959 = arith.addf %select_n3A_865, %gather3A_958 : vector<16xf32>
        %select_n3A_960 = arith.select %lt3A_45, %add3A_955, %add3A_959 : vector<16xi1>, vector<16xf32>
        %broadcast_in_dim3A_961 = vector.shape_cast %select_n3A_908 : vector<16xi32> to vector<16x1xi32>
        %gather3A_962 = vector.shape_cast %broadcast_in_dim3A_961 : vector<16x1xi32> to vector<16xi32>
        %gather3A_963 = tpu.dynamic_gather %select_n3A_874[%gather3A_962] in [0] : vector<16xf32>, vector<16xi32> -> vector<16xf32>
        %add3A_964 = arith.addf %select_n3A_874, %gather3A_963 : vector<16xf32>
        %broadcast_in_dim3A_965 = vector.shape_cast %select_n3A_933 : vector<16xi32> to vector<16x1xi32>
        %gather3A_966 = vector.shape_cast %broadcast_in_dim3A_965 : vector<16x1xi32> to vector<16xi32>
        %gather3A_967 = tpu.dynamic_gather %select_n3A_883[%gather3A_966] in [0] : vector<16xf32>, vector<16xi32> -> vector<16xf32>
        %add3A_968 = arith.addf %select_n3A_883, %gather3A_967 : vector<16xf32>
        %select_n3A_969 = arith.select %lt3A_45, %add3A_964, %add3A_968 : vector<16xi1>, vector<16xf32>
        %add3A_970 = arith.constant 2 : i32
        %add3A_971 = vector.broadcast %add3A_970 : i32 to vector<16xi32>
        %add3A_972 = arith.addi %iota3A, %add3A_971 : vector<16xi32>
        %jit3A_973 = arith.constant 16 : i32
        %eq3A_974 = arith.constant 0 : i32
        %eq3A_975 = arith.cmpi eq, %jit3A_973, %eq3A_974 : i32
        %jit3A_976 = arith.constant 1 : i32
        %select_n3A_977 = arith.select %eq3A_975, %jit3A_976, %jit3A_973 : i32
        %rem3A_978 = vector.broadcast %select_n3A_977 : i32 to vector<16xi32>
        %rem3A_979 = arith.remsi %add3A_972, %rem3A_978 : vector<16xi32>
        %ne3A_980 = arith.constant 0 : i32
        %ne3A_981 = vector.broadcast %ne3A_980 : i32 to vector<16xi32>
        %ne3A_982 = arith.cmpi ne, %rem3A_979, %ne3A_981 : vector<16xi32>
        %lt3A_983 = arith.constant 0 : i32
        %lt3A_984 = vector.broadcast %lt3A_983 : i32 to vector<16xi32>
        %lt3A_985 = arith.cmpi slt, %rem3A_979, %lt3A_984 : vector<16xi32>
        %lt3A_986 = arith.constant 0 : i32
        %lt3A_987 = arith.cmpi slt, %select_n3A_977, %lt3A_986 : i32
        %ne3A_988 = vector.broadcast %lt3A_987 : i1 to vector<16xi1>
        %ne3A_989 = vector.broadcast %ne3A_988 : vector<16xi1> to vector<16xi1>
        %ne3A_990 = arith.xori %lt3A_985, %ne3A_989 : vector<16xi1>
        %and3A_991 = arith.andi %ne3A_990, %ne3A_982 : vector<16xi1>
        %add3A_992 = vector.broadcast %select_n3A_977 : i32 to vector<16xi32>
        %add3A_993 = arith.addi %rem3A_979, %add3A_992 : vector<16xi32>
        %select_n3A_994 = arith.select %and3A_991, %add3A_993, %rem3A_979 : vector<16xi1>, vector<16xi32>
        %sub3A_995 = arith.constant 2 : i32
        %sub3A_996 = vector.broadcast %sub3A_995 : i32 to vector<16xi32>
        %sub3A_997 = arith.subi %iota3A, %sub3A_996 : vector<16xi32>
        %jit3A_998 = arith.constant 16 : i32
        %eq3A_999 = arith.constant 0 : i32
        %eq3A_1000 = arith.cmpi eq, %jit3A_998, %eq3A_999 : i32
        %jit3A_1001 = arith.constant 1 : i32
        %select_n3A_1002 = arith.select %eq3A_1000, %jit3A_1001, %jit3A_998 : i32
        %rem3A_1003 = vector.broadcast %select_n3A_1002 : i32 to vector<16xi32>
        %rem3A_1004 = arith.remsi %sub3A_997, %rem3A_1003 : vector<16xi32>
        %ne3A_1005 = arith.constant 0 : i32
        %ne3A_1006 = vector.broadcast %ne3A_1005 : i32 to vector<16xi32>
        %ne3A_1007 = arith.cmpi ne, %rem3A_1004, %ne3A_1006 : vector<16xi32>
        %lt3A_1008 = arith.constant 0 : i32
        %lt3A_1009 = vector.broadcast %lt3A_1008 : i32 to vector<16xi32>
        %lt3A_1010 = arith.cmpi slt, %rem3A_1004, %lt3A_1009 : vector<16xi32>
        %lt3A_1011 = arith.constant 0 : i32
        %lt3A_1012 = arith.cmpi slt, %select_n3A_1002, %lt3A_1011 : i32
        %ne3A_1013 = vector.broadcast %lt3A_1012 : i1 to vector<16xi1>
        %ne3A_1014 = vector.broadcast %ne3A_1013 : vector<16xi1> to vector<16xi1>
        %ne3A_1015 = arith.xori %lt3A_1010, %ne3A_1014 : vector<16xi1>
        %and3A_1016 = arith.andi %ne3A_1015, %ne3A_1007 : vector<16xi1>
        %add3A_1017 = vector.broadcast %select_n3A_1002 : i32 to vector<16xi32>
        %add3A_1018 = arith.addi %rem3A_1004, %add3A_1017 : vector<16xi32>
        %select_n3A_1019 = arith.select %and3A_1016, %add3A_1018, %rem3A_1004 : vector<16xi1>, vector<16xi32>
        %broadcast_in_dim3A_1020 = vector.shape_cast %select_n3A_994 : vector<16xi32> to vector<16x1xi32>
        %gather3A_1021 = vector.shape_cast %broadcast_in_dim3A_1020 : vector<16x1xi32> to vector<16xi32>
        %gather3A_1022 = tpu.dynamic_gather %select_n3A_942[%gather3A_1021] in [0] : vector<16xf32>, vector<16xi32> -> vector<16xf32>
        %add3A_1023 = arith.addf %select_n3A_942, %gather3A_1022 : vector<16xf32>
        %broadcast_in_dim3A_1024 = vector.shape_cast %select_n3A_1019 : vector<16xi32> to vector<16x1xi32>
        %gather3A_1025 = vector.shape_cast %broadcast_in_dim3A_1024 : vector<16x1xi32> to vector<16xi32>
        %gather3A_1026 = tpu.dynamic_gather %select_n3A_951[%gather3A_1025] in [0] : vector<16xf32>, vector<16xi32> -> vector<16xf32>
        %add3A_1027 = arith.addf %select_n3A_951, %gather3A_1026 : vector<16xf32>
        %select_n3A_1028 = arith.select %lt3A_70, %add3A_1023, %add3A_1027 : vector<16xi1>, vector<16xf32>
        %broadcast_in_dim3A_1029 = vector.shape_cast %select_n3A_994 : vector<16xi32> to vector<16x1xi32>
        %gather3A_1030 = vector.shape_cast %broadcast_in_dim3A_1029 : vector<16x1xi32> to vector<16xi32>
        %gather3A_1031 = tpu.dynamic_gather %select_n3A_960[%gather3A_1030] in [0] : vector<16xf32>, vector<16xi32> -> vector<16xf32>
        %add3A_1032 = arith.addf %select_n3A_960, %gather3A_1031 : vector<16xf32>
        %broadcast_in_dim3A_1033 = vector.shape_cast %select_n3A_1019 : vector<16xi32> to vector<16x1xi32>
        %gather3A_1034 = vector.shape_cast %broadcast_in_dim3A_1033 : vector<16x1xi32> to vector<16xi32>
        %gather3A_1035 = tpu.dynamic_gather %select_n3A_969[%gather3A_1034] in [0] : vector<16xf32>, vector<16xi32> -> vector<16xf32>
        %add3A_1036 = arith.addf %select_n3A_969, %gather3A_1035 : vector<16xf32>
        %select_n3A_1037 = arith.select %lt3A_70, %add3A_1032, %add3A_1036 : vector<16xi1>, vector<16xf32>
        %add3A_1038 = arith.constant 1 : i32
        %add3A_1039 = vector.broadcast %add3A_1038 : i32 to vector<16xi32>
        %add3A_1040 = arith.addi %iota3A, %add3A_1039 : vector<16xi32>
        %jit3A_1041 = arith.constant 16 : i32
        %eq3A_1042 = arith.constant 0 : i32
        %eq3A_1043 = arith.cmpi eq, %jit3A_1041, %eq3A_1042 : i32
        %jit3A_1044 = arith.constant 1 : i32
        %select_n3A_1045 = arith.select %eq3A_1043, %jit3A_1044, %jit3A_1041 : i32
        %rem3A_1046 = vector.broadcast %select_n3A_1045 : i32 to vector<16xi32>
        %rem3A_1047 = arith.remsi %add3A_1040, %rem3A_1046 : vector<16xi32>
        %ne3A_1048 = arith.constant 0 : i32
        %ne3A_1049 = vector.broadcast %ne3A_1048 : i32 to vector<16xi32>
        %ne3A_1050 = arith.cmpi ne, %rem3A_1047, %ne3A_1049 : vector<16xi32>
        %lt3A_1051 = arith.constant 0 : i32
        %lt3A_1052 = vector.broadcast %lt3A_1051 : i32 to vector<16xi32>
        %lt3A_1053 = arith.cmpi slt, %rem3A_1047, %lt3A_1052 : vector<16xi32>
        %lt3A_1054 = arith.constant 0 : i32
        %lt3A_1055 = arith.cmpi slt, %select_n3A_1045, %lt3A_1054 : i32
        %ne3A_1056 = vector.broadcast %lt3A_1055 : i1 to vector<16xi1>
        %ne3A_1057 = vector.broadcast %ne3A_1056 : vector<16xi1> to vector<16xi1>
        %ne3A_1058 = arith.xori %lt3A_1053, %ne3A_1057 : vector<16xi1>
        %and3A_1059 = arith.andi %ne3A_1058, %ne3A_1050 : vector<16xi1>
        %add3A_1060 = vector.broadcast %select_n3A_1045 : i32 to vector<16xi32>
        %add3A_1061 = arith.addi %rem3A_1047, %add3A_1060 : vector<16xi32>
        %select_n3A_1062 = arith.select %and3A_1059, %add3A_1061, %rem3A_1047 : vector<16xi1>, vector<16xi32>
        %sub3A_1063 = arith.constant 1 : i32
        %sub3A_1064 = vector.broadcast %sub3A_1063 : i32 to vector<16xi32>
        %sub3A_1065 = arith.subi %iota3A, %sub3A_1064 : vector<16xi32>
        %jit3A_1066 = arith.constant 16 : i32
        %eq3A_1067 = arith.constant 0 : i32
        %eq3A_1068 = arith.cmpi eq, %jit3A_1066, %eq3A_1067 : i32
        %jit3A_1069 = arith.constant 1 : i32
        %select_n3A_1070 = arith.select %eq3A_1068, %jit3A_1069, %jit3A_1066 : i32
        %rem3A_1071 = vector.broadcast %select_n3A_1070 : i32 to vector<16xi32>
        %rem3A_1072 = arith.remsi %sub3A_1065, %rem3A_1071 : vector<16xi32>
        %ne3A_1073 = arith.constant 0 : i32
        %ne3A_1074 = vector.broadcast %ne3A_1073 : i32 to vector<16xi32>
        %ne3A_1075 = arith.cmpi ne, %rem3A_1072, %ne3A_1074 : vector<16xi32>
        %lt3A_1076 = arith.constant 0 : i32
        %lt3A_1077 = vector.broadcast %lt3A_1076 : i32 to vector<16xi32>
        %lt3A_1078 = arith.cmpi slt, %rem3A_1072, %lt3A_1077 : vector<16xi32>
        %lt3A_1079 = arith.constant 0 : i32
        %lt3A_1080 = arith.cmpi slt, %select_n3A_1070, %lt3A_1079 : i32
        %ne3A_1081 = vector.broadcast %lt3A_1080 : i1 to vector<16xi1>
        %ne3A_1082 = vector.broadcast %ne3A_1081 : vector<16xi1> to vector<16xi1>
        %ne3A_1083 = arith.xori %lt3A_1078, %ne3A_1082 : vector<16xi1>
        %and3A_1084 = arith.andi %ne3A_1083, %ne3A_1075 : vector<16xi1>
        %add3A_1085 = vector.broadcast %select_n3A_1070 : i32 to vector<16xi32>
        %add3A_1086 = arith.addi %rem3A_1072, %add3A_1085 : vector<16xi32>
        %select_n3A_1087 = arith.select %and3A_1084, %add3A_1086, %rem3A_1072 : vector<16xi1>, vector<16xi32>
        %broadcast_in_dim3A_1088 = vector.shape_cast %select_n3A_1062 : vector<16xi32> to vector<16x1xi32>
        %gather3A_1089 = vector.shape_cast %broadcast_in_dim3A_1088 : vector<16x1xi32> to vector<16xi32>
        %gather3A_1090 = tpu.dynamic_gather %select_n3A_1028[%gather3A_1089] in [0] : vector<16xf32>, vector<16xi32> -> vector<16xf32>
        %add3A_1091 = arith.addf %select_n3A_1028, %gather3A_1090 : vector<16xf32>
        %broadcast_in_dim3A_1092 = vector.shape_cast %select_n3A_1087 : vector<16xi32> to vector<16x1xi32>
        %gather3A_1093 = vector.shape_cast %broadcast_in_dim3A_1092 : vector<16x1xi32> to vector<16xi32>
        %gather3A_1094 = tpu.dynamic_gather %select_n3A_1037[%gather3A_1093] in [0] : vector<16xf32>, vector<16xi32> -> vector<16xf32>
        %add3A_1095 = arith.addf %select_n3A_1037, %gather3A_1094 : vector<16xf32>
        %select_n3A_1096 = arith.select %lt3A_95, %add3A_1091, %add3A_1095 : vector<16xi1>, vector<16xf32>
        %broadcast_in_dim3A_1097 = vector.shape_cast %or3A_119 : vector<16xi32> to vector<16x1xi32>
        %gather3A_1098 = vector.shape_cast %broadcast_in_dim3A_1097 : vector<16x1xi32> to vector<16xi32>
        %gather3A_1099 = tpu.dynamic_gather %select_n3A_1096[%gather3A_1098] in [0] : vector<16xf32>, vector<16xi32> -> vector<16xf32>
        %mul3A_1100 = arith.constant 16 : i32
        %mul3A_1101 = arith.muli %scan3A_588, %mul3A_1100 : i32
        %swap3A = arith.constant 0 : i32
        %swap3A_1102 = arith.index_cast %swap3A : i32 to index
        %swap3A_1103 = arith.index_cast %mul3A_1101 : i32 to index
        %swap3A_1104 = tpu.vector_load %arg14[%swap3A_1102, %swap3A_1103] {strides = array<i32>} : memref<2x128xf32, #tpu.memory_space<vmem>>, vector<1x16xf32>,
        %swap3A_1105 = vector.shape_cast %swap3A_1104 : vector<1x16xf32> to vector<16xf32>
        %swap3A_1106 = vector.shape_cast %gather3A_1099 : vector<16xf32> to vector<1x16xf32>
        tpu.vector_store %arg14[%swap3A_1102, %swap3A_1103], %swap3A_1106 {strides = array<i32>} : memref<2x128xf32, #tpu.memory_space<vmem>>, vector<1x16xf32>,
      }
      %scan3A_397 = arith.constant 4 : i32
      %mul3A_398 = arith.constant 64 : i32
      %mul3A_399 = arith.muli %mul3A_241, %mul3A_398 : i32
      %add3A_400 = arith.addi %mul3A_2, %mul3A_399 : i32
      %dma_start3A_401 = arith.constant 0 : i32
      %dma_start3A_402 = arith.constant 0 : i32
      %dma_start3A_403 = tpu.memref_slice %arg14[%dma_start3A_401, %dma_start3A_402] : memref<2x128xf32, #tpu.memory_space<vmem>> -> memref<1x64xf32, #tpu.memory_space<vmem>>
      %dma_start3A_404 = tpu.memref_squeeze %dma_start3A_403 : memref<1x64xf32, #tpu.memory_space<vmem>> -> memref<64xf32, #tpu.memory_space<vmem>>
      %dma_start3A_405 = tpu.memref_slice %arg7[%add3A_400] : memref<409600xf32, #tpu.memory_space<hbm>> -> memref<64xf32, #tpu.memory_space<hbm>>
      %dma_start3A_406 = tpu.memref_slice %arg7[%add3A_400] : memref<409600xf32, #tpu.memory_space<hbm>> -> memref<64xf32, #tpu.memory_space<hbm>>
      %dma_start3A_407 = arith.constant 0 : i32
      %dma_start3A_408 = tpu.memref_slice %arg14[%dma_start3A_401, %dma_start3A_407] : memref<2x128xf32, #tpu.memory_space<vmem>> -> memref<1x64xf32, #tpu.memory_space<vmem>>
      %dma_start3A_409 = tpu.memref_squeeze %dma_start3A_408 : memref<1x64xf32, #tpu.memory_space<vmem>> -> memref<64xf32, #tpu.memory_space<vmem>>
      tpu.enqueue_dma source(%dma_start3A_409 : memref<64xf32, #tpu.memory_space<vmem>>) target(%dma_start3A_406 : memref<64xf32, #tpu.memory_space<hbm>>) target_semaphore(%arg19 : memref<!tpu.dma_semaphore, #tpu.memory_space<semaphore_mem>>)
      %mul3A_410 = arith.constant 2 : i32
      %mul3A_411 = arith.muli %mul3A_410, %scan3A_239 : i32
      %add3A_412 = arith.constant 1 : i32
      %add3A_413 = arith.addi %mul3A_411, %add3A_412 : i32
      %jit3A_414 = arith.constant 20 : i32
      %eq3A_415 = arith.constant 0 : i32
      %eq3A_416 = arith.cmpi eq, %jit3A_414, %eq3A_415 : i32
      %jit3A_417 = arith.constant 1 : i32
      %select_n3A_418 = arith.select %eq3A_416, %jit3A_417, %jit3A_414 : i32
      %rem3A_419 = arith.remsi %add3A_413, %select_n3A_418 : i32
      %ne3A_420 = arith.constant 0 : i32
      %ne3A_421 = arith.cmpi ne, %rem3A_419, %ne3A_420 : i32
      %lt3A_422 = arith.constant 0 : i32
      %lt3A_423 = arith.cmpi slt, %rem3A_419, %lt3A_422 : i32
      %lt3A_424 = arith.constant 0 : i32
      %lt3A_425 = arith.cmpi slt, %select_n3A_418, %lt3A_424 : i32
      %ne3A_426 = arith.xori %lt3A_423, %lt3A_425 : i1
      %and3A_427 = arith.andi %ne3A_426, %ne3A_421 : i1
      %add3A_428 = arith.addi %rem3A_419, %select_n3A_418 : i32
      %select_n3A_429 = arith.select %and3A_427, %add3A_428, %rem3A_419 : i32
      %eq3A_430 = arith.constant 0 : i32
      %eq3A_431 = arith.cmpi eq, %select_n3A_429, %eq3A_430 : i32
      %jit3A_432 = arith.constant 20 : i32
      %div3A_433 = arith.divsi %add3A_413, %jit3A_432 : i32
      %sign3A_434 = arith.constant 0 : i32
      %sign3A_435 = arith.cmpi sgt, %add3A_413, %sign3A_434 : i32
      %sign3A_436 = arith.extui %sign3A_435 : i1 to i32
      %sign3A_437 = arith.constant 0 : i32
      %sign3A_438 = arith.cmpi slt, %add3A_413, %sign3A_437 : i32
      %sign3A_439 = arith.extui %sign3A_438 : i1 to i32
      %sign3A_440 = arith.subi %sign3A_436, %sign3A_439 : i32
      %sign3A_441 = arith.constant 0 : i32
      %sign3A_442 = arith.cmpi sgt, %jit3A_432, %sign3A_441 : i32
      %sign3A_443 = arith.extui %sign3A_442 : i1 to i32
      %sign3A_444 = arith.constant 0 : i32
      %sign3A_445 = arith.cmpi slt, %jit3A_432, %sign3A_444 : i32
      %sign3A_446 = arith.extui %sign3A_445 : i1 to i32
      %sign3A_447 = arith.subi %sign3A_443, %sign3A_446 : i32
      %ne3A_448 = arith.cmpi ne, %sign3A_440, %sign3A_447 : i32
      %rem3A_449 = arith.remsi %add3A_413, %jit3A_432 : i32
      %ne3A_450 = arith.constant 0 : i32
      %ne3A_451 = arith.cmpi ne, %rem3A_449, %ne3A_450 : i32
      %and3A_452 = arith.andi %ne3A_448, %ne3A_451 : i1
      %sub3A_453 = arith.constant 1 : i32
      %sub3A_454 = arith.subi %div3A_433, %sub3A_453 : i32
      %select_n3A_455 = arith.select %and3A_452, %sub3A_454, %div3A_433 : i32
      %add3A_456 = arith.constant 1 : i32
      %add3A_457 = arith.addi %select_n3A_455, %add3A_456 : i32
      %lt3A_458 = arith.constant 10 : i32
      %lt3A_459 = arith.cmpi slt, %add3A_457, %lt3A_458 : i32
      %and3A_460 = arith.andi %eq3A_431, %lt3A_459 : i1
      %convert_element_type3A_461 = arith.extui %and3A_460 : i1 to i32
      %cond3A_462 = arith.constant 0 : i32
      %cond3A_463 = arith.cmpi ne, %convert_element_type3A_461, %cond3A_462 : i32
      scf.if %cond3A_463 {
        %jit3A_588 = arith.constant 20 : i32
        %div3A_589 = arith.divsi %add3A_413, %jit3A_588 : i32
        %sign3A_590 = arith.constant 0 : i32
        %sign3A_591 = arith.cmpi sgt, %add3A_413, %sign3A_590 : i32
        %sign3A_592 = arith.extui %sign3A_591 : i1 to i32
        %sign3A_593 = arith.constant 0 : i32
        %sign3A_594 = arith.cmpi slt, %add3A_413, %sign3A_593 : i32
        %sign3A_595 = arith.extui %sign3A_594 : i1 to i32
        %sign3A_596 = arith.subi %sign3A_592, %sign3A_595 : i32
        %sign3A_597 = arith.constant 0 : i32
        %sign3A_598 = arith.cmpi sgt, %jit3A_588, %sign3A_597 : i32
        %sign3A_599 = arith.extui %sign3A_598 : i1 to i32
        %sign3A_600 = arith.constant 0 : i32
        %sign3A_601 = arith.cmpi slt, %jit3A_588, %sign3A_600 : i32
        %sign3A_602 = arith.extui %sign3A_601 : i1 to i32
        %sign3A_603 = arith.subi %sign3A_599, %sign3A_602 : i32
        %ne3A_604 = arith.cmpi ne, %sign3A_596, %sign3A_603 : i32
        %rem3A_605 = arith.remsi %add3A_413, %jit3A_588 : i32
        %ne3A_606 = arith.constant 0 : i32
        %ne3A_607 = arith.cmpi ne, %rem3A_605, %ne3A_606 : i32
        %and3A_608 = arith.andi %ne3A_604, %ne3A_607 : i1
        %sub3A_609 = arith.constant 1 : i32
        %sub3A_610 = arith.subi %div3A_589, %sub3A_609 : i32
        %select_n3A_611 = arith.select %and3A_608, %sub3A_610, %div3A_589 : i32
        %add3A_612 = arith.constant 1 : i32
        %add3A_613 = arith.addi %select_n3A_611, %add3A_612 : i32
        %mul3A_614 = arith.constant 1280 : i32
        %mul3A_615 = arith.muli %add3A_613, %mul3A_614 : i32
        %add3A_616 = arith.addi %mul3A_2, %mul3A_615 : i32
        %jit3A_617 = arith.constant 2 : i32
        %eq3A_618 = arith.constant 0 : i32
        %eq3A_619 = arith.cmpi eq, %jit3A_617, %eq3A_618 : i32
        %jit3A_620 = arith.constant 1 : i32
        %select_n3A_621 = arith.select %eq3A_619, %jit3A_620, %jit3A_617 : i32
        %rem3A_622 = arith.remsi %add3A_613, %select_n3A_621 : i32
        %ne3A_623 = arith.constant 0 : i32
        %ne3A_624 = arith.cmpi ne, %rem3A_622, %ne3A_623 : i32
        %lt3A_625 = arith.constant 0 : i32
        %lt3A_626 = arith.cmpi slt, %rem3A_622, %lt3A_625 : i32
        %lt3A_627 = arith.constant 0 : i32
        %lt3A_628 = arith.cmpi slt, %select_n3A_621, %lt3A_627 : i32
        %ne3A_629 = arith.xori %lt3A_626, %lt3A_628 : i1
        %and3A_630 = arith.andi %ne3A_629, %ne3A_624 : i1
        %add3A_631 = arith.addi %rem3A_622, %select_n3A_621 : i32
        %select_n3A_632 = arith.select %and3A_630, %add3A_631, %rem3A_622 : i32
        %dma_start3A_633 = arith.constant 0 : i32
        %dma_start3A_634 = tpu.memref_slice %arg8[%select_n3A_632, %dma_start3A_633] : memref<2x1280xi32, #tpu.memory_space<vmem>> -> memref<1x1280xi32, #tpu.memory_space<vmem>>
        %dma_start3A_635 = tpu.memref_squeeze %dma_start3A_634 : memref<1x1280xi32, #tpu.memory_space<vmem>> -> memref<1280xi32, #tpu.memory_space<vmem>>
        %dma_start3A_636 = tpu.memref_slice %arg4[%add3A_616] : memref<409600xi32, #tpu.memory_space<hbm>> -> memref<1280xi32, #tpu.memory_space<hbm>>
        %dma_start3A_637 = arith.constant 0 : i32
        %dma_start3A_638 = tpu.memref_slice %arg8[%select_n3A_632, %dma_start3A_637] : memref<2x1280xi32, #tpu.memory_space<vmem>> -> memref<1x1280xi32, #tpu.memory_space<vmem>>
        %dma_start3A_639 = tpu.memref_squeeze %dma_start3A_638 : memref<1x1280xi32, #tpu.memory_space<vmem>> -> memref<1280xi32, #tpu.memory_space<vmem>>
        %dma_start3A_640 = tpu.memref_slice %arg4[%add3A_616] : memref<409600xi32, #tpu.memory_space<hbm>> -> memref<1280xi32, #tpu.memory_space<hbm>>
        tpu.enqueue_dma source(%dma_start3A_640 : memref<1280xi32, #tpu.memory_space<hbm>>) target(%dma_start3A_639 : memref<1280xi32, #tpu.memory_space<vmem>>) target_semaphore(%arg16 : memref<!tpu.dma_semaphore, #tpu.memory_space<semaphore_mem>>)
        %dma_start3A_641 = arith.constant 0 : i32
        %dma_start3A_642 = tpu.memref_slice %arg9[%select_n3A_632, %dma_start3A_641] : memref<2x1280xi32, #tpu.memory_space<vmem>> -> memref<1x1280xi32, #tpu.memory_space<vmem>>
        %dma_start3A_643 = tpu.memref_squeeze %dma_start3A_642 : memref<1x1280xi32, #tpu.memory_space<vmem>> -> memref<1280xi32, #tpu.memory_space<vmem>>
        %dma_start3A_644 = tpu.memref_slice %arg5[%add3A_616] : memref<409600xi32, #tpu.memory_space<hbm>> -> memref<1280xi32, #tpu.memory_space<hbm>>
        %dma_start3A_645 = arith.constant 0 : i32
        %dma_start3A_646 = tpu.memref_slice %arg9[%select_n3A_632, %dma_start3A_645] : memref<2x1280xi32, #tpu.memory_space<vmem>> -> memref<1x1280xi32, #tpu.memory_space<vmem>>
        %dma_start3A_647 = tpu.memref_squeeze %dma_start3A_646 : memref<1x1280xi32, #tpu.memory_space<vmem>> -> memref<1280xi32, #tpu.memory_space<vmem>>
        %dma_start3A_648 = tpu.memref_slice %arg5[%add3A_616] : memref<409600xi32, #tpu.memory_space<hbm>> -> memref<1280xi32, #tpu.memory_space<hbm>>
        tpu.enqueue_dma source(%dma_start3A_648 : memref<1280xi32, #tpu.memory_space<hbm>>) target(%dma_start3A_647 : memref<1280xi32, #tpu.memory_space<vmem>>) target_semaphore(%arg16 : memref<!tpu.dma_semaphore, #tpu.memory_space<semaphore_mem>>)
        %dma_start3A_649 = arith.constant 0 : i32
        %dma_start3A_650 = tpu.memref_slice %arg10[%select_n3A_632, %dma_start3A_649] : memref<2x1280xi32, #tpu.memory_space<vmem>> -> memref<1x1280xi32, #tpu.memory_space<vmem>>
        %dma_start3A_651 = tpu.memref_squeeze %dma_start3A_650 : memref<1x1280xi32, #tpu.memory_space<vmem>> -> memref<1280xi32, #tpu.memory_space<vmem>>
        %dma_start3A_652 = tpu.memref_slice %arg6[%add3A_616] : memref<409600xi32, #tpu.memory_space<hbm>> -> memref<1280xi32, #tpu.memory_space<hbm>>
        %dma_start3A_653 = arith.constant 0 : i32
        %dma_start3A_654 = tpu.memref_slice %arg10[%select_n3A_632, %dma_start3A_653] : memref<2x1280xi32, #tpu.memory_space<vmem>> -> memref<1x1280xi32, #tpu.memory_space<vmem>>
        %dma_start3A_655 = tpu.memref_squeeze %dma_start3A_654 : memref<1x1280xi32, #tpu.memory_space<vmem>> -> memref<1280xi32, #tpu.memory_space<vmem>>
        %dma_start3A_656 = tpu.memref_slice %arg6[%add3A_616] : memref<409600xi32, #tpu.memory_space<hbm>> -> memref<1280xi32, #tpu.memory_space<hbm>>
        tpu.enqueue_dma source(%dma_start3A_656 : memref<1280xi32, #tpu.memory_space<hbm>>) target(%dma_start3A_655 : memref<1280xi32, #tpu.memory_space<vmem>>) target_semaphore(%arg16 : memref<!tpu.dma_semaphore, #tpu.memory_space<semaphore_mem>>)
      } else {
      }
      %add3A_464 = arith.constant 1 : i32
      %add3A_465 = arith.addi %add3A_413, %add3A_464 : i32
      %lt3A_466 = arith.constant 200 : i32
      %lt3A_467 = arith.cmpi slt, %add3A_465, %lt3A_466 : i32
      %convert_element_type3A_468 = arith.extui %lt3A_467 : i1 to i32
      %cond3A_469 = arith.constant 0 : i32
      %cond3A_470 = arith.cmpi ne, %convert_element_type3A_468, %cond3A_469 : i32
      scf.if %cond3A_470 {
        %add3A_588 = arith.constant 1 : i32
        %add3A_589 = arith.addi %add3A_413, %add3A_588 : i32
        %jit3A_590 = arith.constant 20 : i32
        %eq3A_591 = arith.constant 0 : i32
        %eq3A_592 = arith.cmpi eq, %jit3A_590, %eq3A_591 : i32
        %jit3A_593 = arith.constant 1 : i32
        %select_n3A_594 = arith.select %eq3A_592, %jit3A_593, %jit3A_590 : i32
        %rem3A_595 = arith.remsi %add3A_589, %select_n3A_594 : i32
        %ne3A_596 = arith.constant 0 : i32
        %ne3A_597 = arith.cmpi ne, %rem3A_595, %ne3A_596 : i32
        %lt3A_598 = arith.constant 0 : i32
        %lt3A_599 = arith.cmpi slt, %rem3A_595, %lt3A_598 : i32
        %lt3A_600 = arith.constant 0 : i32
        %lt3A_601 = arith.cmpi slt, %select_n3A_594, %lt3A_600 : i32
        %ne3A_602 = arith.xori %lt3A_599, %lt3A_601 : i1
        %and3A_603 = arith.andi %ne3A_602, %ne3A_597 : i1
        %add3A_604 = arith.addi %rem3A_595, %select_n3A_594 : i32
        %select_n3A_605 = arith.select %and3A_603, %add3A_604, %rem3A_595 : i32
        %eq3A_606 = arith.constant 0 : i32
        %eq3A_607 = arith.cmpi eq, %select_n3A_605, %eq3A_606 : i32
        %convert_element_type3A_608 = arith.extui %eq3A_607 : i1 to i32
        %cond3A_609 = arith.constant 0 : i32
        %cond3A_610 = arith.cmpi ne, %convert_element_type3A_608, %cond3A_609 : i32
        scf.if %cond3A_610 {
          %add3A_701 = arith.constant 1 : i32
          %add3A_702 = arith.addi %add3A_413, %add3A_701 : i32
          %jit3A_703 = arith.constant 20 : i32
          %div3A_704 = arith.divsi %add3A_702, %jit3A_703 : i32
          %sign3A_705 = arith.constant 0 : i32
          %sign3A_706 = arith.cmpi sgt, %add3A_702, %sign3A_705 : i32
          %sign3A_707 = arith.extui %sign3A_706 : i1 to i32
          %sign3A_708 = arith.constant 0 : i32
          %sign3A_709 = arith.cmpi slt, %add3A_702, %sign3A_708 : i32
          %sign3A_710 = arith.extui %sign3A_709 : i1 to i32
          %sign3A_711 = arith.subi %sign3A_707, %sign3A_710 : i32
          %sign3A_712 = arith.constant 0 : i32
          %sign3A_713 = arith.cmpi sgt, %jit3A_703, %sign3A_712 : i32
          %sign3A_714 = arith.extui %sign3A_713 : i1 to i32
          %sign3A_715 = arith.constant 0 : i32
          %sign3A_716 = arith.cmpi slt, %jit3A_703, %sign3A_715 : i32
          %sign3A_717 = arith.extui %sign3A_716 : i1 to i32
          %sign3A_718 = arith.subi %sign3A_714, %sign3A_717 : i32
          %ne3A_719 = arith.cmpi ne, %sign3A_711, %sign3A_718 : i32
          %rem3A_720 = arith.remsi %add3A_702, %jit3A_703 : i32
          %ne3A_721 = arith.constant 0 : i32
          %ne3A_722 = arith.cmpi ne, %rem3A_720, %ne3A_721 : i32
          %and3A_723 = arith.andi %ne3A_719, %ne3A_722 : i1
          %sub3A_724 = arith.constant 1 : i32
          %sub3A_725 = arith.subi %div3A_704, %sub3A_724 : i32
          %select_n3A_726 = arith.select %and3A_723, %sub3A_725, %div3A_704 : i32
          %mul3A_727 = arith.constant 1280 : i32
          %mul3A_728 = arith.muli %select_n3A_726, %mul3A_727 : i32
          %add3A_729 = arith.addi %mul3A_2, %mul3A_728 : i32
          %jit3A_730 = arith.constant 2 : i32
          %eq3A_731 = arith.constant 0 : i32
          %eq3A_732 = arith.cmpi eq, %jit3A_730, %eq3A_731 : i32
          %jit3A_733 = arith.constant 1 : i32
          %select_n3A_734 = arith.select %eq3A_732, %jit3A_733, %jit3A_730 : i32
          %rem3A_735 = arith.remsi %select_n3A_726, %select_n3A_734 : i32
          %ne3A_736 = arith.constant 0 : i32
          %ne3A_737 = arith.cmpi ne, %rem3A_735, %ne3A_736 : i32
          %lt3A_738 = arith.constant 0 : i32
          %lt3A_739 = arith.cmpi slt, %rem3A_735, %lt3A_738 : i32
          %lt3A_740 = arith.constant 0 : i32
          %lt3A_741 = arith.cmpi slt, %select_n3A_734, %lt3A_740 : i32
          %ne3A_742 = arith.xori %lt3A_739, %lt3A_741 : i1
          %and3A_743 = arith.andi %ne3A_742, %ne3A_737 : i1
          %add3A_744 = arith.addi %rem3A_735, %select_n3A_734 : i32
          %select_n3A_745 = arith.select %and3A_743, %add3A_744, %rem3A_735 : i32
          %dma_wait3A_746 = arith.constant 0 : i32
          %dma_wait3A_747 = tpu.memref_slice %arg8[%select_n3A_745, %dma_wait3A_746] : memref<2x1280xi32, #tpu.memory_space<vmem>> -> memref<1x1280xi32, #tpu.memory_space<vmem>>
          %dma_wait3A_748 = tpu.memref_squeeze %dma_wait3A_747 : memref<1x1280xi32, #tpu.memory_space<vmem>> -> memref<1280xi32, #tpu.memory_space<vmem>>
          %dma_wait3A_749 = tpu.memref_slice %arg4[%add3A_729] : memref<409600xi32, #tpu.memory_space<hbm>> -> memref<1280xi32, #tpu.memory_space<hbm>>
          %dma_wait3A_750 = arith.constant 0 : i32
          %dma_wait3A_751 = tpu.memref_slice %arg8[%select_n3A_745, %dma_wait3A_750] : memref<2x1280xi32, #tpu.memory_space<vmem>> -> memref<1x1280xi32, #tpu.memory_space<vmem>>
          %dma_wait3A_752 = tpu.memref_squeeze %dma_wait3A_751 : memref<1x1280xi32, #tpu.memory_space<vmem>> -> memref<1280xi32, #tpu.memory_space<vmem>>
          %dma_wait3A_753 = tpu.memref_slice %arg4[%add3A_729] : memref<409600xi32, #tpu.memory_space<hbm>> -> memref<1280xi32, #tpu.memory_space<hbm>>
          tpu.wait_dma2 semaphore(%arg16 : memref<!tpu.dma_semaphore, #tpu.memory_space<semaphore_mem>>) src(%dma_wait3A_753 : memref<1280xi32, #tpu.memory_space<hbm>>) dst(%dma_wait3A_752 : memref<1280xi32, #tpu.memory_space<vmem>>)
          %dma_wait3A_754 = arith.constant 0 : i32
          %dma_wait3A_755 = tpu.memref_slice %arg9[%select_n3A_745, %dma_wait3A_754] : memref<2x1280xi32, #tpu.memory_space<vmem>> -> memref<1x1280xi32, #tpu.memory_space<vmem>>
          %dma_wait3A_756 = tpu.memref_squeeze %dma_wait3A_755 : memref<1x1280xi32, #tpu.memory_space<vmem>> -> memref<1280xi32, #tpu.memory_space<vmem>>
          %dma_wait3A_757 = tpu.memref_slice %arg5[%add3A_729] : memref<409600xi32, #tpu.memory_space<hbm>> -> memref<1280xi32, #tpu.memory_space<hbm>>
          %dma_wait3A_758 = arith.constant 0 : i32
          %dma_wait3A_759 = tpu.memref_slice %arg9[%select_n3A_745, %dma_wait3A_758] : memref<2x1280xi32, #tpu.memory_space<vmem>> -> memref<1x1280xi32, #tpu.memory_space<vmem>>
          %dma_wait3A_760 = tpu.memref_squeeze %dma_wait3A_759 : memref<1x1280xi32, #tpu.memory_space<vmem>> -> memref<1280xi32, #tpu.memory_space<vmem>>
          %dma_wait3A_761 = tpu.memref_slice %arg5[%add3A_729] : memref<409600xi32, #tpu.memory_space<hbm>> -> memref<1280xi32, #tpu.memory_space<hbm>>
          tpu.wait_dma2 semaphore(%arg16 : memref<!tpu.dma_semaphore, #tpu.memory_space<semaphore_mem>>) src(%dma_wait3A_761 : memref<1280xi32, #tpu.memory_space<hbm>>) dst(%dma_wait3A_760 : memref<1280xi32, #tpu.memory_space<vmem>>)
          %dma_wait3A_762 = arith.constant 0 : i32
          %dma_wait3A_763 = tpu.memref_slice %arg10[%select_n3A_745, %dma_wait3A_762] : memref<2x1280xi32, #tpu.memory_space<vmem>> -> memref<1x1280xi32, #tpu.memory_space<vmem>>
          %dma_wait3A_764 = tpu.memref_squeeze %dma_wait3A_763 : memref<1x1280xi32, #tpu.memory_space<vmem>> -> memref<1280xi32, #tpu.memory_space<vmem>>
          %dma_wait3A_765 = tpu.memref_slice %arg6[%add3A_729] : memref<409600xi32, #tpu.memory_space<hbm>> -> memref<1280xi32, #tpu.memory_space<hbm>>
          %dma_wait3A_766 = arith.constant 0 : i32
          %dma_wait3A_767 = tpu.memref_slice %arg10[%select_n3A_745, %dma_wait3A_766] : memref<2x1280xi32, #tpu.memory_space<vmem>> -> memref<1x1280xi32, #tpu.memory_space<vmem>>
          %dma_wait3A_768 = tpu.memref_squeeze %dma_wait3A_767 : memref<1x1280xi32, #tpu.memory_space<vmem>> -> memref<1280xi32, #tpu.memory_space<vmem>>
          %dma_wait3A_769 = tpu.memref_slice %arg6[%add3A_729] : memref<409600xi32, #tpu.memory_space<hbm>> -> memref<1280xi32, #tpu.memory_space<hbm>>
          tpu.wait_dma2 semaphore(%arg16 : memref<!tpu.dma_semaphore, #tpu.memory_space<semaphore_mem>>) src(%dma_wait3A_769 : memref<1280xi32, #tpu.memory_space<hbm>>) dst(%dma_wait3A_768 : memref<1280xi32, #tpu.memory_space<vmem>>)
        } else {
        }
        %add3A_611 = arith.constant 1 : i32
        %add3A_612 = arith.addi %add3A_413, %add3A_611 : i32
        %jit3A_613 = arith.constant 20 : i32
        %div3A_614 = arith.divsi %add3A_612, %jit3A_613 : i32
        %sign3A_615 = arith.constant 0 : i32
        %sign3A_616 = arith.cmpi sgt, %add3A_612, %sign3A_615 : i32
        %sign3A_617 = arith.extui %sign3A_616 : i1 to i32
        %sign3A_618 = arith.constant 0 : i32
        %sign3A_619 = arith.cmpi slt, %add3A_612, %sign3A_618 : i32
        %sign3A_620 = arith.extui %sign3A_619 : i1 to i32
        %sign3A_621 = arith.subi %sign3A_617, %sign3A_620 : i32
        %sign3A_622 = arith.constant 0 : i32
        %sign3A_623 = arith.cmpi sgt, %jit3A_613, %sign3A_622 : i32
        %sign3A_624 = arith.extui %sign3A_623 : i1 to i32
        %sign3A_625 = arith.constant 0 : i32
        %sign3A_626 = arith.cmpi slt, %jit3A_613, %sign3A_625 : i32
        %sign3A_627 = arith.extui %sign3A_626 : i1 to i32
        %sign3A_628 = arith.subi %sign3A_624, %sign3A_627 : i32
        %ne3A_629 = arith.cmpi ne, %sign3A_621, %sign3A_628 : i32
        %rem3A_630 = arith.remsi %add3A_612, %jit3A_613 : i32
        %ne3A_631 = arith.constant 0 : i32
        %ne3A_632 = arith.cmpi ne, %rem3A_630, %ne3A_631 : i32
        %and3A_633 = arith.andi %ne3A_629, %ne3A_632 : i1
        %sub3A_634 = arith.constant 1 : i32
        %sub3A_635 = arith.subi %div3A_614, %sub3A_634 : i32
        %select_n3A_636 = arith.select %and3A_633, %sub3A_635, %div3A_614 : i32
        %jit3A_637 = arith.constant 2 : i32
        %eq3A_638 = arith.constant 0 : i32
        %eq3A_639 = arith.cmpi eq, %jit3A_637, %eq3A_638 : i32
        %jit3A_640 = arith.constant 1 : i32
        %select_n3A_641 = arith.select %eq3A_639, %jit3A_640, %jit3A_637 : i32
        %rem3A_642 = arith.remsi %select_n3A_636, %select_n3A_641 : i32
        %ne3A_643 = arith.constant 0 : i32
        %ne3A_644 = arith.cmpi ne, %rem3A_642, %ne3A_643 : i32
        %lt3A_645 = arith.constant 0 : i32
        %lt3A_646 = arith.cmpi slt, %rem3A_642, %lt3A_645 : i32
        %lt3A_647 = arith.constant 0 : i32
        %lt3A_648 = arith.cmpi slt, %select_n3A_641, %lt3A_647 : i32
        %ne3A_649 = arith.xori %lt3A_646, %lt3A_648 : i1
        %and3A_650 = arith.andi %ne3A_649, %ne3A_644 : i1
        %add3A_651 = arith.addi %rem3A_642, %select_n3A_641 : i32
        %select_n3A_652 = arith.select %and3A_650, %add3A_651, %rem3A_642 : i32
        %jit3A_653 = arith.constant 20 : i32
        %eq3A_654 = arith.constant 0 : i32
        %eq3A_655 = arith.cmpi eq, %jit3A_653, %eq3A_654 : i32
        %jit3A_656 = arith.constant 1 : i32
        %select_n3A_657 = arith.select %eq3A_655, %jit3A_656, %jit3A_653 : i32
        %rem3A_658 = arith.remsi %add3A_612, %select_n3A_657 : i32
        %ne3A_659 = arith.constant 0 : i32
        %ne3A_660 = arith.cmpi ne, %rem3A_658, %ne3A_659 : i32
        %lt3A_661 = arith.constant 0 : i32
        %lt3A_662 = arith.cmpi slt, %rem3A_658, %lt3A_661 : i32
        %lt3A_663 = arith.constant 0 : i32
        %lt3A_664 = arith.cmpi slt, %select_n3A_657, %lt3A_663 : i32
        %ne3A_665 = arith.xori %lt3A_662, %lt3A_664 : i1
        %and3A_666 = arith.andi %ne3A_665, %ne3A_660 : i1
        %add3A_667 = arith.addi %rem3A_658, %select_n3A_657 : i32
        %select_n3A_668 = arith.select %and3A_666, %add3A_667, %rem3A_658 : i32
        %mul3A_669 = arith.constant 64 : i32
        %mul3A_670 = arith.muli %select_n3A_668, %mul3A_669 : i32
        %dma_start3A_671 = arith.constant 0 : i32
        %dma_start3A_672 = arith.constant 0 : i32
        %dma_start3A_673 = arith.constant 0 : i32
        %dma_start3A_674 = tpu.memref_slice %arg11[%dma_start3A_671, %dma_start3A_672, %dma_start3A_673] : memref<2x64x128xi32, #tpu.memory_space<vmem>> -> memref<1x64x128xi32, #tpu.memory_space<vmem>>
        %dma_start3A_675 = tpu.memref_squeeze %dma_start3A_674 : memref<1x64x128xi32, #tpu.memory_space<vmem>> -> memref<64x128xi32, #tpu.memory_space<vmem>>
        %dma_start3A_676 = tpu.memref_slice %arg8[%select_n3A_652, %mul3A_670] : memref<2x1280xi32, #tpu.memory_space<vmem>> -> memref<1x64xi32, #tpu.memory_space<vmem>>
        %dma_start3A_677 = tpu.memref_squeeze %dma_start3A_676 : memref<1x64xi32, #tpu.memory_space<vmem>> -> memref<64xi32, #tpu.memory_space<vmem>>
        %dma_start3A_678 = arith.constant 0 : i32
        %dma_start3A_679 = arith.constant 0 : i32
        %dma_start3A_680 = tpu.memref_slice %arg2[%dma_start3A_678, %dma_start3A_679] : memref<100000x128xi32, #tpu.memory_space<hbm>> -> memref<100000x128xi32, #tpu.memory_space<hbm>>
        tpu.enqueue_indirect_dma source(%dma_start3A_680 : memref<100000x128xi32, #tpu.memory_space<hbm>>) target(%dma_start3A_675 : memref<64x128xi32, #tpu.memory_space<vmem>>) offsets(%dma_start3A_677 : memref<64xi32, #tpu.memory_space<vmem>>) semaphore(%arg17 : memref<!tpu.dma_semaphore, #tpu.memory_space<semaphore_mem>>)
        %dma_start3A_681 = arith.constant 0 : i32
        %dma_start3A_682 = arith.constant 0 : i32
        %dma_start3A_683 = arith.constant 0 : i32
        %dma_start3A_684 = tpu.memref_slice %arg12[%dma_start3A_681, %dma_start3A_682, %dma_start3A_683] : memref<2x64x128xi32, #tpu.memory_space<vmem>> -> memref<1x64x128xi32, #tpu.memory_space<vmem>>
        %dma_start3A_685 = tpu.memref_squeeze %dma_start3A_684 : memref<1x64x128xi32, #tpu.memory_space<vmem>> -> memref<64x128xi32, #tpu.memory_space<vmem>>
        %dma_start3A_686 = tpu.memref_slice %arg9[%select_n3A_652, %mul3A_670] : memref<2x1280xi32, #tpu.memory_space<vmem>> -> memref<1x64xi32, #tpu.memory_space<vmem>>
        %dma_start3A_687 = tpu.memref_squeeze %dma_start3A_686 : memref<1x64xi32, #tpu.memory_space<vmem>> -> memref<64xi32, #tpu.memory_space<vmem>>
        %dma_start3A_688 = arith.constant 0 : i32
        %dma_start3A_689 = arith.constant 0 : i32
        %dma_start3A_690 = tpu.memref_slice %arg2[%dma_start3A_688, %dma_start3A_689] : memref<100000x128xi32, #tpu.memory_space<hbm>> -> memref<100000x128xi32, #tpu.memory_space<hbm>>
        tpu.enqueue_indirect_dma source(%dma_start3A_690 : memref<100000x128xi32, #tpu.memory_space<hbm>>) target(%dma_start3A_685 : memref<64x128xi32, #tpu.memory_space<vmem>>) offsets(%dma_start3A_687 : memref<64xi32, #tpu.memory_space<vmem>>) semaphore(%arg17 : memref<!tpu.dma_semaphore, #tpu.memory_space<semaphore_mem>>)
        %dma_start3A_691 = arith.constant 0 : i32
        %dma_start3A_692 = arith.constant 0 : i32
        %dma_start3A_693 = arith.constant 0 : i32
        %dma_start3A_694 = tpu.memref_slice %arg13[%dma_start3A_691, %dma_start3A_692, %dma_start3A_693] : memref<2x64x128xi32, #tpu.memory_space<vmem>> -> memref<1x64x128xi32, #tpu.memory_space<vmem>>
        %dma_start3A_695 = tpu.memref_squeeze %dma_start3A_694 : memref<1x64x128xi32, #tpu.memory_space<vmem>> -> memref<64x128xi32, #tpu.memory_space<vmem>>
        %dma_start3A_696 = tpu.memref_slice %arg10[%select_n3A_652, %mul3A_670] : memref<2x1280xi32, #tpu.memory_space<vmem>> -> memref<1x64xi32, #tpu.memory_space<vmem>>
        %dma_start3A_697 = tpu.memref_squeeze %dma_start3A_696 : memref<1x64xi32, #tpu.memory_space<vmem>> -> memref<64xi32, #tpu.memory_space<vmem>>
        %dma_start3A_698 = arith.constant 0 : i32
        %dma_start3A_699 = arith.constant 0 : i32
        %dma_start3A_700 = tpu.memref_slice %arg3[%dma_start3A_698, %dma_start3A_699] : memref<1000x128xi32, #tpu.memory_space<hbm>> -> memref<1000x128xi32, #tpu.memory_space<hbm>>
        tpu.enqueue_indirect_dma source(%dma_start3A_700 : memref<1000x128xi32, #tpu.memory_space<hbm>>) target(%dma_start3A_695 : memref<64x128xi32, #tpu.memory_space<vmem>>) offsets(%dma_start3A_697 : memref<64xi32, #tpu.memory_space<vmem>>) semaphore(%arg17 : memref<!tpu.dma_semaphore, #tpu.memory_space<semaphore_mem>>)
      } else {
      }
      %jit3A_471 = arith.constant 20 : i32
      %div3A_472 = arith.divsi %add3A_413, %jit3A_471 : i32
      %sign3A_473 = arith.constant 0 : i32
      %sign3A_474 = arith.cmpi sgt, %add3A_413, %sign3A_473 : i32
      %sign3A_475 = arith.extui %sign3A_474 : i1 to i32
      %sign3A_476 = arith.constant 0 : i32
      %sign3A_477 = arith.cmpi slt, %add3A_413, %sign3A_476 : i32
      %sign3A_478 = arith.extui %sign3A_477 : i1 to i32
      %sign3A_479 = arith.subi %sign3A_475, %sign3A_478 : i32
      %sign3A_480 = arith.constant 0 : i32
      %sign3A_481 = arith.cmpi sgt, %jit3A_471, %sign3A_480 : i32
      %sign3A_482 = arith.extui %sign3A_481 : i1 to i32
      %sign3A_483 = arith.constant 0 : i32
      %sign3A_484 = arith.cmpi slt, %jit3A_471, %sign3A_483 : i32
      %sign3A_485 = arith.extui %sign3A_484 : i1 to i32
      %sign3A_486 = arith.subi %sign3A_482, %sign3A_485 : i32
      %ne3A_487 = arith.cmpi ne, %sign3A_479, %sign3A_486 : i32
      %rem3A_488 = arith.remsi %add3A_413, %jit3A_471 : i32
      %ne3A_489 = arith.constant 0 : i32
      %ne3A_490 = arith.cmpi ne, %rem3A_488, %ne3A_489 : i32
      %and3A_491 = arith.andi %ne3A_487, %ne3A_490 : i1
      %sub3A_492 = arith.constant 1 : i32
      %sub3A_493 = arith.subi %div3A_472, %sub3A_492 : i32
      %select_n3A_494 = arith.select %and3A_491, %sub3A_493, %div3A_472 : i32
      %jit3A_495 = arith.constant 2 : i32
      %eq3A_496 = arith.constant 0 : i32
      %eq3A_497 = arith.cmpi eq, %jit3A_495, %eq3A_496 : i32
      %jit3A_498 = arith.constant 1 : i32
      %select_n3A_499 = arith.select %eq3A_497, %jit3A_498, %jit3A_495 : i32
      %rem3A_500 = arith.remsi %select_n3A_494, %select_n3A_499 : i32
      %ne3A_501 = arith.constant 0 : i32
      %ne3A_502 = arith.cmpi ne, %rem3A_500, %ne3A_501 : i32
      %lt3A_503 = arith.constant 0 : i32
      %lt3A_504 = arith.cmpi slt, %rem3A_500, %lt3A_503 : i32
      %lt3A_505 = arith.constant 0 : i32
      %lt3A_506 = arith.cmpi slt, %select_n3A_499, %lt3A_505 : i32
      %ne3A_507 = arith.xori %lt3A_504, %lt3A_506 : i1
      %and3A_508 = arith.andi %ne3A_507, %ne3A_502 : i1
      %add3A_509 = arith.addi %rem3A_500, %select_n3A_499 : i32
      %select_n3A_510 = arith.select %and3A_508, %add3A_509, %rem3A_500 : i32
      %jit3A_511 = arith.constant 20 : i32
      %eq3A_512 = arith.constant 0 : i32
      %eq3A_513 = arith.cmpi eq, %jit3A_511, %eq3A_512 : i32
      %jit3A_514 = arith.constant 1 : i32
      %select_n3A_515 = arith.select %eq3A_513, %jit3A_514, %jit3A_511 : i32
      %rem3A_516 = arith.remsi %add3A_413, %select_n3A_515 : i32
      %ne3A_517 = arith.constant 0 : i32
      %ne3A_518 = arith.cmpi ne, %rem3A_516, %ne3A_517 : i32
      %lt3A_519 = arith.constant 0 : i32
      %lt3A_520 = arith.cmpi slt, %rem3A_516, %lt3A_519 : i32
      %lt3A_521 = arith.constant 0 : i32
      %lt3A_522 = arith.cmpi slt, %select_n3A_515, %lt3A_521 : i32
      %ne3A_523 = arith.xori %lt3A_520, %lt3A_522 : i1
      %and3A_524 = arith.andi %ne3A_523, %ne3A_518 : i1
      %add3A_525 = arith.addi %rem3A_516, %select_n3A_515 : i32
      %select_n3A_526 = arith.select %and3A_524, %add3A_525, %rem3A_516 : i32
      %mul3A_527 = arith.constant 64 : i32
      %mul3A_528 = arith.muli %select_n3A_526, %mul3A_527 : i32
      %dma_wait3A_529 = arith.constant 1 : i32
      %dma_wait3A_530 = arith.constant 0 : i32
      %dma_wait3A_531 = arith.constant 0 : i32
      %dma_wait3A_532 = tpu.memref_slice %arg11[%dma_wait3A_529, %dma_wait3A_530, %dma_wait3A_531] : memref<2x64x128xi32, #tpu.memory_space<vmem>> -> memref<1x64x128xi32, #tpu.memory_space<vmem>>
      %dma_wait3A_533 = tpu.memref_squeeze %dma_wait3A_532 : memref<1x64x128xi32, #tpu.memory_space<vmem>> -> memref<64x128xi32, #tpu.memory_space<vmem>>
      %dma_wait3A_534 = tpu.memref_slice %arg8[%select_n3A_510, %mul3A_528] : memref<2x1280xi32, #tpu.memory_space<vmem>> -> memref<1x64xi32, #tpu.memory_space<vmem>>
      %dma_wait3A_535 = tpu.memref_squeeze %dma_wait3A_534 : memref<1x64xi32, #tpu.memory_space<vmem>> -> memref<64xi32, #tpu.memory_space<vmem>>
      %dma_wait3A_536 = arith.constant 0 : i32
      %dma_wait3A_537 = arith.constant 0 : i32
      %dma_wait3A_538 = tpu.memref_slice %arg2[%dma_wait3A_536, %dma_wait3A_537] : memref<100000x128xi32, #tpu.memory_space<hbm>> -> memref<100000x128xi32, #tpu.memory_space<hbm>>
      tpu.wait_indirect_dma semaphore(%arg18 : memref<!tpu.dma_semaphore, #tpu.memory_space<semaphore_mem>>) src(%dma_wait3A_538 : memref<100000x128xi32, #tpu.memory_space<hbm>>) dst(%dma_wait3A_533 : memref<64x128xi32, #tpu.memory_space<vmem>>)
      %dma_wait3A_539 = arith.constant 1 : i32
      %dma_wait3A_540 = arith.constant 0 : i32
      %dma_wait3A_541 = arith.constant 0 : i32
      %dma_wait3A_542 = tpu.memref_slice %arg12[%dma_wait3A_539, %dma_wait3A_540, %dma_wait3A_541] : memref<2x64x128xi32, #tpu.memory_space<vmem>> -> memref<1x64x128xi32, #tpu.memory_space<vmem>>
      %dma_wait3A_543 = tpu.memref_squeeze %dma_wait3A_542 : memref<1x64x128xi32, #tpu.memory_space<vmem>> -> memref<64x128xi32, #tpu.memory_space<vmem>>
      %dma_wait3A_544 = tpu.memref_slice %arg9[%select_n3A_510, %mul3A_528] : memref<2x1280xi32, #tpu.memory_space<vmem>> -> memref<1x64xi32, #tpu.memory_space<vmem>>
      %dma_wait3A_545 = tpu.memref_squeeze %dma_wait3A_544 : memref<1x64xi32, #tpu.memory_space<vmem>> -> memref<64xi32, #tpu.memory_space<vmem>>
      %dma_wait3A_546 = arith.constant 0 : i32
      %dma_wait3A_547 = arith.constant 0 : i32
      %dma_wait3A_548 = tpu.memref_slice %arg2[%dma_wait3A_546, %dma_wait3A_547] : memref<100000x128xi32, #tpu.memory_space<hbm>> -> memref<100000x128xi32, #tpu.memory_space<hbm>>
      tpu.wait_indirect_dma semaphore(%arg18 : memref<!tpu.dma_semaphore, #tpu.memory_space<semaphore_mem>>) src(%dma_wait3A_548 : memref<100000x128xi32, #tpu.memory_space<hbm>>) dst(%dma_wait3A_543 : memref<64x128xi32, #tpu.memory_space<vmem>>)
      %dma_wait3A_549 = arith.constant 1 : i32
      %dma_wait3A_550 = arith.constant 0 : i32
      %dma_wait3A_551 = arith.constant 0 : i32
      %dma_wait3A_552 = tpu.memref_slice %arg13[%dma_wait3A_549, %dma_wait3A_550, %dma_wait3A_551] : memref<2x64x128xi32, #tpu.memory_space<vmem>> -> memref<1x64x128xi32, #tpu.memory_space<vmem>>
      %dma_wait3A_553 = tpu.memref_squeeze %dma_wait3A_552 : memref<1x64x128xi32, #tpu.memory_space<vmem>> -> memref<64x128xi32, #tpu.memory_space<vmem>>
      %dma_wait3A_554 = tpu.memref_slice %arg10[%select_n3A_510, %mul3A_528] : memref<2x1280xi32, #tpu.memory_space<vmem>> -> memref<1x64xi32, #tpu.memory_space<vmem>>
      %dma_wait3A_555 = tpu.memref_squeeze %dma_wait3A_554 : memref<1x64xi32, #tpu.memory_space<vmem>> -> memref<64xi32, #tpu.memory_space<vmem>>
      %dma_wait3A_556 = arith.constant 0 : i32
      %dma_wait3A_557 = arith.constant 0 : i32
      %dma_wait3A_558 = tpu.memref_slice %arg3[%dma_wait3A_556, %dma_wait3A_557] : memref<1000x128xi32, #tpu.memory_space<hbm>> -> memref<1000x128xi32, #tpu.memory_space<hbm>>
      tpu.wait_indirect_dma semaphore(%arg18 : memref<!tpu.dma_semaphore, #tpu.memory_space<semaphore_mem>>) src(%dma_wait3A_558 : memref<1000x128xi32, #tpu.memory_space<hbm>>) dst(%dma_wait3A_553 : memref<64x128xi32, #tpu.memory_space<vmem>>)
      %ge3A_559 = arith.constant 2 : i32
      %ge3A_560 = arith.cmpi sge, %add3A_413, %ge3A_559 : i32
      %convert_element_type3A_561 = arith.extui %ge3A_560 : i1 to i32
      %cond3A_562 = arith.constant 0 : i32
      %cond3A_563 = arith.cmpi ne, %convert_element_type3A_561, %cond3A_562 : i32
      scf.if %cond3A_563 {
        %sub3A_588 = arith.constant 2 : i32
        %sub3A_589 = arith.subi %add3A_413, %sub3A_588 : i32
        %mul3A_590 = arith.constant 64 : i32
        %mul3A_591 = arith.muli %sub3A_589, %mul3A_590 : i32
        %add3A_592 = arith.addi %mul3A_2, %mul3A_591 : i32
        %dma_wait3A_593 = arith.constant 1 : i32
        %dma_wait3A_594 = arith.constant 0 : i32
        %dma_wait3A_595 = tpu.memref_slice %arg14[%dma_wait3A_593, %dma_wait3A_594] : memref<2x128xf32, #tpu.memory_space<vmem>> -> memref<1x64xf32, #tpu.memory_space<vmem>>
        %dma_wait3A_596 = tpu.memref_squeeze %dma_wait3A_595 : memref<1x64xf32, #tpu.memory_space<vmem>> -> memref<64xf32, #tpu.memory_space<vmem>>
        %dma_wait3A_597 = tpu.memref_slice %arg7[%add3A_592] : memref<409600xf32, #tpu.memory_space<hbm>> -> memref<64xf32, #tpu.memory_space<hbm>>
        %dma_wait3A_598 = tpu.memref_slice %arg7[%add3A_592] : memref<409600xf32, #tpu.memory_space<hbm>> -> memref<64xf32, #tpu.memory_space<hbm>>
        %dma_wait3A_599 = arith.constant 0 : i32
        %dma_wait3A_600 = tpu.memref_slice %arg14[%dma_wait3A_593, %dma_wait3A_599] : memref<2x128xf32, #tpu.memory_space<vmem>> -> memref<1x64xf32, #tpu.memory_space<vmem>>
        %dma_wait3A_601 = tpu.memref_squeeze %dma_wait3A_600 : memref<1x64xf32, #tpu.memory_space<vmem>> -> memref<64xf32, #tpu.memory_space<vmem>>
        tpu.wait_dma2 semaphore(%arg20 : memref<!tpu.dma_semaphore, #tpu.memory_space<semaphore_mem>>) src(%dma_wait3A_601 : memref<64xf32, #tpu.memory_space<vmem>>) dst(%dma_wait3A_598 : memref<64xf32, #tpu.memory_space<hbm>>)
      } else {
      }
      %scan3A_564 = arith.constant 0 : i32
      %scan3A_565 = arith.constant 0 : i32
      %scan3A_566 = arith.constant 32 : i32
      %scan3A_567 = arith.addi %scan3A_565, %scan3A_566 : i32
      %scan3A_568 = arith.constant 1 : i32
      scf.for %scan3A_588 = %scan3A_565 to %scan3A_567 step %scan3A_568  : i32 {
        %mul3A_589 = arith.constant 2 : i32
        %mul3A_590 = arith.muli %mul3A_589, %scan3A_588 : i32
        %broadcast_in_dim3A = arith.constant 0.000000e+00 : f32
        %broadcast_in_dim3A_591 = vector.broadcast %broadcast_in_dim3A : f32 to vector<16xf32>
        %broadcast_in_dim3A_592 = arith.constant 0.000000e+00 : f32
        %broadcast_in_dim3A_593 = vector.broadcast %broadcast_in_dim3A_592 : f32 to vector<16xf32>
        %get3A = arith.constant 1 : i32
        %get3A_594 = arith.index_cast %get3A : i32 to index
        %get3A_595 = arith.index_cast %mul3A_590 : i32 to index
        %get3A_596 = arith.constant 0 : index
        %get3A_597 = tpu.vector_load %arg11[%get3A_594, %get3A_595, %get3A_596] {strides = array<i32>} : memref<2x64x128xi32, #tpu.memory_space<vmem>>, vector<1x1x16xi32>,
        %get3A_598 = vector.shape_cast %get3A_597 : vector<1x1x16xi32> to vector<16xi32>
        %shift_left3A_599 = arith.constant 16 : i32
        %shift_left3A_600 = vector.broadcast %shift_left3A_599 : i32 to vector<16xi32>
        %shift_left3A_601 = arith.shli %get3A_598, %shift_left3A_600 : vector<16xi32>
        %bitcast_convert_type3A = tpu.bitcast %shift_left3A_601 : vector<16xi32> -> vector<16xf32>
        %bitcast_convert_type3A_602 = tpu.bitcast %get3A_598 : vector<16xi32> -> vector<16xf32>
        %get3A_603 = arith.constant 1 : i32
        %get3A_604 = arith.index_cast %get3A_603 : i32 to index
        %get3A_605 = arith.index_cast %mul3A_590 : i32 to index
        %get3A_606 = arith.constant 64 : index
        %get3A_607 = tpu.vector_load %arg11[%get3A_604, %get3A_605, %get3A_606] {strides = array<i32>} : memref<2x64x128xi32, #tpu.memory_space<vmem>>, vector<1x1x16xi32>,
        %get3A_608 = vector.shape_cast %get3A_607 : vector<1x1x16xi32> to vector<16xi32>
        %shift_left3A_609 = arith.constant 16 : i32
        %shift_left3A_610 = vector.broadcast %shift_left3A_609 : i32 to vector<16xi32>
        %shift_left3A_611 = arith.shli %get3A_608, %shift_left3A_610 : vector<16xi32>
        %bitcast_convert_type3A_612 = tpu.bitcast %shift_left3A_611 : vector<16xi32> -> vector<16xf32>
        %bitcast_convert_type3A_613 = tpu.bitcast %get3A_608 : vector<16xi32> -> vector<16xf32>
        %get3A_614 = arith.constant 1 : i32
        %get3A_615 = arith.index_cast %get3A_614 : i32 to index
        %get3A_616 = arith.index_cast %mul3A_590 : i32 to index
        %get3A_617 = arith.constant 0 : index
        %get3A_618 = tpu.vector_load %arg12[%get3A_615, %get3A_616, %get3A_617] {strides = array<i32>} : memref<2x64x128xi32, #tpu.memory_space<vmem>>, vector<1x1x16xi32>,
        %get3A_619 = vector.shape_cast %get3A_618 : vector<1x1x16xi32> to vector<16xi32>
        %shift_left3A_620 = arith.constant 16 : i32
        %shift_left3A_621 = vector.broadcast %shift_left3A_620 : i32 to vector<16xi32>
        %shift_left3A_622 = arith.shli %get3A_619, %shift_left3A_621 : vector<16xi32>
        %bitcast_convert_type3A_623 = tpu.bitcast %shift_left3A_622 : vector<16xi32> -> vector<16xf32>
        %bitcast_convert_type3A_624 = tpu.bitcast %get3A_619 : vector<16xi32> -> vector<16xf32>
        %get3A_625 = arith.constant 1 : i32
        %get3A_626 = arith.index_cast %get3A_625 : i32 to index
        %get3A_627 = arith.index_cast %mul3A_590 : i32 to index
        %get3A_628 = arith.constant 64 : index
        %get3A_629 = tpu.vector_load %arg12[%get3A_626, %get3A_627, %get3A_628] {strides = array<i32>} : memref<2x64x128xi32, #tpu.memory_space<vmem>>, vector<1x1x16xi32>,
        %get3A_630 = vector.shape_cast %get3A_629 : vector<1x1x16xi32> to vector<16xi32>
        %shift_left3A_631 = arith.constant 16 : i32
        %shift_left3A_632 = vector.broadcast %shift_left3A_631 : i32 to vector<16xi32>
        %shift_left3A_633 = arith.shli %get3A_630, %shift_left3A_632 : vector<16xi32>
        %bitcast_convert_type3A_634 = tpu.bitcast %shift_left3A_633 : vector<16xi32> -> vector<16xf32>
        %bitcast_convert_type3A_635 = tpu.bitcast %get3A_630 : vector<16xi32> -> vector<16xf32>
        %get3A_636 = arith.constant 1 : i32
        %get3A_637 = arith.index_cast %get3A_636 : i32 to index
        %get3A_638 = arith.index_cast %mul3A_590 : i32 to index
        %get3A_639 = arith.constant 0 : index
        %get3A_640 = tpu.vector_load %arg13[%get3A_637, %get3A_638, %get3A_639] {strides = array<i32>} : memref<2x64x128xi32, #tpu.memory_space<vmem>>, vector<1x1x16xi32>,
        %get3A_641 = vector.shape_cast %get3A_640 : vector<1x1x16xi32> to vector<16xi32>
        %shift_left3A_642 = arith.constant 16 : i32
        %shift_left3A_643 = vector.broadcast %shift_left3A_642 : i32 to vector<16xi32>
        %shift_left3A_644 = arith.shli %get3A_641, %shift_left3A_643 : vector<16xi32>
        %bitcast_convert_type3A_645 = tpu.bitcast %shift_left3A_644 : vector<16xi32> -> vector<16xf32>
        %bitcast_convert_type3A_646 = tpu.bitcast %get3A_641 : vector<16xi32> -> vector<16xf32>
        %get3A_647 = arith.constant 1 : i32
        %get3A_648 = arith.index_cast %get3A_647 : i32 to index
        %get3A_649 = arith.index_cast %mul3A_590 : i32 to index
        %get3A_650 = arith.constant 64 : index
        %get3A_651 = tpu.vector_load %arg13[%get3A_648, %get3A_649, %get3A_650] {strides = array<i32>} : memref<2x64x128xi32, #tpu.memory_space<vmem>>, vector<1x1x16xi32>,
        %get3A_652 = vector.shape_cast %get3A_651 : vector<1x1x16xi32> to vector<16xi32>
        %shift_left3A_653 = arith.constant 16 : i32
        %shift_left3A_654 = vector.broadcast %shift_left3A_653 : i32 to vector<16xi32>
        %shift_left3A_655 = arith.shli %get3A_652, %shift_left3A_654 : vector<16xi32>
        %bitcast_convert_type3A_656 = tpu.bitcast %shift_left3A_655 : vector<16xi32> -> vector<16xf32>
        %bitcast_convert_type3A_657 = tpu.bitcast %get3A_652 : vector<16xi32> -> vector<16xf32>
        %mul3A_658 = arith.mulf %bitcast_convert_type3A_645, %bitcast_convert_type3A_623 : vector<16xf32>
        %mul3A_659 = arith.mulf %bitcast_convert_type3A_656, %bitcast_convert_type3A_634 : vector<16xf32>
        %add3A_660 = arith.addf %mul3A_658, %mul3A_659 : vector<16xf32>
        %mul3A_661 = arith.mulf %bitcast_convert_type3A_645, %bitcast_convert_type3A_634 : vector<16xf32>
        %mul3A_662 = arith.mulf %bitcast_convert_type3A_656, %bitcast_convert_type3A_623 : vector<16xf32>
        %sub3A_663 = arith.subf %mul3A_661, %mul3A_662 : vector<16xf32>
        %mul3A_664 = arith.mulf %bitcast_convert_type3A, %add3A_660 : vector<16xf32>
        %mul3A_665 = arith.mulf %bitcast_convert_type3A_612, %sub3A_663 : vector<16xf32>
        %add3A_666 = arith.addf %mul3A_664, %mul3A_665 : vector<16xf32>
        %add3A_667 = arith.addf %broadcast_in_dim3A_591, %add3A_666 : vector<16xf32>
        %mul3A_668 = arith.mulf %bitcast_convert_type3A_646, %bitcast_convert_type3A_624 : vector<16xf32>
        %mul3A_669 = arith.mulf %bitcast_convert_type3A_657, %bitcast_convert_type3A_635 : vector<16xf32>
        %add3A_670 = arith.addf %mul3A_668, %mul3A_669 : vector<16xf32>
        %mul3A_671 = arith.mulf %bitcast_convert_type3A_646, %bitcast_convert_type3A_635 : vector<16xf32>
        %mul3A_672 = arith.mulf %bitcast_convert_type3A_657, %bitcast_convert_type3A_624 : vector<16xf32>
        %sub3A_673 = arith.subf %mul3A_671, %mul3A_672 : vector<16xf32>
        %mul3A_674 = arith.mulf %bitcast_convert_type3A_602, %add3A_670 : vector<16xf32>
        %mul3A_675 = arith.mulf %bitcast_convert_type3A_613, %sub3A_673 : vector<16xf32>
        %add3A_676 = arith.addf %mul3A_674, %mul3A_675 : vector<16xf32>
        %add3A_677 = arith.addf %broadcast_in_dim3A_593, %add3A_676 : vector<16xf32>
        %get3A_678 = arith.constant 1 : i32
        %get3A_679 = arith.index_cast %get3A_678 : i32 to index
        %get3A_680 = arith.index_cast %mul3A_590 : i32 to index
        %get3A_681 = arith.constant 16 : index
        %get3A_682 = tpu.vector_load %arg11[%get3A_679, %get3A_680, %get3A_681] {strides = array<i32>} : memref<2x64x128xi32, #tpu.memory_space<vmem>>, vector<1x1x16xi32>,
        %get3A_683 = vector.shape_cast %get3A_682 : vector<1x1x16xi32> to vector<16xi32>
        %shift_left3A_684 = arith.constant 16 : i32
        %shift_left3A_685 = vector.broadcast %shift_left3A_684 : i32 to vector<16xi32>
        %shift_left3A_686 = arith.shli %get3A_683, %shift_left3A_685 : vector<16xi32>
        %bitcast_convert_type3A_687 = tpu.bitcast %shift_left3A_686 : vector<16xi32> -> vector<16xf32>
        %bitcast_convert_type3A_688 = tpu.bitcast %get3A_683 : vector<16xi32> -> vector<16xf32>
        %get3A_689 = arith.constant 1 : i32
        %get3A_690 = arith.index_cast %get3A_689 : i32 to index
        %get3A_691 = arith.index_cast %mul3A_590 : i32 to index
        %get3A_692 = arith.constant 80 : index
        %get3A_693 = tpu.vector_load %arg11[%get3A_690, %get3A_691, %get3A_692] {strides = array<i32>} : memref<2x64x128xi32, #tpu.memory_space<vmem>>, vector<1x1x16xi32>,
        %get3A_694 = vector.shape_cast %get3A_693 : vector<1x1x16xi32> to vector<16xi32>
        %shift_left3A_695 = arith.constant 16 : i32
        %shift_left3A_696 = vector.broadcast %shift_left3A_695 : i32 to vector<16xi32>
        %shift_left3A_697 = arith.shli %get3A_694, %shift_left3A_696 : vector<16xi32>
        %bitcast_convert_type3A_698 = tpu.bitcast %shift_left3A_697 : vector<16xi32> -> vector<16xf32>
        %bitcast_convert_type3A_699 = tpu.bitcast %get3A_694 : vector<16xi32> -> vector<16xf32>
        %get3A_700 = arith.constant 1 : i32
        %get3A_701 = arith.index_cast %get3A_700 : i32 to index
        %get3A_702 = arith.index_cast %mul3A_590 : i32 to index
        %get3A_703 = arith.constant 16 : index
        %get3A_704 = tpu.vector_load %arg12[%get3A_701, %get3A_702, %get3A_703] {strides = array<i32>} : memref<2x64x128xi32, #tpu.memory_space<vmem>>, vector<1x1x16xi32>,
        %get3A_705 = vector.shape_cast %get3A_704 : vector<1x1x16xi32> to vector<16xi32>
        %shift_left3A_706 = arith.constant 16 : i32
        %shift_left3A_707 = vector.broadcast %shift_left3A_706 : i32 to vector<16xi32>
        %shift_left3A_708 = arith.shli %get3A_705, %shift_left3A_707 : vector<16xi32>
        %bitcast_convert_type3A_709 = tpu.bitcast %shift_left3A_708 : vector<16xi32> -> vector<16xf32>
        %bitcast_convert_type3A_710 = tpu.bitcast %get3A_705 : vector<16xi32> -> vector<16xf32>
        %get3A_711 = arith.constant 1 : i32
        %get3A_712 = arith.index_cast %get3A_711 : i32 to index
        %get3A_713 = arith.index_cast %mul3A_590 : i32 to index
        %get3A_714 = arith.constant 80 : index
        %get3A_715 = tpu.vector_load %arg12[%get3A_712, %get3A_713, %get3A_714] {strides = array<i32>} : memref<2x64x128xi32, #tpu.memory_space<vmem>>, vector<1x1x16xi32>,
        %get3A_716 = vector.shape_cast %get3A_715 : vector<1x1x16xi32> to vector<16xi32>
        %shift_left3A_717 = arith.constant 16 : i32
        %shift_left3A_718 = vector.broadcast %shift_left3A_717 : i32 to vector<16xi32>
        %shift_left3A_719 = arith.shli %get3A_716, %shift_left3A_718 : vector<16xi32>
        %bitcast_convert_type3A_720 = tpu.bitcast %shift_left3A_719 : vector<16xi32> -> vector<16xf32>
        %bitcast_convert_type3A_721 = tpu.bitcast %get3A_716 : vector<16xi32> -> vector<16xf32>
        %get3A_722 = arith.constant 1 : i32
        %get3A_723 = arith.index_cast %get3A_722 : i32 to index
        %get3A_724 = arith.index_cast %mul3A_590 : i32 to index
        %get3A_725 = arith.constant 16 : index
        %get3A_726 = tpu.vector_load %arg13[%get3A_723, %get3A_724, %get3A_725] {strides = array<i32>} : memref<2x64x128xi32, #tpu.memory_space<vmem>>, vector<1x1x16xi32>,
        %get3A_727 = vector.shape_cast %get3A_726 : vector<1x1x16xi32> to vector<16xi32>
        %shift_left3A_728 = arith.constant 16 : i32
        %shift_left3A_729 = vector.broadcast %shift_left3A_728 : i32 to vector<16xi32>
        %shift_left3A_730 = arith.shli %get3A_727, %shift_left3A_729 : vector<16xi32>
        %bitcast_convert_type3A_731 = tpu.bitcast %shift_left3A_730 : vector<16xi32> -> vector<16xf32>
        %bitcast_convert_type3A_732 = tpu.bitcast %get3A_727 : vector<16xi32> -> vector<16xf32>
        %get3A_733 = arith.constant 1 : i32
        %get3A_734 = arith.index_cast %get3A_733 : i32 to index
        %get3A_735 = arith.index_cast %mul3A_590 : i32 to index
        %get3A_736 = arith.constant 80 : index
        %get3A_737 = tpu.vector_load %arg13[%get3A_734, %get3A_735, %get3A_736] {strides = array<i32>} : memref<2x64x128xi32, #tpu.memory_space<vmem>>, vector<1x1x16xi32>,
        %get3A_738 = vector.shape_cast %get3A_737 : vector<1x1x16xi32> to vector<16xi32>
        %shift_left3A_739 = arith.constant 16 : i32
        %shift_left3A_740 = vector.broadcast %shift_left3A_739 : i32 to vector<16xi32>
        %shift_left3A_741 = arith.shli %get3A_738, %shift_left3A_740 : vector<16xi32>
        %bitcast_convert_type3A_742 = tpu.bitcast %shift_left3A_741 : vector<16xi32> -> vector<16xf32>
        %bitcast_convert_type3A_743 = tpu.bitcast %get3A_738 : vector<16xi32> -> vector<16xf32>
        %mul3A_744 = arith.mulf %bitcast_convert_type3A_731, %bitcast_convert_type3A_709 : vector<16xf32>
        %mul3A_745 = arith.mulf %bitcast_convert_type3A_742, %bitcast_convert_type3A_720 : vector<16xf32>
        %add3A_746 = arith.addf %mul3A_744, %mul3A_745 : vector<16xf32>
        %mul3A_747 = arith.mulf %bitcast_convert_type3A_731, %bitcast_convert_type3A_720 : vector<16xf32>
        %mul3A_748 = arith.mulf %bitcast_convert_type3A_742, %bitcast_convert_type3A_709 : vector<16xf32>
        %sub3A_749 = arith.subf %mul3A_747, %mul3A_748 : vector<16xf32>
        %mul3A_750 = arith.mulf %bitcast_convert_type3A_687, %add3A_746 : vector<16xf32>
        %mul3A_751 = arith.mulf %bitcast_convert_type3A_698, %sub3A_749 : vector<16xf32>
        %add3A_752 = arith.addf %mul3A_750, %mul3A_751 : vector<16xf32>
        %add3A_753 = arith.addf %add3A_667, %add3A_752 : vector<16xf32>
        %mul3A_754 = arith.mulf %bitcast_convert_type3A_732, %bitcast_convert_type3A_710 : vector<16xf32>
        %mul3A_755 = arith.mulf %bitcast_convert_type3A_743, %bitcast_convert_type3A_721 : vector<16xf32>
        %add3A_756 = arith.addf %mul3A_754, %mul3A_755 : vector<16xf32>
        %mul3A_757 = arith.mulf %bitcast_convert_type3A_732, %bitcast_convert_type3A_721 : vector<16xf32>
        %mul3A_758 = arith.mulf %bitcast_convert_type3A_743, %bitcast_convert_type3A_710 : vector<16xf32>
        %sub3A_759 = arith.subf %mul3A_757, %mul3A_758 : vector<16xf32>
        %mul3A_760 = arith.mulf %bitcast_convert_type3A_688, %add3A_756 : vector<16xf32>
        %mul3A_761 = arith.mulf %bitcast_convert_type3A_699, %sub3A_759 : vector<16xf32>
        %add3A_762 = arith.addf %mul3A_760, %mul3A_761 : vector<16xf32>
        %add3A_763 = arith.addf %add3A_677, %add3A_762 : vector<16xf32>
        %get3A_764 = arith.constant 1 : i32
        %get3A_765 = arith.index_cast %get3A_764 : i32 to index
        %get3A_766 = arith.index_cast %mul3A_590 : i32 to index
        %get3A_767 = arith.constant 32 : index
        %get3A_768 = tpu.vector_load %arg11[%get3A_765, %get3A_766, %get3A_767] {strides = array<i32>} : memref<2x64x128xi32, #tpu.memory_space<vmem>>, vector<1x1x16xi32>,
        %get3A_769 = vector.shape_cast %get3A_768 : vector<1x1x16xi32> to vector<16xi32>
        %shift_left3A_770 = arith.constant 16 : i32
        %shift_left3A_771 = vector.broadcast %shift_left3A_770 : i32 to vector<16xi32>
        %shift_left3A_772 = arith.shli %get3A_769, %shift_left3A_771 : vector<16xi32>
        %bitcast_convert_type3A_773 = tpu.bitcast %shift_left3A_772 : vector<16xi32> -> vector<16xf32>
        %bitcast_convert_type3A_774 = tpu.bitcast %get3A_769 : vector<16xi32> -> vector<16xf32>
        %get3A_775 = arith.constant 1 : i32
        %get3A_776 = arith.index_cast %get3A_775 : i32 to index
        %get3A_777 = arith.index_cast %mul3A_590 : i32 to index
        %get3A_778 = arith.constant 96 : index
        %get3A_779 = tpu.vector_load %arg11[%get3A_776, %get3A_777, %get3A_778] {strides = array<i32>} : memref<2x64x128xi32, #tpu.memory_space<vmem>>, vector<1x1x16xi32>,
        %get3A_780 = vector.shape_cast %get3A_779 : vector<1x1x16xi32> to vector<16xi32>
        %shift_left3A_781 = arith.constant 16 : i32
        %shift_left3A_782 = vector.broadcast %shift_left3A_781 : i32 to vector<16xi32>
        %shift_left3A_783 = arith.shli %get3A_780, %shift_left3A_782 : vector<16xi32>
        %bitcast_convert_type3A_784 = tpu.bitcast %shift_left3A_783 : vector<16xi32> -> vector<16xf32>
        %bitcast_convert_type3A_785 = tpu.bitcast %get3A_780 : vector<16xi32> -> vector<16xf32>
        %get3A_786 = arith.constant 1 : i32
        %get3A_787 = arith.index_cast %get3A_786 : i32 to index
        %get3A_788 = arith.index_cast %mul3A_590 : i32 to index
        %get3A_789 = arith.constant 32 : index
        %get3A_790 = tpu.vector_load %arg12[%get3A_787, %get3A_788, %get3A_789] {strides = array<i32>} : memref<2x64x128xi32, #tpu.memory_space<vmem>>, vector<1x1x16xi32>,
        %get3A_791 = vector.shape_cast %get3A_790 : vector<1x1x16xi32> to vector<16xi32>
        %shift_left3A_792 = arith.constant 16 : i32
        %shift_left3A_793 = vector.broadcast %shift_left3A_792 : i32 to vector<16xi32>
        %shift_left3A_794 = arith.shli %get3A_791, %shift_left3A_793 : vector<16xi32>
        %bitcast_convert_type3A_795 = tpu.bitcast %shift_left3A_794 : vector<16xi32> -> vector<16xf32>
        %bitcast_convert_type3A_796 = tpu.bitcast %get3A_791 : vector<16xi32> -> vector<16xf32>
        %get3A_797 = arith.constant 1 : i32
        %get3A_798 = arith.index_cast %get3A_797 : i32 to index
        %get3A_799 = arith.index_cast %mul3A_590 : i32 to index
        %get3A_800 = arith.constant 96 : index
        %get3A_801 = tpu.vector_load %arg12[%get3A_798, %get3A_799, %get3A_800] {strides = array<i32>} : memref<2x64x128xi32, #tpu.memory_space<vmem>>, vector<1x1x16xi32>,
        %get3A_802 = vector.shape_cast %get3A_801 : vector<1x1x16xi32> to vector<16xi32>
        %shift_left3A_803 = arith.constant 16 : i32
        %shift_left3A_804 = vector.broadcast %shift_left3A_803 : i32 to vector<16xi32>
        %shift_left3A_805 = arith.shli %get3A_802, %shift_left3A_804 : vector<16xi32>
        %bitcast_convert_type3A_806 = tpu.bitcast %shift_left3A_805 : vector<16xi32> -> vector<16xf32>
        %bitcast_convert_type3A_807 = tpu.bitcast %get3A_802 : vector<16xi32> -> vector<16xf32>
        %get3A_808 = arith.constant 1 : i32
        %get3A_809 = arith.index_cast %get3A_808 : i32 to index
        %get3A_810 = arith.index_cast %mul3A_590 : i32 to index
        %get3A_811 = arith.constant 32 : index
        %get3A_812 = tpu.vector_load %arg13[%get3A_809, %get3A_810, %get3A_811] {strides = array<i32>} : memref<2x64x128xi32, #tpu.memory_space<vmem>>, vector<1x1x16xi32>,
        %get3A_813 = vector.shape_cast %get3A_812 : vector<1x1x16xi32> to vector<16xi32>
        %shift_left3A_814 = arith.constant 16 : i32
        %shift_left3A_815 = vector.broadcast %shift_left3A_814 : i32 to vector<16xi32>
        %shift_left3A_816 = arith.shli %get3A_813, %shift_left3A_815 : vector<16xi32>
        %bitcast_convert_type3A_817 = tpu.bitcast %shift_left3A_816 : vector<16xi32> -> vector<16xf32>
        %bitcast_convert_type3A_818 = tpu.bitcast %get3A_813 : vector<16xi32> -> vector<16xf32>
        %get3A_819 = arith.constant 1 : i32
        %get3A_820 = arith.index_cast %get3A_819 : i32 to index
        %get3A_821 = arith.index_cast %mul3A_590 : i32 to index
        %get3A_822 = arith.constant 96 : index
        %get3A_823 = tpu.vector_load %arg13[%get3A_820, %get3A_821, %get3A_822] {strides = array<i32>} : memref<2x64x128xi32, #tpu.memory_space<vmem>>, vector<1x1x16xi32>,
        %get3A_824 = vector.shape_cast %get3A_823 : vector<1x1x16xi32> to vector<16xi32>
        %shift_left3A_825 = arith.constant 16 : i32
        %shift_left3A_826 = vector.broadcast %shift_left3A_825 : i32 to vector<16xi32>
        %shift_left3A_827 = arith.shli %get3A_824, %shift_left3A_826 : vector<16xi32>
        %bitcast_convert_type3A_828 = tpu.bitcast %shift_left3A_827 : vector<16xi32> -> vector<16xf32>
        %bitcast_convert_type3A_829 = tpu.bitcast %get3A_824 : vector<16xi32> -> vector<16xf32>
        %mul3A_830 = arith.mulf %bitcast_convert_type3A_817, %bitcast_convert_type3A_795 : vector<16xf32>
        %mul3A_831 = arith.mulf %bitcast_convert_type3A_828, %bitcast_convert_type3A_806 : vector<16xf32>
        %add3A_832 = arith.addf %mul3A_830, %mul3A_831 : vector<16xf32>
        %mul3A_833 = arith.mulf %bitcast_convert_type3A_817, %bitcast_convert_type3A_806 : vector<16xf32>
        %mul3A_834 = arith.mulf %bitcast_convert_type3A_828, %bitcast_convert_type3A_795 : vector<16xf32>
        %sub3A_835 = arith.subf %mul3A_833, %mul3A_834 : vector<16xf32>
        %mul3A_836 = arith.mulf %bitcast_convert_type3A_773, %add3A_832 : vector<16xf32>
        %mul3A_837 = arith.mulf %bitcast_convert_type3A_784, %sub3A_835 : vector<16xf32>
        %add3A_838 = arith.addf %mul3A_836, %mul3A_837 : vector<16xf32>
        %add3A_839 = arith.addf %add3A_753, %add3A_838 : vector<16xf32>
        %mul3A_840 = arith.mulf %bitcast_convert_type3A_818, %bitcast_convert_type3A_796 : vector<16xf32>
        %mul3A_841 = arith.mulf %bitcast_convert_type3A_829, %bitcast_convert_type3A_807 : vector<16xf32>
        %add3A_842 = arith.addf %mul3A_840, %mul3A_841 : vector<16xf32>
        %mul3A_843 = arith.mulf %bitcast_convert_type3A_818, %bitcast_convert_type3A_807 : vector<16xf32>
        %mul3A_844 = arith.mulf %bitcast_convert_type3A_829, %bitcast_convert_type3A_796 : vector<16xf32>
        %sub3A_845 = arith.subf %mul3A_843, %mul3A_844 : vector<16xf32>
        %mul3A_846 = arith.mulf %bitcast_convert_type3A_774, %add3A_842 : vector<16xf32>
        %mul3A_847 = arith.mulf %bitcast_convert_type3A_785, %sub3A_845 : vector<16xf32>
        %add3A_848 = arith.addf %mul3A_846, %mul3A_847 : vector<16xf32>
        %add3A_849 = arith.addf %add3A_763, %add3A_848 : vector<16xf32>
        %get3A_850 = arith.constant 1 : i32
        %get3A_851 = arith.index_cast %get3A_850 : i32 to index
        %get3A_852 = arith.index_cast %mul3A_590 : i32 to index
        %get3A_853 = arith.constant 48 : index
        %get3A_854 = tpu.vector_load %arg11[%get3A_851, %get3A_852, %get3A_853] {strides = array<i32>} : memref<2x64x128xi32, #tpu.memory_space<vmem>>, vector<1x1x16xi32>,
        %get3A_855 = vector.shape_cast %get3A_854 : vector<1x1x16xi32> to vector<16xi32>
        %shift_left3A_856 = arith.constant 16 : i32
        %shift_left3A_857 = vector.broadcast %shift_left3A_856 : i32 to vector<16xi32>
        %shift_left3A_858 = arith.shli %get3A_855, %shift_left3A_857 : vector<16xi32>
        %bitcast_convert_type3A_859 = tpu.bitcast %shift_left3A_858 : vector<16xi32> -> vector<16xf32>
        %bitcast_convert_type3A_860 = tpu.bitcast %get3A_855 : vector<16xi32> -> vector<16xf32>
        %get3A_861 = arith.constant 1 : i32
        %get3A_862 = arith.index_cast %get3A_861 : i32 to index
        %get3A_863 = arith.index_cast %mul3A_590 : i32 to index
        %get3A_864 = arith.constant 112 : index
        %get3A_865 = tpu.vector_load %arg11[%get3A_862, %get3A_863, %get3A_864] {strides = array<i32>} : memref<2x64x128xi32, #tpu.memory_space<vmem>>, vector<1x1x16xi32>,
        %get3A_866 = vector.shape_cast %get3A_865 : vector<1x1x16xi32> to vector<16xi32>
        %shift_left3A_867 = arith.constant 16 : i32
        %shift_left3A_868 = vector.broadcast %shift_left3A_867 : i32 to vector<16xi32>
        %shift_left3A_869 = arith.shli %get3A_866, %shift_left3A_868 : vector<16xi32>
        %bitcast_convert_type3A_870 = tpu.bitcast %shift_left3A_869 : vector<16xi32> -> vector<16xf32>
        %bitcast_convert_type3A_871 = tpu.bitcast %get3A_866 : vector<16xi32> -> vector<16xf32>
        %get3A_872 = arith.constant 1 : i32
        %get3A_873 = arith.index_cast %get3A_872 : i32 to index
        %get3A_874 = arith.index_cast %mul3A_590 : i32 to index
        %get3A_875 = arith.constant 48 : index
        %get3A_876 = tpu.vector_load %arg12[%get3A_873, %get3A_874, %get3A_875] {strides = array<i32>} : memref<2x64x128xi32, #tpu.memory_space<vmem>>, vector<1x1x16xi32>,
        %get3A_877 = vector.shape_cast %get3A_876 : vector<1x1x16xi32> to vector<16xi32>
        %shift_left3A_878 = arith.constant 16 : i32
        %shift_left3A_879 = vector.broadcast %shift_left3A_878 : i32 to vector<16xi32>
        %shift_left3A_880 = arith.shli %get3A_877, %shift_left3A_879 : vector<16xi32>
        %bitcast_convert_type3A_881 = tpu.bitcast %shift_left3A_880 : vector<16xi32> -> vector<16xf32>
        %bitcast_convert_type3A_882 = tpu.bitcast %get3A_877 : vector<16xi32> -> vector<16xf32>
        %get3A_883 = arith.constant 1 : i32
        %get3A_884 = arith.index_cast %get3A_883 : i32 to index
        %get3A_885 = arith.index_cast %mul3A_590 : i32 to index
        %get3A_886 = arith.constant 112 : index
        %get3A_887 = tpu.vector_load %arg12[%get3A_884, %get3A_885, %get3A_886] {strides = array<i32>} : memref<2x64x128xi32, #tpu.memory_space<vmem>>, vector<1x1x16xi32>,
        %get3A_888 = vector.shape_cast %get3A_887 : vector<1x1x16xi32> to vector<16xi32>
        %shift_left3A_889 = arith.constant 16 : i32
        %shift_left3A_890 = vector.broadcast %shift_left3A_889 : i32 to vector<16xi32>
        %shift_left3A_891 = arith.shli %get3A_888, %shift_left3A_890 : vector<16xi32>
        %bitcast_convert_type3A_892 = tpu.bitcast %shift_left3A_891 : vector<16xi32> -> vector<16xf32>
        %bitcast_convert_type3A_893 = tpu.bitcast %get3A_888 : vector<16xi32> -> vector<16xf32>
        %get3A_894 = arith.constant 1 : i32
        %get3A_895 = arith.index_cast %get3A_894 : i32 to index
        %get3A_896 = arith.index_cast %mul3A_590 : i32 to index
        %get3A_897 = arith.constant 48 : index
        %get3A_898 = tpu.vector_load %arg13[%get3A_895, %get3A_896, %get3A_897] {strides = array<i32>} : memref<2x64x128xi32, #tpu.memory_space<vmem>>, vector<1x1x16xi32>,
        %get3A_899 = vector.shape_cast %get3A_898 : vector<1x1x16xi32> to vector<16xi32>
        %shift_left3A_900 = arith.constant 16 : i32
        %shift_left3A_901 = vector.broadcast %shift_left3A_900 : i32 to vector<16xi32>
        %shift_left3A_902 = arith.shli %get3A_899, %shift_left3A_901 : vector<16xi32>
        %bitcast_convert_type3A_903 = tpu.bitcast %shift_left3A_902 : vector<16xi32> -> vector<16xf32>
        %bitcast_convert_type3A_904 = tpu.bitcast %get3A_899 : vector<16xi32> -> vector<16xf32>
        %get3A_905 = arith.constant 1 : i32
        %get3A_906 = arith.index_cast %get3A_905 : i32 to index
        %get3A_907 = arith.index_cast %mul3A_590 : i32 to index
        %get3A_908 = arith.constant 112 : index
        %get3A_909 = tpu.vector_load %arg13[%get3A_906, %get3A_907, %get3A_908] {strides = array<i32>} : memref<2x64x128xi32, #tpu.memory_space<vmem>>, vector<1x1x16xi32>,
        %get3A_910 = vector.shape_cast %get3A_909 : vector<1x1x16xi32> to vector<16xi32>
        %shift_left3A_911 = arith.constant 16 : i32
        %shift_left3A_912 = vector.broadcast %shift_left3A_911 : i32 to vector<16xi32>
        %shift_left3A_913 = arith.shli %get3A_910, %shift_left3A_912 : vector<16xi32>
        %bitcast_convert_type3A_914 = tpu.bitcast %shift_left3A_913 : vector<16xi32> -> vector<16xf32>
        %bitcast_convert_type3A_915 = tpu.bitcast %get3A_910 : vector<16xi32> -> vector<16xf32>
        %mul3A_916 = arith.mulf %bitcast_convert_type3A_903, %bitcast_convert_type3A_881 : vector<16xf32>
        %mul3A_917 = arith.mulf %bitcast_convert_type3A_914, %bitcast_convert_type3A_892 : vector<16xf32>
        %add3A_918 = arith.addf %mul3A_916, %mul3A_917 : vector<16xf32>
        %mul3A_919 = arith.mulf %bitcast_convert_type3A_903, %bitcast_convert_type3A_892 : vector<16xf32>
        %mul3A_920 = arith.mulf %bitcast_convert_type3A_914, %bitcast_convert_type3A_881 : vector<16xf32>
        %sub3A_921 = arith.subf %mul3A_919, %mul3A_920 : vector<16xf32>
        %mul3A_922 = arith.mulf %bitcast_convert_type3A_859, %add3A_918 : vector<16xf32>
        %mul3A_923 = arith.mulf %bitcast_convert_type3A_870, %sub3A_921 : vector<16xf32>
        %add3A_924 = arith.addf %mul3A_922, %mul3A_923 : vector<16xf32>
        %add3A_925 = arith.addf %add3A_839, %add3A_924 : vector<16xf32>
        %mul3A_926 = arith.mulf %bitcast_convert_type3A_904, %bitcast_convert_type3A_882 : vector<16xf32>
        %mul3A_927 = arith.mulf %bitcast_convert_type3A_915, %bitcast_convert_type3A_893 : vector<16xf32>
        %add3A_928 = arith.addf %mul3A_926, %mul3A_927 : vector<16xf32>
        %mul3A_929 = arith.mulf %bitcast_convert_type3A_904, %bitcast_convert_type3A_893 : vector<16xf32>
        %mul3A_930 = arith.mulf %bitcast_convert_type3A_915, %bitcast_convert_type3A_882 : vector<16xf32>
        %sub3A_931 = arith.subf %mul3A_929, %mul3A_930 : vector<16xf32>
        %mul3A_932 = arith.mulf %bitcast_convert_type3A_860, %add3A_928 : vector<16xf32>
        %mul3A_933 = arith.mulf %bitcast_convert_type3A_871, %sub3A_931 : vector<16xf32>
        %add3A_934 = arith.addf %mul3A_932, %mul3A_933 : vector<16xf32>
        %add3A_935 = arith.addf %add3A_849, %add3A_934 : vector<16xf32>
        %add3A_936 = arith.addf %add3A_925, %add3A_935 : vector<16xf32>
        %mul3A_937 = arith.constant 16 : i32
        %mul3A_938 = arith.muli %mul3A_590, %mul3A_937 : i32
        %swap3A = arith.constant 1 : i32
        %swap3A_939 = arith.index_cast %swap3A : i32 to index
        %swap3A_940 = arith.index_cast %mul3A_938 : i32 to index
        %swap3A_941 = tpu.vector_load %arg15[%swap3A_939, %swap3A_940] {strides = array<i32>} : memref<2x1024xf32, #tpu.memory_space<vmem>>, vector<1x16xf32>,
        %swap3A_942 = vector.shape_cast %swap3A_941 : vector<1x16xf32> to vector<16xf32>
        %swap3A_943 = vector.shape_cast %add3A_936 : vector<16xf32> to vector<1x16xf32>
        tpu.vector_store %arg15[%swap3A_939, %swap3A_940], %swap3A_943 {strides = array<i32>} : memref<2x1024xf32, #tpu.memory_space<vmem>>, vector<1x16xf32>,
        %add3A_944 = arith.constant 1 : i32
        %add3A_945 = arith.addi %mul3A_590, %add3A_944 : i32
        %broadcast_in_dim3A_946 = arith.constant 0.000000e+00 : f32
        %broadcast_in_dim3A_947 = vector.broadcast %broadcast_in_dim3A_946 : f32 to vector<16xf32>
        %broadcast_in_dim3A_948 = arith.constant 0.000000e+00 : f32
        %broadcast_in_dim3A_949 = vector.broadcast %broadcast_in_dim3A_948 : f32 to vector<16xf32>
        %get3A_950 = arith.constant 1 : i32
        %get3A_951 = arith.index_cast %get3A_950 : i32 to index
        %get3A_952 = arith.index_cast %add3A_945 : i32 to index
        %get3A_953 = arith.constant 0 : index
        %get3A_954 = tpu.vector_load %arg11[%get3A_951, %get3A_952, %get3A_953] {strides = array<i32>} : memref<2x64x128xi32, #tpu.memory_space<vmem>>, vector<1x1x16xi32>,
        %get3A_955 = vector.shape_cast %get3A_954 : vector<1x1x16xi32> to vector<16xi32>
        %shift_left3A_956 = arith.constant 16 : i32
        %shift_left3A_957 = vector.broadcast %shift_left3A_956 : i32 to vector<16xi32>
        %shift_left3A_958 = arith.shli %get3A_955, %shift_left3A_957 : vector<16xi32>
        %bitcast_convert_type3A_959 = tpu.bitcast %shift_left3A_958 : vector<16xi32> -> vector<16xf32>
        %bitcast_convert_type3A_960 = tpu.bitcast %get3A_955 : vector<16xi32> -> vector<16xf32>
        %get3A_961 = arith.constant 1 : i32
        %get3A_962 = arith.index_cast %get3A_961 : i32 to index
        %get3A_963 = arith.index_cast %add3A_945 : i32 to index
        %get3A_964 = arith.constant 64 : index
        %get3A_965 = tpu.vector_load %arg11[%get3A_962, %get3A_963, %get3A_964] {strides = array<i32>} : memref<2x64x128xi32, #tpu.memory_space<vmem>>, vector<1x1x16xi32>,
        %get3A_966 = vector.shape_cast %get3A_965 : vector<1x1x16xi32> to vector<16xi32>
        %shift_left3A_967 = arith.constant 16 : i32
        %shift_left3A_968 = vector.broadcast %shift_left3A_967 : i32 to vector<16xi32>
        %shift_left3A_969 = arith.shli %get3A_966, %shift_left3A_968 : vector<16xi32>
        %bitcast_convert_type3A_970 = tpu.bitcast %shift_left3A_969 : vector<16xi32> -> vector<16xf32>
        %bitcast_convert_type3A_971 = tpu.bitcast %get3A_966 : vector<16xi32> -> vector<16xf32>
        %get3A_972 = arith.constant 1 : i32
        %get3A_973 = arith.index_cast %get3A_972 : i32 to index
        %get3A_974 = arith.index_cast %add3A_945 : i32 to index
        %get3A_975 = arith.constant 0 : index
        %get3A_976 = tpu.vector_load %arg12[%get3A_973, %get3A_974, %get3A_975] {strides = array<i32>} : memref<2x64x128xi32, #tpu.memory_space<vmem>>, vector<1x1x16xi32>,
        %get3A_977 = vector.shape_cast %get3A_976 : vector<1x1x16xi32> to vector<16xi32>
        %shift_left3A_978 = arith.constant 16 : i32
        %shift_left3A_979 = vector.broadcast %shift_left3A_978 : i32 to vector<16xi32>
        %shift_left3A_980 = arith.shli %get3A_977, %shift_left3A_979 : vector<16xi32>
        %bitcast_convert_type3A_981 = tpu.bitcast %shift_left3A_980 : vector<16xi32> -> vector<16xf32>
        %bitcast_convert_type3A_982 = tpu.bitcast %get3A_977 : vector<16xi32> -> vector<16xf32>
        %get3A_983 = arith.constant 1 : i32
        %get3A_984 = arith.index_cast %get3A_983 : i32 to index
        %get3A_985 = arith.index_cast %add3A_945 : i32 to index
        %get3A_986 = arith.constant 64 : index
        %get3A_987 = tpu.vector_load %arg12[%get3A_984, %get3A_985, %get3A_986] {strides = array<i32>} : memref<2x64x128xi32, #tpu.memory_space<vmem>>, vector<1x1x16xi32>,
        %get3A_988 = vector.shape_cast %get3A_987 : vector<1x1x16xi32> to vector<16xi32>
        %shift_left3A_989 = arith.constant 16 : i32
        %shift_left3A_990 = vector.broadcast %shift_left3A_989 : i32 to vector<16xi32>
        %shift_left3A_991 = arith.shli %get3A_988, %shift_left3A_990 : vector<16xi32>
        %bitcast_convert_type3A_992 = tpu.bitcast %shift_left3A_991 : vector<16xi32> -> vector<16xf32>
        %bitcast_convert_type3A_993 = tpu.bitcast %get3A_988 : vector<16xi32> -> vector<16xf32>
        %get3A_994 = arith.constant 1 : i32
        %get3A_995 = arith.index_cast %get3A_994 : i32 to index
        %get3A_996 = arith.index_cast %add3A_945 : i32 to index
        %get3A_997 = arith.constant 0 : index
        %get3A_998 = tpu.vector_load %arg13[%get3A_995, %get3A_996, %get3A_997] {strides = array<i32>} : memref<2x64x128xi32, #tpu.memory_space<vmem>>, vector<1x1x16xi32>,
        %get3A_999 = vector.shape_cast %get3A_998 : vector<1x1x16xi32> to vector<16xi32>
        %shift_left3A_1000 = arith.constant 16 : i32
        %shift_left3A_1001 = vector.broadcast %shift_left3A_1000 : i32 to vector<16xi32>
        %shift_left3A_1002 = arith.shli %get3A_999, %shift_left3A_1001 : vector<16xi32>
        %bitcast_convert_type3A_1003 = tpu.bitcast %shift_left3A_1002 : vector<16xi32> -> vector<16xf32>
        %bitcast_convert_type3A_1004 = tpu.bitcast %get3A_999 : vector<16xi32> -> vector<16xf32>
        %get3A_1005 = arith.constant 1 : i32
        %get3A_1006 = arith.index_cast %get3A_1005 : i32 to index
        %get3A_1007 = arith.index_cast %add3A_945 : i32 to index
        %get3A_1008 = arith.constant 64 : index
        %get3A_1009 = tpu.vector_load %arg13[%get3A_1006, %get3A_1007, %get3A_1008] {strides = array<i32>} : memref<2x64x128xi32, #tpu.memory_space<vmem>>, vector<1x1x16xi32>,
        %get3A_1010 = vector.shape_cast %get3A_1009 : vector<1x1x16xi32> to vector<16xi32>
        %shift_left3A_1011 = arith.constant 16 : i32
        %shift_left3A_1012 = vector.broadcast %shift_left3A_1011 : i32 to vector<16xi32>
        %shift_left3A_1013 = arith.shli %get3A_1010, %shift_left3A_1012 : vector<16xi32>
        %bitcast_convert_type3A_1014 = tpu.bitcast %shift_left3A_1013 : vector<16xi32> -> vector<16xf32>
        %bitcast_convert_type3A_1015 = tpu.bitcast %get3A_1010 : vector<16xi32> -> vector<16xf32>
        %mul3A_1016 = arith.mulf %bitcast_convert_type3A_1003, %bitcast_convert_type3A_981 : vector<16xf32>
        %mul3A_1017 = arith.mulf %bitcast_convert_type3A_1014, %bitcast_convert_type3A_992 : vector<16xf32>
        %add3A_1018 = arith.addf %mul3A_1016, %mul3A_1017 : vector<16xf32>
        %mul3A_1019 = arith.mulf %bitcast_convert_type3A_1003, %bitcast_convert_type3A_992 : vector<16xf32>
        %mul3A_1020 = arith.mulf %bitcast_convert_type3A_1014, %bitcast_convert_type3A_981 : vector<16xf32>
        %sub3A_1021 = arith.subf %mul3A_1019, %mul3A_1020 : vector<16xf32>
        %mul3A_1022 = arith.mulf %bitcast_convert_type3A_959, %add3A_1018 : vector<16xf32>
        %mul3A_1023 = arith.mulf %bitcast_convert_type3A_970, %sub3A_1021 : vector<16xf32>
        %add3A_1024 = arith.addf %mul3A_1022, %mul3A_1023 : vector<16xf32>
        %add3A_1025 = arith.addf %broadcast_in_dim3A_947, %add3A_1024 : vector<16xf32>
        %mul3A_1026 = arith.mulf %bitcast_convert_type3A_1004, %bitcast_convert_type3A_982 : vector<16xf32>
        %mul3A_1027 = arith.mulf %bitcast_convert_type3A_1015, %bitcast_convert_type3A_993 : vector<16xf32>
        %add3A_1028 = arith.addf %mul3A_1026, %mul3A_1027 : vector<16xf32>
        %mul3A_1029 = arith.mulf %bitcast_convert_type3A_1004, %bitcast_convert_type3A_993 : vector<16xf32>
        %mul3A_1030 = arith.mulf %bitcast_convert_type3A_1015, %bitcast_convert_type3A_982 : vector<16xf32>
        %sub3A_1031 = arith.subf %mul3A_1029, %mul3A_1030 : vector<16xf32>
        %mul3A_1032 = arith.mulf %bitcast_convert_type3A_960, %add3A_1028 : vector<16xf32>
        %mul3A_1033 = arith.mulf %bitcast_convert_type3A_971, %sub3A_1031 : vector<16xf32>
        %add3A_1034 = arith.addf %mul3A_1032, %mul3A_1033 : vector<16xf32>
        %add3A_1035 = arith.addf %broadcast_in_dim3A_949, %add3A_1034 : vector<16xf32>
        %get3A_1036 = arith.constant 1 : i32
        %get3A_1037 = arith.index_cast %get3A_1036 : i32 to index
        %get3A_1038 = arith.index_cast %add3A_945 : i32 to index
        %get3A_1039 = arith.constant 16 : index
        %get3A_1040 = tpu.vector_load %arg11[%get3A_1037, %get3A_1038, %get3A_1039] {strides = array<i32>} : memref<2x64x128xi32, #tpu.memory_space<vmem>>, vector<1x1x16xi32>,
        %get3A_1041 = vector.shape_cast %get3A_1040 : vector<1x1x16xi32> to vector<16xi32>
        %shift_left3A_1042 = arith.constant 16 : i32
        %shift_left3A_1043 = vector.broadcast %shift_left3A_1042 : i32 to vector<16xi32>
        %shift_left3A_1044 = arith.shli %get3A_1041, %shift_left3A_1043 : vector<16xi32>
        %bitcast_convert_type3A_1045 = tpu.bitcast %shift_left3A_1044 : vector<16xi32> -> vector<16xf32>
        %bitcast_convert_type3A_1046 = tpu.bitcast %get3A_1041 : vector<16xi32> -> vector<16xf32>
        %get3A_1047 = arith.constant 1 : i32
        %get3A_1048 = arith.index_cast %get3A_1047 : i32 to index
        %get3A_1049 = arith.index_cast %add3A_945 : i32 to index
        %get3A_1050 = arith.constant 80 : index
        %get3A_1051 = tpu.vector_load %arg11[%get3A_1048, %get3A_1049, %get3A_1050] {strides = array<i32>} : memref<2x64x128xi32, #tpu.memory_space<vmem>>, vector<1x1x16xi32>,
        %get3A_1052 = vector.shape_cast %get3A_1051 : vector<1x1x16xi32> to vector<16xi32>
        %shift_left3A_1053 = arith.constant 16 : i32
        %shift_left3A_1054 = vector.broadcast %shift_left3A_1053 : i32 to vector<16xi32>
        %shift_left3A_1055 = arith.shli %get3A_1052, %shift_left3A_1054 : vector<16xi32>
        %bitcast_convert_type3A_1056 = tpu.bitcast %shift_left3A_1055 : vector<16xi32> -> vector<16xf32>
        %bitcast_convert_type3A_1057 = tpu.bitcast %get3A_1052 : vector<16xi32> -> vector<16xf32>
        %get3A_1058 = arith.constant 1 : i32
        %get3A_1059 = arith.index_cast %get3A_1058 : i32 to index
        %get3A_1060 = arith.index_cast %add3A_945 : i32 to index
        %get3A_1061 = arith.constant 16 : index
        %get3A_1062 = tpu.vector_load %arg12[%get3A_1059, %get3A_1060, %get3A_1061] {strides = array<i32>} : memref<2x64x128xi32, #tpu.memory_space<vmem>>, vector<1x1x16xi32>,
        %get3A_1063 = vector.shape_cast %get3A_1062 : vector<1x1x16xi32> to vector<16xi32>
        %shift_left3A_1064 = arith.constant 16 : i32
        %shift_left3A_1065 = vector.broadcast %shift_left3A_1064 : i32 to vector<16xi32>
        %shift_left3A_1066 = arith.shli %get3A_1063, %shift_left3A_1065 : vector<16xi32>
        %bitcast_convert_type3A_1067 = tpu.bitcast %shift_left3A_1066 : vector<16xi32> -> vector<16xf32>
        %bitcast_convert_type3A_1068 = tpu.bitcast %get3A_1063 : vector<16xi32> -> vector<16xf32>
        %get3A_1069 = arith.constant 1 : i32
        %get3A_1070 = arith.index_cast %get3A_1069 : i32 to index
        %get3A_1071 = arith.index_cast %add3A_945 : i32 to index
        %get3A_1072 = arith.constant 80 : index
        %get3A_1073 = tpu.vector_load %arg12[%get3A_1070, %get3A_1071, %get3A_1072] {strides = array<i32>} : memref<2x64x128xi32, #tpu.memory_space<vmem>>, vector<1x1x16xi32>,
        %get3A_1074 = vector.shape_cast %get3A_1073 : vector<1x1x16xi32> to vector<16xi32>
        %shift_left3A_1075 = arith.constant 16 : i32
        %shift_left3A_1076 = vector.broadcast %shift_left3A_1075 : i32 to vector<16xi32>
        %shift_left3A_1077 = arith.shli %get3A_1074, %shift_left3A_1076 : vector<16xi32>
        %bitcast_convert_type3A_1078 = tpu.bitcast %shift_left3A_1077 : vector<16xi32> -> vector<16xf32>
        %bitcast_convert_type3A_1079 = tpu.bitcast %get3A_1074 : vector<16xi32> -> vector<16xf32>
        %get3A_1080 = arith.constant 1 : i32
        %get3A_1081 = arith.index_cast %get3A_1080 : i32 to index
        %get3A_1082 = arith.index_cast %add3A_945 : i32 to index
        %get3A_1083 = arith.constant 16 : index
        %get3A_1084 = tpu.vector_load %arg13[%get3A_1081, %get3A_1082, %get3A_1083] {strides = array<i32>} : memref<2x64x128xi32, #tpu.memory_space<vmem>>, vector<1x1x16xi32>,
        %get3A_1085 = vector.shape_cast %get3A_1084 : vector<1x1x16xi32> to vector<16xi32>
        %shift_left3A_1086 = arith.constant 16 : i32
        %shift_left3A_1087 = vector.broadcast %shift_left3A_1086 : i32 to vector<16xi32>
        %shift_left3A_1088 = arith.shli %get3A_1085, %shift_left3A_1087 : vector<16xi32>
        %bitcast_convert_type3A_1089 = tpu.bitcast %shift_left3A_1088 : vector<16xi32> -> vector<16xf32>
        %bitcast_convert_type3A_1090 = tpu.bitcast %get3A_1085 : vector<16xi32> -> vector<16xf32>
        %get3A_1091 = arith.constant 1 : i32
        %get3A_1092 = arith.index_cast %get3A_1091 : i32 to index
        %get3A_1093 = arith.index_cast %add3A_945 : i32 to index
        %get3A_1094 = arith.constant 80 : index
        %get3A_1095 = tpu.vector_load %arg13[%get3A_1092, %get3A_1093, %get3A_1094] {strides = array<i32>} : memref<2x64x128xi32, #tpu.memory_space<vmem>>, vector<1x1x16xi32>,
        %get3A_1096 = vector.shape_cast %get3A_1095 : vector<1x1x16xi32> to vector<16xi32>
        %shift_left3A_1097 = arith.constant 16 : i32
        %shift_left3A_1098 = vector.broadcast %shift_left3A_1097 : i32 to vector<16xi32>
        %shift_left3A_1099 = arith.shli %get3A_1096, %shift_left3A_1098 : vector<16xi32>
        %bitcast_convert_type3A_1100 = tpu.bitcast %shift_left3A_1099 : vector<16xi32> -> vector<16xf32>
        %bitcast_convert_type3A_1101 = tpu.bitcast %get3A_1096 : vector<16xi32> -> vector<16xf32>
        %mul3A_1102 = arith.mulf %bitcast_convert_type3A_1089, %bitcast_convert_type3A_1067 : vector<16xf32>
        %mul3A_1103 = arith.mulf %bitcast_convert_type3A_1100, %bitcast_convert_type3A_1078 : vector<16xf32>
        %add3A_1104 = arith.addf %mul3A_1102, %mul3A_1103 : vector<16xf32>
        %mul3A_1105 = arith.mulf %bitcast_convert_type3A_1089, %bitcast_convert_type3A_1078 : vector<16xf32>
        %mul3A_1106 = arith.mulf %bitcast_convert_type3A_1100, %bitcast_convert_type3A_1067 : vector<16xf32>
        %sub3A_1107 = arith.subf %mul3A_1105, %mul3A_1106 : vector<16xf32>
        %mul3A_1108 = arith.mulf %bitcast_convert_type3A_1045, %add3A_1104 : vector<16xf32>
        %mul3A_1109 = arith.mulf %bitcast_convert_type3A_1056, %sub3A_1107 : vector<16xf32>
        %add3A_1110 = arith.addf %mul3A_1108, %mul3A_1109 : vector<16xf32>
        %add3A_1111 = arith.addf %add3A_1025, %add3A_1110 : vector<16xf32>
        %mul3A_1112 = arith.mulf %bitcast_convert_type3A_1090, %bitcast_convert_type3A_1068 : vector<16xf32>
        %mul3A_1113 = arith.mulf %bitcast_convert_type3A_1101, %bitcast_convert_type3A_1079 : vector<16xf32>
        %add3A_1114 = arith.addf %mul3A_1112, %mul3A_1113 : vector<16xf32>
        %mul3A_1115 = arith.mulf %bitcast_convert_type3A_1090, %bitcast_convert_type3A_1079 : vector<16xf32>
        %mul3A_1116 = arith.mulf %bitcast_convert_type3A_1101, %bitcast_convert_type3A_1068 : vector<16xf32>
        %sub3A_1117 = arith.subf %mul3A_1115, %mul3A_1116 : vector<16xf32>
        %mul3A_1118 = arith.mulf %bitcast_convert_type3A_1046, %add3A_1114 : vector<16xf32>
        %mul3A_1119 = arith.mulf %bitcast_convert_type3A_1057, %sub3A_1117 : vector<16xf32>
        %add3A_1120 = arith.addf %mul3A_1118, %mul3A_1119 : vector<16xf32>
        %add3A_1121 = arith.addf %add3A_1035, %add3A_1120 : vector<16xf32>
        %get3A_1122 = arith.constant 1 : i32
        %get3A_1123 = arith.index_cast %get3A_1122 : i32 to index
        %get3A_1124 = arith.index_cast %add3A_945 : i32 to index
        %get3A_1125 = arith.constant 32 : index
        %get3A_1126 = tpu.vector_load %arg11[%get3A_1123, %get3A_1124, %get3A_1125] {strides = array<i32>} : memref<2x64x128xi32, #tpu.memory_space<vmem>>, vector<1x1x16xi32>,
        %get3A_1127 = vector.shape_cast %get3A_1126 : vector<1x1x16xi32> to vector<16xi32>
        %shift_left3A_1128 = arith.constant 16 : i32
        %shift_left3A_1129 = vector.broadcast %shift_left3A_1128 : i32 to vector<16xi32>
        %shift_left3A_1130 = arith.shli %get3A_1127, %shift_left3A_1129 : vector<16xi32>
        %bitcast_convert_type3A_1131 = tpu.bitcast %shift_left3A_1130 : vector<16xi32> -> vector<16xf32>
        %bitcast_convert_type3A_1132 = tpu.bitcast %get3A_1127 : vector<16xi32> -> vector<16xf32>
        %get3A_1133 = arith.constant 1 : i32
        %get3A_1134 = arith.index_cast %get3A_1133 : i32 to index
        %get3A_1135 = arith.index_cast %add3A_945 : i32 to index
        %get3A_1136 = arith.constant 96 : index
        %get3A_1137 = tpu.vector_load %arg11[%get3A_1134, %get3A_1135, %get3A_1136] {strides = array<i32>} : memref<2x64x128xi32, #tpu.memory_space<vmem>>, vector<1x1x16xi32>,
        %get3A_1138 = vector.shape_cast %get3A_1137 : vector<1x1x16xi32> to vector<16xi32>
        %shift_left3A_1139 = arith.constant 16 : i32
        %shift_left3A_1140 = vector.broadcast %shift_left3A_1139 : i32 to vector<16xi32>
        %shift_left3A_1141 = arith.shli %get3A_1138, %shift_left3A_1140 : vector<16xi32>
        %bitcast_convert_type3A_1142 = tpu.bitcast %shift_left3A_1141 : vector<16xi32> -> vector<16xf32>
        %bitcast_convert_type3A_1143 = tpu.bitcast %get3A_1138 : vector<16xi32> -> vector<16xf32>
        %get3A_1144 = arith.constant 1 : i32
        %get3A_1145 = arith.index_cast %get3A_1144 : i32 to index
        %get3A_1146 = arith.index_cast %add3A_945 : i32 to index
        %get3A_1147 = arith.constant 32 : index
        %get3A_1148 = tpu.vector_load %arg12[%get3A_1145, %get3A_1146, %get3A_1147] {strides = array<i32>} : memref<2x64x128xi32, #tpu.memory_space<vmem>>, vector<1x1x16xi32>,
        %get3A_1149 = vector.shape_cast %get3A_1148 : vector<1x1x16xi32> to vector<16xi32>
        %shift_left3A_1150 = arith.constant 16 : i32
        %shift_left3A_1151 = vector.broadcast %shift_left3A_1150 : i32 to vector<16xi32>
        %shift_left3A_1152 = arith.shli %get3A_1149, %shift_left3A_1151 : vector<16xi32>
        %bitcast_convert_type3A_1153 = tpu.bitcast %shift_left3A_1152 : vector<16xi32> -> vector<16xf32>
        %bitcast_convert_type3A_1154 = tpu.bitcast %get3A_1149 : vector<16xi32> -> vector<16xf32>
        %get3A_1155 = arith.constant 1 : i32
        %get3A_1156 = arith.index_cast %get3A_1155 : i32 to index
        %get3A_1157 = arith.index_cast %add3A_945 : i32 to index
        %get3A_1158 = arith.constant 96 : index
        %get3A_1159 = tpu.vector_load %arg12[%get3A_1156, %get3A_1157, %get3A_1158] {strides = array<i32>} : memref<2x64x128xi32, #tpu.memory_space<vmem>>, vector<1x1x16xi32>,
        %get3A_1160 = vector.shape_cast %get3A_1159 : vector<1x1x16xi32> to vector<16xi32>
        %shift_left3A_1161 = arith.constant 16 : i32
        %shift_left3A_1162 = vector.broadcast %shift_left3A_1161 : i32 to vector<16xi32>
        %shift_left3A_1163 = arith.shli %get3A_1160, %shift_left3A_1162 : vector<16xi32>
        %bitcast_convert_type3A_1164 = tpu.bitcast %shift_left3A_1163 : vector<16xi32> -> vector<16xf32>
        %bitcast_convert_type3A_1165 = tpu.bitcast %get3A_1160 : vector<16xi32> -> vector<16xf32>
        %get3A_1166 = arith.constant 1 : i32
        %get3A_1167 = arith.index_cast %get3A_1166 : i32 to index
        %get3A_1168 = arith.index_cast %add3A_945 : i32 to index
        %get3A_1169 = arith.constant 32 : index
        %get3A_1170 = tpu.vector_load %arg13[%get3A_1167, %get3A_1168, %get3A_1169] {strides = array<i32>} : memref<2x64x128xi32, #tpu.memory_space<vmem>>, vector<1x1x16xi32>,
        %get3A_1171 = vector.shape_cast %get3A_1170 : vector<1x1x16xi32> to vector<16xi32>
        %shift_left3A_1172 = arith.constant 16 : i32
        %shift_left3A_1173 = vector.broadcast %shift_left3A_1172 : i32 to vector<16xi32>
        %shift_left3A_1174 = arith.shli %get3A_1171, %shift_left3A_1173 : vector<16xi32>
        %bitcast_convert_type3A_1175 = tpu.bitcast %shift_left3A_1174 : vector<16xi32> -> vector<16xf32>
        %bitcast_convert_type3A_1176 = tpu.bitcast %get3A_1171 : vector<16xi32> -> vector<16xf32>
        %get3A_1177 = arith.constant 1 : i32
        %get3A_1178 = arith.index_cast %get3A_1177 : i32 to index
        %get3A_1179 = arith.index_cast %add3A_945 : i32 to index
        %get3A_1180 = arith.constant 96 : index
        %get3A_1181 = tpu.vector_load %arg13[%get3A_1178, %get3A_1179, %get3A_1180] {strides = array<i32>} : memref<2x64x128xi32, #tpu.memory_space<vmem>>, vector<1x1x16xi32>,
        %get3A_1182 = vector.shape_cast %get3A_1181 : vector<1x1x16xi32> to vector<16xi32>
        %shift_left3A_1183 = arith.constant 16 : i32
        %shift_left3A_1184 = vector.broadcast %shift_left3A_1183 : i32 to vector<16xi32>
        %shift_left3A_1185 = arith.shli %get3A_1182, %shift_left3A_1184 : vector<16xi32>
        %bitcast_convert_type3A_1186 = tpu.bitcast %shift_left3A_1185 : vector<16xi32> -> vector<16xf32>
        %bitcast_convert_type3A_1187 = tpu.bitcast %get3A_1182 : vector<16xi32> -> vector<16xf32>
        %mul3A_1188 = arith.mulf %bitcast_convert_type3A_1175, %bitcast_convert_type3A_1153 : vector<16xf32>
        %mul3A_1189 = arith.mulf %bitcast_convert_type3A_1186, %bitcast_convert_type3A_1164 : vector<16xf32>
        %add3A_1190 = arith.addf %mul3A_1188, %mul3A_1189 : vector<16xf32>
        %mul3A_1191 = arith.mulf %bitcast_convert_type3A_1175, %bitcast_convert_type3A_1164 : vector<16xf32>
        %mul3A_1192 = arith.mulf %bitcast_convert_type3A_1186, %bitcast_convert_type3A_1153 : vector<16xf32>
        %sub3A_1193 = arith.subf %mul3A_1191, %mul3A_1192 : vector<16xf32>
        %mul3A_1194 = arith.mulf %bitcast_convert_type3A_1131, %add3A_1190 : vector<16xf32>
        %mul3A_1195 = arith.mulf %bitcast_convert_type3A_1142, %sub3A_1193 : vector<16xf32>
        %add3A_1196 = arith.addf %mul3A_1194, %mul3A_1195 : vector<16xf32>
        %add3A_1197 = arith.addf %add3A_1111, %add3A_1196 : vector<16xf32>
        %mul3A_1198 = arith.mulf %bitcast_convert_type3A_1176, %bitcast_convert_type3A_1154 : vector<16xf32>
        %mul3A_1199 = arith.mulf %bitcast_convert_type3A_1187, %bitcast_convert_type3A_1165 : vector<16xf32>
        %add3A_1200 = arith.addf %mul3A_1198, %mul3A_1199 : vector<16xf32>
        %mul3A_1201 = arith.mulf %bitcast_convert_type3A_1176, %bitcast_convert_type3A_1165 : vector<16xf32>
        %mul3A_1202 = arith.mulf %bitcast_convert_type3A_1187, %bitcast_convert_type3A_1154 : vector<16xf32>
        %sub3A_1203 = arith.subf %mul3A_1201, %mul3A_1202 : vector<16xf32>
        %mul3A_1204 = arith.mulf %bitcast_convert_type3A_1132, %add3A_1200 : vector<16xf32>
        %mul3A_1205 = arith.mulf %bitcast_convert_type3A_1143, %sub3A_1203 : vector<16xf32>
        %add3A_1206 = arith.addf %mul3A_1204, %mul3A_1205 : vector<16xf32>
        %add3A_1207 = arith.addf %add3A_1121, %add3A_1206 : vector<16xf32>
        %get3A_1208 = arith.constant 1 : i32
        %get3A_1209 = arith.index_cast %get3A_1208 : i32 to index
        %get3A_1210 = arith.index_cast %add3A_945 : i32 to index
        %get3A_1211 = arith.constant 48 : index
        %get3A_1212 = tpu.vector_load %arg11[%get3A_1209, %get3A_1210, %get3A_1211] {strides = array<i32>} : memref<2x64x128xi32, #tpu.memory_space<vmem>>, vector<1x1x16xi32>,
        %get3A_1213 = vector.shape_cast %get3A_1212 : vector<1x1x16xi32> to vector<16xi32>
        %shift_left3A_1214 = arith.constant 16 : i32
        %shift_left3A_1215 = vector.broadcast %shift_left3A_1214 : i32 to vector<16xi32>
        %shift_left3A_1216 = arith.shli %get3A_1213, %shift_left3A_1215 : vector<16xi32>
        %bitcast_convert_type3A_1217 = tpu.bitcast %shift_left3A_1216 : vector<16xi32> -> vector<16xf32>
        %bitcast_convert_type3A_1218 = tpu.bitcast %get3A_1213 : vector<16xi32> -> vector<16xf32>
        %get3A_1219 = arith.constant 1 : i32
        %get3A_1220 = arith.index_cast %get3A_1219 : i32 to index
        %get3A_1221 = arith.index_cast %add3A_945 : i32 to index
        %get3A_1222 = arith.constant 112 : index
        %get3A_1223 = tpu.vector_load %arg11[%get3A_1220, %get3A_1221, %get3A_1222] {strides = array<i32>} : memref<2x64x128xi32, #tpu.memory_space<vmem>>, vector<1x1x16xi32>,
        %get3A_1224 = vector.shape_cast %get3A_1223 : vector<1x1x16xi32> to vector<16xi32>
        %shift_left3A_1225 = arith.constant 16 : i32
        %shift_left3A_1226 = vector.broadcast %shift_left3A_1225 : i32 to vector<16xi32>
        %shift_left3A_1227 = arith.shli %get3A_1224, %shift_left3A_1226 : vector<16xi32>
        %bitcast_convert_type3A_1228 = tpu.bitcast %shift_left3A_1227 : vector<16xi32> -> vector<16xf32>
        %bitcast_convert_type3A_1229 = tpu.bitcast %get3A_1224 : vector<16xi32> -> vector<16xf32>
        %get3A_1230 = arith.constant 1 : i32
        %get3A_1231 = arith.index_cast %get3A_1230 : i32 to index
        %get3A_1232 = arith.index_cast %add3A_945 : i32 to index
        %get3A_1233 = arith.constant 48 : index
        %get3A_1234 = tpu.vector_load %arg12[%get3A_1231, %get3A_1232, %get3A_1233] {strides = array<i32>} : memref<2x64x128xi32, #tpu.memory_space<vmem>>, vector<1x1x16xi32>,
        %get3A_1235 = vector.shape_cast %get3A_1234 : vector<1x1x16xi32> to vector<16xi32>
        %shift_left3A_1236 = arith.constant 16 : i32
        %shift_left3A_1237 = vector.broadcast %shift_left3A_1236 : i32 to vector<16xi32>
        %shift_left3A_1238 = arith.shli %get3A_1235, %shift_left3A_1237 : vector<16xi32>
        %bitcast_convert_type3A_1239 = tpu.bitcast %shift_left3A_1238 : vector<16xi32> -> vector<16xf32>
        %bitcast_convert_type3A_1240 = tpu.bitcast %get3A_1235 : vector<16xi32> -> vector<16xf32>
        %get3A_1241 = arith.constant 1 : i32
        %get3A_1242 = arith.index_cast %get3A_1241 : i32 to index
        %get3A_1243 = arith.index_cast %add3A_945 : i32 to index
        %get3A_1244 = arith.constant 112 : index
        %get3A_1245 = tpu.vector_load %arg12[%get3A_1242, %get3A_1243, %get3A_1244] {strides = array<i32>} : memref<2x64x128xi32, #tpu.memory_space<vmem>>, vector<1x1x16xi32>,
        %get3A_1246 = vector.shape_cast %get3A_1245 : vector<1x1x16xi32> to vector<16xi32>
        %shift_left3A_1247 = arith.constant 16 : i32
        %shift_left3A_1248 = vector.broadcast %shift_left3A_1247 : i32 to vector<16xi32>
        %shift_left3A_1249 = arith.shli %get3A_1246, %shift_left3A_1248 : vector<16xi32>
        %bitcast_convert_type3A_1250 = tpu.bitcast %shift_left3A_1249 : vector<16xi32> -> vector<16xf32>
        %bitcast_convert_type3A_1251 = tpu.bitcast %get3A_1246 : vector<16xi32> -> vector<16xf32>
        %get3A_1252 = arith.constant 1 : i32
        %get3A_1253 = arith.index_cast %get3A_1252 : i32 to index
        %get3A_1254 = arith.index_cast %add3A_945 : i32 to index
        %get3A_1255 = arith.constant 48 : index
        %get3A_1256 = tpu.vector_load %arg13[%get3A_1253, %get3A_1254, %get3A_1255] {strides = array<i32>} : memref<2x64x128xi32, #tpu.memory_space<vmem>>, vector<1x1x16xi32>,
        %get3A_1257 = vector.shape_cast %get3A_1256 : vector<1x1x16xi32> to vector<16xi32>
        %shift_left3A_1258 = arith.constant 16 : i32
        %shift_left3A_1259 = vector.broadcast %shift_left3A_1258 : i32 to vector<16xi32>
        %shift_left3A_1260 = arith.shli %get3A_1257, %shift_left3A_1259 : vector<16xi32>
        %bitcast_convert_type3A_1261 = tpu.bitcast %shift_left3A_1260 : vector<16xi32> -> vector<16xf32>
        %bitcast_convert_type3A_1262 = tpu.bitcast %get3A_1257 : vector<16xi32> -> vector<16xf32>
        %get3A_1263 = arith.constant 1 : i32
        %get3A_1264 = arith.index_cast %get3A_1263 : i32 to index
        %get3A_1265 = arith.index_cast %add3A_945 : i32 to index
        %get3A_1266 = arith.constant 112 : index
        %get3A_1267 = tpu.vector_load %arg13[%get3A_1264, %get3A_1265, %get3A_1266] {strides = array<i32>} : memref<2x64x128xi32, #tpu.memory_space<vmem>>, vector<1x1x16xi32>,
        %get3A_1268 = vector.shape_cast %get3A_1267 : vector<1x1x16xi32> to vector<16xi32>
        %shift_left3A_1269 = arith.constant 16 : i32
        %shift_left3A_1270 = vector.broadcast %shift_left3A_1269 : i32 to vector<16xi32>
        %shift_left3A_1271 = arith.shli %get3A_1268, %shift_left3A_1270 : vector<16xi32>
        %bitcast_convert_type3A_1272 = tpu.bitcast %shift_left3A_1271 : vector<16xi32> -> vector<16xf32>
        %bitcast_convert_type3A_1273 = tpu.bitcast %get3A_1268 : vector<16xi32> -> vector<16xf32>
        %mul3A_1274 = arith.mulf %bitcast_convert_type3A_1261, %bitcast_convert_type3A_1239 : vector<16xf32>
        %mul3A_1275 = arith.mulf %bitcast_convert_type3A_1272, %bitcast_convert_type3A_1250 : vector<16xf32>
        %add3A_1276 = arith.addf %mul3A_1274, %mul3A_1275 : vector<16xf32>
        %mul3A_1277 = arith.mulf %bitcast_convert_type3A_1261, %bitcast_convert_type3A_1250 : vector<16xf32>
        %mul3A_1278 = arith.mulf %bitcast_convert_type3A_1272, %bitcast_convert_type3A_1239 : vector<16xf32>
        %sub3A_1279 = arith.subf %mul3A_1277, %mul3A_1278 : vector<16xf32>
        %mul3A_1280 = arith.mulf %bitcast_convert_type3A_1217, %add3A_1276 : vector<16xf32>
        %mul3A_1281 = arith.mulf %bitcast_convert_type3A_1228, %sub3A_1279 : vector<16xf32>
        %add3A_1282 = arith.addf %mul3A_1280, %mul3A_1281 : vector<16xf32>
        %add3A_1283 = arith.addf %add3A_1197, %add3A_1282 : vector<16xf32>
        %mul3A_1284 = arith.mulf %bitcast_convert_type3A_1262, %bitcast_convert_type3A_1240 : vector<16xf32>
        %mul3A_1285 = arith.mulf %bitcast_convert_type3A_1273, %bitcast_convert_type3A_1251 : vector<16xf32>
        %add3A_1286 = arith.addf %mul3A_1284, %mul3A_1285 : vector<16xf32>
        %mul3A_1287 = arith.mulf %bitcast_convert_type3A_1262, %bitcast_convert_type3A_1251 : vector<16xf32>
        %mul3A_1288 = arith.mulf %bitcast_convert_type3A_1273, %bitcast_convert_type3A_1240 : vector<16xf32>
        %sub3A_1289 = arith.subf %mul3A_1287, %mul3A_1288 : vector<16xf32>
        %mul3A_1290 = arith.mulf %bitcast_convert_type3A_1218, %add3A_1286 : vector<16xf32>
        %mul3A_1291 = arith.mulf %bitcast_convert_type3A_1229, %sub3A_1289 : vector<16xf32>
        %add3A_1292 = arith.addf %mul3A_1290, %mul3A_1291 : vector<16xf32>
        %add3A_1293 = arith.addf %add3A_1207, %add3A_1292 : vector<16xf32>
        %add3A_1294 = arith.addf %add3A_1283, %add3A_1293 : vector<16xf32>
        %add3A_1295 = arith.constant 1 : i32
        %add3A_1296 = arith.addi %mul3A_590, %add3A_1295 : i32
        %mul3A_1297 = arith.constant 16 : i32
        %mul3A_1298 = arith.muli %add3A_1296, %mul3A_1297 : i32
        %swap3A_1299 = arith.constant 1 : i32
        %swap3A_1300 = arith.index_cast %swap3A_1299 : i32 to index
        %swap3A_1301 = arith.index_cast %mul3A_1298 : i32 to index
        %swap3A_1302 = tpu.vector_load %arg15[%swap3A_1300, %swap3A_1301] {strides = array<i32>} : memref<2x1024xf32, #tpu.memory_space<vmem>>, vector<1x16xf32>,
        %swap3A_1303 = vector.shape_cast %swap3A_1302 : vector<1x16xf32> to vector<16xf32>
        %swap3A_1304 = vector.shape_cast %add3A_1294 : vector<16xf32> to vector<1x16xf32>
        tpu.vector_store %arg15[%swap3A_1300, %swap3A_1301], %swap3A_1304 {strides = array<i32>} : memref<2x1024xf32, #tpu.memory_space<vmem>>, vector<1x16xf32>,
      }
      %scan3A_569 = arith.constant 32 : i32
      %scan3A_570 = arith.constant 0 : i32
      %scan3A_571 = arith.constant 0 : i32
      %scan3A_572 = arith.constant 4 : i32
      %scan3A_573 = arith.addi %scan3A_571, %scan3A_572 : i32
      %scan3A_574 = arith.constant 1 : i32
      scf.for %scan3A_588 = %scan3A_571 to %scan3A_573 step %scan3A_574  : i32 {
        %mul3A_589 = arith.constant 16 : i32
        %mul3A_590 = arith.muli %scan3A_588, %mul3A_589 : i32
        %add3A_591 = arith.constant 0 : i32
        %add3A_592 = arith.addi %mul3A_590, %add3A_591 : i32
        %mul3A_593 = arith.constant 16 : i32
        %mul3A_594 = arith.muli %add3A_592, %mul3A_593 : i32
        %get3A = arith.constant 1 : i32
        %get3A_595 = arith.index_cast %get3A : i32 to index
        %get3A_596 = arith.index_cast %mul3A_594 : i32 to index
        %get3A_597 = tpu.vector_load %arg15[%get3A_595, %get3A_596] {strides = array<i32>} : memref<2x1024xf32, #tpu.memory_space<vmem>>, vector<1x16xf32>,
        %get3A_598 = vector.shape_cast %get3A_597 : vector<1x16xf32> to vector<16xf32>
        %mul3A_599 = arith.constant 16 : i32
        %mul3A_600 = arith.muli %scan3A_588, %mul3A_599 : i32
        %add3A_601 = arith.constant 1 : i32
        %add3A_602 = arith.addi %mul3A_600, %add3A_601 : i32
        %mul3A_603 = arith.constant 16 : i32
        %mul3A_604 = arith.muli %add3A_602, %mul3A_603 : i32
        %get3A_605 = arith.constant 1 : i32
        %get3A_606 = arith.index_cast %get3A_605 : i32 to index
        %get3A_607 = arith.index_cast %mul3A_604 : i32 to index
        %get3A_608 = tpu.vector_load %arg15[%get3A_606, %get3A_607] {strides = array<i32>} : memref<2x1024xf32, #tpu.memory_space<vmem>>, vector<1x16xf32>,
        %get3A_609 = vector.shape_cast %get3A_608 : vector<1x16xf32> to vector<16xf32>
        %mul3A_610 = arith.constant 16 : i32
        %mul3A_611 = arith.muli %scan3A_588, %mul3A_610 : i32
        %add3A_612 = arith.constant 2 : i32
        %add3A_613 = arith.addi %mul3A_611, %add3A_612 : i32
        %mul3A_614 = arith.constant 16 : i32
        %mul3A_615 = arith.muli %add3A_613, %mul3A_614 : i32
        %get3A_616 = arith.constant 1 : i32
        %get3A_617 = arith.index_cast %get3A_616 : i32 to index
        %get3A_618 = arith.index_cast %mul3A_615 : i32 to index
        %get3A_619 = tpu.vector_load %arg15[%get3A_617, %get3A_618] {strides = array<i32>} : memref<2x1024xf32, #tpu.memory_space<vmem>>, vector<1x16xf32>,
        %get3A_620 = vector.shape_cast %get3A_619 : vector<1x16xf32> to vector<16xf32>
        %mul3A_621 = arith.constant 16 : i32
        %mul3A_622 = arith.muli %scan3A_588, %mul3A_621 : i32
        %add3A_623 = arith.constant 3 : i32
        %add3A_624 = arith.addi %mul3A_622, %add3A_623 : i32
        %mul3A_625 = arith.constant 16 : i32
        %mul3A_626 = arith.muli %add3A_624, %mul3A_625 : i32
        %get3A_627 = arith.constant 1 : i32
        %get3A_628 = arith.index_cast %get3A_627 : i32 to index
        %get3A_629 = arith.index_cast %mul3A_626 : i32 to index
        %get3A_630 = tpu.vector_load %arg15[%get3A_628, %get3A_629] {strides = array<i32>} : memref<2x1024xf32, #tpu.memory_space<vmem>>, vector<1x16xf32>,
        %get3A_631 = vector.shape_cast %get3A_630 : vector<1x16xf32> to vector<16xf32>
        %mul3A_632 = arith.constant 16 : i32
        %mul3A_633 = arith.muli %scan3A_588, %mul3A_632 : i32
        %add3A_634 = arith.constant 4 : i32
        %add3A_635 = arith.addi %mul3A_633, %add3A_634 : i32
        %mul3A_636 = arith.constant 16 : i32
        %mul3A_637 = arith.muli %add3A_635, %mul3A_636 : i32
        %get3A_638 = arith.constant 1 : i32
        %get3A_639 = arith.index_cast %get3A_638 : i32 to index
        %get3A_640 = arith.index_cast %mul3A_637 : i32 to index
        %get3A_641 = tpu.vector_load %arg15[%get3A_639, %get3A_640] {strides = array<i32>} : memref<2x1024xf32, #tpu.memory_space<vmem>>, vector<1x16xf32>,
        %get3A_642 = vector.shape_cast %get3A_641 : vector<1x16xf32> to vector<16xf32>
        %mul3A_643 = arith.constant 16 : i32
        %mul3A_644 = arith.muli %scan3A_588, %mul3A_643 : i32
        %add3A_645 = arith.constant 5 : i32
        %add3A_646 = arith.addi %mul3A_644, %add3A_645 : i32
        %mul3A_647 = arith.constant 16 : i32
        %mul3A_648 = arith.muli %add3A_646, %mul3A_647 : i32
        %get3A_649 = arith.constant 1 : i32
        %get3A_650 = arith.index_cast %get3A_649 : i32 to index
        %get3A_651 = arith.index_cast %mul3A_648 : i32 to index
        %get3A_652 = tpu.vector_load %arg15[%get3A_650, %get3A_651] {strides = array<i32>} : memref<2x1024xf32, #tpu.memory_space<vmem>>, vector<1x16xf32>,
        %get3A_653 = vector.shape_cast %get3A_652 : vector<1x16xf32> to vector<16xf32>
        %mul3A_654 = arith.constant 16 : i32
        %mul3A_655 = arith.muli %scan3A_588, %mul3A_654 : i32
        %add3A_656 = arith.constant 6 : i32
        %add3A_657 = arith.addi %mul3A_655, %add3A_656 : i32
        %mul3A_658 = arith.constant 16 : i32
        %mul3A_659 = arith.muli %add3A_657, %mul3A_658 : i32
        %get3A_660 = arith.constant 1 : i32
        %get3A_661 = arith.index_cast %get3A_660 : i32 to index
        %get3A_662 = arith.index_cast %mul3A_659 : i32 to index
        %get3A_663 = tpu.vector_load %arg15[%get3A_661, %get3A_662] {strides = array<i32>} : memref<2x1024xf32, #tpu.memory_space<vmem>>, vector<1x16xf32>,
        %get3A_664 = vector.shape_cast %get3A_663 : vector<1x16xf32> to vector<16xf32>
        %mul3A_665 = arith.constant 16 : i32
        %mul3A_666 = arith.muli %scan3A_588, %mul3A_665 : i32
        %add3A_667 = arith.constant 7 : i32
        %add3A_668 = arith.addi %mul3A_666, %add3A_667 : i32
        %mul3A_669 = arith.constant 16 : i32
        %mul3A_670 = arith.muli %add3A_668, %mul3A_669 : i32
        %get3A_671 = arith.constant 1 : i32
        %get3A_672 = arith.index_cast %get3A_671 : i32 to index
        %get3A_673 = arith.index_cast %mul3A_670 : i32 to index
        %get3A_674 = tpu.vector_load %arg15[%get3A_672, %get3A_673] {strides = array<i32>} : memref<2x1024xf32, #tpu.memory_space<vmem>>, vector<1x16xf32>,
        %get3A_675 = vector.shape_cast %get3A_674 : vector<1x16xf32> to vector<16xf32>
        %mul3A_676 = arith.constant 16 : i32
        %mul3A_677 = arith.muli %scan3A_588, %mul3A_676 : i32
        %add3A_678 = arith.constant 8 : i32
        %add3A_679 = arith.addi %mul3A_677, %add3A_678 : i32
        %mul3A_680 = arith.constant 16 : i32
        %mul3A_681 = arith.muli %add3A_679, %mul3A_680 : i32
        %get3A_682 = arith.constant 1 : i32
        %get3A_683 = arith.index_cast %get3A_682 : i32 to index
        %get3A_684 = arith.index_cast %mul3A_681 : i32 to index
        %get3A_685 = tpu.vector_load %arg15[%get3A_683, %get3A_684] {strides = array<i32>} : memref<2x1024xf32, #tpu.memory_space<vmem>>, vector<1x16xf32>,
        %get3A_686 = vector.shape_cast %get3A_685 : vector<1x16xf32> to vector<16xf32>
        %mul3A_687 = arith.constant 16 : i32
        %mul3A_688 = arith.muli %scan3A_588, %mul3A_687 : i32
        %add3A_689 = arith.constant 9 : i32
        %add3A_690 = arith.addi %mul3A_688, %add3A_689 : i32
        %mul3A_691 = arith.constant 16 : i32
        %mul3A_692 = arith.muli %add3A_690, %mul3A_691 : i32
        %get3A_693 = arith.constant 1 : i32
        %get3A_694 = arith.index_cast %get3A_693 : i32 to index
        %get3A_695 = arith.index_cast %mul3A_692 : i32 to index
        %get3A_696 = tpu.vector_load %arg15[%get3A_694, %get3A_695] {strides = array<i32>} : memref<2x1024xf32, #tpu.memory_space<vmem>>, vector<1x16xf32>,
        %get3A_697 = vector.shape_cast %get3A_696 : vector<1x16xf32> to vector<16xf32>
        %mul3A_698 = arith.constant 16 : i32
        %mul3A_699 = arith.muli %scan3A_588, %mul3A_698 : i32
        %add3A_700 = arith.constant 10 : i32
        %add3A_701 = arith.addi %mul3A_699, %add3A_700 : i32
        %mul3A_702 = arith.constant 16 : i32
        %mul3A_703 = arith.muli %add3A_701, %mul3A_702 : i32
        %get3A_704 = arith.constant 1 : i32
        %get3A_705 = arith.index_cast %get3A_704 : i32 to index
        %get3A_706 = arith.index_cast %mul3A_703 : i32 to index
        %get3A_707 = tpu.vector_load %arg15[%get3A_705, %get3A_706] {strides = array<i32>} : memref<2x1024xf32, #tpu.memory_space<vmem>>, vector<1x16xf32>,
        %get3A_708 = vector.shape_cast %get3A_707 : vector<1x16xf32> to vector<16xf32>
        %mul3A_709 = arith.constant 16 : i32
        %mul3A_710 = arith.muli %scan3A_588, %mul3A_709 : i32
        %add3A_711 = arith.constant 11 : i32
        %add3A_712 = arith.addi %mul3A_710, %add3A_711 : i32
        %mul3A_713 = arith.constant 16 : i32
        %mul3A_714 = arith.muli %add3A_712, %mul3A_713 : i32
        %get3A_715 = arith.constant 1 : i32
        %get3A_716 = arith.index_cast %get3A_715 : i32 to index
        %get3A_717 = arith.index_cast %mul3A_714 : i32 to index
        %get3A_718 = tpu.vector_load %arg15[%get3A_716, %get3A_717] {strides = array<i32>} : memref<2x1024xf32, #tpu.memory_space<vmem>>, vector<1x16xf32>,
        %get3A_719 = vector.shape_cast %get3A_718 : vector<1x16xf32> to vector<16xf32>
        %mul3A_720 = arith.constant 16 : i32
        %mul3A_721 = arith.muli %scan3A_588, %mul3A_720 : i32
        %add3A_722 = arith.constant 12 : i32
        %add3A_723 = arith.addi %mul3A_721, %add3A_722 : i32
        %mul3A_724 = arith.constant 16 : i32
        %mul3A_725 = arith.muli %add3A_723, %mul3A_724 : i32
        %get3A_726 = arith.constant 1 : i32
        %get3A_727 = arith.index_cast %get3A_726 : i32 to index
        %get3A_728 = arith.index_cast %mul3A_725 : i32 to index
        %get3A_729 = tpu.vector_load %arg15[%get3A_727, %get3A_728] {strides = array<i32>} : memref<2x1024xf32, #tpu.memory_space<vmem>>, vector<1x16xf32>,
        %get3A_730 = vector.shape_cast %get3A_729 : vector<1x16xf32> to vector<16xf32>
        %mul3A_731 = arith.constant 16 : i32
        %mul3A_732 = arith.muli %scan3A_588, %mul3A_731 : i32
        %add3A_733 = arith.constant 13 : i32
        %add3A_734 = arith.addi %mul3A_732, %add3A_733 : i32
        %mul3A_735 = arith.constant 16 : i32
        %mul3A_736 = arith.muli %add3A_734, %mul3A_735 : i32
        %get3A_737 = arith.constant 1 : i32
        %get3A_738 = arith.index_cast %get3A_737 : i32 to index
        %get3A_739 = arith.index_cast %mul3A_736 : i32 to index
        %get3A_740 = tpu.vector_load %arg15[%get3A_738, %get3A_739] {strides = array<i32>} : memref<2x1024xf32, #tpu.memory_space<vmem>>, vector<1x16xf32>,
        %get3A_741 = vector.shape_cast %get3A_740 : vector<1x16xf32> to vector<16xf32>
        %mul3A_742 = arith.constant 16 : i32
        %mul3A_743 = arith.muli %scan3A_588, %mul3A_742 : i32
        %add3A_744 = arith.constant 14 : i32
        %add3A_745 = arith.addi %mul3A_743, %add3A_744 : i32
        %mul3A_746 = arith.constant 16 : i32
        %mul3A_747 = arith.muli %add3A_745, %mul3A_746 : i32
        %get3A_748 = arith.constant 1 : i32
        %get3A_749 = arith.index_cast %get3A_748 : i32 to index
        %get3A_750 = arith.index_cast %mul3A_747 : i32 to index
        %get3A_751 = tpu.vector_load %arg15[%get3A_749, %get3A_750] {strides = array<i32>} : memref<2x1024xf32, #tpu.memory_space<vmem>>, vector<1x16xf32>,
        %get3A_752 = vector.shape_cast %get3A_751 : vector<1x16xf32> to vector<16xf32>
        %mul3A_753 = arith.constant 16 : i32
        %mul3A_754 = arith.muli %scan3A_588, %mul3A_753 : i32
        %add3A_755 = arith.constant 15 : i32
        %add3A_756 = arith.addi %mul3A_754, %add3A_755 : i32
        %mul3A_757 = arith.constant 16 : i32
        %mul3A_758 = arith.muli %add3A_756, %mul3A_757 : i32
        %get3A_759 = arith.constant 1 : i32
        %get3A_760 = arith.index_cast %get3A_759 : i32 to index
        %get3A_761 = arith.index_cast %mul3A_758 : i32 to index
        %get3A_762 = tpu.vector_load %arg15[%get3A_760, %get3A_761] {strides = array<i32>} : memref<2x1024xf32, #tpu.memory_space<vmem>>, vector<1x16xf32>,
        %get3A_763 = vector.shape_cast %get3A_762 : vector<1x16xf32> to vector<16xf32>
        %add3A_764 = arith.constant 8 : i32
        %add3A_765 = vector.broadcast %add3A_764 : i32 to vector<16xi32>
        %add3A_766 = arith.addi %iota3A, %add3A_765 : vector<16xi32>
        %jit3A_767 = arith.constant 16 : i32
        %eq3A_768 = arith.constant 0 : i32
        %eq3A_769 = arith.cmpi eq, %jit3A_767, %eq3A_768 : i32
        %jit3A_770 = arith.constant 1 : i32
        %select_n3A_771 = arith.select %eq3A_769, %jit3A_770, %jit3A_767 : i32
        %rem3A_772 = vector.broadcast %select_n3A_771 : i32 to vector<16xi32>
        %rem3A_773 = arith.remsi %add3A_766, %rem3A_772 : vector<16xi32>
        %ne3A_774 = arith.constant 0 : i32
        %ne3A_775 = vector.broadcast %ne3A_774 : i32 to vector<16xi32>
        %ne3A_776 = arith.cmpi ne, %rem3A_773, %ne3A_775 : vector<16xi32>
        %lt3A_777 = arith.constant 0 : i32
        %lt3A_778 = vector.broadcast %lt3A_777 : i32 to vector<16xi32>
        %lt3A_779 = arith.cmpi slt, %rem3A_773, %lt3A_778 : vector<16xi32>
        %lt3A_780 = arith.constant 0 : i32
        %lt3A_781 = arith.cmpi slt, %select_n3A_771, %lt3A_780 : i32
        %ne3A_782 = vector.broadcast %lt3A_781 : i1 to vector<16xi1>
        %ne3A_783 = vector.broadcast %ne3A_782 : vector<16xi1> to vector<16xi1>
        %ne3A_784 = arith.xori %lt3A_779, %ne3A_783 : vector<16xi1>
        %and3A_785 = arith.andi %ne3A_784, %ne3A_776 : vector<16xi1>
        %add3A_786 = vector.broadcast %select_n3A_771 : i32 to vector<16xi32>
        %add3A_787 = arith.addi %rem3A_773, %add3A_786 : vector<16xi32>
        %select_n3A_788 = arith.select %and3A_785, %add3A_787, %rem3A_773 : vector<16xi1>, vector<16xi32>
        %sub3A_789 = arith.constant 8 : i32
        %sub3A_790 = vector.broadcast %sub3A_789 : i32 to vector<16xi32>
        %sub3A_791 = arith.subi %iota3A, %sub3A_790 : vector<16xi32>
        %jit3A_792 = arith.constant 16 : i32
        %eq3A_793 = arith.constant 0 : i32
        %eq3A_794 = arith.cmpi eq, %jit3A_792, %eq3A_793 : i32
        %jit3A_795 = arith.constant 1 : i32
        %select_n3A_796 = arith.select %eq3A_794, %jit3A_795, %jit3A_792 : i32
        %rem3A_797 = vector.broadcast %select_n3A_796 : i32 to vector<16xi32>
        %rem3A_798 = arith.remsi %sub3A_791, %rem3A_797 : vector<16xi32>
        %ne3A_799 = arith.constant 0 : i32
        %ne3A_800 = vector.broadcast %ne3A_799 : i32 to vector<16xi32>
        %ne3A_801 = arith.cmpi ne, %rem3A_798, %ne3A_800 : vector<16xi32>
        %lt3A_802 = arith.constant 0 : i32
        %lt3A_803 = vector.broadcast %lt3A_802 : i32 to vector<16xi32>
        %lt3A_804 = arith.cmpi slt, %rem3A_798, %lt3A_803 : vector<16xi32>
        %lt3A_805 = arith.constant 0 : i32
        %lt3A_806 = arith.cmpi slt, %select_n3A_796, %lt3A_805 : i32
        %ne3A_807 = vector.broadcast %lt3A_806 : i1 to vector<16xi1>
        %ne3A_808 = vector.broadcast %ne3A_807 : vector<16xi1> to vector<16xi1>
        %ne3A_809 = arith.xori %lt3A_804, %ne3A_808 : vector<16xi1>
        %and3A_810 = arith.andi %ne3A_809, %ne3A_801 : vector<16xi1>
        %add3A_811 = vector.broadcast %select_n3A_796 : i32 to vector<16xi32>
        %add3A_812 = arith.addi %rem3A_798, %add3A_811 : vector<16xi32>
        %select_n3A_813 = arith.select %and3A_810, %add3A_812, %rem3A_798 : vector<16xi1>, vector<16xi32>
        %broadcast_in_dim3A = vector.shape_cast %select_n3A_788 : vector<16xi32> to vector<16x1xi32>
        %gather3A = vector.shape_cast %broadcast_in_dim3A : vector<16x1xi32> to vector<16xi32>
        %gather3A_814 = tpu.dynamic_gather %get3A_598[%gather3A] in [0] : vector<16xf32>, vector<16xi32> -> vector<16xf32>
        %add3A_815 = arith.addf %get3A_598, %gather3A_814 : vector<16xf32>
        %broadcast_in_dim3A_816 = vector.shape_cast %select_n3A_813 : vector<16xi32> to vector<16x1xi32>
        %gather3A_817 = vector.shape_cast %broadcast_in_dim3A_816 : vector<16x1xi32> to vector<16xi32>
        %gather3A_818 = tpu.dynamic_gather %get3A_609[%gather3A_817] in [0] : vector<16xf32>, vector<16xi32> -> vector<16xf32>
        %add3A_819 = arith.addf %get3A_609, %gather3A_818 : vector<16xf32>
        %select_n3A_820 = arith.select %lt3A_20, %add3A_815, %add3A_819 : vector<16xi1>, vector<16xf32>
        %broadcast_in_dim3A_821 = vector.shape_cast %select_n3A_788 : vector<16xi32> to vector<16x1xi32>
        %gather3A_822 = vector.shape_cast %broadcast_in_dim3A_821 : vector<16x1xi32> to vector<16xi32>
        %gather3A_823 = tpu.dynamic_gather %get3A_620[%gather3A_822] in [0] : vector<16xf32>, vector<16xi32> -> vector<16xf32>
        %add3A_824 = arith.addf %get3A_620, %gather3A_823 : vector<16xf32>
        %broadcast_in_dim3A_825 = vector.shape_cast %select_n3A_813 : vector<16xi32> to vector<16x1xi32>
        %gather3A_826 = vector.shape_cast %broadcast_in_dim3A_825 : vector<16x1xi32> to vector<16xi32>
        %gather3A_827 = tpu.dynamic_gather %get3A_631[%gather3A_826] in [0] : vector<16xf32>, vector<16xi32> -> vector<16xf32>
        %add3A_828 = arith.addf %get3A_631, %gather3A_827 : vector<16xf32>
        %select_n3A_829 = arith.select %lt3A_20, %add3A_824, %add3A_828 : vector<16xi1>, vector<16xf32>
        %broadcast_in_dim3A_830 = vector.shape_cast %select_n3A_788 : vector<16xi32> to vector<16x1xi32>
        %gather3A_831 = vector.shape_cast %broadcast_in_dim3A_830 : vector<16x1xi32> to vector<16xi32>
        %gather3A_832 = tpu.dynamic_gather %get3A_642[%gather3A_831] in [0] : vector<16xf32>, vector<16xi32> -> vector<16xf32>
        %add3A_833 = arith.addf %get3A_642, %gather3A_832 : vector<16xf32>
        %broadcast_in_dim3A_834 = vector.shape_cast %select_n3A_813 : vector<16xi32> to vector<16x1xi32>
        %gather3A_835 = vector.shape_cast %broadcast_in_dim3A_834 : vector<16x1xi32> to vector<16xi32>
        %gather3A_836 = tpu.dynamic_gather %get3A_653[%gather3A_835] in [0] : vector<16xf32>, vector<16xi32> -> vector<16xf32>
        %add3A_837 = arith.addf %get3A_653, %gather3A_836 : vector<16xf32>
        %select_n3A_838 = arith.select %lt3A_20, %add3A_833, %add3A_837 : vector<16xi1>, vector<16xf32>
        %broadcast_in_dim3A_839 = vector.shape_cast %select_n3A_788 : vector<16xi32> to vector<16x1xi32>
        %gather3A_840 = vector.shape_cast %broadcast_in_dim3A_839 : vector<16x1xi32> to vector<16xi32>
        %gather3A_841 = tpu.dynamic_gather %get3A_664[%gather3A_840] in [0] : vector<16xf32>, vector<16xi32> -> vector<16xf32>
        %add3A_842 = arith.addf %get3A_664, %gather3A_841 : vector<16xf32>
        %broadcast_in_dim3A_843 = vector.shape_cast %select_n3A_813 : vector<16xi32> to vector<16x1xi32>
        %gather3A_844 = vector.shape_cast %broadcast_in_dim3A_843 : vector<16x1xi32> to vector<16xi32>
        %gather3A_845 = tpu.dynamic_gather %get3A_675[%gather3A_844] in [0] : vector<16xf32>, vector<16xi32> -> vector<16xf32>
        %add3A_846 = arith.addf %get3A_675, %gather3A_845 : vector<16xf32>
        %select_n3A_847 = arith.select %lt3A_20, %add3A_842, %add3A_846 : vector<16xi1>, vector<16xf32>
        %broadcast_in_dim3A_848 = vector.shape_cast %select_n3A_788 : vector<16xi32> to vector<16x1xi32>
        %gather3A_849 = vector.shape_cast %broadcast_in_dim3A_848 : vector<16x1xi32> to vector<16xi32>
        %gather3A_850 = tpu.dynamic_gather %get3A_686[%gather3A_849] in [0] : vector<16xf32>, vector<16xi32> -> vector<16xf32>
        %add3A_851 = arith.addf %get3A_686, %gather3A_850 : vector<16xf32>
        %broadcast_in_dim3A_852 = vector.shape_cast %select_n3A_813 : vector<16xi32> to vector<16x1xi32>
        %gather3A_853 = vector.shape_cast %broadcast_in_dim3A_852 : vector<16x1xi32> to vector<16xi32>
        %gather3A_854 = tpu.dynamic_gather %get3A_697[%gather3A_853] in [0] : vector<16xf32>, vector<16xi32> -> vector<16xf32>
        %add3A_855 = arith.addf %get3A_697, %gather3A_854 : vector<16xf32>
        %select_n3A_856 = arith.select %lt3A_20, %add3A_851, %add3A_855 : vector<16xi1>, vector<16xf32>
        %broadcast_in_dim3A_857 = vector.shape_cast %select_n3A_788 : vector<16xi32> to vector<16x1xi32>
        %gather3A_858 = vector.shape_cast %broadcast_in_dim3A_857 : vector<16x1xi32> to vector<16xi32>
        %gather3A_859 = tpu.dynamic_gather %get3A_708[%gather3A_858] in [0] : vector<16xf32>, vector<16xi32> -> vector<16xf32>
        %add3A_860 = arith.addf %get3A_708, %gather3A_859 : vector<16xf32>
        %broadcast_in_dim3A_861 = vector.shape_cast %select_n3A_813 : vector<16xi32> to vector<16x1xi32>
        %gather3A_862 = vector.shape_cast %broadcast_in_dim3A_861 : vector<16x1xi32> to vector<16xi32>
        %gather3A_863 = tpu.dynamic_gather %get3A_719[%gather3A_862] in [0] : vector<16xf32>, vector<16xi32> -> vector<16xf32>
        %add3A_864 = arith.addf %get3A_719, %gather3A_863 : vector<16xf32>
        %select_n3A_865 = arith.select %lt3A_20, %add3A_860, %add3A_864 : vector<16xi1>, vector<16xf32>
        %broadcast_in_dim3A_866 = vector.shape_cast %select_n3A_788 : vector<16xi32> to vector<16x1xi32>
        %gather3A_867 = vector.shape_cast %broadcast_in_dim3A_866 : vector<16x1xi32> to vector<16xi32>
        %gather3A_868 = tpu.dynamic_gather %get3A_730[%gather3A_867] in [0] : vector<16xf32>, vector<16xi32> -> vector<16xf32>
        %add3A_869 = arith.addf %get3A_730, %gather3A_868 : vector<16xf32>
        %broadcast_in_dim3A_870 = vector.shape_cast %select_n3A_813 : vector<16xi32> to vector<16x1xi32>
        %gather3A_871 = vector.shape_cast %broadcast_in_dim3A_870 : vector<16x1xi32> to vector<16xi32>
        %gather3A_872 = tpu.dynamic_gather %get3A_741[%gather3A_871] in [0] : vector<16xf32>, vector<16xi32> -> vector<16xf32>
        %add3A_873 = arith.addf %get3A_741, %gather3A_872 : vector<16xf32>
        %select_n3A_874 = arith.select %lt3A_20, %add3A_869, %add3A_873 : vector<16xi1>, vector<16xf32>
        %broadcast_in_dim3A_875 = vector.shape_cast %select_n3A_788 : vector<16xi32> to vector<16x1xi32>
        %gather3A_876 = vector.shape_cast %broadcast_in_dim3A_875 : vector<16x1xi32> to vector<16xi32>
        %gather3A_877 = tpu.dynamic_gather %get3A_752[%gather3A_876] in [0] : vector<16xf32>, vector<16xi32> -> vector<16xf32>
        %add3A_878 = arith.addf %get3A_752, %gather3A_877 : vector<16xf32>
        %broadcast_in_dim3A_879 = vector.shape_cast %select_n3A_813 : vector<16xi32> to vector<16x1xi32>
        %gather3A_880 = vector.shape_cast %broadcast_in_dim3A_879 : vector<16x1xi32> to vector<16xi32>
        %gather3A_881 = tpu.dynamic_gather %get3A_763[%gather3A_880] in [0] : vector<16xf32>, vector<16xi32> -> vector<16xf32>
        %add3A_882 = arith.addf %get3A_763, %gather3A_881 : vector<16xf32>
        %select_n3A_883 = arith.select %lt3A_20, %add3A_878, %add3A_882 : vector<16xi1>, vector<16xf32>
        %add3A_884 = arith.constant 4 : i32
        %add3A_885 = vector.broadcast %add3A_884 : i32 to vector<16xi32>
        %add3A_886 = arith.addi %iota3A, %add3A_885 : vector<16xi32>
        %jit3A_887 = arith.constant 16 : i32
        %eq3A_888 = arith.constant 0 : i32
        %eq3A_889 = arith.cmpi eq, %jit3A_887, %eq3A_888 : i32
        %jit3A_890 = arith.constant 1 : i32
        %select_n3A_891 = arith.select %eq3A_889, %jit3A_890, %jit3A_887 : i32
        %rem3A_892 = vector.broadcast %select_n3A_891 : i32 to vector<16xi32>
        %rem3A_893 = arith.remsi %add3A_886, %rem3A_892 : vector<16xi32>
        %ne3A_894 = arith.constant 0 : i32
        %ne3A_895 = vector.broadcast %ne3A_894 : i32 to vector<16xi32>
        %ne3A_896 = arith.cmpi ne, %rem3A_893, %ne3A_895 : vector<16xi32>
        %lt3A_897 = arith.constant 0 : i32
        %lt3A_898 = vector.broadcast %lt3A_897 : i32 to vector<16xi32>
        %lt3A_899 = arith.cmpi slt, %rem3A_893, %lt3A_898 : vector<16xi32>
        %lt3A_900 = arith.constant 0 : i32
        %lt3A_901 = arith.cmpi slt, %select_n3A_891, %lt3A_900 : i32
        %ne3A_902 = vector.broadcast %lt3A_901 : i1 to vector<16xi1>
        %ne3A_903 = vector.broadcast %ne3A_902 : vector<16xi1> to vector<16xi1>
        %ne3A_904 = arith.xori %lt3A_899, %ne3A_903 : vector<16xi1>
        %and3A_905 = arith.andi %ne3A_904, %ne3A_896 : vector<16xi1>
        %add3A_906 = vector.broadcast %select_n3A_891 : i32 to vector<16xi32>
        %add3A_907 = arith.addi %rem3A_893, %add3A_906 : vector<16xi32>
        %select_n3A_908 = arith.select %and3A_905, %add3A_907, %rem3A_893 : vector<16xi1>, vector<16xi32>
        %sub3A_909 = arith.constant 4 : i32
        %sub3A_910 = vector.broadcast %sub3A_909 : i32 to vector<16xi32>
        %sub3A_911 = arith.subi %iota3A, %sub3A_910 : vector<16xi32>
        %jit3A_912 = arith.constant 16 : i32
        %eq3A_913 = arith.constant 0 : i32
        %eq3A_914 = arith.cmpi eq, %jit3A_912, %eq3A_913 : i32
        %jit3A_915 = arith.constant 1 : i32
        %select_n3A_916 = arith.select %eq3A_914, %jit3A_915, %jit3A_912 : i32
        %rem3A_917 = vector.broadcast %select_n3A_916 : i32 to vector<16xi32>
        %rem3A_918 = arith.remsi %sub3A_911, %rem3A_917 : vector<16xi32>
        %ne3A_919 = arith.constant 0 : i32
        %ne3A_920 = vector.broadcast %ne3A_919 : i32 to vector<16xi32>
        %ne3A_921 = arith.cmpi ne, %rem3A_918, %ne3A_920 : vector<16xi32>
        %lt3A_922 = arith.constant 0 : i32
        %lt3A_923 = vector.broadcast %lt3A_922 : i32 to vector<16xi32>
        %lt3A_924 = arith.cmpi slt, %rem3A_918, %lt3A_923 : vector<16xi32>
        %lt3A_925 = arith.constant 0 : i32
        %lt3A_926 = arith.cmpi slt, %select_n3A_916, %lt3A_925 : i32
        %ne3A_927 = vector.broadcast %lt3A_926 : i1 to vector<16xi1>
        %ne3A_928 = vector.broadcast %ne3A_927 : vector<16xi1> to vector<16xi1>
        %ne3A_929 = arith.xori %lt3A_924, %ne3A_928 : vector<16xi1>
        %and3A_930 = arith.andi %ne3A_929, %ne3A_921 : vector<16xi1>
        %add3A_931 = vector.broadcast %select_n3A_916 : i32 to vector<16xi32>
        %add3A_932 = arith.addi %rem3A_918, %add3A_931 : vector<16xi32>
        %select_n3A_933 = arith.select %and3A_930, %add3A_932, %rem3A_918 : vector<16xi1>, vector<16xi32>
        %broadcast_in_dim3A_934 = vector.shape_cast %select_n3A_908 : vector<16xi32> to vector<16x1xi32>
        %gather3A_935 = vector.shape_cast %broadcast_in_dim3A_934 : vector<16x1xi32> to vector<16xi32>
        %gather3A_936 = tpu.dynamic_gather %select_n3A_820[%gather3A_935] in [0] : vector<16xf32>, vector<16xi32> -> vector<16xf32>
        %add3A_937 = arith.addf %select_n3A_820, %gather3A_936 : vector<16xf32>
        %broadcast_in_dim3A_938 = vector.shape_cast %select_n3A_933 : vector<16xi32> to vector<16x1xi32>
        %gather3A_939 = vector.shape_cast %broadcast_in_dim3A_938 : vector<16x1xi32> to vector<16xi32>
        %gather3A_940 = tpu.dynamic_gather %select_n3A_829[%gather3A_939] in [0] : vector<16xf32>, vector<16xi32> -> vector<16xf32>
        %add3A_941 = arith.addf %select_n3A_829, %gather3A_940 : vector<16xf32>
        %select_n3A_942 = arith.select %lt3A_45, %add3A_937, %add3A_941 : vector<16xi1>, vector<16xf32>
        %broadcast_in_dim3A_943 = vector.shape_cast %select_n3A_908 : vector<16xi32> to vector<16x1xi32>
        %gather3A_944 = vector.shape_cast %broadcast_in_dim3A_943 : vector<16x1xi32> to vector<16xi32>
        %gather3A_945 = tpu.dynamic_gather %select_n3A_838[%gather3A_944] in [0] : vector<16xf32>, vector<16xi32> -> vector<16xf32>
        %add3A_946 = arith.addf %select_n3A_838, %gather3A_945 : vector<16xf32>
        %broadcast_in_dim3A_947 = vector.shape_cast %select_n3A_933 : vector<16xi32> to vector<16x1xi32>
        %gather3A_948 = vector.shape_cast %broadcast_in_dim3A_947 : vector<16x1xi32> to vector<16xi32>
        %gather3A_949 = tpu.dynamic_gather %select_n3A_847[%gather3A_948] in [0] : vector<16xf32>, vector<16xi32> -> vector<16xf32>
        %add3A_950 = arith.addf %select_n3A_847, %gather3A_949 : vector<16xf32>
        %select_n3A_951 = arith.select %lt3A_45, %add3A_946, %add3A_950 : vector<16xi1>, vector<16xf32>
        %broadcast_in_dim3A_952 = vector.shape_cast %select_n3A_908 : vector<16xi32> to vector<16x1xi32>
        %gather3A_953 = vector.shape_cast %broadcast_in_dim3A_952 : vector<16x1xi32> to vector<16xi32>
        %gather3A_954 = tpu.dynamic_gather %select_n3A_856[%gather3A_953] in [0] : vector<16xf32>, vector<16xi32> -> vector<16xf32>
        %add3A_955 = arith.addf %select_n3A_856, %gather3A_954 : vector<16xf32>
        %broadcast_in_dim3A_956 = vector.shape_cast %select_n3A_933 : vector<16xi32> to vector<16x1xi32>
        %gather3A_957 = vector.shape_cast %broadcast_in_dim3A_956 : vector<16x1xi32> to vector<16xi32>
        %gather3A_958 = tpu.dynamic_gather %select_n3A_865[%gather3A_957] in [0] : vector<16xf32>, vector<16xi32> -> vector<16xf32>
        %add3A_959 = arith.addf %select_n3A_865, %gather3A_958 : vector<16xf32>
        %select_n3A_960 = arith.select %lt3A_45, %add3A_955, %add3A_959 : vector<16xi1>, vector<16xf32>
        %broadcast_in_dim3A_961 = vector.shape_cast %select_n3A_908 : vector<16xi32> to vector<16x1xi32>
        %gather3A_962 = vector.shape_cast %broadcast_in_dim3A_961 : vector<16x1xi32> to vector<16xi32>
        %gather3A_963 = tpu.dynamic_gather %select_n3A_874[%gather3A_962] in [0] : vector<16xf32>, vector<16xi32> -> vector<16xf32>
        %add3A_964 = arith.addf %select_n3A_874, %gather3A_963 : vector<16xf32>
        %broadcast_in_dim3A_965 = vector.shape_cast %select_n3A_933 : vector<16xi32> to vector<16x1xi32>
        %gather3A_966 = vector.shape_cast %broadcast_in_dim3A_965 : vector<16x1xi32> to vector<16xi32>
        %gather3A_967 = tpu.dynamic_gather %select_n3A_883[%gather3A_966] in [0] : vector<16xf32>, vector<16xi32> -> vector<16xf32>
        %add3A_968 = arith.addf %select_n3A_883, %gather3A_967 : vector<16xf32>
        %select_n3A_969 = arith.select %lt3A_45, %add3A_964, %add3A_968 : vector<16xi1>, vector<16xf32>
        %add3A_970 = arith.constant 2 : i32
        %add3A_971 = vector.broadcast %add3A_970 : i32 to vector<16xi32>
        %add3A_972 = arith.addi %iota3A, %add3A_971 : vector<16xi32>
        %jit3A_973 = arith.constant 16 : i32
        %eq3A_974 = arith.constant 0 : i32
        %eq3A_975 = arith.cmpi eq, %jit3A_973, %eq3A_974 : i32
        %jit3A_976 = arith.constant 1 : i32
        %select_n3A_977 = arith.select %eq3A_975, %jit3A_976, %jit3A_973 : i32
        %rem3A_978 = vector.broadcast %select_n3A_977 : i32 to vector<16xi32>
        %rem3A_979 = arith.remsi %add3A_972, %rem3A_978 : vector<16xi32>
        %ne3A_980 = arith.constant 0 : i32
        %ne3A_981 = vector.broadcast %ne3A_980 : i32 to vector<16xi32>
        %ne3A_982 = arith.cmpi ne, %rem3A_979, %ne3A_981 : vector<16xi32>
        %lt3A_983 = arith.constant 0 : i32
        %lt3A_984 = vector.broadcast %lt3A_983 : i32 to vector<16xi32>
        %lt3A_985 = arith.cmpi slt, %rem3A_979, %lt3A_984 : vector<16xi32>
        %lt3A_986 = arith.constant 0 : i32
        %lt3A_987 = arith.cmpi slt, %select_n3A_977, %lt3A_986 : i32
        %ne3A_988 = vector.broadcast %lt3A_987 : i1 to vector<16xi1>
        %ne3A_989 = vector.broadcast %ne3A_988 : vector<16xi1> to vector<16xi1>
        %ne3A_990 = arith.xori %lt3A_985, %ne3A_989 : vector<16xi1>
        %and3A_991 = arith.andi %ne3A_990, %ne3A_982 : vector<16xi1>
        %add3A_992 = vector.broadcast %select_n3A_977 : i32 to vector<16xi32>
        %add3A_993 = arith.addi %rem3A_979, %add3A_992 : vector<16xi32>
        %select_n3A_994 = arith.select %and3A_991, %add3A_993, %rem3A_979 : vector<16xi1>, vector<16xi32>
        %sub3A_995 = arith.constant 2 : i32
        %sub3A_996 = vector.broadcast %sub3A_995 : i32 to vector<16xi32>
        %sub3A_997 = arith.subi %iota3A, %sub3A_996 : vector<16xi32>
        %jit3A_998 = arith.constant 16 : i32
        %eq3A_999 = arith.constant 0 : i32
        %eq3A_1000 = arith.cmpi eq, %jit3A_998, %eq3A_999 : i32
        %jit3A_1001 = arith.constant 1 : i32
        %select_n3A_1002 = arith.select %eq3A_1000, %jit3A_1001, %jit3A_998 : i32
        %rem3A_1003 = vector.broadcast %select_n3A_1002 : i32 to vector<16xi32>
        %rem3A_1004 = arith.remsi %sub3A_997, %rem3A_1003 : vector<16xi32>
        %ne3A_1005 = arith.constant 0 : i32
        %ne3A_1006 = vector.broadcast %ne3A_1005 : i32 to vector<16xi32>
        %ne3A_1007 = arith.cmpi ne, %rem3A_1004, %ne3A_1006 : vector<16xi32>
        %lt3A_1008 = arith.constant 0 : i32
        %lt3A_1009 = vector.broadcast %lt3A_1008 : i32 to vector<16xi32>
        %lt3A_1010 = arith.cmpi slt, %rem3A_1004, %lt3A_1009 : vector<16xi32>
        %lt3A_1011 = arith.constant 0 : i32
        %lt3A_1012 = arith.cmpi slt, %select_n3A_1002, %lt3A_1011 : i32
        %ne3A_1013 = vector.broadcast %lt3A_1012 : i1 to vector<16xi1>
        %ne3A_1014 = vector.broadcast %ne3A_1013 : vector<16xi1> to vector<16xi1>
        %ne3A_1015 = arith.xori %lt3A_1010, %ne3A_1014 : vector<16xi1>
        %and3A_1016 = arith.andi %ne3A_1015, %ne3A_1007 : vector<16xi1>
        %add3A_1017 = vector.broadcast %select_n3A_1002 : i32 to vector<16xi32>
        %add3A_1018 = arith.addi %rem3A_1004, %add3A_1017 : vector<16xi32>
        %select_n3A_1019 = arith.select %and3A_1016, %add3A_1018, %rem3A_1004 : vector<16xi1>, vector<16xi32>
        %broadcast_in_dim3A_1020 = vector.shape_cast %select_n3A_994 : vector<16xi32> to vector<16x1xi32>
        %gather3A_1021 = vector.shape_cast %broadcast_in_dim3A_1020 : vector<16x1xi32> to vector<16xi32>
        %gather3A_1022 = tpu.dynamic_gather %select_n3A_942[%gather3A_1021] in [0] : vector<16xf32>, vector<16xi32> -> vector<16xf32>
        %add3A_1023 = arith.addf %select_n3A_942, %gather3A_1022 : vector<16xf32>
        %broadcast_in_dim3A_1024 = vector.shape_cast %select_n3A_1019 : vector<16xi32> to vector<16x1xi32>
        %gather3A_1025 = vector.shape_cast %broadcast_in_dim3A_1024 : vector<16x1xi32> to vector<16xi32>
        %gather3A_1026 = tpu.dynamic_gather %select_n3A_951[%gather3A_1025] in [0] : vector<16xf32>, vector<16xi32> -> vector<16xf32>
        %add3A_1027 = arith.addf %select_n3A_951, %gather3A_1026 : vector<16xf32>
        %select_n3A_1028 = arith.select %lt3A_70, %add3A_1023, %add3A_1027 : vector<16xi1>, vector<16xf32>
        %broadcast_in_dim3A_1029 = vector.shape_cast %select_n3A_994 : vector<16xi32> to vector<16x1xi32>
        %gather3A_1030 = vector.shape_cast %broadcast_in_dim3A_1029 : vector<16x1xi32> to vector<16xi32>
        %gather3A_1031 = tpu.dynamic_gather %select_n3A_960[%gather3A_1030] in [0] : vector<16xf32>, vector<16xi32> -> vector<16xf32>
        %add3A_1032 = arith.addf %select_n3A_960, %gather3A_1031 : vector<16xf32>
        %broadcast_in_dim3A_1033 = vector.shape_cast %select_n3A_1019 : vector<16xi32> to vector<16x1xi32>
        %gather3A_1034 = vector.shape_cast %broadcast_in_dim3A_1033 : vector<16x1xi32> to vector<16xi32>
        %gather3A_1035 = tpu.dynamic_gather %select_n3A_969[%gather3A_1034] in [0] : vector<16xf32>, vector<16xi32> -> vector<16xf32>
        %add3A_1036 = arith.addf %select_n3A_969, %gather3A_1035 : vector<16xf32>
        %select_n3A_1037 = arith.select %lt3A_70, %add3A_1032, %add3A_1036 : vector<16xi1>, vector<16xf32>
        %add3A_1038 = arith.constant 1 : i32
        %add3A_1039 = vector.broadcast %add3A_1038 : i32 to vector<16xi32>
        %add3A_1040 = arith.addi %iota3A, %add3A_1039 : vector<16xi32>
        %jit3A_1041 = arith.constant 16 : i32
        %eq3A_1042 = arith.constant 0 : i32
        %eq3A_1043 = arith.cmpi eq, %jit3A_1041, %eq3A_1042 : i32
        %jit3A_1044 = arith.constant 1 : i32
        %select_n3A_1045 = arith.select %eq3A_1043, %jit3A_1044, %jit3A_1041 : i32
        %rem3A_1046 = vector.broadcast %select_n3A_1045 : i32 to vector<16xi32>
        %rem3A_1047 = arith.remsi %add3A_1040, %rem3A_1046 : vector<16xi32>
        %ne3A_1048 = arith.constant 0 : i32
        %ne3A_1049 = vector.broadcast %ne3A_1048 : i32 to vector<16xi32>
        %ne3A_1050 = arith.cmpi ne, %rem3A_1047, %ne3A_1049 : vector<16xi32>
        %lt3A_1051 = arith.constant 0 : i32
        %lt3A_1052 = vector.broadcast %lt3A_1051 : i32 to vector<16xi32>
        %lt3A_1053 = arith.cmpi slt, %rem3A_1047, %lt3A_1052 : vector<16xi32>
        %lt3A_1054 = arith.constant 0 : i32
        %lt3A_1055 = arith.cmpi slt, %select_n3A_1045, %lt3A_1054 : i32
        %ne3A_1056 = vector.broadcast %lt3A_1055 : i1 to vector<16xi1>
        %ne3A_1057 = vector.broadcast %ne3A_1056 : vector<16xi1> to vector<16xi1>
        %ne3A_1058 = arith.xori %lt3A_1053, %ne3A_1057 : vector<16xi1>
        %and3A_1059 = arith.andi %ne3A_1058, %ne3A_1050 : vector<16xi1>
        %add3A_1060 = vector.broadcast %select_n3A_1045 : i32 to vector<16xi32>
        %add3A_1061 = arith.addi %rem3A_1047, %add3A_1060 : vector<16xi32>
        %select_n3A_1062 = arith.select %and3A_1059, %add3A_1061, %rem3A_1047 : vector<16xi1>, vector<16xi32>
        %sub3A_1063 = arith.constant 1 : i32
        %sub3A_1064 = vector.broadcast %sub3A_1063 : i32 to vector<16xi32>
        %sub3A_1065 = arith.subi %iota3A, %sub3A_1064 : vector<16xi32>
        %jit3A_1066 = arith.constant 16 : i32
        %eq3A_1067 = arith.constant 0 : i32
        %eq3A_1068 = arith.cmpi eq, %jit3A_1066, %eq3A_1067 : i32
        %jit3A_1069 = arith.constant 1 : i32
        %select_n3A_1070 = arith.select %eq3A_1068, %jit3A_1069, %jit3A_1066 : i32
        %rem3A_1071 = vector.broadcast %select_n3A_1070 : i32 to vector<16xi32>
        %rem3A_1072 = arith.remsi %sub3A_1065, %rem3A_1071 : vector<16xi32>
        %ne3A_1073 = arith.constant 0 : i32
        %ne3A_1074 = vector.broadcast %ne3A_1073 : i32 to vector<16xi32>
        %ne3A_1075 = arith.cmpi ne, %rem3A_1072, %ne3A_1074 : vector<16xi32>
        %lt3A_1076 = arith.constant 0 : i32
        %lt3A_1077 = vector.broadcast %lt3A_1076 : i32 to vector<16xi32>
        %lt3A_1078 = arith.cmpi slt, %rem3A_1072, %lt3A_1077 : vector<16xi32>
        %lt3A_1079 = arith.constant 0 : i32
        %lt3A_1080 = arith.cmpi slt, %select_n3A_1070, %lt3A_1079 : i32
        %ne3A_1081 = vector.broadcast %lt3A_1080 : i1 to vector<16xi1>
        %ne3A_1082 = vector.broadcast %ne3A_1081 : vector<16xi1> to vector<16xi1>
        %ne3A_1083 = arith.xori %lt3A_1078, %ne3A_1082 : vector<16xi1>
        %and3A_1084 = arith.andi %ne3A_1083, %ne3A_1075 : vector<16xi1>
        %add3A_1085 = vector.broadcast %select_n3A_1070 : i32 to vector<16xi32>
        %add3A_1086 = arith.addi %rem3A_1072, %add3A_1085 : vector<16xi32>
        %select_n3A_1087 = arith.select %and3A_1084, %add3A_1086, %rem3A_1072 : vector<16xi1>, vector<16xi32>
        %broadcast_in_dim3A_1088 = vector.shape_cast %select_n3A_1062 : vector<16xi32> to vector<16x1xi32>
        %gather3A_1089 = vector.shape_cast %broadcast_in_dim3A_1088 : vector<16x1xi32> to vector<16xi32>
        %gather3A_1090 = tpu.dynamic_gather %select_n3A_1028[%gather3A_1089] in [0] : vector<16xf32>, vector<16xi32> -> vector<16xf32>
        %add3A_1091 = arith.addf %select_n3A_1028, %gather3A_1090 : vector<16xf32>
        %broadcast_in_dim3A_1092 = vector.shape_cast %select_n3A_1087 : vector<16xi32> to vector<16x1xi32>
        %gather3A_1093 = vector.shape_cast %broadcast_in_dim3A_1092 : vector<16x1xi32> to vector<16xi32>
        %gather3A_1094 = tpu.dynamic_gather %select_n3A_1037[%gather3A_1093] in [0] : vector<16xf32>, vector<16xi32> -> vector<16xf32>
        %add3A_1095 = arith.addf %select_n3A_1037, %gather3A_1094 : vector<16xf32>
        %select_n3A_1096 = arith.select %lt3A_95, %add3A_1091, %add3A_1095 : vector<16xi1>, vector<16xf32>
        %broadcast_in_dim3A_1097 = vector.shape_cast %or3A_119 : vector<16xi32> to vector<16x1xi32>
        %gather3A_1098 = vector.shape_cast %broadcast_in_dim3A_1097 : vector<16x1xi32> to vector<16xi32>
        %gather3A_1099 = tpu.dynamic_gather %select_n3A_1096[%gather3A_1098] in [0] : vector<16xf32>, vector<16xi32> -> vector<16xf32>
        %mul3A_1100 = arith.constant 16 : i32
        %mul3A_1101 = arith.muli %scan3A_588, %mul3A_1100 : i32
        %swap3A = arith.constant 1 : i32
        %swap3A_1102 = arith.index_cast %swap3A : i32 to index
        %swap3A_1103 = arith.index_cast %mul3A_1101 : i32 to index
        %swap3A_1104 = tpu.vector_load %arg14[%swap3A_1102, %swap3A_1103] {strides = array<i32>} : memref<2x128xf32, #tpu.memory_space<vmem>>, vector<1x16xf32>,
        %swap3A_1105 = vector.shape_cast %swap3A_1104 : vector<1x16xf32> to vector<16xf32>
        %swap3A_1106 = vector.shape_cast %gather3A_1099 : vector<16xf32> to vector<1x16xf32>
        tpu.vector_store %arg14[%swap3A_1102, %swap3A_1103], %swap3A_1106 {strides = array<i32>} : memref<2x128xf32, #tpu.memory_space<vmem>>, vector<1x16xf32>,
      }
      %scan3A_575 = arith.constant 4 : i32
      %mul3A_576 = arith.constant 64 : i32
      %mul3A_577 = arith.muli %add3A_413, %mul3A_576 : i32
      %add3A_578 = arith.addi %mul3A_2, %mul3A_577 : i32
      %dma_start3A_579 = arith.constant 1 : i32
      %dma_start3A_580 = arith.constant 0 : i32
      %dma_start3A_581 = tpu.memref_slice %arg14[%dma_start3A_579, %dma_start3A_580] : memref<2x128xf32, #tpu.memory_space<vmem>> -> memref<1x64xf32, #tpu.memory_space<vmem>>
      %dma_start3A_582 = tpu.memref_squeeze %dma_start3A_581 : memref<1x64xf32, #tpu.memory_space<vmem>> -> memref<64xf32, #tpu.memory_space<vmem>>
      %dma_start3A_583 = tpu.memref_slice %arg7[%add3A_578] : memref<409600xf32, #tpu.memory_space<hbm>> -> memref<64xf32, #tpu.memory_space<hbm>>
      %dma_start3A_584 = tpu.memref_slice %arg7[%add3A_578] : memref<409600xf32, #tpu.memory_space<hbm>> -> memref<64xf32, #tpu.memory_space<hbm>>
      %dma_start3A_585 = arith.constant 0 : i32
      %dma_start3A_586 = tpu.memref_slice %arg14[%dma_start3A_579, %dma_start3A_585] : memref<2x128xf32, #tpu.memory_space<vmem>> -> memref<1x64xf32, #tpu.memory_space<vmem>>
      %dma_start3A_587 = tpu.memref_squeeze %dma_start3A_586 : memref<1x64xf32, #tpu.memory_space<vmem>> -> memref<64xf32, #tpu.memory_space<vmem>>
      tpu.enqueue_dma source(%dma_start3A_587 : memref<64xf32, #tpu.memory_space<vmem>>) target(%dma_start3A_584 : memref<64xf32, #tpu.memory_space<hbm>>) target_semaphore(%arg20 : memref<!tpu.dma_semaphore, #tpu.memory_space<semaphore_mem>>)
    }
    %scan3A_216 = arith.constant 100 : i32
    %add3A_217 = arith.constant 12672 : i32
    %add3A_218 = arith.addi %mul3A_2, %add3A_217 : i32
    %dma_wait3A_219 = arith.constant 0 : i32
    %dma_wait3A_220 = arith.constant 0 : i32
    %dma_wait3A_221 = tpu.memref_slice %arg14[%dma_wait3A_219, %dma_wait3A_220] : memref<2x128xf32, #tpu.memory_space<vmem>> -> memref<1x64xf32, #tpu.memory_space<vmem>>
    %dma_wait3A_222 = tpu.memref_squeeze %dma_wait3A_221 : memref<1x64xf32, #tpu.memory_space<vmem>> -> memref<64xf32, #tpu.memory_space<vmem>>
    %dma_wait3A_223 = tpu.memref_slice %arg7[%add3A_218] : memref<409600xf32, #tpu.memory_space<hbm>> -> memref<64xf32, #tpu.memory_space<hbm>>
    %dma_wait3A_224 = tpu.memref_slice %arg7[%add3A_218] : memref<409600xf32, #tpu.memory_space<hbm>> -> memref<64xf32, #tpu.memory_space<hbm>>
    %dma_wait3A_225 = arith.constant 0 : i32
    %dma_wait3A_226 = tpu.memref_slice %arg14[%dma_wait3A_219, %dma_wait3A_225] : memref<2x128xf32, #tpu.memory_space<vmem>> -> memref<1x64xf32, #tpu.memory_space<vmem>>
    %dma_wait3A_227 = tpu.memref_squeeze %dma_wait3A_226 : memref<1x64xf32, #tpu.memory_space<vmem>> -> memref<64xf32, #tpu.memory_space<vmem>>
    tpu.wait_dma2 semaphore(%arg19 : memref<!tpu.dma_semaphore, #tpu.memory_space<semaphore_mem>>) src(%dma_wait3A_227 : memref<64xf32, #tpu.memory_space<vmem>>) dst(%dma_wait3A_224 : memref<64xf32, #tpu.memory_space<hbm>>)
    %add3A_228 = arith.constant 12736 : i32
    %add3A_229 = arith.addi %mul3A_2, %add3A_228 : i32
    %dma_wait3A_230 = arith.constant 1 : i32
    %dma_wait3A_231 = arith.constant 0 : i32
    %dma_wait3A_232 = tpu.memref_slice %arg14[%dma_wait3A_230, %dma_wait3A_231] : memref<2x128xf32, #tpu.memory_space<vmem>> -> memref<1x64xf32, #tpu.memory_space<vmem>>
    %dma_wait3A_233 = tpu.memref_squeeze %dma_wait3A_232 : memref<1x64xf32, #tpu.memory_space<vmem>> -> memref<64xf32, #tpu.memory_space<vmem>>
    %dma_wait3A_234 = tpu.memref_slice %arg7[%add3A_229] : memref<409600xf32, #tpu.memory_space<hbm>> -> memref<64xf32, #tpu.memory_space<hbm>>
    %dma_wait3A_235 = tpu.memref_slice %arg7[%add3A_229] : memref<409600xf32, #tpu.memory_space<hbm>> -> memref<64xf32, #tpu.memory_space<hbm>>
    %dma_wait3A_236 = arith.constant 0 : i32
    %dma_wait3A_237 = tpu.memref_slice %arg14[%dma_wait3A_230, %dma_wait3A_236] : memref<2x128xf32, #tpu.memory_space<vmem>> -> memref<1x64xf32, #tpu.memory_space<vmem>>
    %dma_wait3A_238 = tpu.memref_squeeze %dma_wait3A_237 : memref<1x64xf32, #tpu.memory_space<vmem>> -> memref<64xf32, #tpu.memory_space<vmem>>
    tpu.wait_dma2 semaphore(%arg20 : memref<!tpu.dma_semaphore, #tpu.memory_space<semaphore_mem>>) src(%dma_wait3A_238 : memref<64xf32, #tpu.memory_space<vmem>>) dst(%dma_wait3A_235 : memref<64xf32, #tpu.memory_space<hbm>>)
    return
  }
}

module attributes {stable_mosaic.version = 14 : i64} {
  func.func @body(%arg0: i32, %arg1: memref<2000x128xf32, #tpu.memory_space<vmem>>, %arg2: memref<2000x128xf32, #tpu.memory_space<vmem>>, %arg3: memref<2000x128xi32, #tpu.memory_space<vmem>>) attributes {dimension_semantics = [#tpu.dimension_semantics<arbitrary>], iteration_bounds = array<i64: 50>, scalar_prefetch = 0 : i64, scratch_operands = 0 : i64, tpu.core_type = #tpu.core_type<tc>, window_params = [{transform_indices = @transform_0, window_bounds = array<i64: 2000, 128>}, {transform_indices = @transform_1, window_bounds = array<i64: 2000, 128>}, {transform_indices = @transform_2, window_bounds = array<i64: 2000, 128>}]} {
    %get3A = arith.constant 0 : index
    %get3A_0 = arith.constant 0 : index
    %get3A_1 = vector.load %arg1[%get3A, %get3A_0] : memref<2000x128xf32, #tpu.memory_space<vmem>>, vector<2000x128xf32>
    %get3A_2 = arith.constant 0 : index
    %get3A_3 = arith.constant 0 : index
    %get3A_4 = vector.load %arg2[%get3A_2, %get3A_3] : memref<2000x128xf32, #tpu.memory_space<vmem>>, vector<2000x128xf32>
    %mul3A = arith.mulf %get3A_1, %get3A_1 : vector<2000x128xf32>
    %reduce_sum3A = arith.constant dense<0.000000e+00> : vector<2000xf32>
    %reduce_sum3A_5 = vector.multi_reduction <add>, %mul3A, %reduce_sum3A [1] : vector<2000x128xf32> to vector<2000xf32>
    %broadcast_in_dim3A = vector.shape_cast %reduce_sum3A_5 : vector<2000xf32> to vector<2000x1xf32>
    %rsqrt3A = math.rsqrt %broadcast_in_dim3A : vector<2000x1xf32>
    %mul3A_6 = vector.broadcast %rsqrt3A : vector<2000x1xf32> to vector<2000x128xf32>
    %mul3A_7 = arith.mulf %get3A_1, %mul3A_6 : vector<2000x128xf32>
    %mul3A_8 = arith.mulf %get3A_4, %get3A_4 : vector<2000x128xf32>
    %reduce_sum3A_9 = arith.constant dense<0.000000e+00> : vector<2000xf32>
    %reduce_sum3A_10 = vector.multi_reduction <add>, %mul3A_8, %reduce_sum3A_9 [1] : vector<2000x128xf32> to vector<2000xf32>
    %broadcast_in_dim3A_11 = vector.shape_cast %reduce_sum3A_10 : vector<2000xf32> to vector<2000x1xf32>
    %rsqrt3A_12 = math.rsqrt %broadcast_in_dim3A_11 : vector<2000x1xf32>
    %mul3A_13 = vector.broadcast %rsqrt3A_12 : vector<2000x1xf32> to vector<2000x128xf32>
    %mul3A_14 = arith.mulf %get3A_4, %mul3A_13 : vector<2000x128xf32>
    %convert_element_type3A = arith.truncf %mul3A_7 : vector<2000x128xf32> to vector<2000x128xbf16>
    %slice3A = vector.extract_strided_slice %convert_element_type3A {offsets = [0, 0], sizes = [2000, 64], strides = [1, 1]} : vector<2000x128xbf16> to vector<2000x64xbf16>
    %bitcast_convert_type3A = tpu.bitcast %slice3A : vector<2000x64xbf16> -> vector<2000x64xi16>
    %slice3A_15 = vector.extract_strided_slice %convert_element_type3A {offsets = [0, 64], sizes = [2000, 64], strides = [1, 1]} : vector<2000x128xbf16> to vector<2000x64xbf16>
    %bitcast_convert_type3A_16 = tpu.bitcast %slice3A_15 : vector<2000x64xbf16> -> vector<2000x64xi16>
    %convert_element_type3A_17 = arith.extui %bitcast_convert_type3A : vector<2000x64xi16> to vector<2000x64xi32>
    %convert_element_type3A_18 = arith.extui %bitcast_convert_type3A_16 : vector<2000x64xi16> to vector<2000x64xi32>
    %shift_left3A = arith.constant 16 : i32
    %shift_left3A_19 = vector.broadcast %shift_left3A : i32 to vector<2000x64xi32>
    %shift_left3A_20 = arith.shli %convert_element_type3A_18, %shift_left3A_19 : vector<2000x64xi32>
    %or3A = arith.ori %convert_element_type3A_17, %shift_left3A_20 : vector<2000x64xi32>
    %convert_element_type3A_21 = arith.truncf %mul3A_14 : vector<2000x128xf32> to vector<2000x128xbf16>
    %slice3A_22 = vector.extract_strided_slice %convert_element_type3A_21 {offsets = [0, 0], sizes = [2000, 64], strides = [1, 1]} : vector<2000x128xbf16> to vector<2000x64xbf16>
    %bitcast_convert_type3A_23 = tpu.bitcast %slice3A_22 : vector<2000x64xbf16> -> vector<2000x64xi16>
    %slice3A_24 = vector.extract_strided_slice %convert_element_type3A_21 {offsets = [0, 64], sizes = [2000, 64], strides = [1, 1]} : vector<2000x128xbf16> to vector<2000x64xbf16>
    %bitcast_convert_type3A_25 = tpu.bitcast %slice3A_24 : vector<2000x64xbf16> -> vector<2000x64xi16>
    %convert_element_type3A_26 = arith.extui %bitcast_convert_type3A_23 : vector<2000x64xi16> to vector<2000x64xi32>
    %convert_element_type3A_27 = arith.extui %bitcast_convert_type3A_25 : vector<2000x64xi16> to vector<2000x64xi32>
    %shift_left3A_28 = arith.constant 16 : i32
    %shift_left3A_29 = vector.broadcast %shift_left3A_28 : i32 to vector<2000x64xi32>
    %shift_left3A_30 = arith.shli %convert_element_type3A_27, %shift_left3A_29 : vector<2000x64xi32>
    %or3A_31 = arith.ori %convert_element_type3A_26, %shift_left3A_30 : vector<2000x64xi32>
    %concatenate3A = tpu.concatenate %or3A, %or3A_31 in 1 : vector<2000x64xi32>, vector<2000x64xi32> -> vector<2000x128xi32>
    %swap3A = arith.constant 0 : index
    %swap3A_32 = arith.constant 0 : index
    %swap3A_33 = vector.load %arg3[%swap3A, %swap3A_32] : memref<2000x128xi32, #tpu.memory_space<vmem>>, vector<2000x128xi32>
    tpu.vector_store %arg3[%swap3A, %swap3A_32], %concatenate3A {strides = array<i32>} : memref<2000x128xi32, #tpu.memory_space<vmem>>, vector<2000x128xi32>,
    return
  }
  func.func @transform_0(%arg0: i32) -> (i32, i32) {
    %c0_i32 = arith.constant 0 : i32
    %c0_i32_0 = arith.constant 0 : i32
    return %arg0, %c0_i32 : i32, i32
  }
  func.func @transform_1(%arg0: i32) -> (i32, i32) {
    %c0_i32 = arith.constant 0 : i32
    %c0_i32_0 = arith.constant 0 : i32
    return %arg0, %c0_i32 : i32, i32
  }
  func.func @transform_2(%arg0: i32) -> (i32, i32) {
    %c0_i32 = arith.constant 0 : i32
    %c0_i32_0 = arith.constant 0 : i32
    return %arg0, %c0_i32 : i32, i32
  }
}

module attributes {stable_mosaic.version = 14 : i64} {
  func.func @body(%arg0: memref<4096x100xf32, #tpu.memory_space<vmem>>, %arg1: memref<1x1xf32, #tpu.memory_space<vmem>>) attributes {dimension_semantics = [], scalar_prefetch = 0 : i64, scratch_operands = 0 : i64, tpu.core_type = #tpu.core_type<tc>} {
    %get3A = arith.constant 0 : index
    %get3A_0 = arith.constant 0 : index
    %get3A_1 = vector.load %arg0[%get3A, %get3A_0] : memref<4096x100xf32, #tpu.memory_space<vmem>>, vector<4096x100xf32>
    %reduce_max3A = arith.constant dense<0xFF800000> : vector<4096xf32>
    %reduce_max3A_2 = vector.multi_reduction <maximumf>, %get3A_1, %reduce_max3A [1] : vector<4096x100xf32> to vector<4096xf32>
    %broadcast_in_dim3A = vector.shape_cast %reduce_max3A_2 : vector<4096xf32> to vector<4096x1xf32>
    %sub3A = vector.broadcast %broadcast_in_dim3A : vector<4096x1xf32> to vector<4096x100xf32>
    %sub3A_3 = arith.subf %get3A_1, %sub3A : vector<4096x100xf32>
    %exp3A = math.exp %sub3A_3 : vector<4096x100xf32>
    %reduce_sum3A = arith.constant dense<0.000000e+00> : vector<4096xf32>
    %reduce_sum3A_4 = vector.multi_reduction <add>, %exp3A, %reduce_sum3A [1] : vector<4096x100xf32> to vector<4096xf32>
    %broadcast_in_dim3A_5 = vector.shape_cast %reduce_sum3A_4 : vector<4096xf32> to vector<4096x1xf32>
    %slice3A = vector.extract_strided_slice %exp3A {offsets = [0, 0], sizes = [4096, 1], strides = [1, 1]} : vector<4096x100xf32> to vector<4096x1xf32>
    %div3A = arith.divf %slice3A, %broadcast_in_dim3A_5 : vector<4096x1xf32>
    %add3A = arith.constant 1.000000e-30 : f32
    %add3A_6 = vector.broadcast %add3A : f32 to vector<4096x1xf32>
    %add3A_7 = arith.addf %div3A, %add3A_6 : vector<4096x1xf32>
    %log3A = math.log %add3A_7 : vector<4096x1xf32>
    %reduce_sum3A_8 = vector.shape_cast %log3A : vector<4096x1xf32> to vector<1x4096x1xf32>
    %reduce_sum3A_9 = arith.constant dense<0.000000e+00> : vector<1xf32>
    %reduce_sum3A_10 = vector.multi_reduction <add>, %reduce_sum3A_8, %reduce_sum3A_9 [1, 2] : vector<1x4096x1xf32> to vector<1xf32>
    %reduce_sum3A_11 = vector.shape_cast %reduce_sum3A_10 : vector<1xf32> to vector<1x1x1xf32>
    %reduce_sum3A_12 = vector.extract %reduce_sum3A_11[0, 0, 0] : f32 from vector<1x1x1xf32>
    %broadcast_in_dim3A_13 = vector.broadcast %reduce_sum3A_12 : f32 to vector<1x1xf32>
    %neg3A = arith.constant 0.000000e+00 : f32
    %neg3A_14 = vector.broadcast %neg3A : f32 to vector<1x1xf32>
    %neg3A_15 = arith.subf %neg3A_14, %broadcast_in_dim3A_13 : vector<1x1xf32>
    %swap3A = arith.constant 0 : index
    %swap3A_16 = arith.constant 0 : index
    %swap3A_17 = vector.load %arg1[%swap3A, %swap3A_16] : memref<1x1xf32, #tpu.memory_space<vmem>>, vector<1x1xf32>
    tpu.vector_store %arg1[%swap3A, %swap3A_16], %neg3A_15 {strides = array<i32>} : memref<1x1xf32, #tpu.memory_space<vmem>>, vector<1x1xf32>,
    return
  }
}

</mosaic_0001>

<sc_bundles>
// kernel: kernel.5.cloned.1.call-start
scs
__scs_entry_jumppad:
0x0: {  	(pc) =	sbr.rel $0x88, $3  }
0x1: {  	(tag) =	ssettag $0x0;
	lr =	simm.s32 $0x1  }
0x2: {  	[smem:$0x3F9A] =	sst lr;
	_ =	strace $0xD0000000  }
0x3: {  	_ = 	snop  }
0x4: {  	_ = 	snop  }
0x5: {  	_ = 	snop  }
0x6: {  	_ = 	snop  }
0x7: {  	_ = 	snop  }
__scs_overlays_trampoline_lowered:
0x8: {  	[smem:$0x3FA9] =	sst s0  }
0x9: {  	[smem:$0x3FAA] =	sst s1  }
0xa: {  	[smem:$0x3FAB] =	sst s2  }
0xb: {  	[smem:$0x3FAC] =	sst s3  }
0xc: {  	[smem:$0x3FAD] =	sst s4  }
0xd: {  	[smem:$0x3FAE] =	sst s5  }
0xe: {  	[smem:$0x3FAF] =	sst s6  }
0xf: {  	[smem:$0x3FB0] =	sst s7  }
0x10: {  	[smem:$0x3FB1] =	sst s8  }
0x11: {  	[smem:$0x3FB2] =	sst s9;
	s0 =	simm.s32 @!p0 $0x0  }
0x12: {  	s1 =	sld [smem:$0x3F98];
	s0 =	simm.s32 @p0 $0x1  }
0x13: {  	[smem:$0x3FB3] =	sst s0;
	s0 =	simm.s32 @!p1 $0x0  }
0x14: {  	s2 =	sld [smem:$0x3F97];
	s0 =	simm.s32 @p1 $0x1  }
0x15: {  	[smem:$0x3FB4] =	sst s0;
	s0 =	simm.s32 @!p2 $0x0  }
0x16: {  	s3 =	sld [smem:$0x3FDB];
	s0 =	simm.s32 @p2 $0x1  }
0x17: {  	s4 =	simm.s32 $0x1BF5;
	[smem:$0x3FB6] =	sst s0  }
0x18: {  	s0 =	sld [smem:$0x3F99];
	_ =	swait.ge [sflag:s4], $0x0  }
0x19: {  	s7 =	sld [smem:$0x3F9A]  }
0x1a: {  	s8 =	sadd.s32 $0xFFFFE003, lr  }
0x1b: {  	s9 =	sadd.s32 $0xFFFFFEF7, lr;
	s5 =	simm.s32 $0xFFFFFFFF;
	p2 =	slt.u32 s8, $0xFFFFF086  }
0x1c: {  	p1 =	slt.u32 s9, $0xF7A;
	s5 =	simm.s32 @!p2 $0x0  }
0x1d: {  	s5 =	simm.s32 @p1 $0x1;
	p0 =	seq.s32 s7, s2  }
0x1e: {  	s7 =	smul.u32 @!p0 $0xF7A, s2;
	p2 =	seq.s32 @!p0 s5, $0x0  }
0x1f: {  	s9 =	smul.u32 $0xF7A, s1;
	s8 =	simm.s32 @!p0 $0x1BF5;
	p2 =	por !p2, p0  }
0x20: {  	[sflag:s8] =	ssyncset.s32 @!p0 $0xFFFFF086;
	s6 =	sadd.s32 @!p0 s3, s7;
	s7 =	simm.s32 @!p0 $0x108  }
0x21: {  	s3 =	sadd.s32 s3, s9;
	s6 =	sadd.s32 @!p0 $0x88, s6;
	s7 =	simm.s32 @p2 $0x1082  }
0x22: {  	[simem:s7], [sflag:s8] =	dma.local @!p0 [hbm:s6], $0xF7A  }
0x23: {  	s9 =	sor.u32 $0xD0000000, s2;
	s6 =	simm.s32 $0x108;
	_ =	swait.ge @!p0 [sflag:s8], $0x0  }
0x24: {  	s3 =	sadd.s32 $0x88, s3;
	s6 =	simm.s32 @!p1 $0x1082;
	[sflag:s4] =	ssyncset.s32 $0xFFFFF086  }
0x25: {  	[simem:s6], [sflag:s4] =	dma.local [hbm:s3], $0xF7A  }
0x26: {  	[smem:$0x3F9A] =	sst s1;
	(tag) =	ssettag s2;
	_ =	strace s9  }
0x27: {  	s1 =	sld [smem:$0x3FAA]  }
0x28: {  	s2 =	sld [smem:$0x3FAB]  }
0x29: {  	s4 =	sld [smem:$0x3FAD]  }
0x2a: {  	p0 =	seq.s32 s5, $0x0;
	s5 =	sld [smem:$0x3FAE]  }
0x2b: {  	s6 =	sld [smem:$0x3FAF]  }
0x2c: {  	s7 =	sld [smem:$0x3FB0]  }
0x2d: {  	s3 =	simm.s32 $0x108;
	s8 =	sld [smem:$0x3FB1]  }
0x2e: {  	s3 =	simm.s32 @!p0 $0x1082;
	s9 =	sld [smem:$0x3FB2]  }
0x2f: {  	lr =	sadd.s32 s0, s3;
	s0 =	sld [smem:$0x3FA9]  }
0x30: {  	s3 =	sld [smem:$0x3FAC]  }
0x31: {  	[smem:$0x3FB5] =	sst s10  }
0x32: {  	s10 =	sld [smem:$0x3FB3];
	_ =	sdelay $0x3  }
0x33: {  	p0 =	seq.s32 s10, $0x1;
	s10 =	sld [smem:$0x3FB5];
	_ =	sdelay $0x3  }
0x34: {  	[smem:$0x3FB5] =	sst s10  }
0x35: {  	s10 =	sld [smem:$0x3FB4];
	_ =	sdelay $0x3  }
0x36: {  	p1 =	seq.s32 s10, $0x1;
	s10 =	sld [smem:$0x3FB5];
	_ =	sdelay $0x3  }
0x37: {  	[smem:$0x3FB5] =	sst s10  }
0x38: {  	s10 =	sld [smem:$0x3FB6]  }
0x39: {  	_ = 	snop;
	(pc) =	sbr.ind lr, $3  }
0x3a: {  	_ = 	snop  }
0x3b: {  	_ = 	snop  }
0x3c: {  	p2 =	seq.s32 s10, $0x1;
	s10 =	sld [smem:$0x3FB5]  }
0x3d: {  	_ =	shalt  }
0x3e: {  	_ =	shalt  }
0x3f: {  	_ =	shalt  }
0x40: {  	_ =	shalt  }
0x41: {  	_ =	shalt  }
0x42: {  	_ =	shalt  }
0x43: {  	_ =	shalt  }
0x44: {  	_ =	shalt  }
0x45: {  	_ =	shalt  }
0x46: {  	_ =	shalt  }
0x47: {  	_ =	shalt  }
0x48: {  	_ =	shalt  }
0x49: {  	_ =	shalt  }
0x4a: {  	_ =	shalt  }
0x4b: {  	_ =	shalt  }
0x4c: {  	_ =	shalt  }
0x4d: {  	_ =	shalt  }
0x4e: {  	_ =	shalt  }
0x4f: {  	_ =	shalt  }
0x50: {  	_ =	shalt  }
0x51: {  	_ =	shalt  }
0x52: {  	_ =	shalt  }
0x53: {  	_ =	shalt  }
0x54: {  	_ =	shalt  }
0x55: {  	_ =	shalt  }
0x56: {  	_ =	shalt  }
0x57: {  	_ =	shalt  }
0x58: {  	_ =	shalt  }
0x59: {  	_ =	shalt  }
0x5a: {  	_ =	shalt  }
0x5b: {  	_ =	shalt  }
0x5c: {  	_ =	shalt  }
0x5d: {  	_ =	shalt  }
0x5e: {  	_ =	shalt  }
0x5f: {  	_ =	shalt  }
0x60: {  	_ =	shalt  }
0x61: {  	_ =	shalt  }
0x62: {  	_ =	shalt  }
0x63: {  	_ =	shalt  }
0x64: {  	_ =	shalt  }
0x65: {  	_ =	shalt  }
0x66: {  	_ =	shalt  }
0x67: {  	_ =	shalt  }
0x68: {  	_ =	shalt  }
0x69: {  	_ =	shalt  }
0x6a: {  	_ =	shalt  }
0x6b: {  	_ =	shalt  }
0x6c: {  	_ =	shalt  }
0x6d: {  	_ =	shalt  }
0x6e: {  	_ =	shalt  }
0x6f: {  	_ =	shalt  }
0x70: {  	_ =	shalt  }
0x71: {  	_ =	shalt  }
0x72: {  	_ =	shalt  }
0x73: {  	_ =	shalt  }
0x74: {  	_ =	shalt  }
0x75: {  	_ =	shalt  }
0x76: {  	_ =	shalt  }
0x77: {  	_ =	shalt  }
0x78: {  	_ =	shalt  }
0x79: {  	_ =	shalt  }
0x7a: {  	_ =	shalt  }
0x7b: {  	_ =	shalt  }
0x7c: {  	_ =	shalt  }
0x7d: {  	_ =	shalt  }
0x7e: {  	_ =	shalt  }
0x7f: {  	_ =	shalt  }
0x80: {  	_ =	shalt  }
0x81: {  	_ =	shalt  }
0x82: {  	_ =	shalt  }
0x83: {  	_ =	shalt  }
0x84: {  	_ =	shalt  }
0x85: {  	_ =	shalt  }
0x86: {  	_ =	shalt  }
0x87: {  	_ =	shalt  }
.Lfunc_end0:
.L_simem_size_0:
called_computation_lowered:
.L_overlay_start_0:
0x88: {  	s2 =	sld [smem:$0x3FD9]  }
0x89: {  	s3 =	sld [smem:$0x3FFE];
	_ =	sdelay $0x1  }
0x8a: {  	s1 =	srdreg.scid  }
0x8b: {  	s0 =	sand.u32 $0x1, s1  }
0x8c: {  	s16 =	sshll.u32 s0, $0xA;
	s2 =	sadd.s32 s3, s2  }
0x8d: {  	s2 =	sadd.s32 s2, s16  }
0x8e: {  	[smem:$0x3FC1] =	sst s2  }
0x8f: {  	_ = 	snop  }
0x90: {  	(tm) =	ssettm $0x1  }
0x91: {  	s17 =	sld [smem:$0x3FFB];
	_ =	sdelay $0x3  }
0x92: {  	_ =	strace s17  }
0x93: {  	s2 =	sld [smem:$0x3FFC];
	_ =	sdelay $0x3  }
0x94: {  	_ =	strace s2  }
0x95: {  	s2 =	sld [smem:$0x3FFD];
	_ =	sdelay $0x3  }
0x96: {  	_ =	strace s2  }
0x97: {  	_ =	strace $0x8FFFFFFF  }
0x98: {  	s18 =	sld [smem:$0x3FDB];
	_ =	sdelay $0x1  }
0x99: {  	s19 =	simm.s32 $_scs_section_size  }
0x9a: {  	s4 =	simm.s32 $_size__tile_overlayer_lowered;
	s5 =	simm.s32 $_tile_overlayer_lowered  }
0x9b: {  	s22 =	simm.s32 $0x1BFF;
	s21 =	sshll.u32 s5, $0x1;
	s2 =	sadd.s32 s19, s18  }
0x9c: {  	s6 =	simm.s32 $0x0;
	s20 =	sshll.u32 s4, $0x1;
	s4 =	sadd.s32 s21, s2  }
0x9d: {  	[timem:s6], [sflag:s22] =	dma.local [hbm:s4], s20  }
0x9e: {  	_ =	swait.ge [sflag:s22], s20  }
0x9f: {  	s3 =	ssub.s32 $0x0, s20;
	[sflag:s22] =	ssyncset.done $0x0  }
0xa0: {  	[sflag:s22] =	ssyncadd.s32 s3;
	_ =	sdelay $0x1  }
0xa1: {  	s23 =	simm.s32 $0x1B8B  }
0xa2: {  	_ =	swait.ge [sflag:s23], $0x1  }
0xa3: {  	[sflag:s23] =	ssyncset.done $0x0  }
0xa4: {  	s25 =	simm.s32 $0x1B8E;
	s24 =	sld [smem:$0x3FFE];
	[sflag:s23] =	ssyncadd.s32 $0xFFFFFFFF  }
0xa5: {  	s26 =	simm.s32 $execute0_lowered;
	[smem:$0x3FD2] =	sst s25  }
0xa6: {  	s4 =	sshll.u32 s26, $0x1;
	_ =	strace $0x80000046;
	[dreg:$0x1] =	wrdreg $0xFFFFFFFF  }
0xa7: {  	s28 =	simm.s32 $_size_execute0_lowered;
	s2 =	sadd.s32 s2, s4;
	[dreg:$0x0] =	wrdreg $0x0  }
0xa8: {  	s4 =	sshll.u32 s28, $0x1;
	[dreg:$0x2] =	wrdreg s2  }
0xa9: {  	[dreg:$0x3] =	wrdreg s4  }
0xaa: {  	[dreg:$0x4] =	wrdreg $0xC0  }
0xab: {  	_ =	task [dreg:s6], $0x5FFFF  }
0xac: {  	[dreg:$0x1] =	wrdreg $0xFFFFFFFF  }
0xad: {  	[dreg:$0x0] =	wrdreg $0x60  }
0xae: {  	[dreg:$0x2] =	wrdreg s24  }
0xaf: {  	[dreg:$0x3] =	wrdreg $0x9  }
0xb0: {  	_ =	task.clear_ibuf [dreg:s6], $0x4FFFF;
	_ =	strace $0x90000046  }
0xb1: {  	s29 =	simm.s32 $0x9;
	_ =	strace $0x80000048  }
0xb2: {  	_ =	swait.ge [sflag:s29], $0x1  }
0xb3: {  	[sflag:s29] =	ssyncadd.s32 $0xFFFFFFFF  }
0xb4: {  	_ =	strace $0x90000048  }
0xb5: {  	_ =	sfence  }
0xb6: {  	s30 =	sld [smem:$0x0];
	_ =	sdelay $0x2  }
0xb7: {  	s31 =	sshll.u32 s1, $0xD;
	s1 =	sshrl.u32 s1, $0x2  }
0xb8: {  	s3 =	sand.u32 $0x4000, s31;
	s1 =	sadd.s32 s1, s30  }
0xb9: {  	s0 =	sor.u32 s3, s0;
	s1 =	sshll.u32 s1, $0x11  }
0xba: {  	s0 =	sor.u32 s1, s0  }
0xbb: {  	s0 =	sadd.s32 $0x8F2B, s0  }
0xbc: {  	[sflag:s0] =	ssyncadd.remote.s32 $0x1  }
0xbd: {  	_ =	sfence.sel $0xFFFF  }
0xbe: {  	[dreg:$0x0] =	wrdreg $0xFFFFFFFF;
	(pc) =	sbr.abs _section_cstart, $3  }
0xbf: {  	[dreg:$0x1] =	wrdreg $0xFFFFFFFF  }
0xc0: {  	_ =	task.clear_ibuf [dreg:s6], $0x2FFFF;
	_ =	strace $0x9FFFFFFF  }
0xc1: {  	(tm) =	ssettm $0x7FFFFFFF  }
tec
execute0_lowered:
.L_overlay_start_1:
0x0: {  	(tag) =	ssettag $0x1  }
0x1: {  	s0 =	rddreg [dreg:$0x0];
	s2 =	simm.s32 $0x0;
	s1 =	srdreg.scid  }
0x2: {  	s3 =	stileid.u32;
	[smem:$0x7FF] =	sst s2  }
0x3: {  	s1 =	sand.u32 $0x1, s1;
	s5 =	sshll.u32 s3, $0x1;
	s3 =	sadd.s32 $0x2A200, s0  }
0x4: {  	s4 =	sadd.s32 $0x26200, s0;
	s6 =	sor.u32 s1, s5;
	s1 =	ssub.s32 $0x2, s1  }
0x5: {  	s7 =	sadd.s32 $0xD200, s0;
	s6 =	smul.u32 $0x3200, s6;
	s10 =	sshrl.u32 s1, $0x1  }
0x6: {  	s8 =	sadd.s32 $0x19A00, s0;
	s9 =	sadd.s32 $0x1B0C00, s0;
	s13 =	ssub.s32 s1, s10  }
0x7: {  	s5 =	sadd.s32 $0xA00, s0;
	s14 =	sshrl.u32 s6, $0x3;
	s0 =	smax.u32 s13, $0x1  }
0x8: {  	_ =	strace $0x80000047;
	s15 =	sadd.s32 s5, s14;
	[dreg:$0x5] =	wrdreg s0  }
0x9: {  	s11 =	sadd.s32 s7, s14;
	[dreg:$0x2] =	wrdreg s15  }
0xa: {  	s1 =	sadd.s32 s8, s14;
	[dreg:$0x3] =	wrdreg s11  }
0xb: {  	s16 =	sadd.s32 $0x10, s15;
	[dreg:$0x4] =	wrdreg s1  }
0xc: {  	s17 =	sadd.s32 $0x20, s15;
	[dreg:$0x6] =	wrdreg s16  }
0xd: {  	s18 =	sadd.s32 $0x30, s15;
	[dreg:$0x7] =	wrdreg s17  }
0xe: {  	v0 =	vimm.s32 $0xFEDCBA98;
	v1 =	vimm.s32 $0x76543210;
	v2 =	vimm.s32 $0x3210FEDC;
	s19 =	sadd.s32 $0x40, s15;
	[dreg:$0x8] =	wrdreg s18  }
0xf: {  	vm0 =	vcmask $0x2F20;
	vm1 =	vcmask $0xF00;
	v4 =	vimm.s32 $0xDCBA9876;
	s20 =	sadd.s32 $0x50, s15;
	[dreg:$0x9] =	wrdreg s19  }
0x10: {  	v5 =	vimm.s32 $0x543210FE;
	v7 =	vimm.s32 $0xFEDCBA9;
	v8 =	vimm.s32 $0x87654321;
	s21 =	sadd.s32 $0x60, s15;
	[dreg:$0xa] =	wrdreg s20  }
0x11: {  	vm2 =	vcmask $0x700;
	vm3 =	vcmask $0x300;
	v0 =	vunpack.c.l.s4.s8 v0;
	s22 =	sadd.s32 $0x70, s15;
	[dreg:$0xb] =	wrdreg s21  }
0x12: {  	v1 =	vunpack.c.l.s4.s8 v1;
	v3 =	vunpack.c.l.s4.s8 v2;
	v2 =	vimm.s32 $0x98765432;
	s23 =	sadd.s32 $0x90, s15;
	[dreg:$0xc] =	wrdreg s22  }
0x13: {  	v4 =	vunpack.c.l.s4.s8 v4;
	v5 =	vunpack.c.l.s4.s8 v5;
	v0 =	vunpack.c.0.s8.s32 v0;
	s24 =	sadd.s32 $0x80, s15;
	[dreg:$0xd] =	wrdreg s23  }
0x14: {  	vm0 =	vmor vm1, vm0;
	vm1 =	vcmask $0x1710;
	v1 =	vunpack.c.0.s8.s32 v1;
	s25 =	sadd.s32 $0x10, s11;
	[dreg:$0xe] =	wrdreg s24  }
0x15: {  	v7 =	vunpack.c.l.s4.s8 v7;
	v8 =	vunpack.c.l.s4.s8 v8;
	v0 =	vand.u32 $0xF, v0;
	s26 =	sadd.s32 $0x20, s11;
	[dreg:$0xf] =	wrdreg s25  }
0x16: {  	v2 =	vunpack.c.l.s4.s8 v2;
	v0 =	vcombine.low v0, v1;
	v1 =	vimm.s32 $0x10FEDCBA;
	s10 =	sadd.s32 $0x30, s11;
	[dreg:$0x10] =	wrdreg s26  }
0x17: {  	vm1 =	vmor vm2, vm1;
	vm2 =	vcmask $0x2720;
	v1 =	vunpack.c.l.s4.s8 v1;
	s12 =	sadd.s32 $0x40, s11;
	[dreg:$0x11] =	wrdreg s10  }
0x18: {  	v4 =	vunpack.c.0.s8.s32 v4;
	v5 =	vunpack.c.0.s8.s32 v5;
	vm1 =	vmor vm1, vm2;
	s13 =	sadd.s32 $0x50, s11;
	[dreg:$0x12] =	wrdreg s12  }
0x19: {  	vm2 =	vcmask $0x3730;
	v2 =	vunpack.c.0.s8.s32 v2;
	s14 =	sadd.s32 $0x60, s11;
	[dreg:$0x13] =	wrdreg s13;
	v1 =	vunpack.c.0.s8.s32 v1  }
0x1a: {  	vm1 =	vmor vm1, vm2;
	vm2 =	vcmask $0xB08;
	v10 =	vcombine.low v5, v4;
	s15 =	sadd.s32 $0x70, s11;
	[dreg:$0x14] =	wrdreg s14  }
0x1b: {  	[dreg:$0x15] =	wrdreg s15;
	s16 =	sadd.s32 $0x80, s11;
	v9 =	vcombine.low v2, v1;
	v1 =	vunpack.c.0.s8.s32 v7;
	v2 =	vunpack.c.0.s8.s32 v8  }
0x1c: {  	v4 =	vimm.s32 $0xEDCBA987;
	vm2 =	vmor vm3, vm2;
	vm3 =	vcmask $0x1310;
	s17 =	sadd.s32 $0x90, s11;
	[dreg:$0x16] =	wrdreg s16  }
0x1d: {  	v4 =	vunpack.c.l.s4.s8 v4;
	s18 =	sadd.s32 $0x10, s1;
	[dreg:$0x17] =	wrdreg s17;
	v1 =	vcombine.low v2, v1;
	v2 =	vimm.s32 $0x6543210F  }
0x1e: {  	vm2 =	vmor vm2, vm3;
	vm3 =	vcmask $0x1B18;
	s19 =	sadd.s32 $0x20, s1;
	[dreg:$0x18] =	wrdreg s18;
	v2 =	vunpack.c.l.s4.s8 v2  }
0x1f: {  	s28 =	simm.s32 $0xBE00;
	v5 =	vimm.s32 $0xF7B3D591;
	vm2 =	vmor vm2, vm3;
	s20 =	sadd.s32 $0x30, s1;
	[dreg:$0x19] =	wrdreg s19  }
0x20: {  	s29 =	simm.s32 $0x2;
	vm3 =	vcmask $0x2320;
	s21 =	sadd.s32 $0x40, s1;
	v4 =	vunpack.c.0.s8.s32 v4;
	[dreg:$0x1a] =	wrdreg s20;
	v2 =	vunpack.c.0.s8.s32 v2  }
0x21: {  	v6 =	vimm.s32 $0xBA987654;
	s30 =	simm.s32 $0xDE00;
	v5 =	vunpack.c.l.s4.s8 v5;
	s22 =	sadd.s32 $0x50, s1;
	vm2 =	vmor vm2, vm3;
	[dreg:$0x1b] =	wrdreg s21  }
0x22: {  	s31 =	simm.s32 $0x3;
	s23 =	sadd.s32 $0x60, s1;
	vm3 =	vcmask $0x2B28;
	[dreg:$0x1c] =	wrdreg s22;
	v2 =	vcombine.low v2, v4;
	v4 =	vimm.s32 $0xE6A2C480  }
0x23: {  	s0 =	simm.s32 $0xDE80;
	s24 =	sadd.s32 $0x70, s1;
	[dreg:$0x1d] =	wrdreg s23;
	vm2 =	vmor vm2, vm3;
	vm3 =	vcmask $0x3330;
	v4 =	vunpack.c.l.s4.s8 v4  }
0x24: {  	v6 =	vunpack.c.l.s4.s8 v6;
	v3 =	vunpack.c.0.s8.s32 v3;
	s25 =	sadd.s32 $0x80, s1;
	s26 =	sadd.s32 $0x90, s1;
	[dreg:$0x1e] =	wrdreg s24;
	vm2 =	vmor vm2, vm3  }
0x25: {  	s1 =	simm.s32 $0x4;
	s13 =	simm.s32 $0x5;
	[dreg:$0x1f] =	wrdreg s25;
	vm3 =	vcmask $0x3B38;
	v7 =	vunpack.c.0.s8.s32 v5;
	v8 =	vunpack.c.0.s8.s32 v4  }
0x26: {  	s14 =	simm.s32 $0x0;
	[smem:$0x7FD] =	sst s26;
	s23 =	simm.s32 $0x1;
	vm2 =	vmor vm2, vm3;
	vm3 =	vmmov $0xff;
	v5 =	vand.u32 $0xF, v9  }
0x27: {  	s24 =	simm.s32 $0x40;
	s25 =	simm.s32 $0x3E00;
	s26 =	simm.s32 $0x7E00;
	v4 =	vunpack.c.0.s8.s32 v6;
	v6 =	vand.u32 $0xF, v10;
	v7 =	vcombine.low v8, v7  }
.LBB2_1:
0x28: {  	s10 =	rddreg [dreg:$0x2]  }
0x29: {  	s18 =	rddreg [dreg:$0x6]  }
0x2a: {  	[tilespmem:s2], [sflag:$0x1] =	stream.linear.gather [hbm4b:s10+s2], $0x80, $0x38;
	[tilespmem:$0xE700] =	vst v63  }
0x2b: {  	s11 =	simm.s32 $0x100;
	s19 =	rddreg [dreg:$0x7]  }
0x2c: {  	[tilespmem:s11], [sflag:$0x1] =	stream.linear.gather [hbm4b:s18+s2], $0x80, $0x38;
	[tilespmem:$0xE700] =	vst v63  }
0x2d: {  	s20 =	simm.s32 $0x200;
	s21 =	rddreg [dreg:$0x8]  }
0x2e: {  	[tilespmem:s20], [sflag:$0x1] =	stream.linear.gather [hbm4b:s19+s2], $0x80, $0x38;
	[tilespmem:$0xE700] =	vst v63  }
0x2f: {  	s22 =	simm.s32 $0x300;
	s15 =	rddreg [dreg:$0xa]  }
0x30: {  	[tilespmem:s22], [sflag:$0x1] =	stream.linear.gather [hbm4b:s21+s2], $0x80, $0x38;
	[tilespmem:$0xE700] =	vst v63  }
0x31: {  	s12 =	simm.s32 $0x400;
	s11 =	rddreg [dreg:$0x9]  }
0x32: {  	[tilespmem:s12], [sflag:$0x1] =	stream.linear.gather [hbm4b:s11+s2], $0x80, $0x38;
	[tilespmem:$0xE700] =	vst v63  }
0x33: {  	s16 =	simm.s32 $0x500;
	s17 =	rddreg [dreg:$0xb]  }
0x34: {  	[tilespmem:s16], [sflag:$0x1] =	stream.linear.gather [hbm4b:s15+s2], $0x80, $0x38;
	[tilespmem:$0xE700] =	vst v63  }
0x35: {  	s18 =	simm.s32 $0x600;
	s19 =	rddreg [dreg:$0xc]  }
0x36: {  	[tilespmem:s18], [sflag:$0x1] =	stream.linear.gather [hbm4b:s17+s2], $0x80, $0x38;
	[tilespmem:$0xE700] =	vst v63  }
0x37: {  	s20 =	simm.s32 $0x700;
	s21 =	rddreg [dreg:$0xe]  }
0x38: {  	[tilespmem:s20], [sflag:$0x1] =	stream.linear.gather [hbm4b:s19+s2], $0x80, $0x38;
	[tilespmem:$0xE700] =	vst v63  }
0x39: {  	s22 =	simm.s32 $0x800;
	s11 =	rddreg [dreg:$0xd]  }
0x3a: {  	[tilespmem:s22], [sflag:$0x1] =	stream.linear.gather [hbm4b:s21+s2], $0x80, $0x38;
	[tilespmem:$0xE700] =	vst v63  }
0x3b: {  	s12 =	simm.s32 $0x900;
	s15 =	rddreg [dreg:$0x3]  }
0x3c: {  	[tilespmem:s12], [sflag:$0x1] =	stream.linear.gather [hbm4b:s11+s2], $0x80, $0x38;
	[tilespmem:$0xE700] =	vst v63  }
0x3d: {  	s16 =	rddreg [dreg:$0xf];
	s11 =	simm.s32 $0xA00  }
0x3e: {  	[tilespmem:s11], [sflag:$0x1] =	stream.linear.gather [hbm4b:s15+s2], $0x80, $0x38;
	[tilespmem:$0xE700] =	vst v63  }
0x3f: {  	s17 =	rddreg [dreg:$0x10];
	s12 =	simm.s32 $0xB00  }
0x40: {  	[tilespmem:s12], [sflag:$0x1] =	stream.linear.gather [hbm4b:s16+s2], $0x80, $0x38;
	[tilespmem:$0xE700] =	vst v63  }
0x41: {  	s18 =	simm.s32 $0xC00;
	s19 =	rddreg [dreg:$0x11]  }
0x42: {  	[tilespmem:s18], [sflag:$0x1] =	stream.linear.gather [hbm4b:s17+s2], $0x80, $0x38;
	[tilespmem:$0xE700] =	vst v63  }
0x43: {  	s20 =	simm.s32 $0xD00;
	s21 =	rddreg [dreg:$0x12]  }
0x44: {  	[tilespmem:s20], [sflag:$0x1] =	stream.linear.gather [hbm4b:s19+s2], $0x80, $0x38;
	[tilespmem:$0xE700] =	vst v63  }
0x45: {  	s22 =	simm.s32 $0xE00;
	s15 =	rddreg [dreg:$0x13]  }
0x46: {  	[tilespmem:s22], [sflag:$0x1] =	stream.linear.gather [hbm4b:s21+s2], $0x80, $0x38;
	[tilespmem:$0xE700] =	vst v63  }
0x47: {  	s16 =	simm.s32 $0xF00;
	s17 =	rddreg [dreg:$0x14]  }
0x48: {  	[tilespmem:s16], [sflag:$0x1] =	stream.linear.gather [hbm4b:s15+s2], $0x80, $0x38;
	[tilespmem:$0xE700] =	vst v63  }
0x49: {  	s18 =	simm.s32 $0x1000;
	s19 =	rddreg [dreg:$0x15]  }
0x4a: {  	[tilespmem:s18], [sflag:$0x1] =	stream.linear.gather [hbm4b:s17+s2], $0x80, $0x38;
	[tilespmem:$0xE700] =	vst v63  }
0x4b: {  	s20 =	simm.s32 $0x1100;
	s21 =	rddreg [dreg:$0x16]  }
0x4c: {  	[tilespmem:s20], [sflag:$0x1] =	stream.linear.gather [hbm4b:s19+s2], $0x80, $0x38;
	[tilespmem:$0xE700] =	vst v63  }
0x4d: {  	s22 =	simm.s32 $0x1200;
	s15 =	rddreg [dreg:$0x17]  }
0x4e: {  	[tilespmem:s22], [sflag:$0x1] =	stream.linear.gather [hbm4b:s21+s2], $0x80, $0x38;
	[tilespmem:$0xE700] =	vst v63  }
0x4f: {  	s16 =	simm.s32 $0x1300;
	s17 =	rddreg [dreg:$0x4]  }
0x50: {  	[tilespmem:s16], [sflag:$0x1] =	stream.linear.gather [hbm4b:s15+s2], $0x80, $0x38;
	[tilespmem:$0xE700] =	vst v63  }
0x51: {  	s12 =	simm.s32 $0x1400;
	s18 =	rddreg [dreg:$0x18]  }
0x52: {  	[tilespmem:s12], [sflag:$0x1] =	stream.linear.gather [hbm4b:s17+s2], $0x80, $0x38;
	[tilespmem:$0xE700] =	vst v63  }
0x53: {  	s19 =	rddreg [dreg:$0x19];
	s15 =	simm.s32 $0x1500  }
0x54: {  	[tilespmem:s15], [sflag:$0x1] =	stream.linear.gather [hbm4b:s18+s2], $0x80, $0x38;
	[tilespmem:$0xE700] =	vst v63  }
0x55: {  	s20 =	simm.s32 $0x1600;
	s21 =	rddreg [dreg:$0x1a]  }
0x56: {  	[tilespmem:s20], [sflag:$0x1] =	stream.linear.gather [hbm4b:s19+s2], $0x80, $0x38;
	[tilespmem:$0xE700] =	vst v63  }
0x57: {  	s22 =	simm.s32 $0x1700;
	s17 =	rddreg [dreg:$0x1c]  }
0x58: {  	[tilespmem:s22], [sflag:$0x1] =	stream.linear.gather [hbm4b:s21+s2], $0x80, $0x38;
	[tilespmem:$0xE700] =	vst v63  }
0x59: {  	s16 =	simm.s32 $0x1800;
	s15 =	rddreg [dreg:$0x1b]  }
0x5a: {  	[tilespmem:s16], [sflag:$0x1] =	stream.linear.gather [hbm4b:s15+s2], $0x80, $0x38;
	[tilespmem:$0xE700] =	vst v63  }
0x5b: {  	s18 =	simm.s32 $0x1900;
	s19 =	rddreg [dreg:$0x1d]  }
0x5c: {  	[tilespmem:s18], [sflag:$0x1] =	stream.linear.gather [hbm4b:s17+s2], $0x80, $0x38;
	[tilespmem:$0xE700] =	vst v63  }
0x5d: {  	s20 =	simm.s32 $0x1A00;
	s21 =	rddreg [dreg:$0x1e]  }
0x5e: {  	[tilespmem:s20], [sflag:$0x1] =	stream.linear.gather [hbm4b:s19+s2], $0x80, $0x38;
	[tilespmem:$0xE700] =	vst v63  }
0x5f: {  	s22 =	simm.s32 $0x1B00;
	s16 =	rddreg [dreg:$0x1f]  }
0x60: {  	[tilespmem:s22], [sflag:$0x1] =	stream.linear.gather [hbm4b:s21+s2], $0x80, $0x38;
	[tilespmem:$0xE700] =	vst v63  }
0x61: {  	s17 =	simm.s32 $0x1C00;
	s18 =	sld [smem:$0x7FD]  }
0x62: {  	[tilespmem:s17], [sflag:$0x1] =	stream.linear.gather [hbm4b:s16+s2], $0x80, $0x38;
	[tilespmem:$0xE700] =	vst v63  }
0x63: {  	s19 =	simm.s32 $0x1D00  }
0x64: {  	[tilespmem:s19], [sflag:$0x1] =	stream.linear.gather [hbm4b:s18+s2], $0x80, $0x38;
	[tilespmem:$0xE700] =	vst v63  }
0x65: {  	_ =	swait.ge [sflag:s23], $0x500  }
0x66: {  	[sflag:s23] =	ssyncset.done $0x0  }
0x67: {  	[sflag:s23] =	ssyncadd.s32 $0xFFFFFB00  }
0x68: {  	_ =	swait.ge [sflag:s23], $0x500  }
0x69: {  	[sflag:s23] =	ssyncset.done $0x0  }
0x6a: {  	[sflag:s23] =	ssyncadd.s32 $0xFFFFFB00  }
0x6b: {  	_ =	swait.ge [sflag:s23], $0x500  }
0x6c: {  	[sflag:s23] =	ssyncset.done $0x0  }
0x6d: {  	s20 =	simm.s32 $0x1E00;
	[sflag:s23] =	ssyncadd.s32 $0xFFFFFB00  }
0x6e: {  	[tilespmem:s20], [sflag:$0x2] =	stream.indirect.gather [hbm4b:s3+s24], $0x80, s2, s24, $0xb8;
	[tilespmem:$0xE700] =	vst v63  }
0x6f: {  	s21 =	simm.s32 $0x5E00  }
0x70: {  	[tilespmem:s21], [sflag:$0x2] =	stream.indirect.gather [hbm4b:s3+s24], $0x80, s11, s24, $0xb8;
	[tilespmem:$0xE700] =	vst v63  }
0x71: {  	s15 =	simm.s32 $0x0;
	s22 =	simm.s32 $0x9E00  }
0x72: {  	[tilespmem:s22], [sflag:$0x2] =	stream.indirect.gather [hbm4b:s4+s24], $0x80, s12, s24, $0xb8;
	[tilespmem:$0xE700] =	vst v63  }
.LBB2_2:
0x73: {  	s10 =	smul.u32 $0x19A, s15;
	_ =	sdelay $0x1  }
0x74: {  	s10 =	sshrl.u32 s10, $0xC  }
0x75: {  	s10 =	sand.u32 $0xF, s10  }
0x76: {  	s10 =	smul.u32 $0x14, s10  }
0x77: {  	s17 =	sshll.u32 s15, $0x1  }
0x78: {  	p0 =	sgt.u32 s15, $0x59;
	s10 =	ssub.s32 s17, s10  }
0x79: {  	s10 =	sand.u32 @!p0 $0xFF, s10  }
0x7a: {  	p1 =	sne.s32 @!p0 s10, $0x0  }
0x7b: {  	p0 =	por p0, p1  }
.Ltmp0:
0x7c: {  	_ = 	snop;
	(pc) =	sbr.rel @p0 .LBB2_4-.Ltmp0, $1  }
0x7d: {  	_ =	sdelay $0x3  }
0x7e: {  	s10 =	smul.u32 $0xCD, s15;
	_ =	sdelay $0x1  }
0x7f: {  	s10 =	sshrl.u32 s10, $0xB  }
0x80: {  	s10 =	sand.u32 $0x1F, s10  }
0x81: {  	s10 =	sadd.s32 $0x1, s10  }
0x82: {  	s11 =	smul.u32 $0x500, s10;
	_ =	sdelay $0x1  }
0x83: {  	s11 =	sadd.s32 s6, s11  }
0x84: {  	s10 =	sshll.u32 s10, $0x7;
	s11 =	sshrl.u32 s11, $0x3  }
0x85: {  	s10 =	sand.u32 $0x80, s10;
	s16 =	sadd.s32 s5, s11  }
0x86: {  	[tilespmem:s10], [sflag:$0x1] =	stream.linear.gather [hbm4b:s16+s2], $0x80, $0x38;
	[tilespmem:$0xE700] =	vst v63  }
0x87: {  	s19 =	sor.u32 $0x100, s10;
	s18 =	sadd.s32 $0x10, s16  }
0x88: {  	[tilespmem:s19], [sflag:$0x1] =	stream.linear.gather [hbm4b:s18+s2], $0x80, $0x38;
	[tilespmem:$0xE700] =	vst v63  }
0x89: {  	s12 =	sor.u32 $0x200, s10;
	s22 =	sadd.s32 $0x20, s16  }
0x8a: {  	[tilespmem:s12], [sflag:$0x1] =	stream.linear.gather [hbm4b:s22+s2], $0x80, $0x38;
	[tilespmem:$0xE700] =	vst v63  }
0x8b: {  	s21 =	sor.u32 $0x300, s10;
	s20 =	sadd.s32 $0x30, s16  }
0x8c: {  	[tilespmem:s21], [sflag:$0x1] =	stream.linear.gather [hbm4b:s20+s2], $0x80, $0x38;
	[tilespmem:$0xE700] =	vst v63  }
0x8d: {  	s22 =	sadd.s32 $0x40, s16;
	s12 =	sor.u32 $0x400, s10  }
0x8e: {  	[tilespmem:s12], [sflag:$0x1] =	stream.linear.gather [hbm4b:s22+s2], $0x80, $0x38;
	[tilespmem:$0xE700] =	vst v63  }
0x8f: {  	s20 =	sadd.s32 $0x50, s16;
	s21 =	sor.u32 $0x500, s10  }
0x90: {  	[tilespmem:s21], [sflag:$0x1] =	stream.linear.gather [hbm4b:s20+s2], $0x80, $0x38;
	[tilespmem:$0xE700] =	vst v63  }
0x91: {  	s22 =	sadd.s32 $0x60, s16;
	s12 =	sor.u32 $0x600, s10  }
0x92: {  	[tilespmem:s12], [sflag:$0x1] =	stream.linear.gather [hbm4b:s22+s2], $0x80, $0x38;
	[tilespmem:$0xE700] =	vst v63  }
0x93: {  	s20 =	sadd.s32 $0x70, s16;
	s21 =	sor.u32 $0x700, s10  }
0x94: {  	[tilespmem:s21], [sflag:$0x1] =	stream.linear.gather [hbm4b:s20+s2], $0x80, $0x38;
	[tilespmem:$0xE700] =	vst v63  }
0x95: {  	s22 =	sadd.s32 $0x80, s16;
	s12 =	sor.u32 $0x800, s10  }
0x96: {  	[tilespmem:s12], [sflag:$0x1] =	stream.linear.gather [hbm4b:s22+s2], $0x80, $0x38;
	[tilespmem:$0xE700] =	vst v63  }
0x97: {  	s16 =	sadd.s32 $0x90, s16;
	s20 =	sor.u32 $0x900, s10  }
0x98: {  	[tilespmem:s20], [sflag:$0x1] =	stream.linear.gather [hbm4b:s16+s2], $0x80, $0x38;
	[tilespmem:$0xE700] =	vst v63  }
0x99: {  	s18 =	sadd.s32 s7, s11;
	s21 =	sor.u32 $0xA00, s10  }
0x9a: {  	[tilespmem:s21], [sflag:$0x1] =	stream.linear.gather [hbm4b:s18+s2], $0x80, $0x38;
	[tilespmem:$0xE700] =	vst v63  }
0x9b: {  	s22 =	sadd.s32 $0x10, s18;
	s12 =	sor.u32 $0xB00, s10  }
0x9c: {  	[tilespmem:s12], [sflag:$0x1] =	stream.linear.gather [hbm4b:s22+s2], $0x80, $0x38;
	[tilespmem:$0xE700] =	vst v63  }
0x9d: {  	s20 =	sadd.s32 $0x20, s18;
	s21 =	sor.u32 $0xC00, s10  }
0x9e: {  	[tilespmem:s21], [sflag:$0x1] =	stream.linear.gather [hbm4b:s20+s2], $0x80, $0x38;
	[tilespmem:$0xE700] =	vst v63  }
0x9f: {  	s22 =	sadd.s32 $0x30, s18;
	s12 =	sor.u32 $0xD00, s10  }
0xa0: {  	[tilespmem:s12], [sflag:$0x1] =	stream.linear.gather [hbm4b:s22+s2], $0x80, $0x38;
	[tilespmem:$0xE700] =	vst v63  }
0xa1: {  	s20 =	sadd.s32 $0x40, s18;
	s21 =	sor.u32 $0xE00, s10  }
0xa2: {  	[tilespmem:s21], [sflag:$0x1] =	stream.linear.gather [hbm4b:s20+s2], $0x80, $0x38;
	[tilespmem:$0xE700] =	vst v63  }
0xa3: {  	s22 =	sadd.s32 $0x50, s18;
	s12 =	sor.u32 $0xF00, s10  }
0xa4: {  	[tilespmem:s12], [sflag:$0x1] =	stream.linear.gather [hbm4b:s22+s2], $0x80, $0x38;
	[tilespmem:$0xE700] =	vst v63  }
0xa5: {  	s20 =	sadd.s32 $0x60, s18;
	s21 =	sor.u32 $0x1000, s10  }
0xa6: {  	[tilespmem:s21], [sflag:$0x1] =	stream.linear.gather [hbm4b:s20+s2], $0x80, $0x38;
	[tilespmem:$0xE700] =	vst v63  }
0xa7: {  	s22 =	sadd.s32 $0x70, s18;
	s12 =	sor.u32 $0x1100, s10  }
0xa8: {  	[tilespmem:s12], [sflag:$0x1] =	stream.linear.gather [hbm4b:s22+s2], $0x80, $0x38;
	[tilespmem:$0xE700] =	vst v63  }
0xa9: {  	s19 =	sadd.s32 $0x80, s18;
	s20 =	sor.u32 $0x1200, s10  }
0xaa: {  	[tilespmem:s20], [sflag:$0x1] =	stream.linear.gather [hbm4b:s19+s2], $0x80, $0x38;
	[tilespmem:$0xE700] =	vst v63  }
0xab: {  	s21 =	sadd.s32 $0x90, s18;
	s22 =	sor.u32 $0x1300, s10  }
0xac: {  	[tilespmem:s22], [sflag:$0x1] =	stream.linear.gather [hbm4b:s21+s2], $0x80, $0x38;
	[tilespmem:$0xE700] =	vst v63  }
0xad: {  	s11 =	sadd.s32 s8, s11;
	s12 =	sor.u32 $0x1400, s10  }
0xae: {  	[tilespmem:s12], [sflag:$0x1] =	stream.linear.gather [hbm4b:s11+s2], $0x80, $0x38;
	[tilespmem:$0xE700] =	vst v63  }
0xaf: {  	s18 =	sadd.s32 $0x10, s11;
	s19 =	sor.u32 $0x1500, s10  }
0xb0: {  	[tilespmem:s19], [sflag:$0x1] =	stream.linear.gather [hbm4b:s18+s2], $0x80, $0x38;
	[tilespmem:$0xE700] =	vst v63  }
0xb1: {  	s20 =	sadd.s32 $0x20, s11;
	s21 =	sor.u32 $0x1600, s10  }
0xb2: {  	[tilespmem:s21], [sflag:$0x1] =	stream.linear.gather [hbm4b:s20+s2], $0x80, $0x38;
	[tilespmem:$0xE700] =	vst v63  }
0xb3: {  	s22 =	sadd.s32 $0x30, s11;
	s12 =	sor.u32 $0x1700, s10  }
0xb4: {  	[tilespmem:s12], [sflag:$0x1] =	stream.linear.gather [hbm4b:s22+s2], $0x80, $0x38;
	[tilespmem:$0xE700] =	vst v63  }
0xb5: {  	s18 =	sadd.s32 $0x40, s11;
	s19 =	sor.u32 $0x1800, s10  }
0xb6: {  	[tilespmem:s19], [sflag:$0x1] =	stream.linear.gather [hbm4b:s18+s2], $0x80, $0x38;
	[tilespmem:$0xE700] =	vst v63  }
0xb7: {  	s20 =	sadd.s32 $0x50, s11;
	s21 =	sor.u32 $0x1900, s10  }
0xb8: {  	[tilespmem:s21], [sflag:$0x1] =	stream.linear.gather [hbm4b:s20+s2], $0x80, $0x38;
	[tilespmem:$0xE700] =	vst v63  }
0xb9: {  	s22 =	sadd.s32 $0x60, s11;
	s12 =	sor.u32 $0x1A00, s10  }
0xba: {  	[tilespmem:s12], [sflag:$0x1] =	stream.linear.gather [hbm4b:s22+s2], $0x80, $0x38;
	[tilespmem:$0xE700] =	vst v63  }
0xbb: {  	s19 =	sadd.s32 $0x70, s11;
	s20 =	sor.u32 $0x1B00, s10  }
0xbc: {  	[tilespmem:s20], [sflag:$0x1] =	stream.linear.gather [hbm4b:s19+s2], $0x80, $0x38;
	[tilespmem:$0xE700] =	vst v63  }
0xbd: {  	s21 =	sadd.s32 $0x80, s11;
	s22 =	sor.u32 $0x1C00, s10  }
0xbe: {  	[tilespmem:s22], [sflag:$0x1] =	stream.linear.gather [hbm4b:s21+s2], $0x80, $0x38;
	[tilespmem:$0xE700] =	vst v63  }
0xbf: {  	s11 =	sadd.s32 $0x90, s11;
	s10 =	sor.u32 $0x1D00, s10  }
0xc0: {  	[tilespmem:s10], [sflag:$0x1] =	stream.linear.gather [hbm4b:s11+s2], $0x80, $0x38;
	[tilespmem:$0xE700] =	vst v63  }
.LBB2_4:
0xc1: {  	s16 =	sor.u32 $0x1, s17  }
0xc2: {  	s10 =	smulhi.u32 $0x66666667, s16;
	_ =	sdelay $0x1  }
0xc3: {  	s10 =	sshrl.u32 s10, $0x3  }
0xc4: {  	s10 =	smul.u32 $0x14, s10  }
0xc5: {  	s11 =	smulhi.u32 $0xCCCCCCCD, s15  }
0xc6: {  	s10 =	ssub.s32 s16, s10  }
0xc7: {  	s11 =	sshll.u32 s11, $0x4;
	s10 =	sshll.u32 s10, $0x7  }
0xc8: {  	s11 =	sand.u32 $0x80, s11;
	s10 =	sand.u32 $0xF00, s10  }
0xc9: {  	s10 =	sor.u32 s10, s11  }
0xca: {  	s11 =	sor.u32 $0x40, s10  }
0xcb: {  	[tilespmem:s25], [sflag:$0x3] =	stream.indirect.gather [hbm4b:s3+s24], $0x80, s11, s24, $0xb8;
	[tilespmem:$0xE700] =	vst v63  }
0xcc: {  	s22 =	sadd.s32 $0xA40, s10  }
0xcd: {  	[tilespmem:s26], [sflag:$0x3] =	stream.indirect.gather [hbm4b:s3+s24], $0x80, s22, s24, $0xb8;
	[tilespmem:$0xE700] =	vst v63  }
0xce: {  	s10 =	sadd.s32 $0x1440, s10  }
0xcf: {  	[tilespmem:s28], [sflag:$0x3] =	stream.indirect.gather [hbm4b:s4+s24], $0x80, s10, s24, $0xb8;
	[tilespmem:$0xE700] =	vst v63  }
0xd0: {  	_ =	swait.ge [sflag:s29], $0x2000  }
0xd1: {  	[sflag:s29] =	ssyncset.done $0x0  }
0xd2: {  	[sflag:s29] =	ssyncadd.s32 $0xFFFFE000  }
0xd3: {  	_ =	swait.ge [sflag:s29], $0x2000  }
0xd4: {  	[sflag:s29] =	ssyncset.done $0x0  }
0xd5: {  	[sflag:s29] =	ssyncadd.s32 $0xFFFFE000  }
0xd6: {  	_ =	swait.ge [sflag:s29], $0x2000  }
0xd7: {  	p0 =	seq.s32 s15, $0x0;
	[sflag:s29] =	ssyncset.done $0x0  }
0xd8: {  	s10 =	simm.s32 @!p0 $0x4;
	[sflag:s29] =	ssyncadd.s32 $0xFFFFE000  }
0xd9: {  	s18 =	simm.s32 $0x0;
	s19 =	simm.s32 $0x1E80;
	_ =	swait.ge @!p0 [sflag:s10], $0x40  }
0xda: {  	s21 =	simm.s32 $0x5E80;
	s20 =	simm.s32 $0x9E80;
	[sflag:s10] =	ssyncset.done @!p0 $0x0  }
0xdb: {  	s22 =	simm.s32 $0x0;
	[sflag:s10] =	ssyncadd.s32 @!p0 $0xFFFFFFC0;
	s10 =	simm.s32 $0x0  }
.LBB2_5:
0xdc: {  	v8 =	vld [tilespmem:s21+$0xFFFFFF80]  }
0xdd: {  	v9 =	vld [tilespmem:s21+$0xFFFFFFC0]  }
0xde: {  	v10 =	vld [tilespmem:s20+$0xFFFFFF80]  }
0xdf: {  	v11 =	vld [tilespmem:s20+$0xFFFFFFC0]  }
0xe0: {  	v12 =	vld [tilespmem:s19+$0xFFFFFF80]  }
0xe1: {  	v14 =	vld [tilespmem:s19+$0xFFFFFFC0]  }
0xe2: {  	v20 =	vld [tilespmem:s21+$0xFFFFFF90]  }
0xe3: {  	v47 =	vld [tilespmem:s21+$0xFFFFFFD0]  }
0xe4: {  	v22 =	vld [tilespmem:s20+$0xFFFFFF90]  }
0xe5: {  	v49 =	vld [tilespmem:s20+$0xFFFFFFD0]  }
0xe6: {  	v54 =	vld [tilespmem:s19+$0xFFFFFF90]  }
0xe7: {  	v56 =	vld [tilespmem:s19+$0xFFFFFFD0]  }
0xe8: {  	v24 =	vld [tilespmem:s21+$0xFFFFFFA0]  }
0xe9: {  	v61 =	vld [tilespmem:s21+$0xFFFFFFE0];
	v13 =	vshll.u32 v8, $0x10;
	v15 =	vshll.u32 v9, $0x10;
	v16 =	vshll.u32 v10, $0x10  }
0xea: {  	v26 =	vld [tilespmem:s20+$0xFFFFFFA0];
	v17 =	vshll.u32 v11, $0x10;
	v48 =	vmul.f32 v10, v8;
	v21 =	vmul.f32 v11, v9  }
0xeb: {  	v63 =	vld [tilespmem:s20+$0xFFFFFFE0];
	v9 =	vmul.f32 v10, v9;
	v8 =	vmul.f32 v11, v8;
	v50 =	vshll.u32 v12, $0x10  }
0xec: {  	v51 =	vshll.u32 v14, $0x10;
	v55 =	vshll.u32 v20, $0x10;
	v57 =	vshll.u32 v47, $0x10  }
0xed: {  	v58 =	vshll.u32 v22, $0x10;
	v59 =	vshll.u32 v49, $0x10;
	v62 =	vmul.f32 v22, v20  }
0xee: {  	v25 =	vmul.f32 v49, v47;
	v10 =	vmul.f32 v49, v20;
	v30 =	vshll.u32 v54, $0x10  }
0xef: {  	v31 =	vshll.u32 v56, $0x10;
	v43 =	vmul.f32 v26, v24;
	v44 =	vmul.f32 v26, v61  }
0xf0: {  	v42 =	vld [tilespmem:s21+$0xFFFFFFF0];
	v34 =	vshll.u32 v24, $0x10;
	v20 =	vmul.f32 v63, v24;
	v18 =	vmul.f32 v16, v13  }
0xf1: {  	v46 =	vld [tilespmem:s20+$0xFFFFFFF0];
	v36 =	vshll.u32 v61, $0x10;
	v19 =	vmul.f32 v17, v15;
	v15 =	vmul.f32 v16, v15  }
0xf2: {  	v27 =	vld [tilespmem:s21+$0xFFFFFFB0];
	v37 =	vshll.u32 v26, $0x10;
	v13 =	vmul.f32 v17, v13;
	v60 =	vmul.f32 v58, v55  }
0xf3: {  	v33 =	vld [tilespmem:s19+$0xFFFFFFA0];
	v38 =	vshll.u32 v63, $0x10;
	v23 =	vmul.f32 v59, v57;
	v16 =	vmul.f32 v22, v47  }
0xf4: {  	v35 =	vld [tilespmem:s19+$0xFFFFFFE0];
	v39 =	vmul.f32 v37, v34;
	v40 =	vmul.f32 v38, v36;
	v17 =	vadd.f32 v21, v48  }
0xf5: {  	v45 =	vld [tilespmem:s20+$0xFFFFFFB0];
	v41 =	vmul.f32 v37, v36;
	v8 =	vsub.f32 v9, v8;
	v20 =	vsub.f32 v44, v20  }
0xf6: {  	v18 =	vadd.f32 v19, v18;
	v21 =	vadd.f32 v23, v60;
	v60 =	vmul.f32 v46, v42  }
0xf7: {  	v19 =	vadd.f32 v25, v62;
	v62 =	vmul.f32 v46, v27;
	v12 =	vmul.f32 v12, v17  }
0xf8: {  	v47 =	vshll.u32 v33, $0x10;
	v8 =	vmul.f32 v14, v8;
	v17 =	vmul.f32 v58, v57  }
0xf9: {  	v13 =	vsub.f32 v15, v13;
	v14 =	vmul.f32 v59, v55;
	v49 =	vmul.f32 v35, v20  }
0xfa: {  	v10 =	vsub.f32 v16, v10;
	v59 =	vmul.f32 v45, v27;
	v52 =	vmul.f32 v50, v18  }
0xfb: {  	v11 =	vadd.f32 v40, v39;
	v53 =	vmul.f32 v51, v13;
	v32 =	vmul.f32 v30, v21  }
0xfc: {  	v48 =	vshll.u32 v35, $0x10;
	v13 =	vmul.f32 v54, v19;
	v10 =	vmul.f32 v56, v10  }
0xfd: {  	v18 =	vmul.f32 v63, v61;
	v11 =	vmul.f32 v47, v11;
	v50 =	vshll.u32 v27, $0x10  }
0xfe: {  	v54 =	vshll.u32 v46, $0x10;
	v61 =	vmul.f32 v45, v42;
	v14 =	vsub.f32 v17, v14  }
0xff: {  	v8 =	vadd.f32 v8, v12;
	v17 =	vmul.f32 v38, v34;
	v9 =	vadd.f32 v53, v52  }
0x100: {  	v18 =	vadd.f32 v18, v43;
	v52 =	vshll.u32 v42, $0x10;
	v53 =	vshll.u32 v45, $0x10  }
0x101: {  	v55 =	vld [tilespmem:s19+$0xFFFFFFF0];
	v10 =	vadd.f32 v10, v13;
	v14 =	vmul.f32 v31, v14;
	v8 =	vadd.f32 $0.0e+00, v8  }
0x102: {  	v51 =	vld [tilespmem:s19+$0xFFFFFFB0];
	v12 =	vsub.f32 v41, v17;
	v56 =	vmul.f32 v53, v50;
	v57 =	vmul.f32 v54, v52  }
0x103: {  	v58 =	vmul.f32 v53, v52;
	v17 =	vmul.f32 v54, v50;
	v9 =	vadd.f32 $0.0e+00, v9  }
0x104: {  	v14 =	vadd.f32 v14, v32;
	v12 =	vmul.f32 v48, v12;
	v8 =	vadd.f32 v10, v8  }
0x105: {  	v15 =	vmul.f32 v33, v18;
	v24 =	vadd.f32 v57, v56;
	v10 =	vadd.f32 v60, v59  }
0x106: {  	v25 =	vshll.u32 v55, $0x10;
	v9 =	vadd.f32 v14, v9;
	v11 =	vadd.f32 v12, v11  }
0x107: {  	v63 =	vshll.u32 v51, $0x10;
	v14 =	vsub.f32 v58, v17;
	v12 =	vsub.f32 v61, v62  }
0x108: {  	v15 =	vadd.f32 v49, v15;
	v26 =	vmul.f32 v63, v24;
	v10 =	vmul.f32 v51, v10  }
0x109: {  	v14 =	vmul.f32 v25, v14;
	v12 =	vmul.f32 v55, v12  }
0x10a: {  	v8 =	vadd.f32 v15, v8;
	v9 =	vadd.f32 v11, v9  }
0x10b: {  	v27 =	vadd.f32 v14, v26;
	v10 =	vadd.f32 v12, v10;
	_ =	sdelay $0x1  }
0x10c: {  	v9 =	vadd.f32 v27, v9;
	v8 =	vadd.f32 v10, v8  }
0x10d: {  	s11 =	sand.u32 $0x700, s22  }
0x10e: {  	s12 =	sand.u32 $0x60, s10;
	s11 =	sadd.s32 $0xDF00, s11;
	v8 =	vadd.f32 v9, v8  }
0x10f: {  	s12 =	sor.u32 s12, s11  }
0x110: {  	[tilespmem:s12+$0x0] =	vst v8  }
0x111: {  	v8 =	vld [tilespmem:s21+$0x0]  }
0x112: {  	v28 =	vld [tilespmem:s21+$0x40]  }
0x113: {  	v29 =	vld [tilespmem:s20+$0x0]  }
0x114: {  	v30 =	vld [tilespmem:s20+$0x40]  }
0x115: {  	v31 =	vld [tilespmem:s19+$0x0]  }
0x116: {  	v33 =	vld [tilespmem:s19+$0x40]  }
0x117: {  	v39 =	vld [tilespmem:s21+$0x10]  }
0x118: {  	v40 =	vld [tilespmem:s21+$0x50]  }
0x119: {  	v43 =	vld [tilespmem:s20+$0x10]  }
0x11a: {  	v44 =	vld [tilespmem:s20+$0x50]  }
0x11b: {  	v57 =	vld [tilespmem:s21+$0x20]  }
0x11c: {  	v58 =	vld [tilespmem:s21+$0x60];
	v32 =	vshll.u32 v8, $0x10  }
0x11d: {  	v61 =	vld [tilespmem:s20+$0x20];
	v34 =	vshll.u32 v28, $0x10;
	v35 =	vshll.u32 v29, $0x10;
	v41 =	vmul.f32 v29, v8  }
0x11e: {  	v62 =	vld [tilespmem:s20+$0x60];
	v36 =	vshll.u32 v30, $0x10;
	v42 =	vmul.f32 v30, v28;
	v9 =	vmul.f32 v29, v28  }
0x11f: {  	v49 =	vld [tilespmem:s19+$0x10];
	v8 =	vmul.f32 v30, v8;
	v45 =	vshll.u32 v31, $0x10;
	v46 =	vshll.u32 v33, $0x10  }
0x120: {  	v50 =	vshll.u32 v39, $0x10;
	v59 =	vmul.f32 v43, v39;
	v60 =	vmul.f32 v44, v40  }
0x121: {  	v52 =	vshll.u32 v40, $0x10;
	v16 =	vmul.f32 v43, v40;
	v10 =	vmul.f32 v44, v39  }
0x122: {  	v53 =	vshll.u32 v43, $0x10;
	v39 =	vmul.f32 v61, v57;
	v40 =	vmul.f32 v61, v58  }
0x123: {  	v54 =	vshll.u32 v44, $0x10;
	v20 =	vmul.f32 v62, v57;
	v37 =	vmul.f32 v35, v32  }
0x124: {  	v63 =	vshll.u32 v49, $0x10;
	v38 =	vmul.f32 v36, v34;
	v15 =	vmul.f32 v35, v34  }
0x125: {  	v51 =	vld [tilespmem:s19+$0x50];
	v29 =	vshll.u32 v57, $0x10;
	v13 =	vmul.f32 v36, v32;
	v55 =	vmul.f32 v53, v50  }
0x126: {  	v56 =	vmul.f32 v54, v52;
	v14 =	vmul.f32 v54, v50;
	v17 =	vadd.f32 v42, v41  }
0x127: {  	v32 =	vshll.u32 v61, $0x10;
	v8 =	vsub.f32 v9, v8;
	v19 =	vadd.f32 v60, v59  }
0x128: {  	v10 =	vsub.f32 v16, v10;
	v35 =	vmul.f32 v32, v29;
	v18 =	vadd.f32 v38, v37  }
0x129: {  	v30 =	vld [tilespmem:s19+$0x20];
	v13 =	vsub.f32 v15, v13;
	v12 =	vmul.f32 v31, v17;
	v8 =	vmul.f32 v33, v8  }
0x12a: {  	v44 =	vld [tilespmem:s20+$0x70];
	v21 =	vadd.f32 v56, v55;
	v17 =	vmul.f32 v53, v52;
	v10 =	vmul.f32 v51, v10  }
0x12b: {  	v34 =	vld [tilespmem:s19+$0x60];
	v31 =	vshll.u32 v58, $0x10;
	v47 =	vmul.f32 v45, v18;
	v48 =	vmul.f32 v46, v13  }
0x12c: {  	v33 =	vshll.u32 v62, $0x10;
	v28 =	vmul.f32 v63, v21;
	v13 =	vmul.f32 v49, v19  }
0x12d: {  	v27 =	vshll.u32 v51, $0x10;
	v41 =	vld [tilespmem:s21+$0x70];
	v36 =	vmul.f32 v33, v31;
	v37 =	vmul.f32 v32, v31  }
0x12e: {  	v42 =	vld [tilespmem:s20+$0x30];
	v20 =	vsub.f32 v40, v20;
	v15 =	vmul.f32 v33, v29;
	v18 =	vmul.f32 v62, v58  }
0x12f: {  	v43 =	vshll.u32 v30, $0x10;
	v53 =	vshll.u32 v44, $0x10;
	v14 =	vsub.f32 v17, v14  }
0x130: {  	v38 =	vld [tilespmem:s21+$0x30];
	v8 =	vadd.f32 v8, v12;
	v45 =	vshll.u32 v34, $0x10;
	v9 =	vadd.f32 v48, v47  }
0x131: {  	v11 =	vmul.f32 v34, v20;
	v23 =	vadd.f32 v36, v35;
	v12 =	vsub.f32 v37, v15  }
0x132: {  	v18 =	vadd.f32 v18, v39;
	v10 =	vadd.f32 v10, v13;
	v50 =	vshll.u32 v41, $0x10  }
0x133: {  	v51 =	vshll.u32 v42, $0x10;
	v57 =	vmul.f32 v42, v41;
	v58 =	vmul.f32 v44, v41  }
0x134: {  	v14 =	vmul.f32 v27, v14;
	v8 =	vadd.f32 $0.0e+00, v8;
	v21 =	vmul.f32 v51, v50  }
0x135: {  	v49 =	vshll.u32 v38, $0x10;
	v55 =	vmul.f32 v53, v50;
	v56 =	vmul.f32 v42, v38  }
0x136: {  	v52 =	vld [tilespmem:s19+$0x70];
	v15 =	vmul.f32 v44, v38;
	v9 =	vadd.f32 $0.0e+00, v9;
	v46 =	vmul.f32 v43, v23  }
0x137: {  	v48 =	vld [tilespmem:s19+$0x30];
	v12 =	vmul.f32 v45, v12;
	v47 =	vmul.f32 v30, v18;
	v14 =	vadd.f32 v14, v28  }
0x138: {  	v18 =	vmul.f32 v53, v49;
	v8 =	vadd.f32 v10, v8;
	v10 =	vadd.f32 v58, v56  }
0x139: {  	v54 =	vmul.f32 v51, v49;
	v15 =	vsub.f32 v57, v15;
	v12 =	vadd.f32 v12, v46  }
0x13a: {  	v18 =	vsub.f32 v21, v18;
	v11 =	vadd.f32 v11, v47  }
0x13b: {  	v60 =	vshll.u32 v52, $0x10;
	v9 =	vadd.f32 v14, v9;
	v14 =	vadd.f32 v55, v54  }
0x13c: {  	v59 =	vshll.u32 v48, $0x10;
	v10 =	vmul.f32 v48, v10;
	v15 =	vmul.f32 v52, v15  }
0x13d: {  	v62 =	vmul.f32 v60, v18;
	v61 =	vmul.f32 v59, v14  }
0x13e: {  	v8 =	vadd.f32 v11, v8;
	v9 =	vadd.f32 v12, v9  }
0x13f: {  	v10 =	vadd.f32 v15, v10;
	v63 =	vadd.f32 v62, v61  }
0x140: {  	p1 =	sne.s32 s10, $0x3E0  }
.Ltmp1:
0x141: {  	v8 =	vadd.f32 v10, v8;
	v9 =	vadd.f32 v63, v9;
	(pc) =	sbr.rel @p1 .LBB2_5-.Ltmp1, $4  }
0x142: {  	s12 =	sadd.s32 $0x10, s10  }
0x143: {  	s12 =	sand.u32 $0x70, s12;
	v8 =	vadd.f32 v9, v8  }
0x144: {  	s22 =	sadd.s32 $0x40, s22;
	s10 =	sadd.s32 $0x20, s10;
	s11 =	sor.u32 s12, s11  }
0x145: {  	s20 =	sadd.s32 $0x100, s20;
	s21 =	sadd.s32 $0x100, s21;
	s19 =	sadd.s32 $0x100, s19;
	[tilespmem:s11+$0x0] =	vst v8  }
0x146: {  	s10 =	simm.s32 $0xE000  }
0x147: {  	v8 =	vld [tilespmem:s10+$0xFFFFFF00]  }
0x148: {  	v9 =	vld [tilespmem:s10+$0xFFFFFF10]  }
0x149: {  	v10 =	vld [tilespmem:s10+$0xFFFFFF20]  }
0x14a: {  	v14 =	vld [tilespmem:s10+$0xFFFFFF30]  }
0x14b: {  	v18 =	vld [tilespmem:s10+$0xFFFFFF40]  }
0x14c: {  	v19 =	vld [tilespmem:s10+$0xFFFFFF50];
	_ =	sdelay $0x1  }
0x14d: {  	v11 =	vld [tilespmem:s10+$0xFFFFFF60];
	v15 =	vperm.xlane v8, v0  }
0x14e: {  	v17 =	vcombine.low v4, v3;
	v12 =	vld [tilespmem:s10+$0xFFFFFF70];
	v16 =	vperm.xlane v9, v0  }
0x14f: {  	v13 =	vld [tilespmem:s10+$0x0];
	v22 =	vperm.xlane v14, v0;
	v21 =	vadd.f32 v15, v8;
	v8 =	vperm.xlane v10, v0  }
0x150: {  	v23 =	vperm.xlane v18, v0;
	v24 =	vperm.xlane v19, v0;
	v15 =	vld [tilespmem:s10+$0x10];
	v9 =	vadd.f32 v16, v9  }
0x151: {  	v20 =	vcombine.low v3, v4;
	v16 =	vld [tilespmem:s10+$0x20];
	v14 =	vadd.f32 v22, v14;
	v10 =	vadd.f32 v8, v10  }
0x152: {  	v22 =	vadd.f32 v23, v18;
	v23 =	vadd.f32 v24, v19;
	v18 =	vld [tilespmem:s10+$0x40];
	v8 =	vand.u32 $0xF, v17  }
0x153: {  	v19 =	vld [tilespmem:s10+$0x50];
	v21 =	vsel vm3, v21, v9;
	v9 =	vand.u32 $0xF, v20;
	v14 =	vsel vm3, v10, v14  }
0x154: {  	v17 =	vld [tilespmem:s10+$0x30];
	v22 =	vsel vm3, v22, v23;
	v10 =	vperm.xlane v21, v8;
	v26 =	vperm.xlane v14, v9  }
0x155: {  	v25 =	vperm.xlane v12, v0;
	v20 =	vld [tilespmem:s10+$0x60];
	v23 =	vperm.xlane v22, v8  }
0x156: {  	s19 =	simm.s32 $0x40;
	v24 =	vperm.xlane v11, v0;
	v10 =	vadd.f32 v10, v21;
	v21 =	vld [tilespmem:s10+$0x70];
	v14 =	vadd.f32 v26, v14  }
.LBB2_7:
0x157: {  	p1 =	sne.s32 s19, $0xC0;
	v26 =	vperm.xlane v13, v0;
	v27 =	vperm.xlane v15, v0;
	v22 =	vadd.f32 v23, v22  }
0x158: {  	v23 =	vperm.xlane v16, v0;
	v11 =	vadd.f32 v24, v11;
	v12 =	vadd.f32 v25, v12  }
0x159: {  	v24 =	vperm.xlane v17, v0;
	v13 =	vadd.f32 v26, v13;
	v15 =	vadd.f32 v27, v15  }
0x15a: {  	v16 =	vadd.f32 v23, v16;
	v23 =	vperm.xlane v18, v0;
	v25 =	vperm.xlane v19, v0  }
0x15b: {  	v17 =	vadd.f32 v24, v17;
	v24 =	vperm.xlane v20, v0;
	v26 =	vperm.xlane v21, v0  }
0x15c: {  	v11 =	vsel vm3, v11, v12;
	v12 =	vadd.f32 v23, v18;
	v18 =	vadd.f32 v25, v19  }
0x15d: {  	v13 =	vsel vm3, v13, v15;
	v15 =	vadd.f32 v24, v20;
	v19 =	vadd.f32 v26, v21  }
0x15e: {  	v16 =	vsel vm3, v16, v17;
	v17 =	vperm.xlane v11, v9;
	v20 =	vperm.xlane v13, v8  }
0x15f: {  	v12 =	vsel vm3, v12, v18;
	v18 =	vperm.xlane v16, v9;
	v15 =	vsel vm3, v15, v19  }
0x160: {  	v11 =	vadd.f32 v17, v11;
	v17 =	vperm.xlane v12, v8;
	v19 =	vperm.xlane v15, v9  }
0x161: {  	v13 =	vadd.f32 v20, v13;
	v16 =	vadd.f32 v18, v16  }
0x162: {  	v10 =	vsel vm0, v10, v14;
	v12 =	vadd.f32 v17, v12;
	v14 =	vadd.f32 v19, v15  }
0x163: {  	v11 =	vsel vm0, v22, v11;
	v15 =	vperm.xlane v10, v5  }
0x164: {  	v13 =	vsel vm0, v13, v16;
	v12 =	vsel vm0, v12, v14;
	v14 =	vperm.xlane v11, v6  }
0x165: {  	v16 =	vperm.xlane v13, v5;
	v17 =	vperm.xlane v12, v6  }
0x166: {  	v10 =	vadd.f32 v15, v10;
	v11 =	vadd.f32 v14, v11  }
0x167: {  	v13 =	vadd.f32 v16, v13;
	v12 =	vadd.f32 v17, v12;
	_ =	sdelay $0x1  }
0x168: {  	v10 =	vsel vm1, v10, v11;
	v11 =	vsel vm1, v13, v12  }
0x169: {  	v12 =	vperm.xlane v10, v1;
	v13 =	vperm.xlane v11, v2;
	_ =	sdelay $0x1  }
0x16a: {  	v10 =	vadd.f32 v12, v10;
	v11 =	vadd.f32 v13, v11;
	_ =	sdelay $0x1  }
0x16b: {  	v10 =	vsel vm2, v10, v11  }
0x16c: {  	v10 =	vperm.xlane v10, v7  }
0x16d: {  	s11 =	sshra.s32 s18, $0x2;
	s18 =	smov.u32 s19  }
0x16e: {  	s10 =	sadd.s32 $0x200, s10;
	[tilespmem:s11+$0xDE00] =	vst v10  }
0x16f: {  	v10 =	vld [tilespmem:s10+$0xFFFFFF00]  }
0x170: {  	v14 =	vld [tilespmem:s10+$0xFFFFFF10]  }
0x171: {  	v17 =	vld [tilespmem:s10+$0xFFFFFF20]  }
0x172: {  	v18 =	vld [tilespmem:s10+$0xFFFFFF30]  }
0x173: {  	v19 =	vld [tilespmem:s10+$0xFFFFFF40]  }
0x174: {  	v20 =	vld [tilespmem:s10+$0xFFFFFF50];
	_ =	sdelay $0x1  }
0x175: {  	v15 =	vperm.xlane v10, v0;
	v11 =	vld [tilespmem:s10+$0xFFFFFF60]  }
0x176: {  	v16 =	vperm.xlane v14, v0;
	v12 =	vld [tilespmem:s10+$0xFFFFFF70]  }
0x177: {  	v10 =	vadd.f32 v15, v10;
	v21 =	vperm.xlane v17, v0;
	v22 =	vperm.xlane v18, v0;
	v13 =	vld [tilespmem:s10+$0x0]  }
0x178: {  	v14 =	vadd.f32 v16, v14;
	v23 =	vperm.xlane v19, v0;
	v15 =	vld [tilespmem:s10+$0x10];
	v24 =	vperm.xlane v20, v0  }
0x179: {  	v21 =	vadd.f32 v21, v17;
	v22 =	vadd.f32 v22, v18;
	v16 =	vld [tilespmem:s10+$0x20]  }
.Ltmp2:
0x17a: {  	v10 =	vsel vm3, v10, v14;
	v14 =	vadd.f32 v23, v19;
	v17 =	vld [tilespmem:s10+$0x30];
	v20 =	vadd.f32 v24, v20;
	(pc) =	sbr.rel @p1 .LBB2_7-.Ltmp2, $4  }
0x17b: {  	v26 =	vsel vm3, v21, v22;
	v21 =	vperm.xlane v10, v8;
	v18 =	vld [tilespmem:s10+$0x40]  }
0x17c: {  	v19 =	vld [tilespmem:s10+$0x50];
	v22 =	vsel vm3, v14, v20;
	v14 =	vperm.xlane v26, v9  }
0x17d: {  	v10 =	vadd.f32 v21, v10;
	v20 =	vld [tilespmem:s10+$0x60];
	v23 =	vperm.xlane v22, v8  }
0x17e: {  	s19 =	sadd.s32 $0x40, s19;
	v24 =	vperm.xlane v11, v0;
	v25 =	vperm.xlane v12, v0;
	v21 =	vld [tilespmem:s10+$0x70];
	v14 =	vadd.f32 v14, v26  }
0x17f: {  	v26 =	vperm.xlane v13, v0;
	v27 =	vperm.xlane v15, v0;
	v22 =	vadd.f32 v23, v22  }
0x180: {  	v45 =	vperm.xlane v16, v0;
	v46 =	vperm.xlane v17, v0;
	v11 =	vadd.f32 v24, v11  }
0x181: {  	v12 =	vadd.f32 v25, v12;
	v47 =	vperm.xlane v18, v0;
	v13 =	vadd.f32 v26, v13  }
0x182: {  	v15 =	vadd.f32 v27, v15;
	v16 =	vadd.f32 v45, v16;
	v48 =	vperm.xlane v19, v0  }
0x183: {  	v17 =	vadd.f32 v46, v17;
	v49 =	vperm.xlane v20, v0;
	v50 =	vperm.xlane v21, v0  }
0x184: {  	v11 =	vsel vm3, v11, v12;
	v51 =	vadd.f32 v47, v18;
	v52 =	vadd.f32 v48, v19  }
0x185: {  	v13 =	vsel vm3, v13, v15;
	v53 =	vadd.f32 v49, v20;
	v54 =	vadd.f32 v50, v21  }
0x186: {  	v16 =	vsel vm3, v16, v17;
	v55 =	vperm.xlane v11, v9;
	v56 =	vperm.xlane v13, v8  }
0x187: {  	v57 =	vperm.xlane v16, v9;
	v12 =	vsel vm3, v51, v52;
	v15 =	vsel vm3, v53, v54  }
0x188: {  	v11 =	vadd.f32 v55, v11;
	v58 =	vperm.xlane v12, v8;
	v19 =	vperm.xlane v15, v9  }
0x189: {  	v13 =	vadd.f32 v56, v13;
	v16 =	vadd.f32 v57, v16  }
0x18a: {  	v10 =	vsel vm0, v10, v14;
	v12 =	vadd.f32 v58, v12;
	v59 =	vadd.f32 v19, v15  }
0x18b: {  	v60 =	vperm.xlane v10, v5;
	v11 =	vsel vm0, v22, v11  }
0x18c: {  	v13 =	vsel vm0, v13, v16;
	v61 =	vperm.xlane v11, v6;
	v12 =	vsel vm0, v12, v59  }
0x18d: {  	v16 =	vperm.xlane v13, v5;
	v62 =	vperm.xlane v12, v6  }
0x18e: {  	v10 =	vadd.f32 v60, v10;
	v11 =	vadd.f32 v61, v11  }
0x18f: {  	v13 =	vadd.f32 v16, v13;
	v12 =	vadd.f32 v62, v12  }
0x190: {  	p1 =	seq.s32 s15, $0x63  }
0x191: {  	s10 =	sadd.s32 @!p1 $0x2, s17;
	v10 =	vsel vm1, v10, v11;
	v11 =	vsel vm1, v13, v12  }
0x192: {  	s12 =	smulhi.u32 @!p1 $0x66666667, s10;
	v63 =	vperm.xlane v10, v1;
	v13 =	vperm.xlane v11, v2;
	_ =	sdelay $0x1  }
0x193: {  	s12 =	sshrl.u32 @!p1 s12, $0x3;
	v10 =	vadd.f32 v63, v10;
	v11 =	vadd.f32 v13, v11  }
0x194: {  	s17 =	smul.u32 @!p1 $0x14, s12  }
0x195: {  	s11 =	sshll.u32 s15, $0x7;
	v10 =	vsel vm2, v10, v11  }
0x196: {  	s11 =	sadd.s32 s6, s11;
	s10 =	ssub.s32 @!p1 s10, s17;
	v10 =	vperm.xlane v10, v7  }
0x197: {  	s22 =	sshra.s32 s18, $0x2;
	s11 =	sshrl.u32 s11, $0x3;
	p2 =	sne.s32 @!p1 s10, $0x0  }
0x198: {  	s11 =	sadd.s32 s9, s11;
	p2 =	por p2, p1;
	[tilespmem:s22+$0xDE00] =	vst v10  }
0x199: {  	[hbm4b:s11+s2] =	stream.linear.scatter [tilespmem:s30], [sflag:$0x4], $0x40, $0x38;
	[tilespmem:$0xE700] =	vst v63  }
0x19a: {  	s11 =	simm.s32 @!p2 $0x1  }
0x19b: {  	_ =	swait.ge @!p2 [sflag:s11], $0x500  }
0x19c: {  	[sflag:s11] =	ssyncset.done @!p2 $0x0  }
0x19d: {  	[sflag:s11] =	ssyncadd.s32 @!p2 $0xFFFFFB00  }
0x19e: {  	_ =	swait.ge @!p2 [sflag:s11], $0x500  }
0x19f: {  	[sflag:s11] =	ssyncset.done @!p2 $0x0  }
0x1a0: {  	[sflag:s11] =	ssyncadd.s32 @!p2 $0xFFFFFB00  }
0x1a1: {  	s12 =	sand.u32 @!p1 $0x1, s12;
	_ =	swait.ge @!p2 [sflag:s11], $0x500  }
0x1a2: {  	s10 =	sor.u32 @!p1 s10, s12;
	s12 =	simm.s32 @!p1 $0x1E00;
	[sflag:s11] =	ssyncset.done @!p2 $0x0  }
0x1a3: {  	s10 =	sshll.u32 @!p1 s10, $0x7;
	[sflag:s11] =	ssyncadd.s32 @!p2 $0xFFFFFB00;
	s11 =	simm.s32 @!p1 $0x40  }
0x1a4: {  	[tilespmem:s12], [sflag:$0x2] =	stream.indirect.gather @!p1 [hbm4b:s3+s11], $0x80, s10, s11, $0xb8;
	[tilespmem:$0xE700] =	vst v63  }
0x1a5: {  	s17 =	simm.s32 @!p1 $0x5E00;
	s12 =	sadd.s32 @!p1 $0xA00, s10  }
0x1a6: {  	[tilespmem:s17], [sflag:$0x2] =	stream.indirect.gather @!p1 [hbm4b:s3+s11], $0x80, s12, s11, $0xb8;
	[tilespmem:$0xE700] =	vst v63  }
0x1a7: {  	s10 =	sadd.s32 @!p1 $0x1400, s10;
	s12 =	simm.s32 @!p1 $0x9E00  }
0x1a8: {  	[tilespmem:s12], [sflag:$0x2] =	stream.indirect.gather @!p1 [hbm4b:s4+s11], $0x80, s10, s11, $0xb8;
	[tilespmem:$0xE700] =	vst v63  }
0x1a9: {  	_ =	swait.ge [sflag:s31], $0x2000  }
0x1aa: {  	[sflag:s31] =	ssyncset.done $0x0  }
0x1ab: {  	[sflag:s31] =	ssyncadd.s32 $0xFFFFE000  }
0x1ac: {  	_ =	swait.ge [sflag:s31], $0x2000  }
0x1ad: {  	[sflag:s31] =	ssyncset.done $0x0  }
0x1ae: {  	[sflag:s31] =	ssyncadd.s32 $0xFFFFE000  }
0x1af: {  	_ =	swait.ge [sflag:s31], $0x2000  }
0x1b0: {  	[sflag:s31] =	ssyncset.done $0x0  }
0x1b1: {  	s10 =	simm.s32 @!p0 $0x5;
	[sflag:s31] =	ssyncadd.s32 $0xFFFFE000  }
0x1b2: {  	s18 =	simm.s32 $0xBEF0;
	s19 =	simm.s32 $0x7EF0;
	_ =	swait.ge @!p0 [sflag:s10], $0x40  }
0x1b3: {  	s20 =	simm.s32 $0x3EF0;
	s21 =	simm.s32 $0x0;
	[sflag:s10] =	ssyncset.done @!p0 $0x0  }
0x1b4: {  	s17 =	simm.s32 $0x0;
	[sflag:s10] =	ssyncadd.s32 @!p0 $0xFFFFFFC0;
	s10 =	simm.s32 $0x0  }
.LBB2_9:
0x1b5: {  	v10 =	vld [tilespmem:s19+$0xFFFFFF10]  }
0x1b6: {  	v11 =	vld [tilespmem:s19+$0xFFFFFF50]  }
0x1b7: {  	v12 =	vld [tilespmem:s18+$0xFFFFFF10]  }
0x1b8: {  	v13 =	vld [tilespmem:s18+$0xFFFFFF50]  }
0x1b9: {  	v14 =	vld [tilespmem:s20+$0xFFFFFF10]  }
0x1ba: {  	v16 =	vld [tilespmem:s20+$0xFFFFFF50]  }
0x1bb: {  	v22 =	vld [tilespmem:s19+$0xFFFFFF20]  }
0x1bc: {  	v40 =	vld [tilespmem:s19+$0xFFFFFF60]  }
0x1bd: {  	v24 =	vld [tilespmem:s18+$0xFFFFFF20]  }
0x1be: {  	v42 =	vld [tilespmem:s18+$0xFFFFFF60]  }
0x1bf: {  	v46 =	vld [tilespmem:s20+$0xFFFFFF20]  }
0x1c0: {  	v48 =	vld [tilespmem:s20+$0xFFFFFF60]  }
0x1c1: {  	v26 =	vld [tilespmem:s19+$0xFFFFFF30]  }
0x1c2: {  	v53 =	vld [tilespmem:s19+$0xFFFFFF70];
	v15 =	vshll.u32 v10, $0x10;
	v17 =	vshll.u32 v11, $0x10;
	v18 =	vshll.u32 v12, $0x10  }
0x1c3: {  	v28 =	vld [tilespmem:s18+$0xFFFFFF30];
	v19 =	vshll.u32 v13, $0x10;
	v41 =	vmul.f32 v12, v10;
	v23 =	vmul.f32 v13, v11  }
0x1c4: {  	v55 =	vld [tilespmem:s18+$0xFFFFFF70];
	v11 =	vmul.f32 v12, v11;
	v10 =	vmul.f32 v13, v10;
	v43 =	vshll.u32 v14, $0x10  }
0x1c5: {  	v44 =	vshll.u32 v16, $0x10;
	v47 =	vshll.u32 v22, $0x10;
	v49 =	vshll.u32 v40, $0x10  }
0x1c6: {  	v50 =	vshll.u32 v24, $0x10;
	v51 =	vshll.u32 v42, $0x10;
	v54 =	vmul.f32 v24, v22  }
0x1c7: {  	v61 =	vld [tilespmem:s20+$0xFFFFFF70];
	v27 =	vmul.f32 v42, v40;
	v12 =	vmul.f32 v42, v22;
	v56 =	vshll.u32 v46, $0x10  }
0x1c8: {  	v57 =	vshll.u32 v48, $0x10;
	v60 =	vshll.u32 v26, $0x10;
	v37 =	vmul.f32 v28, v26  }
0x1c9: {  	v62 =	vshll.u32 v53, $0x10;
	v38 =	vmul.f32 v28, v53;
	v22 =	vmul.f32 v55, v26  }
0x1ca: {  	v63 =	vshll.u32 v28, $0x10;
	v20 =	vmul.f32 v18, v15;
	v21 =	vmul.f32 v19, v17  }
0x1cb: {  	v32 =	vshll.u32 v55, $0x10;
	v17 =	vmul.f32 v18, v17;
	v15 =	vmul.f32 v19, v15  }
0x1cc: {  	v42 =	vshll.u32 v61, $0x10;
	v52 =	vmul.f32 v50, v47;
	v25 =	vmul.f32 v51, v49  }
0x1cd: {  	v18 =	vmul.f32 v24, v40;
	v33 =	vmul.f32 v63, v60;
	v19 =	vadd.f32 v23, v41  }
0x1ce: {  	v59 =	vld [tilespmem:s20+$0xFFFFFF30];
	v34 =	vmul.f32 v32, v62;
	v10 =	vsub.f32 v11, v10;
	v22 =	vsub.f32 v38, v22  }
0x1cf: {  	v29 =	vld [tilespmem:s19+$0xFFFFFF40];
	v35 =	vmul.f32 v63, v62;
	v20 =	vadd.f32 v21, v20;
	v15 =	vsub.f32 v17, v15  }
0x1d0: {  	v39 =	vld [tilespmem:s18+$0xFFFFFF40];
	v23 =	vadd.f32 v25, v52;
	v14 =	vmul.f32 v14, v19;
	v10 =	vmul.f32 v16, v10  }
0x1d1: {  	v36 =	vld [tilespmem:s19+$0xFFFFFF80];
	v21 =	vadd.f32 v27, v54;
	v19 =	vmul.f32 v50, v49;
	v16 =	vmul.f32 v51, v47  }
0x1d2: {  	v12 =	vsub.f32 v18, v12;
	v11 =	vmul.f32 v43, v20;
	v45 =	vmul.f32 v44, v15  }
0x1d3: {  	v40 =	vld [tilespmem:s18+$0xFFFFFF80];
	v13 =	vadd.f32 v34, v33;
	v58 =	vmul.f32 v56, v23;
	v15 =	vmul.f32 v46, v21  }
0x1d4: {  	v41 =	vshll.u32 v59, $0x10;
	v12 =	vmul.f32 v48, v12;
	v20 =	vmul.f32 v55, v53  }
0x1d5: {  	v47 =	vshll.u32 v39, $0x10;
	v13 =	vmul.f32 v41, v13;
	v43 =	vmul.f32 v61, v22  }
0x1d6: {  	v44 =	vshll.u32 v29, $0x10;
	v46 =	vshll.u32 v36, $0x10;
	v53 =	vmul.f32 v39, v29  }
0x1d7: {  	v55 =	vmul.f32 v39, v36;
	v16 =	vsub.f32 v19, v16;
	v10 =	vadd.f32 v10, v14  }
0x1d8: {  	v19 =	vmul.f32 v32, v60;
	v48 =	vshll.u32 v40, $0x10;
	v50 =	vmul.f32 v47, v44  }
0x1d9: {  	v52 =	vmul.f32 v47, v46;
	v54 =	vmul.f32 v40, v36;
	v11 =	vadd.f32 v45, v11  }
0x1da: {  	v49 =	vld [tilespmem:s20+$0xFFFFFF80];
	v56 =	vmul.f32 v40, v29;
	v20 =	vadd.f32 v20, v37;
	v12 =	vadd.f32 v12, v15  }
0x1db: {  	v45 =	vld [tilespmem:s20+$0xFFFFFF40];
	v16 =	vmul.f32 v57, v16;
	v10 =	vadd.f32 $0.0e+00, v10;
	v14 =	vsub.f32 v35, v19  }
0x1dc: {  	v51 =	vmul.f32 v48, v46;
	v19 =	vmul.f32 v48, v44;
	v11 =	vadd.f32 $0.0e+00, v11  }
0x1dd: {  	v16 =	vadd.f32 v16, v58;
	v14 =	vmul.f32 v42, v14;
	v10 =	vadd.f32 v12, v10  }
0x1de: {  	v17 =	vmul.f32 v59, v20;
	v58 =	vadd.f32 v51, v50;
	v12 =	vadd.f32 v54, v53  }
0x1df: {  	v59 =	vshll.u32 v49, $0x10;
	v11 =	vadd.f32 v16, v11;
	v13 =	vadd.f32 v14, v13  }
0x1e0: {  	v57 =	vshll.u32 v45, $0x10;
	v16 =	vsub.f32 v52, v19;
	v14 =	vsub.f32 v55, v56  }
0x1e1: {  	v17 =	vadd.f32 v43, v17;
	v12 =	vmul.f32 v45, v12;
	v60 =	vmul.f32 v57, v58  }
0x1e2: {  	v16 =	vmul.f32 v59, v16;
	v14 =	vmul.f32 v49, v14  }
0x1e3: {  	v10 =	vadd.f32 v17, v10;
	v11 =	vadd.f32 v13, v11  }
0x1e4: {  	v61 =	vadd.f32 v16, v60;
	v12 =	vadd.f32 v14, v12;
	_ =	sdelay $0x1  }
0x1e5: {  	v11 =	vadd.f32 v61, v11;
	v10 =	vadd.f32 v12, v10  }
0x1e6: {  	s11 =	sand.u32 $0x700, s21  }
0x1e7: {  	s12 =	sand.u32 $0x60, s10;
	s11 =	sadd.s32 $0xDF00, s11;
	v10 =	vadd.f32 v11, v10  }
0x1e8: {  	s12 =	sor.u32 s12, s11  }
0x1e9: {  	[tilespmem:s12+$0x80] =	vst v10  }
0x1ea: {  	v10 =	vld [tilespmem:s19+$0xFFFFFF90]  }
0x1eb: {  	v11 =	vld [tilespmem:s19+$0xFFFFFFD0]  }
0x1ec: {  	v62 =	vld [tilespmem:s18+$0xFFFFFF90]  }
0x1ed: {  	v63 =	vld [tilespmem:s18+$0xFFFFFFD0]  }
0x1ee: {  	v28 =	vld [tilespmem:s20+$0xFFFFFF90]  }
0x1ef: {  	v30 =	vld [tilespmem:s20+$0xFFFFFFD0]  }
0x1f0: {  	v36 =	vld [tilespmem:s19+$0xFFFFFFA0]  }
0x1f1: {  	v37 =	vld [tilespmem:s19+$0xFFFFFFE0]  }
0x1f2: {  	v40 =	vld [tilespmem:s18+$0xFFFFFFA0]  }
0x1f3: {  	v41 =	vld [tilespmem:s18+$0xFFFFFFE0]  }
0x1f4: {  	v53 =	vld [tilespmem:s19+$0xFFFFFFB0]  }
0x1f5: {  	v54 =	vld [tilespmem:s19+$0xFFFFFFF0]  }
0x1f6: {  	v57 =	vld [tilespmem:s18+$0xFFFFFFB0];
	v29 =	vshll.u32 v10, $0x10;
	v31 =	vshll.u32 v11, $0x10;
	v32 =	vshll.u32 v62, $0x10  }
0x1f7: {  	v58 =	vld [tilespmem:s18+$0xFFFFFFF0];
	v33 =	vshll.u32 v63, $0x10;
	v38 =	vmul.f32 v62, v10;
	v39 =	vmul.f32 v63, v11  }
0x1f8: {  	v45 =	vld [tilespmem:s20+$0xFFFFFFA0];
	v11 =	vmul.f32 v62, v11;
	v10 =	vmul.f32 v63, v10;
	v42 =	vshll.u32 v28, $0x10  }
0x1f9: {  	v43 =	vshll.u32 v30, $0x10;
	v46 =	vshll.u32 v36, $0x10;
	v55 =	vmul.f32 v40, v36  }
0x1fa: {  	v48 =	vshll.u32 v37, $0x10;
	v56 =	vmul.f32 v41, v37;
	v18 =	vmul.f32 v40, v37  }
0x1fb: {  	v49 =	vshll.u32 v40, $0x10;
	v12 =	vmul.f32 v41, v36;
	v40 =	vmul.f32 v57, v54  }
0x1fc: {  	v50 =	vshll.u32 v41, $0x10;
	v22 =	vmul.f32 v58, v53;
	v34 =	vmul.f32 v32, v29  }
0x1fd: {  	v59 =	vshll.u32 v45, $0x10;
	v35 =	vmul.f32 v33, v31;
	v17 =	vmul.f32 v32, v31  }
0x1fe: {  	v62 =	vshll.u32 v53, $0x10;
	v15 =	vmul.f32 v33, v29;
	v51 =	vmul.f32 v49, v46  }
0x1ff: {  	v52 =	vmul.f32 v50, v48;
	v16 =	vmul.f32 v50, v46;
	v31 =	vshll.u32 v54, $0x10  }
0x200: {  	v47 =	vld [tilespmem:s20+$0xFFFFFFE0];
	v32 =	vshll.u32 v57, $0x10;
	v33 =	vshll.u32 v58, $0x10;
	v19 =	vadd.f32 v39, v38  }
0x201: {  	v10 =	vsub.f32 v11, v10;
	v12 =	vsub.f32 v18, v12;
	v36 =	vmul.f32 v33, v31  }
0x202: {  	v37 =	vmul.f32 v32, v31;
	v39 =	vmul.f32 v57, v53;
	v20 =	vadd.f32 v35, v34  }
0x203: {  	v15 =	vsub.f32 v17, v15;
	v35 =	vmul.f32 v32, v62;
	v17 =	vmul.f32 v33, v62  }
0x204: {  	v63 =	vld [tilespmem:s20+$0xFFFFFFB0];
	v21 =	vadd.f32 v56, v55;
	v14 =	vmul.f32 v28, v19;
	v10 =	vmul.f32 v30, v10  }
0x205: {  	v41 =	vld [tilespmem:s19+$0x0];
	v23 =	vadd.f32 v52, v51;
	v19 =	vmul.f32 v49, v48;
	v12 =	vmul.f32 v47, v12  }
0x206: {  	v60 =	vshll.u32 v47, $0x10;
	v38 =	vld [tilespmem:s19+$0xFFFFFFC0];
	v11 =	vmul.f32 v42, v20;
	v44 =	vmul.f32 v43, v15  }
0x207: {  	v22 =	vsub.f32 v40, v22;
	v34 =	vld [tilespmem:s20+$0xFFFFFFF0];
	v61 =	vmul.f32 v59, v23;
	v15 =	vmul.f32 v45, v21  }
0x208: {  	v20 =	vmul.f32 v58, v54;
	v25 =	vadd.f32 v36, v35;
	v16 =	vsub.f32 v19, v16  }
0x209: {  	v42 =	vld [tilespmem:s18+$0xFFFFFFC0];
	v43 =	vshll.u32 v63, $0x10;
	v10 =	vadd.f32 v10, v14;
	v14 =	vsub.f32 v37, v17  }
0x20a: {  	v50 =	vshll.u32 v41, $0x10;
	v11 =	vadd.f32 v44, v11;
	v20 =	vadd.f32 v20, v39  }
0x20b: {  	v46 =	vmul.f32 v43, v25;
	v12 =	vadd.f32 v12, v15;
	v49 =	vshll.u32 v38, $0x10  }
0x20c: {  	v44 =	vld [tilespmem:s18+$0x0];
	v16 =	vmul.f32 v60, v16;
	v10 =	vadd.f32 $0.0e+00, v10;
	v45 =	vshll.u32 v34, $0x10  }
0x20d: {  	v13 =	vmul.f32 v34, v22;
	v11 =	vadd.f32 $0.0e+00, v11;
	v14 =	vmul.f32 v45, v14  }
0x20e: {  	v52 =	vld [tilespmem:s20+$0x0];
	v47 =	vmul.f32 v63, v20;
	v16 =	vadd.f32 v16, v61;
	v51 =	vshll.u32 v42, $0x10  }
0x20f: {  	v48 =	vld [tilespmem:s20+$0xFFFFFFC0];
	v10 =	vadd.f32 v12, v10;
	v56 =	vmul.f32 v42, v38;
	v57 =	vmul.f32 v42, v41  }
0x210: {  	v54 =	vmul.f32 v51, v49;
	v23 =	vmul.f32 v51, v50;
	v14 =	vadd.f32 v14, v46  }
0x211: {  	v53 =	vshll.u32 v44, $0x10;
	v58 =	vmul.f32 v44, v41;
	v17 =	vmul.f32 v44, v38  }
0x212: {  	v11 =	vadd.f32 v16, v11;
	v55 =	vmul.f32 v53, v50;
	v20 =	vmul.f32 v53, v49  }
0x213: {  	v60 =	vshll.u32 v52, $0x10;
	v12 =	vadd.f32 v58, v56;
	v17 =	vsub.f32 v57, v17  }
0x214: {  	v59 =	vshll.u32 v48, $0x10;
	v16 =	vadd.f32 v55, v54;
	v20 =	vsub.f32 v23, v20  }
0x215: {  	v13 =	vadd.f32 v13, v47;
	v12 =	vmul.f32 v48, v12;
	v17 =	vmul.f32 v52, v17  }
0x216: {  	v61 =	vmul.f32 v59, v16;
	v62 =	vmul.f32 v60, v20  }
0x217: {  	v10 =	vadd.f32 v13, v10;
	v11 =	vadd.f32 v14, v11  }
0x218: {  	v12 =	vadd.f32 v17, v12;
	v63 =	vadd.f32 v62, v61  }
0x219: {  	p0 =	sne.s32 s10, $0x3E0  }
.Ltmp3:
0x21a: {  	v10 =	vadd.f32 v12, v10;
	v11 =	vadd.f32 v63, v11;
	(pc) =	sbr.rel @p0 .LBB2_9-.Ltmp3, $4  }
0x21b: {  	s22 =	sadd.s32 $0x10, s10  }
0x21c: {  	s12 =	sand.u32 $0x70, s22;
	v10 =	vadd.f32 v11, v10  }
0x21d: {  	s21 =	sadd.s32 $0x40, s21;
	s10 =	sadd.s32 $0x20, s10;
	s11 =	sor.u32 s12, s11  }
0x21e: {  	s19 =	sadd.s32 $0x100, s19;
	s20 =	sadd.s32 $0x100, s20;
	s18 =	sadd.s32 $0x100, s18;
	[tilespmem:s11+$0x80] =	vst v10  }
0x21f: {  	s10 =	simm.s32 $0xE080  }
0x220: {  	v10 =	vld [tilespmem:s10+$0xFFFFFF00]  }
0x221: {  	v14 =	vld [tilespmem:s10+$0xFFFFFF10]  }
0x222: {  	v17 =	vld [tilespmem:s10+$0xFFFFFF20]  }
0x223: {  	v18 =	vld [tilespmem:s10+$0xFFFFFF30]  }
0x224: {  	v19 =	vld [tilespmem:s10+$0xFFFFFF40]  }
0x225: {  	v20 =	vld [tilespmem:s10+$0xFFFFFF50];
	_ =	sdelay $0x1  }
0x226: {  	v11 =	vld [tilespmem:s10+$0xFFFFFF60];
	v15 =	vperm.xlane v10, v0  }
0x227: {  	v13 =	vld [tilespmem:s10+$0xFFFFFF70];
	v16 =	vperm.xlane v14, v0;
	v21 =	vperm.xlane v17, v0  }
0x228: {  	v12 =	vld [tilespmem:s10+$0x0];
	v22 =	vperm.xlane v18, v0;
	v23 =	vperm.xlane v19, v0  }
0x229: {  	v24 =	vperm.xlane v20, v0;
	v10 =	vadd.f32 v15, v10;
	v15 =	vld [tilespmem:s10+$0x10];
	v14 =	vadd.f32 v16, v14  }
0x22a: {  	v16 =	vld [tilespmem:s10+$0x20];
	v21 =	vadd.f32 v21, v17;
	v22 =	vadd.f32 v22, v18  }
0x22b: {  	v17 =	vld [tilespmem:s10+$0x30];
	v20 =	vadd.f32 v24, v20;
	v10 =	vsel vm3, v10, v14;
	v14 =	vadd.f32 v23, v19  }
0x22c: {  	v18 =	vld [tilespmem:s10+$0x40];
	v26 =	vsel vm3, v21, v22  }
0x22d: {  	v19 =	vld [tilespmem:s10+$0x50];
	v21 =	vperm.xlane v10, v8;
	v22 =	vsel vm3, v14, v20;
	v14 =	vperm.xlane v26, v9  }
0x22e: {  	v25 =	vperm.xlane v13, v0;
	v20 =	vld [tilespmem:s10+$0x60];
	v23 =	vperm.xlane v22, v8  }
0x22f: {  	s18 =	simm.s32 $0x40;
	v24 =	vperm.xlane v11, v0;
	v10 =	vadd.f32 v21, v10;
	v21 =	vld [tilespmem:s10+$0x70];
	v14 =	vadd.f32 v14, v26  }
.LBB2_11:
0x230: {  	p0 =	sne.s32 s18, $0xC0;
	v26 =	vperm.xlane v12, v0;
	v27 =	vperm.xlane v15, v0;
	v22 =	vadd.f32 v23, v22  }
0x231: {  	v23 =	vperm.xlane v16, v0;
	v11 =	vadd.f32 v24, v11;
	v13 =	vadd.f32 v25, v13  }
0x232: {  	v24 =	vperm.xlane v17, v0;
	v12 =	vadd.f32 v26, v12;
	v15 =	vadd.f32 v27, v15  }
0x233: {  	v16 =	vadd.f32 v23, v16;
	v23 =	vperm.xlane v18, v0;
	v25 =	vperm.xlane v19, v0  }
0x234: {  	v17 =	vadd.f32 v24, v17;
	v24 =	vperm.xlane v20, v0;
	v26 =	vperm.xlane v21, v0  }
0x235: {  	v11 =	vsel vm3, v11, v13;
	v13 =	vadd.f32 v23, v18;
	v18 =	vadd.f32 v25, v19  }
0x236: {  	v12 =	vsel vm3, v12, v15;
	v15 =	vadd.f32 v24, v20;
	v19 =	vadd.f32 v26, v21  }
0x237: {  	v16 =	vsel vm3, v16, v17;
	v17 =	vperm.xlane v11, v9;
	v20 =	vperm.xlane v12, v8  }
0x238: {  	v13 =	vsel vm3, v13, v18;
	v18 =	vperm.xlane v16, v9;
	v15 =	vsel vm3, v15, v19  }
0x239: {  	v11 =	vadd.f32 v17, v11;
	v17 =	vperm.xlane v13, v8;
	v19 =	vperm.xlane v15, v9  }
0x23a: {  	v12 =	vadd.f32 v20, v12;
	v16 =	vadd.f32 v18, v16  }
0x23b: {  	v10 =	vsel vm0, v10, v14;
	v13 =	vadd.f32 v17, v13;
	v14 =	vadd.f32 v19, v15  }
0x23c: {  	v11 =	vsel vm0, v22, v11;
	v15 =	vperm.xlane v10, v5  }
0x23d: {  	v12 =	vsel vm0, v12, v16;
	v13 =	vsel vm0, v13, v14;
	v14 =	vperm.xlane v11, v6  }
0x23e: {  	v16 =	vperm.xlane v12, v5;
	v17 =	vperm.xlane v13, v6  }
0x23f: {  	v10 =	vadd.f32 v15, v10;
	v11 =	vadd.f32 v14, v11  }
0x240: {  	v12 =	vadd.f32 v16, v12;
	v13 =	vadd.f32 v17, v13;
	_ =	sdelay $0x1  }
0x241: {  	v10 =	vsel vm1, v10, v11;
	v11 =	vsel vm1, v12, v13  }
0x242: {  	v12 =	vperm.xlane v10, v1;
	v13 =	vperm.xlane v11, v2;
	_ =	sdelay $0x1  }
0x243: {  	v10 =	vadd.f32 v12, v10;
	v11 =	vadd.f32 v13, v11;
	_ =	sdelay $0x1  }
0x244: {  	v10 =	vsel vm2, v10, v11  }
0x245: {  	v10 =	vperm.xlane v10, v7  }
0x246: {  	s11 =	sshra.s32 s17, $0x2;
	s17 =	smov.u32 s18  }
0x247: {  	s10 =	sadd.s32 $0x200, s10;
	[tilespmem:s11+$0xDE80] =	vst v10  }
0x248: {  	v10 =	vld [tilespmem:s10+$0xFFFFFF00]  }
0x249: {  	v14 =	vld [tilespmem:s10+$0xFFFFFF10]  }
0x24a: {  	v17 =	vld [tilespmem:s10+$0xFFFFFF20]  }
0x24b: {  	v18 =	vld [tilespmem:s10+$0xFFFFFF30]  }
0x24c: {  	v19 =	vld [tilespmem:s10+$0xFFFFFF40]  }
0x24d: {  	v20 =	vld [tilespmem:s10+$0xFFFFFF50];
	_ =	sdelay $0x1  }
0x24e: {  	v15 =	vperm.xlane v10, v0;
	v11 =	vld [tilespmem:s10+$0xFFFFFF60]  }
0x24f: {  	v16 =	vperm.xlane v14, v0;
	v13 =	vld [tilespmem:s10+$0xFFFFFF70]  }
0x250: {  	v10 =	vadd.f32 v15, v10;
	v21 =	vperm.xlane v17, v0;
	v22 =	vperm.xlane v18, v0;
	v12 =	vld [tilespmem:s10+$0x0]  }
0x251: {  	v14 =	vadd.f32 v16, v14;
	v23 =	vperm.xlane v19, v0;
	v15 =	vld [tilespmem:s10+$0x10];
	v24 =	vperm.xlane v20, v0  }
0x252: {  	v21 =	vadd.f32 v21, v17;
	v22 =	vadd.f32 v22, v18;
	v16 =	vld [tilespmem:s10+$0x20]  }
.Ltmp4:
0x253: {  	v10 =	vsel vm3, v10, v14;
	v14 =	vadd.f32 v23, v19;
	v17 =	vld [tilespmem:s10+$0x30];
	v20 =	vadd.f32 v24, v20;
	(pc) =	sbr.rel @p0 .LBB2_11-.Ltmp4, $4  }
0x254: {  	v26 =	vsel vm3, v21, v22;
	v21 =	vperm.xlane v10, v8;
	v18 =	vld [tilespmem:s10+$0x40]  }
0x255: {  	v19 =	vld [tilespmem:s10+$0x50];
	v22 =	vsel vm3, v14, v20;
	v14 =	vperm.xlane v26, v9  }
0x256: {  	v10 =	vadd.f32 v21, v10;
	v20 =	vld [tilespmem:s10+$0x60];
	v23 =	vperm.xlane v22, v8  }
0x257: {  	s18 =	sadd.s32 $0x40, s18;
	v24 =	vperm.xlane v11, v0;
	v25 =	vperm.xlane v13, v0;
	v21 =	vld [tilespmem:s10+$0x70];
	v14 =	vadd.f32 v14, v26  }
0x258: {  	v26 =	vperm.xlane v12, v0;
	v27 =	vperm.xlane v15, v0;
	v22 =	vadd.f32 v23, v22  }
0x259: {  	v45 =	vperm.xlane v16, v0;
	v46 =	vperm.xlane v17, v0;
	v11 =	vadd.f32 v24, v11  }
0x25a: {  	v13 =	vadd.f32 v25, v13;
	v47 =	vperm.xlane v18, v0;
	v12 =	vadd.f32 v26, v12  }
0x25b: {  	v15 =	vadd.f32 v27, v15;
	v16 =	vadd.f32 v45, v16;
	v48 =	vperm.xlane v19, v0  }
0x25c: {  	v17 =	vadd.f32 v46, v17;
	v49 =	vperm.xlane v20, v0;
	v50 =	vperm.xlane v21, v0  }
0x25d: {  	v11 =	vsel vm3, v11, v13;
	v51 =	vadd.f32 v47, v18;
	v52 =	vadd.f32 v48, v19  }
0x25e: {  	v12 =	vsel vm3, v12, v15;
	v53 =	vadd.f32 v49, v20;
	v54 =	vadd.f32 v50, v21  }
0x25f: {  	v16 =	vsel vm3, v16, v17;
	v55 =	vperm.xlane v11, v9;
	v56 =	vperm.xlane v12, v8  }
0x260: {  	v57 =	vperm.xlane v16, v9;
	v13 =	vsel vm3, v51, v52;
	v15 =	vsel vm3, v53, v54  }
0x261: {  	v11 =	vadd.f32 v55, v11;
	v8 =	vperm.xlane v13, v8;
	v58 =	vperm.xlane v15, v9  }
0x262: {  	v12 =	vadd.f32 v56, v12;
	v16 =	vadd.f32 v57, v16  }
0x263: {  	v10 =	vsel vm0, v10, v14;
	v8 =	vadd.f32 v8, v13;
	v9 =	vadd.f32 v58, v15  }
0x264: {  	v59 =	vperm.xlane v10, v5;
	v12 =	vsel vm0, v12, v16  }
0x265: {  	v11 =	vsel vm0, v22, v11;
	v61 =	vperm.xlane v12, v5;
	v8 =	vsel vm0, v8, v9  }
0x266: {  	v60 =	vperm.xlane v11, v6;
	v62 =	vperm.xlane v8, v6  }
0x267: {  	v10 =	vadd.f32 v59, v10;
	v63 =	vadd.f32 v61, v12  }
0x268: {  	v9 =	vadd.f32 v60, v11;
	v8 =	vadd.f32 v62, v8;
	_ =	sdelay $0x1  }
0x269: {  	v9 =	vsel vm1, v10, v9;
	v8 =	vsel vm1, v63, v8  }
0x26a: {  	v10 =	vperm.xlane v9, v1;
	v11 =	vperm.xlane v8, v2;
	_ =	sdelay $0x1  }
0x26b: {  	s15 =	sadd.s32 $0x1, s15;
	v9 =	vadd.f32 v10, v9;
	v8 =	vadd.f32 v11, v8  }
0x26c: {  	p0 =	sne.s32 s15, $0x64  }
.Ltmp5:
0x26d: {  	s10 =	sshll.u32 s16, $0x6;
	v8 =	vsel vm2, v9, v8;
	(pc) =	sbr.rel @p0 .LBB2_2-.Ltmp5, $4  }
0x26e: {  	s10 =	sadd.s32 s6, s10;
	v8 =	vperm.xlane v8, v7  }
0x26f: {  	s11 =	sshra.s32 s17, $0x2;
	s10 =	sshrl.u32 s10, $0x3  }
0x270: {  	s10 =	sadd.s32 s9, s10;
	[tilespmem:s11+$0xDE80] =	vst v8  }
0x271: {  	[hbm4b:s10+s2] =	stream.linear.scatter [tilespmem:s0], [sflag:$0x5], $0x40, $0x38;
	[tilespmem:$0xE700] =	vst v63  }
0x272: {  	_ =	swait.ge [sflag:s1], $0x40  }
0x273: {  	[sflag:s1] =	ssyncset.done $0x0  }
0x274: {  	[sflag:s1] =	ssyncadd.s32 $0xFFFFFFC0  }
0x275: {  	_ =	swait.ge [sflag:s13], $0x40  }
0x276: {  	s14 =	sadd.s32 $0x1, s14;
	s10 =	rddreg [dreg:$0x5]  }
0x277: {  	p0 =	sne.s32 s14, s10  }
.Ltmp6:
0x278: {  	_ = 	snop;
	(pc) =	sbr.rel @p0 .LBB2_1-.Ltmp6, $3  }
0x279: {  	_ =	sdelay $0x1  }
0x27a: {  	[sflag:s13] =	ssyncset.done $0x0  }
0x27b: {  	[sflag:s13] =	ssyncadd.s32 $0xFFFFFFC0  }
0x27c: {  	_ =	sfence.sel $0x180000  }
0x27d: {  	[bflag:$0x0] =	sbarrier.arrive $0xFFFF  }
0x27e: {  	_ =	strace $0x90000047  }
0x27f: {  	s0 =	stileid.u32;
	[bflag:$0x2] =	sbarrier.arrive $0xFFFF  }
0x280: {  	p0 =	sne.s32 s0, $0x0;
	s0 =	rddreg [dreg:$0x1]  }
0x281: {  	s0 =	sadd.s32 @!p0 $0x100000, s0  }
0x282: {  	[sflag:s0] =	ssyncadd.tile.s32 @!p0 $0x1;
	_ =	shalt  }
.Lfunc_end2:
_tile_overlayer_lowered:
.L_overlay_start_2:
0x283: {  	(tag) =	ssettag $0x2  }
0x284: {  	s0 =	rddreg [dreg:$0x0];
	s2 =	stileid.u32  }
0x285: {  	s1 =	rddreg [dreg:$0x1];
	p0 =	sne.s32 s2, $0x0  }
0x286: {  	s3 =	rddreg [dreg:$0x2];
	[bflag:$0x3] =	sbarrier.arrive $0xFFFF;
	s2 =	simm.s32 @!p0 $0x1C06  }
0x287: {  	[timem:s3], [sflag:s2] =	dma.local @!p0 [hbm:s0], s1  }
0x288: {  	s0 =	simm.s32 @!p0 $0x6  }
0x289: {  	_ =	swait.ge @!p0 [sflag:s0], s1  }
0x28a: {  	s1 =	ssub.s32 @!p0 $0x0, s1;
	[sflag:s0] =	ssyncset.done @!p0 $0x0  }
0x28b: {  	[sflag:s0] =	ssyncadd.s32 @!p0 s1  }
0x28c: {  	[bflag:$0x3] =	sbarrier.arrive $0xFFFF  }
0x28d: {  	_ =	shalt  }

</sc_bundles>
